<compile_context>
chip_gen: v7x
topology: tpu7x:2x2x1
jax: 0.10.2.dev20260603
libtpu: 0.0.44.dev20260713+nightly
codegen_flags: <defaults>
</compile_context>

<pallas_src>
import functools

import jax
import jax.numpy as jnp
from jax import lax
from jax.experimental import pallas as pl
from jax.experimental.pallas import tpu as pltpu
from jax.experimental.pallas import tpu_sc as plsc

_L = 16


def _make_edge_kernel(E, F, N, B, nc, ns):
    NW = nc * ns
    NP = F // 8
    NTILES = E // 128
    MAIN = NTILES // NW
    TAIL = NTILES % NW
    NT = 5
    C = NT * 128
    assert E % 128 == 0 and MAIN % NT == 0 and F % 8 == 0
    KW = MAIN // NT
    assert KW % 2 == 0

    mesh = plsc.VectorSubcoreMesh(core_axis_name="c", subcore_axis_name="s")

    @functools.partial(
        pl.kernel,
        out_type=(
            jax.ShapeDtypeStruct((nc, B, F), jnp.float32),
            jax.ShapeDtypeStruct((NW, _L, B), jnp.float32),
        ),
        mesh=mesh,
        compiler_params=pltpu.CompilerParams(needs_layout_passes=False,
                                             use_tc_tiling_on_sc=False),
        scratch_types=[
            pltpu.VMEM((N,), jnp.int32),
            [pltpu.VMEM((NT, 128), jnp.int32)] * 2,
            [pltpu.VMEM((NP * NT * 8, 128), jnp.float32)] * 2,
            [pltpu.VMEM((C, F), jnp.float32)] * 2,
            [pltpu.VMEM((C,), jnp.int32)] * 2,
            pltpu.VMEM((1, 128), jnp.int32),
            pltpu.VMEM((NP * 8, 128), jnp.float32),
            pltpu.VMEM((128, F), jnp.float32),
            pltpu.VMEM((128,), jnp.int32),
            pltpu.VMEM_SHARED((B, F), jnp.float32),
            pltpu.VMEM((_L, B), jnp.float32),
            [pltpu.SemaphoreType.DMA] * 2,
            [pltpu.SemaphoreType.DMA] * 2,
        ],
    )
    def edge_kernel(ei_hbm, attr_hbm, batch_hbm, sum_hbm, cnt_hbm,
                    batch_v, row_v, attr_v, rows_v, seg_v,
                    trow_v, tattr_v, trows_v, tseg_v, acc_s, cnt_v,
                    dsem, ssem):
        cid = lax.axis_index("c")
        sid = lax.axis_index("s")
        wid = sid * nc + cid

        zf = jnp.zeros((_L,), jnp.float32)
        zi = jnp.zeros((_L,), jnp.int32)

        def zrows(i, c):
            rows_v[0][i, :] = zf
            return c

        lax.fori_loop(0, B, zrows, 0)

        @pl.when(sid == 0)
        def _():
            pltpu.sync_copy(rows_v[0].at[pl.ds(0, B)], acc_s)

        def zcnt(i, c):
            cnt_v[i // (B // _L), pl.ds((i % (B // _L)) * _L, _L)] = zf
            return c

        lax.fori_loop(0, _L * (B // _L), zcnt, 0)

        lanes = lax.iota(jnp.int32, _L)
        ones = jnp.ones((_L,), jnp.float32)
        pidx = lanes // 8
        sidx = lanes % 8
        tile0 = wid * MAIN

        def start_dma(k, b):
            t = tile0 + k * NT
            pltpu.async_copy(ei_hbm.at[pl.ds(t, NT), 0, :], row_v[b], dsem[b])
            for p in range(NP):
                pltpu.async_copy(
                    attr_hbm.at[pl.ds(p * NTILES * 8 + t * 8, NT * 8)],
                    attr_v[b].at[pl.ds(p * NT * 8, NT * 8)], dsem[b])

        def wait_dma(b):
            pltpu.make_async_copy(ei_hbm.at[pl.ds(0, NT), 0, :], row_v[b],
                                  dsem[b]).wait()
            for p in range(NP):
                pltpu.make_async_copy(
                    attr_hbm.at[pl.ds(0, NT * 8)],
                    attr_v[b].at[pl.ds(p * NT * 8, NT * 8)], dsem[b]).wait()

        arange16 = lax.iota(jnp.int32, _L)

        def do_tiles(row_r, attr_r, rows_r, seg_r, nt):
            def group_body(i, c):
                for uu in range(4):
                    g = i * 4 + uu
                    tt = g >> 3
                    l0 = (g & 7) * _L
                    rv = row_r[tt, pl.ds(l0, _L)]
                    seg = plsc.load_gather(batch_v, [rv])
                    seg_r[pl.ds(g * _L, _L)] = seg
                    plsc.addupdate_scatter(cnt_v, [lanes, seg], ones)
                    ridx = arange16 + g * _L
                    for f in range(F):
                        vals = attr_r[(f // 8) * nt * 8 + tt * 8 + (f % 8),
                                      pl.ds(l0, _L)]
                        plsc.store_scatter(
                            rows_r, [ridx, jnp.full((_L,), f, jnp.int32)],
                            vals)
                return c

            assert (nt * 8) % 4 == 0
            lax.fori_loop(0, nt * 2, group_body, 0)

        start_dma(0, 0)
        start_dma(1, 1)
        pltpu.sync_copy(batch_hbm, batch_v)
        plsc.subcore_barrier()

        def pair_body(p, c):
            sdesc = []
            for b in range(2):
                k = 2 * p + b
                wait_dma(b)
                do_tiles(row_v[b], attr_v[b], rows_v[b], seg_v[b], NT)
                sdesc.append(pltpu.async_copy(rows_v[b],
                                              acc_s.at[seg_v[b]],
                                              ssem[b], add=True))
                start_dma(k + 2, b)
            for d in sdesc:
                d.wait()
            return c

        lax.fori_loop(0, KW // 2, pair_body, 0)
        for b in range(2):
            wait_dma(b)

        @pl.when(wid < TAIL)
        def _():
            t = NW * MAIN + wid
            pltpu.sync_copy(ei_hbm.at[pl.ds(t, 1), 0, :], trow_v)
            for p in range(NP):
                pltpu.sync_copy(attr_hbm.at[pl.ds(p * NTILES * 8 + t * 8, 8)],
                                tattr_v.at[pl.ds(p * 8, 8)])
            do_tiles(trow_v, tattr_v, trows_v, tseg_v, 1)
            pltpu.sync_copy(trows_v, acc_s.at[tseg_v], add=True)

        plsc.subcore_barrier()

        @pl.when(sid == 0)
        def _():
            pltpu.sync_copy(acc_s, sum_hbm.at[cid])

        pltpu.sync_copy(cnt_v, cnt_hbm.at[wid])

    return edge_kernel


def _make_node_kernel(N, D, B, NB):
    G = N // NB
    assert N % NB == 0

    def body(batch_ref, x_ref, sum_ref, cnt_ref):
        @pl.when(pl.program_id(0) == 0)
        def _():
            sum_ref[...] = jnp.zeros_like(sum_ref)
            cnt_ref[...] = jnp.zeros_like(cnt_ref)

        b = batch_ref[0, 0, :]
        onehot = (b[None, :] == lax.broadcasted_iota(jnp.int32, (B, NB), 0)
                  ).astype(jnp.float32)
        sum_ref[...] += jnp.dot(onehot, x_ref[...],
                                preferred_element_type=jnp.float32)
        cnt_ref[...] += jnp.broadcast_to(
            jnp.sum(onehot, axis=1, keepdims=True), cnt_ref.shape)

    return pl.pallas_call(
        body,
        grid=(G,),
        in_specs=[
            pl.BlockSpec((1, 1, NB), lambda i: (i, 0, 0)),
            pl.BlockSpec((NB, D), lambda i: (i, 0)),
        ],
        out_specs=[
            pl.BlockSpec((B, D), lambda i: (0, 0)),
            pl.BlockSpec((B, D), lambda i: (0, 0)),
        ],
        out_shape=[
            jax.ShapeDtypeStruct((B, D), jnp.float32),
            jax.ShapeDtypeStruct((B, D), jnp.float32),
        ],
    )


def _make_mlp_kernel(B, D, F, U, H, O):
    def body(u_ref, nsum_ref, ncnt_ref, esum_ref, ecnt_ref,
             w1_ref, b1_ref, w2_ref, b2_ref, out_ref):
        esum = jnp.sum(esum_ref[...], axis=0)
        ecnt = jnp.sum(ecnt_ref[...], axis=(0, 1))
        emean = esum / jnp.maximum(ecnt, 1.0)[:, None]
        nmean = nsum_ref[...] / jnp.maximum(ncnt_ref[...], 1.0)
        h = (jnp.dot(u_ref[...], w1_ref[0:U, :],
                     preferred_element_type=jnp.float32)
             + jnp.dot(nmean, w1_ref[U:U + D, :],
                       preferred_element_type=jnp.float32)
             + jnp.dot(emean, w1_ref[U + D:U + D + F, :],
                       preferred_element_type=jnp.float32)
             + b1_ref[...])
        h = jnp.maximum(h, 0.0)
        out_ref[...] = jnp.dot(h, w2_ref[...],
                               preferred_element_type=jnp.float32) + b2_ref[...]

    return pl.pallas_call(
        body,
        out_shape=jax.ShapeDtypeStruct((B, O), jnp.float32),
    )


def kernel(x, edge_index, edge_attr, u, batch, W1, b1, W2, b2):
    N, D = x.shape
    E, F = edge_attr.shape
    B, U = u.shape
    H = W1.shape[1]
    O = W2.shape[1]
    ntile = E // 128
    ei_v = edge_index.reshape(2, ntile, 128).transpose(1, 0, 2)
    x2d = edge_attr.T.reshape(F // 8, 8, ntile, 128).transpose(
        0, 2, 1, 3).reshape(F // 8 * ntile * 8, 128)

    info = plsc.get_sparse_core_info()
    esum, ecnt = _make_edge_kernel(E, F, N, B, info.num_cores,
                                   info.num_subcores)(ei_v, x2d, batch)

    NB = 2000
    nsum, ncnt = _make_node_kernel(N, D, B, NB)(
        batch.reshape(N // NB, 1, NB), x)

    return _make_mlp_kernel(B, D, F, U, H, O)(
        u, nsum, ncnt, esum, ecnt, W1,
        b1.reshape(1, H), W2, b2.reshape(1, O))

# --- scband reference (transcript-rebuilt; emitter-appended) ---
"""Pipeline reference for scband-global-model-55499567399388 (READ-ONLY COPY).

The authoritative reference and input builder live on the scoring server;
editing this copy changes nothing except your own understanding.
"""

import jax, jax.numpy as jnp
import numpy as np

N = 50000
E = 1600000
B = 256
N_OUTC = 128
E_OUTC = 16
U_INC = 128
U_OUTC = 128
H = 256


def setup_inputs(seed: int = 0) -> dict:
    key = jax.random.key(seed)
    ks = jax.random.split(key, 8)
    x = jax.random.normal(ks[0], (N, N_OUTC), dtype=jnp.float32)
    edge_index = jax.random.randint(ks[1], (2, E), 0, N, dtype=jnp.int32)
    edge_attr = jax.random.normal(ks[2], (E, E_OUTC), dtype=jnp.float32)
    u = jax.random.normal(ks[3], (B, U_INC), dtype=jnp.float32)
    batch = jnp.sort(jax.random.randint(ks[4], (N,), 0, B, dtype=jnp.int32))
    inc = U_INC + N_OUTC + E_OUTC
    W1 = jax.random.normal(ks[5], (inc, H), dtype=jnp.float32) * 0.05
    b1 = jnp.zeros((H,), dtype=jnp.float32)
    W2 = jax.random.normal(ks[6], (H, U_OUTC), dtype=jnp.float32) * 0.05
    b2 = jnp.zeros((U_OUTC,), dtype=jnp.float32)
    return {"x": x, "edge_index": edge_index, "edge_attr": edge_attr, "u": u,
            "batch": batch, "W1": W1, "b1": b1, "W2": W2, "b2": b2}


def _segment_mean(data, seg_ids, num_segments):
    s = jax.ops.segment_sum(data, seg_ids, num_segments=num_segments)
    c = jax.ops.segment_sum(jnp.ones((data.shape[0],), dtype=data.dtype), seg_ids,
                            num_segments=num_segments)
    return s / jnp.maximum(c, 1.0)[:, None]


def reference(x, edge_index, edge_attr, u, batch, W1, b1, W2, b2):
    num_graphs = u.shape[0]
    row = edge_index[0]
    edge_batch = jnp.take(batch, row)
    per_batch_edge_aggregations = _segment_mean(edge_attr, edge_batch, num_graphs)
    per_batch_node_aggregations = _segment_mean(x, batch, num_graphs)
    out = jnp.concatenate([u, per_batch_node_aggregations, per_batch_edge_aggregations], axis=1)
    h = jax.nn.relu(out @ W1 + b1)
    return h @ W2 + b2

if __name__ == "__main__":
    import jax
    _d = setup_inputs()
    print(jax.jit(kernel)(*tuple(_d.values())))

</pallas_src>

<mosaic_0001>
#map = affine_map<(d0, d1) -> (0, 0, 0)>
#map1 = affine_map<(d0, d1) -> (0, 0)>
#map2 = affine_map<(d0, d1) -> (0)>
module attributes {stable_mosaic.version = 14 : i64} {
  func.func @edge_kernel(%arg0: i32, %arg1: i32, %arg2: memref<12500x2x128xi32, #tpu.memory_space<hbm>>, %arg3: memref<200000x128xf32, #tpu.memory_space<hbm>>, %arg4: memref<50000xi32, #tpu.memory_space<hbm>>, %arg5: memref<2x256x16xf32, #tpu.memory_space<hbm>>, %arg6: memref<32x16x256xf32, #tpu.memory_space<hbm>>, %arg7: memref<50000xi32, #tpu.memory_space<vmem>>, %arg8: memref<5x128xi32, #tpu.memory_space<vmem>>, %arg9: memref<5x128xi32, #tpu.memory_space<vmem>>, %arg10: memref<80x128xf32, #tpu.memory_space<vmem>>, %arg11: memref<80x128xf32, #tpu.memory_space<vmem>>, %arg12: memref<640x16xf32, #tpu.memory_space<vmem>>, %arg13: memref<640x16xf32, #tpu.memory_space<vmem>>, %arg14: memref<640xi32, #tpu.memory_space<vmem>>, %arg15: memref<640xi32, #tpu.memory_space<vmem>>, %arg16: memref<1x128xi32, #tpu.memory_space<vmem>>, %arg17: memref<16x128xf32, #tpu.memory_space<vmem>>, %arg18: memref<128x16xf32, #tpu.memory_space<vmem>>, %arg19: memref<128xi32, #tpu.memory_space<vmem>>, %arg20: memref<256x16xf32, #tpu.memory_space<vmem_shared>>, %arg21: memref<16x256xf32, #tpu.memory_space<vmem>>, %arg22: memref<!tpu.dma_semaphore, #tpu.memory_space<semaphore_mem>>, %arg23: memref<!tpu.dma_semaphore, #tpu.memory_space<semaphore_mem>>, %arg24: memref<!tpu.dma_semaphore, #tpu.memory_space<semaphore_mem>>, %arg25: memref<!tpu.dma_semaphore, #tpu.memory_space<semaphore_mem>>) attributes {dimension_semantics = [#tpu.dimension_semantics<core_parallel>, #tpu.dimension_semantics<subcore_parallel>], iteration_bounds = array<i64: 2, 16>, scalar_prefetch = 0 : i64, scratch_operands = 19 : i64, tpu.core_type = #tpu.core_type<sc_vector_subcore>, window_params = [{transform_indices = #map}, {transform_indices = #map1}, {transform_indices = #map2}, {transform_indices = #map}, {transform_indices = #map}]} {
    %mul3A = arith.constant 2 : i32
    %mul3A_0 = arith.muli %arg1, %mul3A : i32
    %add3A = arith.addi %mul3A_0, %arg0 : i32
    %broadcast_in_dim3A = arith.constant 0.000000e+00 : f32
    %broadcast_in_dim3A_1 = vector.broadcast %broadcast_in_dim3A : f32 to vector<16xf32>
    %broadcast_in_dim3A_2 = arith.constant 0 : i32
    %broadcast_in_dim3A_3 = vector.broadcast %broadcast_in_dim3A_2 : i32 to vector<16xi32>
    %scan3A = arith.constant 0 : i32
    %scan3A_4 = arith.constant 0 : i32
    %scan3A_5 = arith.constant 256 : i32
    %scan3A_6 = arith.addi %scan3A_4, %scan3A_5 : i32
    %scan3A_7 = arith.constant 1 : i32
    scf.for %scan3A_221 = %scan3A_4 to %scan3A_6 step %scan3A_7  : i32 {
      %swap3A = arith.index_cast %scan3A_221 : i32 to index
      %swap3A_222 = arith.constant 0 : index
      %swap3A_223 = tpu.vector_load %arg12[%swap3A, %swap3A_222] {strides = array<i32>} : memref<640x16xf32, #tpu.memory_space<vmem>>, vector<16xf32>,
      tpu.vector_store %arg12[%swap3A, %swap3A_222], %broadcast_in_dim3A_1 {strides = array<i32>} : memref<640x16xf32, #tpu.memory_space<vmem>>, vector<16xf32>,
    }
    %scan3A_8 = arith.constant 256 : i32
    %eq3A = arith.constant 0 : i32
    %eq3A_9 = arith.cmpi eq, %arg1, %eq3A : i32
    %convert_element_type3A = arith.extui %eq3A_9 : i1 to i32
    %cond3A = arith.constant 0 : i32
    %cond3A_10 = arith.cmpi ne, %convert_element_type3A, %cond3A : i32
    scf.if %cond3A_10 {
      "tpu.region"() ({
        %run_scoped3A = tpu.sem_alloc : memref<!tpu.dma_semaphore, #tpu.memory_space<semaphore_mem>>
        %dma_start3A_221 = arith.constant 0 : i32
        %dma_start3A_222 = arith.constant 0 : i32
        %dma_start3A_223 = tpu.memref_slice %arg12[%dma_start3A_221, %dma_start3A_222] : memref<640x16xf32, #tpu.memory_space<vmem>> -> memref<256x16xf32, #tpu.memory_space<vmem>>
        %dma_start3A_224 = arith.constant 0 : i32
        %dma_start3A_225 = arith.constant 0 : i32
        %dma_start3A_226 = tpu.memref_slice %arg12[%dma_start3A_224, %dma_start3A_225] : memref<640x16xf32, #tpu.memory_space<vmem>> -> memref<256x16xf32, #tpu.memory_space<vmem>>
        tpu.enqueue_dma source(%dma_start3A_226 : memref<256x16xf32, #tpu.memory_space<vmem>>) target(%arg20 : memref<256x16xf32, #tpu.memory_space<vmem_shared>>) target_semaphore(%run_scoped3A : memref<!tpu.dma_semaphore, #tpu.memory_space<semaphore_mem>>)
        %dma_wait3A_227 = arith.constant 0 : i32
        %dma_wait3A_228 = arith.constant 0 : i32
        %dma_wait3A_229 = tpu.memref_slice %arg12[%dma_wait3A_227, %dma_wait3A_228] : memref<640x16xf32, #tpu.memory_space<vmem>> -> memref<256x16xf32, #tpu.memory_space<vmem>>
        %dma_wait3A_230 = arith.constant 0 : i32
        %dma_wait3A_231 = arith.constant 0 : i32
        %dma_wait3A_232 = tpu.memref_slice %arg12[%dma_wait3A_230, %dma_wait3A_231] : memref<640x16xf32, #tpu.memory_space<vmem>> -> memref<256x16xf32, #tpu.memory_space<vmem>>
        tpu.wait_dma2 semaphore(%run_scoped3A : memref<!tpu.dma_semaphore, #tpu.memory_space<semaphore_mem>>) src(%dma_wait3A_232 : memref<256x16xf32, #tpu.memory_space<vmem>>) dst(%arg20 : memref<256x16xf32, #tpu.memory_space<vmem_shared>>)
        tpu.yield
      }) : () -> ()
    } else {
    }
    %scan3A_11 = arith.constant 0 : i32
    %scan3A_12 = arith.constant 0 : i32
    %scan3A_13 = arith.constant 256 : i32
    %scan3A_14 = arith.addi %scan3A_12, %scan3A_13 : i32
    %scan3A_15 = arith.constant 1 : i32
    scf.for %scan3A_221 = %scan3A_12 to %scan3A_14 step %scan3A_15  : i32 {
      %jit3A_222 = arith.constant 16 : i32
      %div3A_223 = arith.divsi %scan3A_221, %jit3A_222 : i32
      %sign3A_224 = arith.constant 0 : i32
      %sign3A_225 = arith.cmpi sgt, %scan3A_221, %sign3A_224 : i32
      %sign3A_226 = arith.extui %sign3A_225 : i1 to i32
      %sign3A_227 = arith.constant 0 : i32
      %sign3A_228 = arith.cmpi slt, %scan3A_221, %sign3A_227 : i32
      %sign3A_229 = arith.extui %sign3A_228 : i1 to i32
      %sign3A_230 = arith.subi %sign3A_226, %sign3A_229 : i32
      %sign3A_231 = arith.constant 0 : i32
      %sign3A_232 = arith.cmpi sgt, %jit3A_222, %sign3A_231 : i32
      %sign3A_233 = arith.extui %sign3A_232 : i1 to i32
      %sign3A_234 = arith.constant 0 : i32
      %sign3A_235 = arith.cmpi slt, %jit3A_222, %sign3A_234 : i32
      %sign3A_236 = arith.extui %sign3A_235 : i1 to i32
      %sign3A_237 = arith.subi %sign3A_233, %sign3A_236 : i32
      %ne3A_238 = arith.cmpi ne, %sign3A_230, %sign3A_237 : i32
      %rem3A_239 = arith.remsi %scan3A_221, %jit3A_222 : i32
      %ne3A_240 = arith.constant 0 : i32
      %ne3A_241 = arith.cmpi ne, %rem3A_239, %ne3A_240 : i32
      %and3A_242 = arith.andi %ne3A_238, %ne3A_241 : i1
      %sub3A_243 = arith.constant 1 : i32
      %sub3A_244 = arith.subi %div3A_223, %sub3A_243 : i32
      %select_n3A_245 = arith.select %and3A_242, %sub3A_244, %div3A_223 : i32
      %jit3A_246 = arith.constant 16 : i32
      %eq3A_247 = arith.constant 0 : i32
      %eq3A_248 = arith.cmpi eq, %jit3A_246, %eq3A_247 : i32
      %jit3A_249 = arith.constant 1 : i32
      %select_n3A_250 = arith.select %eq3A_248, %jit3A_249, %jit3A_246 : i32
      %rem3A_251 = arith.remsi %scan3A_221, %select_n3A_250 : i32
      %ne3A_252 = arith.constant 0 : i32
      %ne3A_253 = arith.cmpi ne, %rem3A_251, %ne3A_252 : i32
      %lt3A_254 = arith.constant 0 : i32
      %lt3A_255 = arith.cmpi slt, %rem3A_251, %lt3A_254 : i32
      %lt3A_256 = arith.constant 0 : i32
      %lt3A_257 = arith.cmpi slt, %select_n3A_250, %lt3A_256 : i32
      %ne3A_258 = arith.xori %lt3A_255, %lt3A_257 : i1
      %and3A_259 = arith.andi %ne3A_258, %ne3A_253 : i1
      %add3A_260 = arith.addi %rem3A_251, %select_n3A_250 : i32
      %select_n3A_261 = arith.select %and3A_259, %add3A_260, %rem3A_251 : i32
      %mul3A_262 = arith.constant 16 : i32
      %mul3A_263 = arith.muli %select_n3A_261, %mul3A_262 : i32
      %swap3A = arith.index_cast %select_n3A_245 : i32 to index
      %swap3A_264 = arith.index_cast %mul3A_263 : i32 to index
      %swap3A_265 = tpu.vector_load %arg21[%swap3A, %swap3A_264] {strides = array<i32>} : memref<16x256xf32, #tpu.memory_space<vmem>>, vector<16xf32>,
      tpu.vector_store %arg21[%swap3A, %swap3A_264], %broadcast_in_dim3A_1 {strides = array<i32>} : memref<16x256xf32, #tpu.memory_space<vmem>>, vector<16xf32>,
    }
    %scan3A_16 = arith.constant 256 : i32
    %iota3A = tpu.iota {dimensions = array<i32: 0>} : vector<16xi32>
    %broadcast_in_dim3A_17 = arith.constant 1.000000e+00 : f32
    %broadcast_in_dim3A_18 = vector.broadcast %broadcast_in_dim3A_17 : f32 to vector<16xf32>
    %jit3A = arith.constant 8 : i32
    %div3A = vector.broadcast %jit3A : i32 to vector<16xi32>
    %div3A_19 = arith.divsi %iota3A, %div3A : vector<16xi32>
    %sign3A = arith.constant 0 : i32
    %sign3A_20 = vector.broadcast %sign3A : i32 to vector<16xi32>
    %sign3A_21 = arith.cmpi sgt, %iota3A, %sign3A_20 : vector<16xi32>
    %sign3A_22 = arith.extui %sign3A_21 : vector<16xi1> to vector<16xi32>
    %sign3A_23 = arith.constant 0 : i32
    %sign3A_24 = vector.broadcast %sign3A_23 : i32 to vector<16xi32>
    %sign3A_25 = arith.cmpi slt, %iota3A, %sign3A_24 : vector<16xi32>
    %sign3A_26 = arith.extui %sign3A_25 : vector<16xi1> to vector<16xi32>
    %sign3A_27 = arith.subi %sign3A_22, %sign3A_26 : vector<16xi32>
    %sign3A_28 = arith.constant 0 : i32
    %sign3A_29 = arith.cmpi sgt, %jit3A, %sign3A_28 : i32
    %sign3A_30 = arith.extui %sign3A_29 : i1 to i32
    %sign3A_31 = arith.constant 0 : i32
    %sign3A_32 = arith.cmpi slt, %jit3A, %sign3A_31 : i32
    %sign3A_33 = arith.extui %sign3A_32 : i1 to i32
    %sign3A_34 = arith.subi %sign3A_30, %sign3A_33 : i32
    %ne3A = vector.broadcast %sign3A_34 : i32 to vector<16xi32>
    %ne3A_35 = arith.cmpi ne, %sign3A_27, %ne3A : vector<16xi32>
    %rem3A = vector.broadcast %jit3A : i32 to vector<16xi32>
    %rem3A_36 = arith.remsi %iota3A, %rem3A : vector<16xi32>
    %ne3A_37 = arith.constant 0 : i32
    %ne3A_38 = vector.broadcast %ne3A_37 : i32 to vector<16xi32>
    %ne3A_39 = arith.cmpi ne, %rem3A_36, %ne3A_38 : vector<16xi32>
    %and3A = arith.andi %ne3A_35, %ne3A_39 : vector<16xi1>
    %sub3A = arith.constant 1 : i32
    %sub3A_40 = vector.broadcast %sub3A : i32 to vector<16xi32>
    %sub3A_41 = arith.subi %div3A_19, %sub3A_40 : vector<16xi32>
    %select_n3A = arith.select %and3A, %sub3A_41, %div3A_19 : vector<16xi1>, vector<16xi32>
    %jit3A_42 = arith.constant 8 : i32
    %eq3A_43 = arith.constant 0 : i32
    %eq3A_44 = arith.cmpi eq, %jit3A_42, %eq3A_43 : i32
    %jit3A_45 = arith.constant 1 : i32
    %select_n3A_46 = arith.select %eq3A_44, %jit3A_45, %jit3A_42 : i32
    %rem3A_47 = vector.broadcast %select_n3A_46 : i32 to vector<16xi32>
    %rem3A_48 = arith.remsi %iota3A, %rem3A_47 : vector<16xi32>
    %ne3A_49 = arith.constant 0 : i32
    %ne3A_50 = vector.broadcast %ne3A_49 : i32 to vector<16xi32>
    %ne3A_51 = arith.cmpi ne, %rem3A_48, %ne3A_50 : vector<16xi32>
    %lt3A = arith.constant 0 : i32
    %lt3A_52 = vector.broadcast %lt3A : i32 to vector<16xi32>
    %lt3A_53 = arith.cmpi slt, %rem3A_48, %lt3A_52 : vector<16xi32>
    %lt3A_54 = arith.constant 0 : i32
    %lt3A_55 = arith.cmpi slt, %select_n3A_46, %lt3A_54 : i32
    %ne3A_56 = vector.broadcast %lt3A_55 : i1 to vector<16xi1>
    %ne3A_57 = vector.broadcast %ne3A_56 : vector<16xi1> to vector<16xi1>
    %ne3A_58 = arith.xori %lt3A_53, %ne3A_57 : vector<16xi1>
    %and3A_59 = arith.andi %ne3A_58, %ne3A_51 : vector<16xi1>
    %add3A_60 = vector.broadcast %select_n3A_46 : i32 to vector<16xi32>
    %add3A_61 = arith.addi %rem3A_48, %add3A_60 : vector<16xi32>
    %select_n3A_62 = arith.select %and3A_59, %add3A_61, %rem3A_48 : vector<16xi1>, vector<16xi32>
    %mul3A_63 = arith.constant 390 : i32
    %mul3A_64 = arith.muli %add3A, %mul3A_63 : i32
    %iota3A_65 = tpu.iota {dimensions = array<i32: 0>} : vector<16xi32>
    %add3A_66 = arith.constant 0 : i32
    %add3A_67 = arith.addi %mul3A_64, %add3A_66 : i32
    %dma_start3A = arith.constant 0 : i32
    %dma_start3A_68 = arith.constant 0 : i32
    %dma_start3A_69 = tpu.memref_slice %arg2[%add3A_67, %dma_start3A, %dma_start3A_68] : memref<12500x2x128xi32, #tpu.memory_space<hbm>> -> memref<5x1x128xi32, #tpu.memory_space<hbm>>
    %dma_start3A_70 = tpu.memref_squeeze %dma_start3A_69 : memref<5x1x128xi32, #tpu.memory_space<hbm>> -> memref<5x128xi32, #tpu.memory_space<hbm>>
    %dma_start3A_71 = arith.constant 0 : i32
    %dma_start3A_72 = tpu.memref_slice %arg2[%add3A_67, %dma_start3A, %dma_start3A_71] : memref<12500x2x128xi32, #tpu.memory_space<hbm>> -> memref<5x1x128xi32, #tpu.memory_space<hbm>>
    %dma_start3A_73 = tpu.memref_squeeze %dma_start3A_72 : memref<5x1x128xi32, #tpu.memory_space<hbm>> -> memref<5x128xi32, #tpu.memory_space<hbm>>
    tpu.enqueue_dma source(%dma_start3A_73 : memref<5x128xi32, #tpu.memory_space<hbm>>) target(%arg8 : memref<5x128xi32, #tpu.memory_space<vmem>>) target_semaphore(%arg22 : memref<!tpu.dma_semaphore, #tpu.memory_space<semaphore_mem>>)
    %mul3A_74 = arith.constant 8 : i32
    %mul3A_75 = arith.muli %add3A_67, %mul3A_74 : i32
    %add3A_76 = arith.constant 0 : i32
    %add3A_77 = arith.addi %add3A_76, %mul3A_75 : i32
    %dma_start3A_78 = arith.constant 0 : i32
    %dma_start3A_79 = arith.constant 0 : i32
    %dma_start3A_80 = tpu.memref_slice %arg10[%dma_start3A_78, %dma_start3A_79] : memref<80x128xf32, #tpu.memory_space<vmem>> -> memref<40x128xf32, #tpu.memory_space<vmem>>
    %dma_start3A_81 = arith.constant 0 : i32
    %dma_start3A_82 = tpu.memref_slice %arg3[%add3A_77, %dma_start3A_81] : memref<200000x128xf32, #tpu.memory_space<hbm>> -> memref<40x128xf32, #tpu.memory_space<hbm>>
    %dma_start3A_83 = arith.constant 0 : i32
    %dma_start3A_84 = arith.constant 0 : i32
    %dma_start3A_85 = tpu.memref_slice %arg10[%dma_start3A_83, %dma_start3A_84] : memref<80x128xf32, #tpu.memory_space<vmem>> -> memref<40x128xf32, #tpu.memory_space<vmem>>
    %dma_start3A_86 = arith.constant 0 : i32
    %dma_start3A_87 = tpu.memref_slice %arg3[%add3A_77, %dma_start3A_86] : memref<200000x128xf32, #tpu.memory_space<hbm>> -> memref<40x128xf32, #tpu.memory_space<hbm>>
    tpu.enqueue_dma source(%dma_start3A_87 : memref<40x128xf32, #tpu.memory_space<hbm>>) target(%dma_start3A_85 : memref<40x128xf32, #tpu.memory_space<vmem>>) target_semaphore(%arg22 : memref<!tpu.dma_semaphore, #tpu.memory_space<semaphore_mem>>)
    %mul3A_88 = arith.constant 8 : i32
    %mul3A_89 = arith.muli %add3A_67, %mul3A_88 : i32
    %add3A_90 = arith.constant 100000 : i32
    %add3A_91 = arith.addi %add3A_90, %mul3A_89 : i32
    %dma_start3A_92 = arith.constant 40 : i32
    %dma_start3A_93 = arith.constant 0 : i32
    %dma_start3A_94 = tpu.memref_slice %arg10[%dma_start3A_92, %dma_start3A_93] : memref<80x128xf32, #tpu.memory_space<vmem>> -> memref<40x128xf32, #tpu.memory_space<vmem>>
    %dma_start3A_95 = arith.constant 0 : i32
    %dma_start3A_96 = tpu.memref_slice %arg3[%add3A_91, %dma_start3A_95] : memref<200000x128xf32, #tpu.memory_space<hbm>> -> memref<40x128xf32, #tpu.memory_space<hbm>>
    %dma_start3A_97 = arith.constant 40 : i32
    %dma_start3A_98 = arith.constant 0 : i32
    %dma_start3A_99 = tpu.memref_slice %arg10[%dma_start3A_97, %dma_start3A_98] : memref<80x128xf32, #tpu.memory_space<vmem>> -> memref<40x128xf32, #tpu.memory_space<vmem>>
    %dma_start3A_100 = arith.constant 0 : i32
    %dma_start3A_101 = tpu.memref_slice %arg3[%add3A_91, %dma_start3A_100] : memref<200000x128xf32, #tpu.memory_space<hbm>> -> memref<40x128xf32, #tpu.memory_space<hbm>>
    tpu.enqueue_dma source(%dma_start3A_101 : memref<40x128xf32, #tpu.memory_space<hbm>>) target(%dma_start3A_99 : memref<40x128xf32, #tpu.memory_space<vmem>>) target_semaphore(%arg22 : memref<!tpu.dma_semaphore, #tpu.memory_space<semaphore_mem>>)
    %add3A_102 = arith.constant 5 : i32
    %add3A_103 = arith.addi %mul3A_64, %add3A_102 : i32
    %dma_start3A_104 = arith.constant 0 : i32
    %dma_start3A_105 = arith.constant 0 : i32
    %dma_start3A_106 = tpu.memref_slice %arg2[%add3A_103, %dma_start3A_104, %dma_start3A_105] : memref<12500x2x128xi32, #tpu.memory_space<hbm>> -> memref<5x1x128xi32, #tpu.memory_space<hbm>>
    %dma_start3A_107 = tpu.memref_squeeze %dma_start3A_106 : memref<5x1x128xi32, #tpu.memory_space<hbm>> -> memref<5x128xi32, #tpu.memory_space<hbm>>
    %dma_start3A_108 = arith.constant 0 : i32
    %dma_start3A_109 = tpu.memref_slice %arg2[%add3A_103, %dma_start3A_104, %dma_start3A_108] : memref<12500x2x128xi32, #tpu.memory_space<hbm>> -> memref<5x1x128xi32, #tpu.memory_space<hbm>>
    %dma_start3A_110 = tpu.memref_squeeze %dma_start3A_109 : memref<5x1x128xi32, #tpu.memory_space<hbm>> -> memref<5x128xi32, #tpu.memory_space<hbm>>
    tpu.enqueue_dma source(%dma_start3A_110 : memref<5x128xi32, #tpu.memory_space<hbm>>) target(%arg9 : memref<5x128xi32, #tpu.memory_space<vmem>>) target_semaphore(%arg23 : memref<!tpu.dma_semaphore, #tpu.memory_space<semaphore_mem>>)
    %mul3A_111 = arith.constant 8 : i32
    %mul3A_112 = arith.muli %add3A_103, %mul3A_111 : i32
    %add3A_113 = arith.constant 0 : i32
    %add3A_114 = arith.addi %add3A_113, %mul3A_112 : i32
    %dma_start3A_115 = arith.constant 0 : i32
    %dma_start3A_116 = arith.constant 0 : i32
    %dma_start3A_117 = tpu.memref_slice %arg11[%dma_start3A_115, %dma_start3A_116] : memref<80x128xf32, #tpu.memory_space<vmem>> -> memref<40x128xf32, #tpu.memory_space<vmem>>
    %dma_start3A_118 = arith.constant 0 : i32
    %dma_start3A_119 = tpu.memref_slice %arg3[%add3A_114, %dma_start3A_118] : memref<200000x128xf32, #tpu.memory_space<hbm>> -> memref<40x128xf32, #tpu.memory_space<hbm>>
    %dma_start3A_120 = arith.constant 0 : i32
    %dma_start3A_121 = arith.constant 0 : i32
    %dma_start3A_122 = tpu.memref_slice %arg11[%dma_start3A_120, %dma_start3A_121] : memref<80x128xf32, #tpu.memory_space<vmem>> -> memref<40x128xf32, #tpu.memory_space<vmem>>
    %dma_start3A_123 = arith.constant 0 : i32
    %dma_start3A_124 = tpu.memref_slice %arg3[%add3A_114, %dma_start3A_123] : memref<200000x128xf32, #tpu.memory_space<hbm>> -> memref<40x128xf32, #tpu.memory_space<hbm>>
    tpu.enqueue_dma source(%dma_start3A_124 : memref<40x128xf32, #tpu.memory_space<hbm>>) target(%dma_start3A_122 : memref<40x128xf32, #tpu.memory_space<vmem>>) target_semaphore(%arg23 : memref<!tpu.dma_semaphore, #tpu.memory_space<semaphore_mem>>)
    %mul3A_125 = arith.constant 8 : i32
    %mul3A_126 = arith.muli %add3A_103, %mul3A_125 : i32
    %add3A_127 = arith.constant 100000 : i32
    %add3A_128 = arith.addi %add3A_127, %mul3A_126 : i32
    %dma_start3A_129 = arith.constant 40 : i32
    %dma_start3A_130 = arith.constant 0 : i32
    %dma_start3A_131 = tpu.memref_slice %arg11[%dma_start3A_129, %dma_start3A_130] : memref<80x128xf32, #tpu.memory_space<vmem>> -> memref<40x128xf32, #tpu.memory_space<vmem>>
    %dma_start3A_132 = arith.constant 0 : i32
    %dma_start3A_133 = tpu.memref_slice %arg3[%add3A_128, %dma_start3A_132] : memref<200000x128xf32, #tpu.memory_space<hbm>> -> memref<40x128xf32, #tpu.memory_space<hbm>>
    %dma_start3A_134 = arith.constant 40 : i32
    %dma_start3A_135 = arith.constant 0 : i32
    %dma_start3A_136 = tpu.memref_slice %arg11[%dma_start3A_134, %dma_start3A_135] : memref<80x128xf32, #tpu.memory_space<vmem>> -> memref<40x128xf32, #tpu.memory_space<vmem>>
    %dma_start3A_137 = arith.constant 0 : i32
    %dma_start3A_138 = tpu.memref_slice %arg3[%add3A_128, %dma_start3A_137] : memref<200000x128xf32, #tpu.memory_space<hbm>> -> memref<40x128xf32, #tpu.memory_space<hbm>>
    tpu.enqueue_dma source(%dma_start3A_138 : memref<40x128xf32, #tpu.memory_space<hbm>>) target(%dma_start3A_136 : memref<40x128xf32, #tpu.memory_space<vmem>>) target_semaphore(%arg23 : memref<!tpu.dma_semaphore, #tpu.memory_space<semaphore_mem>>)
    "tpu.region"() ({
      %run_scoped3A = tpu.sem_alloc : memref<!tpu.dma_semaphore, #tpu.memory_space<semaphore_mem>>
      tpu.enqueue_dma source(%arg4 : memref<50000xi32, #tpu.memory_space<hbm>>) target(%arg7 : memref<50000xi32, #tpu.memory_space<vmem>>) target_semaphore(%run_scoped3A : memref<!tpu.dma_semaphore, #tpu.memory_space<semaphore_mem>>)
      tpu.wait_dma2 semaphore(%run_scoped3A : memref<!tpu.dma_semaphore, #tpu.memory_space<semaphore_mem>>) src(%arg4 : memref<50000xi32, #tpu.memory_space<hbm>>) dst(%arg7 : memref<50000xi32, #tpu.memory_space<vmem>>)
      tpu.yield
    }) : () -> ()
    %barrier3A = arith.constant 0 : index
    tpu.barrier barrier_id(%barrier3A)
    %scan3A_139 = arith.constant 0 : i32
    %scan3A_140 = arith.constant 0 : i32
    %scan3A_141 = arith.constant 39 : i32
    %scan3A_142 = arith.addi %scan3A_140, %scan3A_141 : i32
    %scan3A_143 = arith.constant 1 : i32
    scf.for %scan3A_221 = %scan3A_140 to %scan3A_142 step %scan3A_143  : i32 {
      %mul3A_222 = arith.constant 2 : i32
      %mul3A_223 = arith.muli %mul3A_222, %scan3A_221 : i32
      %add3A_224 = arith.constant 0 : i32
      %add3A_225 = arith.addi %mul3A_223, %add3A_224 : i32
      %dma_wait3A_226 = arith.constant 0 : i32
      %dma_wait3A_227 = arith.constant 0 : i32
      %dma_wait3A_228 = arith.constant 0 : i32
      %dma_wait3A_229 = tpu.memref_slice %arg2[%dma_wait3A_227, %dma_wait3A_226, %dma_wait3A_228] : memref<12500x2x128xi32, #tpu.memory_space<hbm>> -> memref<5x1x128xi32, #tpu.memory_space<hbm>>
      %dma_wait3A_230 = tpu.memref_squeeze %dma_wait3A_229 : memref<5x1x128xi32, #tpu.memory_space<hbm>> -> memref<5x128xi32, #tpu.memory_space<hbm>>
      %dma_wait3A_231 = arith.constant 0 : i32
      %dma_wait3A_232 = arith.constant 0 : i32
      %dma_wait3A_233 = tpu.memref_slice %arg2[%dma_wait3A_231, %dma_wait3A_226, %dma_wait3A_232] : memref<12500x2x128xi32, #tpu.memory_space<hbm>> -> memref<5x1x128xi32, #tpu.memory_space<hbm>>
      %dma_wait3A_234 = tpu.memref_squeeze %dma_wait3A_233 : memref<5x1x128xi32, #tpu.memory_space<hbm>> -> memref<5x128xi32, #tpu.memory_space<hbm>>
      tpu.wait_dma2 semaphore(%arg22 : memref<!tpu.dma_semaphore, #tpu.memory_space<semaphore_mem>>) src(%dma_wait3A_234 : memref<5x128xi32, #tpu.memory_space<hbm>>) dst(%arg8 : memref<5x128xi32, #tpu.memory_space<vmem>>)
      %dma_wait3A_235 = arith.constant 0 : i32
      %dma_wait3A_236 = arith.constant 0 : i32
      %dma_wait3A_237 = tpu.memref_slice %arg10[%dma_wait3A_235, %dma_wait3A_236] : memref<80x128xf32, #tpu.memory_space<vmem>> -> memref<40x128xf32, #tpu.memory_space<vmem>>
      %dma_wait3A_238 = arith.constant 0 : i32
      %dma_wait3A_239 = arith.constant 0 : i32
      %dma_wait3A_240 = tpu.memref_slice %arg3[%dma_wait3A_238, %dma_wait3A_239] : memref<200000x128xf32, #tpu.memory_space<hbm>> -> memref<40x128xf32, #tpu.memory_space<hbm>>
      %dma_wait3A_241 = arith.constant 0 : i32
      %dma_wait3A_242 = arith.constant 0 : i32
      %dma_wait3A_243 = tpu.memref_slice %arg10[%dma_wait3A_241, %dma_wait3A_242] : memref<80x128xf32, #tpu.memory_space<vmem>> -> memref<40x128xf32, #tpu.memory_space<vmem>>
      %dma_wait3A_244 = arith.constant 0 : i32
      %dma_wait3A_245 = arith.constant 0 : i32
      %dma_wait3A_246 = tpu.memref_slice %arg3[%dma_wait3A_244, %dma_wait3A_245] : memref<200000x128xf32, #tpu.memory_space<hbm>> -> memref<40x128xf32, #tpu.memory_space<hbm>>
      tpu.wait_dma2 semaphore(%arg22 : memref<!tpu.dma_semaphore, #tpu.memory_space<semaphore_mem>>) src(%dma_wait3A_246 : memref<40x128xf32, #tpu.memory_space<hbm>>) dst(%dma_wait3A_243 : memref<40x128xf32, #tpu.memory_space<vmem>>)
      %dma_wait3A_247 = arith.constant 40 : i32
      %dma_wait3A_248 = arith.constant 0 : i32
      %dma_wait3A_249 = tpu.memref_slice %arg10[%dma_wait3A_247, %dma_wait3A_248] : memref<80x128xf32, #tpu.memory_space<vmem>> -> memref<40x128xf32, #tpu.memory_space<vmem>>
      %dma_wait3A_250 = arith.constant 0 : i32
      %dma_wait3A_251 = arith.constant 0 : i32
      %dma_wait3A_252 = tpu.memref_slice %arg3[%dma_wait3A_250, %dma_wait3A_251] : memref<200000x128xf32, #tpu.memory_space<hbm>> -> memref<40x128xf32, #tpu.memory_space<hbm>>
      %dma_wait3A_253 = arith.constant 40 : i32
      %dma_wait3A_254 = arith.constant 0 : i32
      %dma_wait3A_255 = tpu.memref_slice %arg10[%dma_wait3A_253, %dma_wait3A_254] : memref<80x128xf32, #tpu.memory_space<vmem>> -> memref<40x128xf32, #tpu.memory_space<vmem>>
      %dma_wait3A_256 = arith.constant 0 : i32
      %dma_wait3A_257 = arith.constant 0 : i32
      %dma_wait3A_258 = tpu.memref_slice %arg3[%dma_wait3A_256, %dma_wait3A_257] : memref<200000x128xf32, #tpu.memory_space<hbm>> -> memref<40x128xf32, #tpu.memory_space<hbm>>
      tpu.wait_dma2 semaphore(%arg22 : memref<!tpu.dma_semaphore, #tpu.memory_space<semaphore_mem>>) src(%dma_wait3A_258 : memref<40x128xf32, #tpu.memory_space<hbm>>) dst(%dma_wait3A_255 : memref<40x128xf32, #tpu.memory_space<vmem>>)
      %scan3A_259 = arith.constant 0 : i32
      %scan3A_260 = arith.constant 0 : i32
      %scan3A_261 = arith.constant 10 : i32
      %scan3A_262 = arith.addi %scan3A_260, %scan3A_261 : i32
      %scan3A_263 = arith.constant 1 : i32
      scf.for %scan3A_400 = %scan3A_260 to %scan3A_262 step %scan3A_263  : i32 {
        %mul3A_401 = arith.constant 4 : i32
        %mul3A_402 = arith.muli %scan3A_400, %mul3A_401 : i32
        %add3A_403 = arith.constant 0 : i32
        %add3A_404 = arith.addi %mul3A_402, %add3A_403 : i32
        %shift_right_arithmetic3A = arith.constant 3 : i32
        %shift_right_arithmetic3A_405 = arith.shrsi %add3A_404, %shift_right_arithmetic3A : i32
        %and3A_406 = arith.constant 7 : i32
        %and3A_407 = arith.andi %add3A_404, %and3A_406 : i32
        %mul3A_408 = arith.constant 16 : i32
        %mul3A_409 = arith.muli %and3A_407, %mul3A_408 : i32
        %get3A = arith.index_cast %shift_right_arithmetic3A_405 : i32 to index
        %get3A_410 = arith.index_cast %mul3A_409 : i32 to index
        %get3A_411 = tpu.vector_load %arg8[%get3A, %get3A_410] {strides = array<i32>} : memref<5x128xi32, #tpu.memory_space<vmem>>, vector<16xi32>,
        %gather3A = tpu.vector_load_idx %arg7[%get3A_411] : memref<50000xi32, #tpu.memory_space<vmem>>[vector<16xi32>], vector<16xi32>,
        %mul3A_412 = arith.constant 16 : i32
        %mul3A_413 = arith.muli %add3A_404, %mul3A_412 : i32
        %swap3A = arith.index_cast %mul3A_413 : i32 to index
        %swap3A_414 = tpu.vector_load %arg14[%swap3A] {strides = array<i32>} : memref<640xi32, #tpu.memory_space<vmem>>, vector<16xi32>,
        tpu.vector_store %arg14[%swap3A], %gather3A {strides = array<i32>} : memref<640xi32, #tpu.memory_space<vmem>>, vector<16xi32>,
        tpu.vector_store_idx %arg21[%iota3A, %gather3A], %broadcast_in_dim3A_18 {add = true} : memref<16x256xf32, #tpu.memory_space<vmem>>[vector<16xi32>, vector<16xi32>], vector<16xf32>,
        %mul3A_415 = arith.constant 16 : i32
        %mul3A_416 = arith.muli %add3A_404, %mul3A_415 : i32
        %add3A_417 = vector.broadcast %mul3A_416 : i32 to vector<16xi32>
        %add3A_418 = arith.addi %iota3A_65, %add3A_417 : vector<16xi32>
        %mul3A_419 = arith.constant 8 : i32
        %mul3A_420 = arith.muli %shift_right_arithmetic3A_405, %mul3A_419 : i32
        %add3A_421 = arith.constant 0 : i32
        %add3A_422 = arith.addi %add3A_421, %mul3A_420 : i32
        %add3A_423 = arith.constant 0 : i32
        %add3A_424 = arith.addi %add3A_422, %add3A_423 : i32
        %get3A_425 = arith.index_cast %add3A_424 : i32 to index
        %get3A_426 = arith.index_cast %mul3A_409 : i32 to index
        %get3A_427 = tpu.vector_load %arg10[%get3A_425, %get3A_426] {strides = array<i32>} : memref<80x128xf32, #tpu.memory_space<vmem>>, vector<16xf32>,
        %broadcast_in_dim3A_428 = arith.constant 0 : i32
        %broadcast_in_dim3A_429 = vector.broadcast %broadcast_in_dim3A_428 : i32 to vector<16xi32>
        tpu.vector_store_idx %arg12[%add3A_418, %broadcast_in_dim3A_429], %get3A_427 : memref<640x16xf32, #tpu.memory_space<vmem>>[vector<16xi32>, vector<16xi32>], vector<16xf32>,
        %mul3A_430 = arith.constant 8 : i32
        %mul3A_431 = arith.muli %shift_right_arithmetic3A_405, %mul3A_430 : i32
        %add3A_432 = arith.constant 0 : i32
        %add3A_433 = arith.addi %add3A_432, %mul3A_431 : i32
        %add3A_434 = arith.constant 1 : i32
        %add3A_435 = arith.addi %add3A_433, %add3A_434 : i32
        %get3A_436 = arith.index_cast %add3A_435 : i32 to index
        %get3A_437 = arith.index_cast %mul3A_409 : i32 to index
        %get3A_438 = tpu.vector_load %arg10[%get3A_436, %get3A_437] {strides = array<i32>} : memref<80x128xf32, #tpu.memory_space<vmem>>, vector<16xf32>,
        %broadcast_in_dim3A_439 = arith.constant 1 : i32
        %broadcast_in_dim3A_440 = vector.broadcast %broadcast_in_dim3A_439 : i32 to vector<16xi32>
        tpu.vector_store_idx %arg12[%add3A_418, %broadcast_in_dim3A_440], %get3A_438 : memref<640x16xf32, #tpu.memory_space<vmem>>[vector<16xi32>, vector<16xi32>], vector<16xf32>,
        %mul3A_441 = arith.constant 8 : i32
        %mul3A_442 = arith.muli %shift_right_arithmetic3A_405, %mul3A_441 : i32
        %add3A_443 = arith.constant 0 : i32
        %add3A_444 = arith.addi %add3A_443, %mul3A_442 : i32
        %add3A_445 = arith.constant 2 : i32
        %add3A_446 = arith.addi %add3A_444, %add3A_445 : i32
        %get3A_447 = arith.index_cast %add3A_446 : i32 to index
        %get3A_448 = arith.index_cast %mul3A_409 : i32 to index
        %get3A_449 = tpu.vector_load %arg10[%get3A_447, %get3A_448] {strides = array<i32>} : memref<80x128xf32, #tpu.memory_space<vmem>>, vector<16xf32>,
        %broadcast_in_dim3A_450 = arith.constant 2 : i32
        %broadcast_in_dim3A_451 = vector.broadcast %broadcast_in_dim3A_450 : i32 to vector<16xi32>
        tpu.vector_store_idx %arg12[%add3A_418, %broadcast_in_dim3A_451], %get3A_449 : memref<640x16xf32, #tpu.memory_space<vmem>>[vector<16xi32>, vector<16xi32>], vector<16xf32>,
        %mul3A_452 = arith.constant 8 : i32
        %mul3A_453 = arith.muli %shift_right_arithmetic3A_405, %mul3A_452 : i32
        %add3A_454 = arith.constant 0 : i32
        %add3A_455 = arith.addi %add3A_454, %mul3A_453 : i32
        %add3A_456 = arith.constant 3 : i32
        %add3A_457 = arith.addi %add3A_455, %add3A_456 : i32
        %get3A_458 = arith.index_cast %add3A_457 : i32 to index
        %get3A_459 = arith.index_cast %mul3A_409 : i32 to index
        %get3A_460 = tpu.vector_load %arg10[%get3A_458, %get3A_459] {strides = array<i32>} : memref<80x128xf32, #tpu.memory_space<vmem>>, vector<16xf32>,
        %broadcast_in_dim3A_461 = arith.constant 3 : i32
        %broadcast_in_dim3A_462 = vector.broadcast %broadcast_in_dim3A_461 : i32 to vector<16xi32>
        tpu.vector_store_idx %arg12[%add3A_418, %broadcast_in_dim3A_462], %get3A_460 : memref<640x16xf32, #tpu.memory_space<vmem>>[vector<16xi32>, vector<16xi32>], vector<16xf32>,
        %mul3A_463 = arith.constant 8 : i32
        %mul3A_464 = arith.muli %shift_right_arithmetic3A_405, %mul3A_463 : i32
        %add3A_465 = arith.constant 0 : i32
        %add3A_466 = arith.addi %add3A_465, %mul3A_464 : i32
        %add3A_467 = arith.constant 4 : i32
        %add3A_468 = arith.addi %add3A_466, %add3A_467 : i32
        %get3A_469 = arith.index_cast %add3A_468 : i32 to index
        %get3A_470 = arith.index_cast %mul3A_409 : i32 to index
        %get3A_471 = tpu.vector_load %arg10[%get3A_469, %get3A_470] {strides = array<i32>} : memref<80x128xf32, #tpu.memory_space<vmem>>, vector<16xf32>,
        %broadcast_in_dim3A_472 = arith.constant 4 : i32
        %broadcast_in_dim3A_473 = vector.broadcast %broadcast_in_dim3A_472 : i32 to vector<16xi32>
        tpu.vector_store_idx %arg12[%add3A_418, %broadcast_in_dim3A_473], %get3A_471 : memref<640x16xf32, #tpu.memory_space<vmem>>[vector<16xi32>, vector<16xi32>], vector<16xf32>,
        %mul3A_474 = arith.constant 8 : i32
        %mul3A_475 = arith.muli %shift_right_arithmetic3A_405, %mul3A_474 : i32
        %add3A_476 = arith.constant 0 : i32
        %add3A_477 = arith.addi %add3A_476, %mul3A_475 : i32
        %add3A_478 = arith.constant 5 : i32
        %add3A_479 = arith.addi %add3A_477, %add3A_478 : i32
        %get3A_480 = arith.index_cast %add3A_479 : i32 to index
        %get3A_481 = arith.index_cast %mul3A_409 : i32 to index
        %get3A_482 = tpu.vector_load %arg10[%get3A_480, %get3A_481] {strides = array<i32>} : memref<80x128xf32, #tpu.memory_space<vmem>>, vector<16xf32>,
        %broadcast_in_dim3A_483 = arith.constant 5 : i32
        %broadcast_in_dim3A_484 = vector.broadcast %broadcast_in_dim3A_483 : i32 to vector<16xi32>
        tpu.vector_store_idx %arg12[%add3A_418, %broadcast_in_dim3A_484], %get3A_482 : memref<640x16xf32, #tpu.memory_space<vmem>>[vector<16xi32>, vector<16xi32>], vector<16xf32>,
        %mul3A_485 = arith.constant 8 : i32
        %mul3A_486 = arith.muli %shift_right_arithmetic3A_405, %mul3A_485 : i32
        %add3A_487 = arith.constant 0 : i32
        %add3A_488 = arith.addi %add3A_487, %mul3A_486 : i32
        %add3A_489 = arith.constant 6 : i32
        %add3A_490 = arith.addi %add3A_488, %add3A_489 : i32
        %get3A_491 = arith.index_cast %add3A_490 : i32 to index
        %get3A_492 = arith.index_cast %mul3A_409 : i32 to index
        %get3A_493 = tpu.vector_load %arg10[%get3A_491, %get3A_492] {strides = array<i32>} : memref<80x128xf32, #tpu.memory_space<vmem>>, vector<16xf32>,
        %broadcast_in_dim3A_494 = arith.constant 6 : i32
        %broadcast_in_dim3A_495 = vector.broadcast %broadcast_in_dim3A_494 : i32 to vector<16xi32>
        tpu.vector_store_idx %arg12[%add3A_418, %broadcast_in_dim3A_495], %get3A_493 : memref<640x16xf32, #tpu.memory_space<vmem>>[vector<16xi32>, vector<16xi32>], vector<16xf32>,
        %mul3A_496 = arith.constant 8 : i32
        %mul3A_497 = arith.muli %shift_right_arithmetic3A_405, %mul3A_496 : i32
        %add3A_498 = arith.constant 0 : i32
        %add3A_499 = arith.addi %add3A_498, %mul3A_497 : i32
        %add3A_500 = arith.constant 7 : i32
        %add3A_501 = arith.addi %add3A_499, %add3A_500 : i32
        %get3A_502 = arith.index_cast %add3A_501 : i32 to index
        %get3A_503 = arith.index_cast %mul3A_409 : i32 to index
        %get3A_504 = tpu.vector_load %arg10[%get3A_502, %get3A_503] {strides = array<i32>} : memref<80x128xf32, #tpu.memory_space<vmem>>, vector<16xf32>,
        %broadcast_in_dim3A_505 = arith.constant 7 : i32
        %broadcast_in_dim3A_506 = vector.broadcast %broadcast_in_dim3A_505 : i32 to vector<16xi32>
        tpu.vector_store_idx %arg12[%add3A_418, %broadcast_in_dim3A_506], %get3A_504 : memref<640x16xf32, #tpu.memory_space<vmem>>[vector<16xi32>, vector<16xi32>], vector<16xf32>,
        %mul3A_507 = arith.constant 8 : i32
        %mul3A_508 = arith.muli %shift_right_arithmetic3A_405, %mul3A_507 : i32
        %add3A_509 = arith.constant 40 : i32
        %add3A_510 = arith.addi %add3A_509, %mul3A_508 : i32
        %add3A_511 = arith.constant 0 : i32
        %add3A_512 = arith.addi %add3A_510, %add3A_511 : i32
        %get3A_513 = arith.index_cast %add3A_512 : i32 to index
        %get3A_514 = arith.index_cast %mul3A_409 : i32 to index
        %get3A_515 = tpu.vector_load %arg10[%get3A_513, %get3A_514] {strides = array<i32>} : memref<80x128xf32, #tpu.memory_space<vmem>>, vector<16xf32>,
        %broadcast_in_dim3A_516 = arith.constant 8 : i32
        %broadcast_in_dim3A_517 = vector.broadcast %broadcast_in_dim3A_516 : i32 to vector<16xi32>
        tpu.vector_store_idx %arg12[%add3A_418, %broadcast_in_dim3A_517], %get3A_515 : memref<640x16xf32, #tpu.memory_space<vmem>>[vector<16xi32>, vector<16xi32>], vector<16xf32>,
        %mul3A_518 = arith.constant 8 : i32
        %mul3A_519 = arith.muli %shift_right_arithmetic3A_405, %mul3A_518 : i32
        %add3A_520 = arith.constant 40 : i32
        %add3A_521 = arith.addi %add3A_520, %mul3A_519 : i32
        %add3A_522 = arith.constant 1 : i32
        %add3A_523 = arith.addi %add3A_521, %add3A_522 : i32
        %get3A_524 = arith.index_cast %add3A_523 : i32 to index
        %get3A_525 = arith.index_cast %mul3A_409 : i32 to index
        %get3A_526 = tpu.vector_load %arg10[%get3A_524, %get3A_525] {strides = array<i32>} : memref<80x128xf32, #tpu.memory_space<vmem>>, vector<16xf32>,
        %broadcast_in_dim3A_527 = arith.constant 9 : i32
        %broadcast_in_dim3A_528 = vector.broadcast %broadcast_in_dim3A_527 : i32 to vector<16xi32>
        tpu.vector_store_idx %arg12[%add3A_418, %broadcast_in_dim3A_528], %get3A_526 : memref<640x16xf32, #tpu.memory_space<vmem>>[vector<16xi32>, vector<16xi32>], vector<16xf32>,
        %mul3A_529 = arith.constant 8 : i32
        %mul3A_530 = arith.muli %shift_right_arithmetic3A_405, %mul3A_529 : i32
        %add3A_531 = arith.constant 40 : i32
        %add3A_532 = arith.addi %add3A_531, %mul3A_530 : i32
        %add3A_533 = arith.constant 2 : i32
        %add3A_534 = arith.addi %add3A_532, %add3A_533 : i32
        %get3A_535 = arith.index_cast %add3A_534 : i32 to index
        %get3A_536 = arith.index_cast %mul3A_409 : i32 to index
        %get3A_537 = tpu.vector_load %arg10[%get3A_535, %get3A_536] {strides = array<i32>} : memref<80x128xf32, #tpu.memory_space<vmem>>, vector<16xf32>,
        %broadcast_in_dim3A_538 = arith.constant 10 : i32
        %broadcast_in_dim3A_539 = vector.broadcast %broadcast_in_dim3A_538 : i32 to vector<16xi32>
        tpu.vector_store_idx %arg12[%add3A_418, %broadcast_in_dim3A_539], %get3A_537 : memref<640x16xf32, #tpu.memory_space<vmem>>[vector<16xi32>, vector<16xi32>], vector<16xf32>,
        %mul3A_540 = arith.constant 8 : i32
        %mul3A_541 = arith.muli %shift_right_arithmetic3A_405, %mul3A_540 : i32
        %add3A_542 = arith.constant 40 : i32
        %add3A_543 = arith.addi %add3A_542, %mul3A_541 : i32
        %add3A_544 = arith.constant 3 : i32
        %add3A_545 = arith.addi %add3A_543, %add3A_544 : i32
        %get3A_546 = arith.index_cast %add3A_545 : i32 to index
        %get3A_547 = arith.index_cast %mul3A_409 : i32 to index
        %get3A_548 = tpu.vector_load %arg10[%get3A_546, %get3A_547] {strides = array<i32>} : memref<80x128xf32, #tpu.memory_space<vmem>>, vector<16xf32>,
        %broadcast_in_dim3A_549 = arith.constant 11 : i32
        %broadcast_in_dim3A_550 = vector.broadcast %broadcast_in_dim3A_549 : i32 to vector<16xi32>
        tpu.vector_store_idx %arg12[%add3A_418, %broadcast_in_dim3A_550], %get3A_548 : memref<640x16xf32, #tpu.memory_space<vmem>>[vector<16xi32>, vector<16xi32>], vector<16xf32>,
        %mul3A_551 = arith.constant 8 : i32
        %mul3A_552 = arith.muli %shift_right_arithmetic3A_405, %mul3A_551 : i32
        %add3A_553 = arith.constant 40 : i32
        %add3A_554 = arith.addi %add3A_553, %mul3A_552 : i32
        %add3A_555 = arith.constant 4 : i32
        %add3A_556 = arith.addi %add3A_554, %add3A_555 : i32
        %get3A_557 = arith.index_cast %add3A_556 : i32 to index
        %get3A_558 = arith.index_cast %mul3A_409 : i32 to index
        %get3A_559 = tpu.vector_load %arg10[%get3A_557, %get3A_558] {strides = array<i32>} : memref<80x128xf32, #tpu.memory_space<vmem>>, vector<16xf32>,
        %broadcast_in_dim3A_560 = arith.constant 12 : i32
        %broadcast_in_dim3A_561 = vector.broadcast %broadcast_in_dim3A_560 : i32 to vector<16xi32>
        tpu.vector_store_idx %arg12[%add3A_418, %broadcast_in_dim3A_561], %get3A_559 : memref<640x16xf32, #tpu.memory_space<vmem>>[vector<16xi32>, vector<16xi32>], vector<16xf32>,
        %mul3A_562 = arith.constant 8 : i32
        %mul3A_563 = arith.muli %shift_right_arithmetic3A_405, %mul3A_562 : i32
        %add3A_564 = arith.constant 40 : i32
        %add3A_565 = arith.addi %add3A_564, %mul3A_563 : i32
        %add3A_566 = arith.constant 5 : i32
        %add3A_567 = arith.addi %add3A_565, %add3A_566 : i32
        %get3A_568 = arith.index_cast %add3A_567 : i32 to index
        %get3A_569 = arith.index_cast %mul3A_409 : i32 to index
        %get3A_570 = tpu.vector_load %arg10[%get3A_568, %get3A_569] {strides = array<i32>} : memref<80x128xf32, #tpu.memory_space<vmem>>, vector<16xf32>,
        %broadcast_in_dim3A_571 = arith.constant 13 : i32
        %broadcast_in_dim3A_572 = vector.broadcast %broadcast_in_dim3A_571 : i32 to vector<16xi32>
        tpu.vector_store_idx %arg12[%add3A_418, %broadcast_in_dim3A_572], %get3A_570 : memref<640x16xf32, #tpu.memory_space<vmem>>[vector<16xi32>, vector<16xi32>], vector<16xf32>,
        %mul3A_573 = arith.constant 8 : i32
        %mul3A_574 = arith.muli %shift_right_arithmetic3A_405, %mul3A_573 : i32
        %add3A_575 = arith.constant 40 : i32
        %add3A_576 = arith.addi %add3A_575, %mul3A_574 : i32
        %add3A_577 = arith.constant 6 : i32
        %add3A_578 = arith.addi %add3A_576, %add3A_577 : i32
        %get3A_579 = arith.index_cast %add3A_578 : i32 to index
        %get3A_580 = arith.index_cast %mul3A_409 : i32 to index
        %get3A_581 = tpu.vector_load %arg10[%get3A_579, %get3A_580] {strides = array<i32>} : memref<80x128xf32, #tpu.memory_space<vmem>>, vector<16xf32>,
        %broadcast_in_dim3A_582 = arith.constant 14 : i32
        %broadcast_in_dim3A_583 = vector.broadcast %broadcast_in_dim3A_582 : i32 to vector<16xi32>
        tpu.vector_store_idx %arg12[%add3A_418, %broadcast_in_dim3A_583], %get3A_581 : memref<640x16xf32, #tpu.memory_space<vmem>>[vector<16xi32>, vector<16xi32>], vector<16xf32>,
        %mul3A_584 = arith.constant 8 : i32
        %mul3A_585 = arith.muli %shift_right_arithmetic3A_405, %mul3A_584 : i32
        %add3A_586 = arith.constant 40 : i32
        %add3A_587 = arith.addi %add3A_586, %mul3A_585 : i32
        %add3A_588 = arith.constant 7 : i32
        %add3A_589 = arith.addi %add3A_587, %add3A_588 : i32
        %get3A_590 = arith.index_cast %add3A_589 : i32 to index
        %get3A_591 = arith.index_cast %mul3A_409 : i32 to index
        %get3A_592 = tpu.vector_load %arg10[%get3A_590, %get3A_591] {strides = array<i32>} : memref<80x128xf32, #tpu.memory_space<vmem>>, vector<16xf32>,
        %broadcast_in_dim3A_593 = arith.constant 15 : i32
        %broadcast_in_dim3A_594 = vector.broadcast %broadcast_in_dim3A_593 : i32 to vector<16xi32>
        tpu.vector_store_idx %arg12[%add3A_418, %broadcast_in_dim3A_594], %get3A_592 : memref<640x16xf32, #tpu.memory_space<vmem>>[vector<16xi32>, vector<16xi32>], vector<16xf32>,
        %mul3A_595 = arith.constant 4 : i32
        %mul3A_596 = arith.muli %scan3A_400, %mul3A_595 : i32
        %add3A_597 = arith.constant 1 : i32
        %add3A_598 = arith.addi %mul3A_596, %add3A_597 : i32
        %shift_right_arithmetic3A_599 = arith.constant 3 : i32
        %shift_right_arithmetic3A_600 = arith.shrsi %add3A_598, %shift_right_arithmetic3A_599 : i32
        %and3A_601 = arith.constant 7 : i32
        %and3A_602 = arith.andi %add3A_598, %and3A_601 : i32
        %mul3A_603 = arith.constant 16 : i32
        %mul3A_604 = arith.muli %and3A_602, %mul3A_603 : i32
        %get3A_605 = arith.index_cast %shift_right_arithmetic3A_600 : i32 to index
        %get3A_606 = arith.index_cast %mul3A_604 : i32 to index
        %get3A_607 = tpu.vector_load %arg8[%get3A_605, %get3A_606] {strides = array<i32>} : memref<5x128xi32, #tpu.memory_space<vmem>>, vector<16xi32>,
        %gather3A_608 = tpu.vector_load_idx %arg7[%get3A_607] : memref<50000xi32, #tpu.memory_space<vmem>>[vector<16xi32>], vector<16xi32>,
        %mul3A_609 = arith.constant 16 : i32
        %mul3A_610 = arith.muli %add3A_598, %mul3A_609 : i32
        %swap3A_611 = arith.index_cast %mul3A_610 : i32 to index
        %swap3A_612 = tpu.vector_load %arg14[%swap3A_611] {strides = array<i32>} : memref<640xi32, #tpu.memory_space<vmem>>, vector<16xi32>,
        tpu.vector_store %arg14[%swap3A_611], %gather3A_608 {strides = array<i32>} : memref<640xi32, #tpu.memory_space<vmem>>, vector<16xi32>,
        tpu.vector_store_idx %arg21[%iota3A, %gather3A_608], %broadcast_in_dim3A_18 {add = true} : memref<16x256xf32, #tpu.memory_space<vmem>>[vector<16xi32>, vector<16xi32>], vector<16xf32>,
        %mul3A_613 = arith.constant 16 : i32
        %mul3A_614 = arith.muli %add3A_598, %mul3A_613 : i32
        %add3A_615 = vector.broadcast %mul3A_614 : i32 to vector<16xi32>
        %add3A_616 = arith.addi %iota3A_65, %add3A_615 : vector<16xi32>
        %mul3A_617 = arith.constant 8 : i32
        %mul3A_618 = arith.muli %shift_right_arithmetic3A_600, %mul3A_617 : i32
        %add3A_619 = arith.constant 0 : i32
        %add3A_620 = arith.addi %add3A_619, %mul3A_618 : i32
        %add3A_621 = arith.constant 0 : i32
        %add3A_622 = arith.addi %add3A_620, %add3A_621 : i32
        %get3A_623 = arith.index_cast %add3A_622 : i32 to index
        %get3A_624 = arith.index_cast %mul3A_604 : i32 to index
        %get3A_625 = tpu.vector_load %arg10[%get3A_623, %get3A_624] {strides = array<i32>} : memref<80x128xf32, #tpu.memory_space<vmem>>, vector<16xf32>,
        %broadcast_in_dim3A_626 = arith.constant 0 : i32
        %broadcast_in_dim3A_627 = vector.broadcast %broadcast_in_dim3A_626 : i32 to vector<16xi32>
        tpu.vector_store_idx %arg12[%add3A_616, %broadcast_in_dim3A_627], %get3A_625 : memref<640x16xf32, #tpu.memory_space<vmem>>[vector<16xi32>, vector<16xi32>], vector<16xf32>,
        %mul3A_628 = arith.constant 8 : i32
        %mul3A_629 = arith.muli %shift_right_arithmetic3A_600, %mul3A_628 : i32
        %add3A_630 = arith.constant 0 : i32
        %add3A_631 = arith.addi %add3A_630, %mul3A_629 : i32
        %add3A_632 = arith.constant 1 : i32
        %add3A_633 = arith.addi %add3A_631, %add3A_632 : i32
        %get3A_634 = arith.index_cast %add3A_633 : i32 to index
        %get3A_635 = arith.index_cast %mul3A_604 : i32 to index
        %get3A_636 = tpu.vector_load %arg10[%get3A_634, %get3A_635] {strides = array<i32>} : memref<80x128xf32, #tpu.memory_space<vmem>>, vector<16xf32>,
        %broadcast_in_dim3A_637 = arith.constant 1 : i32
        %broadcast_in_dim3A_638 = vector.broadcast %broadcast_in_dim3A_637 : i32 to vector<16xi32>
        tpu.vector_store_idx %arg12[%add3A_616, %broadcast_in_dim3A_638], %get3A_636 : memref<640x16xf32, #tpu.memory_space<vmem>>[vector<16xi32>, vector<16xi32>], vector<16xf32>,
        %mul3A_639 = arith.constant 8 : i32
        %mul3A_640 = arith.muli %shift_right_arithmetic3A_600, %mul3A_639 : i32
        %add3A_641 = arith.constant 0 : i32
        %add3A_642 = arith.addi %add3A_641, %mul3A_640 : i32
        %add3A_643 = arith.constant 2 : i32
        %add3A_644 = arith.addi %add3A_642, %add3A_643 : i32
        %get3A_645 = arith.index_cast %add3A_644 : i32 to index
        %get3A_646 = arith.index_cast %mul3A_604 : i32 to index
        %get3A_647 = tpu.vector_load %arg10[%get3A_645, %get3A_646] {strides = array<i32>} : memref<80x128xf32, #tpu.memory_space<vmem>>, vector<16xf32>,
        %broadcast_in_dim3A_648 = arith.constant 2 : i32
        %broadcast_in_dim3A_649 = vector.broadcast %broadcast_in_dim3A_648 : i32 to vector<16xi32>
        tpu.vector_store_idx %arg12[%add3A_616, %broadcast_in_dim3A_649], %get3A_647 : memref<640x16xf32, #tpu.memory_space<vmem>>[vector<16xi32>, vector<16xi32>], vector<16xf32>,
        %mul3A_650 = arith.constant 8 : i32
        %mul3A_651 = arith.muli %shift_right_arithmetic3A_600, %mul3A_650 : i32
        %add3A_652 = arith.constant 0 : i32
        %add3A_653 = arith.addi %add3A_652, %mul3A_651 : i32
        %add3A_654 = arith.constant 3 : i32
        %add3A_655 = arith.addi %add3A_653, %add3A_654 : i32
        %get3A_656 = arith.index_cast %add3A_655 : i32 to index
        %get3A_657 = arith.index_cast %mul3A_604 : i32 to index
        %get3A_658 = tpu.vector_load %arg10[%get3A_656, %get3A_657] {strides = array<i32>} : memref<80x128xf32, #tpu.memory_space<vmem>>, vector<16xf32>,
        %broadcast_in_dim3A_659 = arith.constant 3 : i32
        %broadcast_in_dim3A_660 = vector.broadcast %broadcast_in_dim3A_659 : i32 to vector<16xi32>
        tpu.vector_store_idx %arg12[%add3A_616, %broadcast_in_dim3A_660], %get3A_658 : memref<640x16xf32, #tpu.memory_space<vmem>>[vector<16xi32>, vector<16xi32>], vector<16xf32>,
        %mul3A_661 = arith.constant 8 : i32
        %mul3A_662 = arith.muli %shift_right_arithmetic3A_600, %mul3A_661 : i32
        %add3A_663 = arith.constant 0 : i32
        %add3A_664 = arith.addi %add3A_663, %mul3A_662 : i32
        %add3A_665 = arith.constant 4 : i32
        %add3A_666 = arith.addi %add3A_664, %add3A_665 : i32
        %get3A_667 = arith.index_cast %add3A_666 : i32 to index
        %get3A_668 = arith.index_cast %mul3A_604 : i32 to index
        %get3A_669 = tpu.vector_load %arg10[%get3A_667, %get3A_668] {strides = array<i32>} : memref<80x128xf32, #tpu.memory_space<vmem>>, vector<16xf32>,
        %broadcast_in_dim3A_670 = arith.constant 4 : i32
        %broadcast_in_dim3A_671 = vector.broadcast %broadcast_in_dim3A_670 : i32 to vector<16xi32>
        tpu.vector_store_idx %arg12[%add3A_616, %broadcast_in_dim3A_671], %get3A_669 : memref<640x16xf32, #tpu.memory_space<vmem>>[vector<16xi32>, vector<16xi32>], vector<16xf32>,
        %mul3A_672 = arith.constant 8 : i32
        %mul3A_673 = arith.muli %shift_right_arithmetic3A_600, %mul3A_672 : i32
        %add3A_674 = arith.constant 0 : i32
        %add3A_675 = arith.addi %add3A_674, %mul3A_673 : i32
        %add3A_676 = arith.constant 5 : i32
        %add3A_677 = arith.addi %add3A_675, %add3A_676 : i32
        %get3A_678 = arith.index_cast %add3A_677 : i32 to index
        %get3A_679 = arith.index_cast %mul3A_604 : i32 to index
        %get3A_680 = tpu.vector_load %arg10[%get3A_678, %get3A_679] {strides = array<i32>} : memref<80x128xf32, #tpu.memory_space<vmem>>, vector<16xf32>,
        %broadcast_in_dim3A_681 = arith.constant 5 : i32
        %broadcast_in_dim3A_682 = vector.broadcast %broadcast_in_dim3A_681 : i32 to vector<16xi32>
        tpu.vector_store_idx %arg12[%add3A_616, %broadcast_in_dim3A_682], %get3A_680 : memref<640x16xf32, #tpu.memory_space<vmem>>[vector<16xi32>, vector<16xi32>], vector<16xf32>,
        %mul3A_683 = arith.constant 8 : i32
        %mul3A_684 = arith.muli %shift_right_arithmetic3A_600, %mul3A_683 : i32
        %add3A_685 = arith.constant 0 : i32
        %add3A_686 = arith.addi %add3A_685, %mul3A_684 : i32
        %add3A_687 = arith.constant 6 : i32
        %add3A_688 = arith.addi %add3A_686, %add3A_687 : i32
        %get3A_689 = arith.index_cast %add3A_688 : i32 to index
        %get3A_690 = arith.index_cast %mul3A_604 : i32 to index
        %get3A_691 = tpu.vector_load %arg10[%get3A_689, %get3A_690] {strides = array<i32>} : memref<80x128xf32, #tpu.memory_space<vmem>>, vector<16xf32>,
        %broadcast_in_dim3A_692 = arith.constant 6 : i32
        %broadcast_in_dim3A_693 = vector.broadcast %broadcast_in_dim3A_692 : i32 to vector<16xi32>
        tpu.vector_store_idx %arg12[%add3A_616, %broadcast_in_dim3A_693], %get3A_691 : memref<640x16xf32, #tpu.memory_space<vmem>>[vector<16xi32>, vector<16xi32>], vector<16xf32>,
        %mul3A_694 = arith.constant 8 : i32
        %mul3A_695 = arith.muli %shift_right_arithmetic3A_600, %mul3A_694 : i32
        %add3A_696 = arith.constant 0 : i32
        %add3A_697 = arith.addi %add3A_696, %mul3A_695 : i32
        %add3A_698 = arith.constant 7 : i32
        %add3A_699 = arith.addi %add3A_697, %add3A_698 : i32
        %get3A_700 = arith.index_cast %add3A_699 : i32 to index
        %get3A_701 = arith.index_cast %mul3A_604 : i32 to index
        %get3A_702 = tpu.vector_load %arg10[%get3A_700, %get3A_701] {strides = array<i32>} : memref<80x128xf32, #tpu.memory_space<vmem>>, vector<16xf32>,
        %broadcast_in_dim3A_703 = arith.constant 7 : i32
        %broadcast_in_dim3A_704 = vector.broadcast %broadcast_in_dim3A_703 : i32 to vector<16xi32>
        tpu.vector_store_idx %arg12[%add3A_616, %broadcast_in_dim3A_704], %get3A_702 : memref<640x16xf32, #tpu.memory_space<vmem>>[vector<16xi32>, vector<16xi32>], vector<16xf32>,
        %mul3A_705 = arith.constant 8 : i32
        %mul3A_706 = arith.muli %shift_right_arithmetic3A_600, %mul3A_705 : i32
        %add3A_707 = arith.constant 40 : i32
        %add3A_708 = arith.addi %add3A_707, %mul3A_706 : i32
        %add3A_709 = arith.constant 0 : i32
        %add3A_710 = arith.addi %add3A_708, %add3A_709 : i32
        %get3A_711 = arith.index_cast %add3A_710 : i32 to index
        %get3A_712 = arith.index_cast %mul3A_604 : i32 to index
        %get3A_713 = tpu.vector_load %arg10[%get3A_711, %get3A_712] {strides = array<i32>} : memref<80x128xf32, #tpu.memory_space<vmem>>, vector<16xf32>,
        %broadcast_in_dim3A_714 = arith.constant 8 : i32
        %broadcast_in_dim3A_715 = vector.broadcast %broadcast_in_dim3A_714 : i32 to vector<16xi32>
        tpu.vector_store_idx %arg12[%add3A_616, %broadcast_in_dim3A_715], %get3A_713 : memref<640x16xf32, #tpu.memory_space<vmem>>[vector<16xi32>, vector<16xi32>], vector<16xf32>,
        %mul3A_716 = arith.constant 8 : i32
        %mul3A_717 = arith.muli %shift_right_arithmetic3A_600, %mul3A_716 : i32
        %add3A_718 = arith.constant 40 : i32
        %add3A_719 = arith.addi %add3A_718, %mul3A_717 : i32
        %add3A_720 = arith.constant 1 : i32
        %add3A_721 = arith.addi %add3A_719, %add3A_720 : i32
        %get3A_722 = arith.index_cast %add3A_721 : i32 to index
        %get3A_723 = arith.index_cast %mul3A_604 : i32 to index
        %get3A_724 = tpu.vector_load %arg10[%get3A_722, %get3A_723] {strides = array<i32>} : memref<80x128xf32, #tpu.memory_space<vmem>>, vector<16xf32>,
        %broadcast_in_dim3A_725 = arith.constant 9 : i32
        %broadcast_in_dim3A_726 = vector.broadcast %broadcast_in_dim3A_725 : i32 to vector<16xi32>
        tpu.vector_store_idx %arg12[%add3A_616, %broadcast_in_dim3A_726], %get3A_724 : memref<640x16xf32, #tpu.memory_space<vmem>>[vector<16xi32>, vector<16xi32>], vector<16xf32>,
        %mul3A_727 = arith.constant 8 : i32
        %mul3A_728 = arith.muli %shift_right_arithmetic3A_600, %mul3A_727 : i32
        %add3A_729 = arith.constant 40 : i32
        %add3A_730 = arith.addi %add3A_729, %mul3A_728 : i32
        %add3A_731 = arith.constant 2 : i32
        %add3A_732 = arith.addi %add3A_730, %add3A_731 : i32
        %get3A_733 = arith.index_cast %add3A_732 : i32 to index
        %get3A_734 = arith.index_cast %mul3A_604 : i32 to index
        %get3A_735 = tpu.vector_load %arg10[%get3A_733, %get3A_734] {strides = array<i32>} : memref<80x128xf32, #tpu.memory_space<vmem>>, vector<16xf32>,
        %broadcast_in_dim3A_736 = arith.constant 10 : i32
        %broadcast_in_dim3A_737 = vector.broadcast %broadcast_in_dim3A_736 : i32 to vector<16xi32>
        tpu.vector_store_idx %arg12[%add3A_616, %broadcast_in_dim3A_737], %get3A_735 : memref<640x16xf32, #tpu.memory_space<vmem>>[vector<16xi32>, vector<16xi32>], vector<16xf32>,
        %mul3A_738 = arith.constant 8 : i32
        %mul3A_739 = arith.muli %shift_right_arithmetic3A_600, %mul3A_738 : i32
        %add3A_740 = arith.constant 40 : i32
        %add3A_741 = arith.addi %add3A_740, %mul3A_739 : i32
        %add3A_742 = arith.constant 3 : i32
        %add3A_743 = arith.addi %add3A_741, %add3A_742 : i32
        %get3A_744 = arith.index_cast %add3A_743 : i32 to index
        %get3A_745 = arith.index_cast %mul3A_604 : i32 to index
        %get3A_746 = tpu.vector_load %arg10[%get3A_744, %get3A_745] {strides = array<i32>} : memref<80x128xf32, #tpu.memory_space<vmem>>, vector<16xf32>,
        %broadcast_in_dim3A_747 = arith.constant 11 : i32
        %broadcast_in_dim3A_748 = vector.broadcast %broadcast_in_dim3A_747 : i32 to vector<16xi32>
        tpu.vector_store_idx %arg12[%add3A_616, %broadcast_in_dim3A_748], %get3A_746 : memref<640x16xf32, #tpu.memory_space<vmem>>[vector<16xi32>, vector<16xi32>], vector<16xf32>,
        %mul3A_749 = arith.constant 8 : i32
        %mul3A_750 = arith.muli %shift_right_arithmetic3A_600, %mul3A_749 : i32
        %add3A_751 = arith.constant 40 : i32
        %add3A_752 = arith.addi %add3A_751, %mul3A_750 : i32
        %add3A_753 = arith.constant 4 : i32
        %add3A_754 = arith.addi %add3A_752, %add3A_753 : i32
        %get3A_755 = arith.index_cast %add3A_754 : i32 to index
        %get3A_756 = arith.index_cast %mul3A_604 : i32 to index
        %get3A_757 = tpu.vector_load %arg10[%get3A_755, %get3A_756] {strides = array<i32>} : memref<80x128xf32, #tpu.memory_space<vmem>>, vector<16xf32>,
        %broadcast_in_dim3A_758 = arith.constant 12 : i32
        %broadcast_in_dim3A_759 = vector.broadcast %broadcast_in_dim3A_758 : i32 to vector<16xi32>
        tpu.vector_store_idx %arg12[%add3A_616, %broadcast_in_dim3A_759], %get3A_757 : memref<640x16xf32, #tpu.memory_space<vmem>>[vector<16xi32>, vector<16xi32>], vector<16xf32>,
        %mul3A_760 = arith.constant 8 : i32
        %mul3A_761 = arith.muli %shift_right_arithmetic3A_600, %mul3A_760 : i32
        %add3A_762 = arith.constant 40 : i32
        %add3A_763 = arith.addi %add3A_762, %mul3A_761 : i32
        %add3A_764 = arith.constant 5 : i32
        %add3A_765 = arith.addi %add3A_763, %add3A_764 : i32
        %get3A_766 = arith.index_cast %add3A_765 : i32 to index
        %get3A_767 = arith.index_cast %mul3A_604 : i32 to index
        %get3A_768 = tpu.vector_load %arg10[%get3A_766, %get3A_767] {strides = array<i32>} : memref<80x128xf32, #tpu.memory_space<vmem>>, vector<16xf32>,
        %broadcast_in_dim3A_769 = arith.constant 13 : i32
        %broadcast_in_dim3A_770 = vector.broadcast %broadcast_in_dim3A_769 : i32 to vector<16xi32>
        tpu.vector_store_idx %arg12[%add3A_616, %broadcast_in_dim3A_770], %get3A_768 : memref<640x16xf32, #tpu.memory_space<vmem>>[vector<16xi32>, vector<16xi32>], vector<16xf32>,
        %mul3A_771 = arith.constant 8 : i32
        %mul3A_772 = arith.muli %shift_right_arithmetic3A_600, %mul3A_771 : i32
        %add3A_773 = arith.constant 40 : i32
        %add3A_774 = arith.addi %add3A_773, %mul3A_772 : i32
        %add3A_775 = arith.constant 6 : i32
        %add3A_776 = arith.addi %add3A_774, %add3A_775 : i32
        %get3A_777 = arith.index_cast %add3A_776 : i32 to index
        %get3A_778 = arith.index_cast %mul3A_604 : i32 to index
        %get3A_779 = tpu.vector_load %arg10[%get3A_777, %get3A_778] {strides = array<i32>} : memref<80x128xf32, #tpu.memory_space<vmem>>, vector<16xf32>,
        %broadcast_in_dim3A_780 = arith.constant 14 : i32
        %broadcast_in_dim3A_781 = vector.broadcast %broadcast_in_dim3A_780 : i32 to vector<16xi32>
        tpu.vector_store_idx %arg12[%add3A_616, %broadcast_in_dim3A_781], %get3A_779 : memref<640x16xf32, #tpu.memory_space<vmem>>[vector<16xi32>, vector<16xi32>], vector<16xf32>,
        %mul3A_782 = arith.constant 8 : i32
        %mul3A_783 = arith.muli %shift_right_arithmetic3A_600, %mul3A_782 : i32
        %add3A_784 = arith.constant 40 : i32
        %add3A_785 = arith.addi %add3A_784, %mul3A_783 : i32
        %add3A_786 = arith.constant 7 : i32
        %add3A_787 = arith.addi %add3A_785, %add3A_786 : i32
        %get3A_788 = arith.index_cast %add3A_787 : i32 to index
        %get3A_789 = arith.index_cast %mul3A_604 : i32 to index
        %get3A_790 = tpu.vector_load %arg10[%get3A_788, %get3A_789] {strides = array<i32>} : memref<80x128xf32, #tpu.memory_space<vmem>>, vector<16xf32>,
        %broadcast_in_dim3A_791 = arith.constant 15 : i32
        %broadcast_in_dim3A_792 = vector.broadcast %broadcast_in_dim3A_791 : i32 to vector<16xi32>
        tpu.vector_store_idx %arg12[%add3A_616, %broadcast_in_dim3A_792], %get3A_790 : memref<640x16xf32, #tpu.memory_space<vmem>>[vector<16xi32>, vector<16xi32>], vector<16xf32>,
        %mul3A_793 = arith.constant 4 : i32
        %mul3A_794 = arith.muli %scan3A_400, %mul3A_793 : i32
        %add3A_795 = arith.constant 2 : i32
        %add3A_796 = arith.addi %mul3A_794, %add3A_795 : i32
        %shift_right_arithmetic3A_797 = arith.constant 3 : i32
        %shift_right_arithmetic3A_798 = arith.shrsi %add3A_796, %shift_right_arithmetic3A_797 : i32
        %and3A_799 = arith.constant 7 : i32
        %and3A_800 = arith.andi %add3A_796, %and3A_799 : i32
        %mul3A_801 = arith.constant 16 : i32
        %mul3A_802 = arith.muli %and3A_800, %mul3A_801 : i32
        %get3A_803 = arith.index_cast %shift_right_arithmetic3A_798 : i32 to index
        %get3A_804 = arith.index_cast %mul3A_802 : i32 to index
        %get3A_805 = tpu.vector_load %arg8[%get3A_803, %get3A_804] {strides = array<i32>} : memref<5x128xi32, #tpu.memory_space<vmem>>, vector<16xi32>,
        %gather3A_806 = tpu.vector_load_idx %arg7[%get3A_805] : memref<50000xi32, #tpu.memory_space<vmem>>[vector<16xi32>], vector<16xi32>,
        %mul3A_807 = arith.constant 16 : i32
        %mul3A_808 = arith.muli %add3A_796, %mul3A_807 : i32
        %swap3A_809 = arith.index_cast %mul3A_808 : i32 to index
        %swap3A_810 = tpu.vector_load %arg14[%swap3A_809] {strides = array<i32>} : memref<640xi32, #tpu.memory_space<vmem>>, vector<16xi32>,
        tpu.vector_store %arg14[%swap3A_809], %gather3A_806 {strides = array<i32>} : memref<640xi32, #tpu.memory_space<vmem>>, vector<16xi32>,
        tpu.vector_store_idx %arg21[%iota3A, %gather3A_806], %broadcast_in_dim3A_18 {add = true} : memref<16x256xf32, #tpu.memory_space<vmem>>[vector<16xi32>, vector<16xi32>], vector<16xf32>,
        %mul3A_811 = arith.constant 16 : i32
        %mul3A_812 = arith.muli %add3A_796, %mul3A_811 : i32
        %add3A_813 = vector.broadcast %mul3A_812 : i32 to vector<16xi32>
        %add3A_814 = arith.addi %iota3A_65, %add3A_813 : vector<16xi32>
        %mul3A_815 = arith.constant 8 : i32
        %mul3A_816 = arith.muli %shift_right_arithmetic3A_798, %mul3A_815 : i32
        %add3A_817 = arith.constant 0 : i32
        %add3A_818 = arith.addi %add3A_817, %mul3A_816 : i32
        %add3A_819 = arith.constant 0 : i32
        %add3A_820 = arith.addi %add3A_818, %add3A_819 : i32
        %get3A_821 = arith.index_cast %add3A_820 : i32 to index
        %get3A_822 = arith.index_cast %mul3A_802 : i32 to index
        %get3A_823 = tpu.vector_load %arg10[%get3A_821, %get3A_822] {strides = array<i32>} : memref<80x128xf32, #tpu.memory_space<vmem>>, vector<16xf32>,
        %broadcast_in_dim3A_824 = arith.constant 0 : i32
        %broadcast_in_dim3A_825 = vector.broadcast %broadcast_in_dim3A_824 : i32 to vector<16xi32>
        tpu.vector_store_idx %arg12[%add3A_814, %broadcast_in_dim3A_825], %get3A_823 : memref<640x16xf32, #tpu.memory_space<vmem>>[vector<16xi32>, vector<16xi32>], vector<16xf32>,
        %mul3A_826 = arith.constant 8 : i32
        %mul3A_827 = arith.muli %shift_right_arithmetic3A_798, %mul3A_826 : i32
        %add3A_828 = arith.constant 0 : i32
        %add3A_829 = arith.addi %add3A_828, %mul3A_827 : i32
        %add3A_830 = arith.constant 1 : i32
        %add3A_831 = arith.addi %add3A_829, %add3A_830 : i32
        %get3A_832 = arith.index_cast %add3A_831 : i32 to index
        %get3A_833 = arith.index_cast %mul3A_802 : i32 to index
        %get3A_834 = tpu.vector_load %arg10[%get3A_832, %get3A_833] {strides = array<i32>} : memref<80x128xf32, #tpu.memory_space<vmem>>, vector<16xf32>,
        %broadcast_in_dim3A_835 = arith.constant 1 : i32
        %broadcast_in_dim3A_836 = vector.broadcast %broadcast_in_dim3A_835 : i32 to vector<16xi32>
        tpu.vector_store_idx %arg12[%add3A_814, %broadcast_in_dim3A_836], %get3A_834 : memref<640x16xf32, #tpu.memory_space<vmem>>[vector<16xi32>, vector<16xi32>], vector<16xf32>,
        %mul3A_837 = arith.constant 8 : i32
        %mul3A_838 = arith.muli %shift_right_arithmetic3A_798, %mul3A_837 : i32
        %add3A_839 = arith.constant 0 : i32
        %add3A_840 = arith.addi %add3A_839, %mul3A_838 : i32
        %add3A_841 = arith.constant 2 : i32
        %add3A_842 = arith.addi %add3A_840, %add3A_841 : i32
        %get3A_843 = arith.index_cast %add3A_842 : i32 to index
        %get3A_844 = arith.index_cast %mul3A_802 : i32 to index
        %get3A_845 = tpu.vector_load %arg10[%get3A_843, %get3A_844] {strides = array<i32>} : memref<80x128xf32, #tpu.memory_space<vmem>>, vector<16xf32>,
        %broadcast_in_dim3A_846 = arith.constant 2 : i32
        %broadcast_in_dim3A_847 = vector.broadcast %broadcast_in_dim3A_846 : i32 to vector<16xi32>
        tpu.vector_store_idx %arg12[%add3A_814, %broadcast_in_dim3A_847], %get3A_845 : memref<640x16xf32, #tpu.memory_space<vmem>>[vector<16xi32>, vector<16xi32>], vector<16xf32>,
        %mul3A_848 = arith.constant 8 : i32
        %mul3A_849 = arith.muli %shift_right_arithmetic3A_798, %mul3A_848 : i32
        %add3A_850 = arith.constant 0 : i32
        %add3A_851 = arith.addi %add3A_850, %mul3A_849 : i32
        %add3A_852 = arith.constant 3 : i32
        %add3A_853 = arith.addi %add3A_851, %add3A_852 : i32
        %get3A_854 = arith.index_cast %add3A_853 : i32 to index
        %get3A_855 = arith.index_cast %mul3A_802 : i32 to index
        %get3A_856 = tpu.vector_load %arg10[%get3A_854, %get3A_855] {strides = array<i32>} : memref<80x128xf32, #tpu.memory_space<vmem>>, vector<16xf32>,
        %broadcast_in_dim3A_857 = arith.constant 3 : i32
        %broadcast_in_dim3A_858 = vector.broadcast %broadcast_in_dim3A_857 : i32 to vector<16xi32>
        tpu.vector_store_idx %arg12[%add3A_814, %broadcast_in_dim3A_858], %get3A_856 : memref<640x16xf32, #tpu.memory_space<vmem>>[vector<16xi32>, vector<16xi32>], vector<16xf32>,
        %mul3A_859 = arith.constant 8 : i32
        %mul3A_860 = arith.muli %shift_right_arithmetic3A_798, %mul3A_859 : i32
        %add3A_861 = arith.constant 0 : i32
        %add3A_862 = arith.addi %add3A_861, %mul3A_860 : i32
        %add3A_863 = arith.constant 4 : i32
        %add3A_864 = arith.addi %add3A_862, %add3A_863 : i32
        %get3A_865 = arith.index_cast %add3A_864 : i32 to index
        %get3A_866 = arith.index_cast %mul3A_802 : i32 to index
        %get3A_867 = tpu.vector_load %arg10[%get3A_865, %get3A_866] {strides = array<i32>} : memref<80x128xf32, #tpu.memory_space<vmem>>, vector<16xf32>,
        %broadcast_in_dim3A_868 = arith.constant 4 : i32
        %broadcast_in_dim3A_869 = vector.broadcast %broadcast_in_dim3A_868 : i32 to vector<16xi32>
        tpu.vector_store_idx %arg12[%add3A_814, %broadcast_in_dim3A_869], %get3A_867 : memref<640x16xf32, #tpu.memory_space<vmem>>[vector<16xi32>, vector<16xi32>], vector<16xf32>,
        %mul3A_870 = arith.constant 8 : i32
        %mul3A_871 = arith.muli %shift_right_arithmetic3A_798, %mul3A_870 : i32
        %add3A_872 = arith.constant 0 : i32
        %add3A_873 = arith.addi %add3A_872, %mul3A_871 : i32
        %add3A_874 = arith.constant 5 : i32
        %add3A_875 = arith.addi %add3A_873, %add3A_874 : i32
        %get3A_876 = arith.index_cast %add3A_875 : i32 to index
        %get3A_877 = arith.index_cast %mul3A_802 : i32 to index
        %get3A_878 = tpu.vector_load %arg10[%get3A_876, %get3A_877] {strides = array<i32>} : memref<80x128xf32, #tpu.memory_space<vmem>>, vector<16xf32>,
        %broadcast_in_dim3A_879 = arith.constant 5 : i32
        %broadcast_in_dim3A_880 = vector.broadcast %broadcast_in_dim3A_879 : i32 to vector<16xi32>
        tpu.vector_store_idx %arg12[%add3A_814, %broadcast_in_dim3A_880], %get3A_878 : memref<640x16xf32, #tpu.memory_space<vmem>>[vector<16xi32>, vector<16xi32>], vector<16xf32>,
        %mul3A_881 = arith.constant 8 : i32
        %mul3A_882 = arith.muli %shift_right_arithmetic3A_798, %mul3A_881 : i32
        %add3A_883 = arith.constant 0 : i32
        %add3A_884 = arith.addi %add3A_883, %mul3A_882 : i32
        %add3A_885 = arith.constant 6 : i32
        %add3A_886 = arith.addi %add3A_884, %add3A_885 : i32
        %get3A_887 = arith.index_cast %add3A_886 : i32 to index
        %get3A_888 = arith.index_cast %mul3A_802 : i32 to index
        %get3A_889 = tpu.vector_load %arg10[%get3A_887, %get3A_888] {strides = array<i32>} : memref<80x128xf32, #tpu.memory_space<vmem>>, vector<16xf32>,
        %broadcast_in_dim3A_890 = arith.constant 6 : i32
        %broadcast_in_dim3A_891 = vector.broadcast %broadcast_in_dim3A_890 : i32 to vector<16xi32>
        tpu.vector_store_idx %arg12[%add3A_814, %broadcast_in_dim3A_891], %get3A_889 : memref<640x16xf32, #tpu.memory_space<vmem>>[vector<16xi32>, vector<16xi32>], vector<16xf32>,
        %mul3A_892 = arith.constant 8 : i32
        %mul3A_893 = arith.muli %shift_right_arithmetic3A_798, %mul3A_892 : i32
        %add3A_894 = arith.constant 0 : i32
        %add3A_895 = arith.addi %add3A_894, %mul3A_893 : i32
        %add3A_896 = arith.constant 7 : i32
        %add3A_897 = arith.addi %add3A_895, %add3A_896 : i32
        %get3A_898 = arith.index_cast %add3A_897 : i32 to index
        %get3A_899 = arith.index_cast %mul3A_802 : i32 to index
        %get3A_900 = tpu.vector_load %arg10[%get3A_898, %get3A_899] {strides = array<i32>} : memref<80x128xf32, #tpu.memory_space<vmem>>, vector<16xf32>,
        %broadcast_in_dim3A_901 = arith.constant 7 : i32
        %broadcast_in_dim3A_902 = vector.broadcast %broadcast_in_dim3A_901 : i32 to vector<16xi32>
        tpu.vector_store_idx %arg12[%add3A_814, %broadcast_in_dim3A_902], %get3A_900 : memref<640x16xf32, #tpu.memory_space<vmem>>[vector<16xi32>, vector<16xi32>], vector<16xf32>,
        %mul3A_903 = arith.constant 8 : i32
        %mul3A_904 = arith.muli %shift_right_arithmetic3A_798, %mul3A_903 : i32
        %add3A_905 = arith.constant 40 : i32
        %add3A_906 = arith.addi %add3A_905, %mul3A_904 : i32
        %add3A_907 = arith.constant 0 : i32
        %add3A_908 = arith.addi %add3A_906, %add3A_907 : i32
        %get3A_909 = arith.index_cast %add3A_908 : i32 to index
        %get3A_910 = arith.index_cast %mul3A_802 : i32 to index
        %get3A_911 = tpu.vector_load %arg10[%get3A_909, %get3A_910] {strides = array<i32>} : memref<80x128xf32, #tpu.memory_space<vmem>>, vector<16xf32>,
        %broadcast_in_dim3A_912 = arith.constant 8 : i32
        %broadcast_in_dim3A_913 = vector.broadcast %broadcast_in_dim3A_912 : i32 to vector<16xi32>
        tpu.vector_store_idx %arg12[%add3A_814, %broadcast_in_dim3A_913], %get3A_911 : memref<640x16xf32, #tpu.memory_space<vmem>>[vector<16xi32>, vector<16xi32>], vector<16xf32>,
        %mul3A_914 = arith.constant 8 : i32
        %mul3A_915 = arith.muli %shift_right_arithmetic3A_798, %mul3A_914 : i32
        %add3A_916 = arith.constant 40 : i32
        %add3A_917 = arith.addi %add3A_916, %mul3A_915 : i32
        %add3A_918 = arith.constant 1 : i32
        %add3A_919 = arith.addi %add3A_917, %add3A_918 : i32
        %get3A_920 = arith.index_cast %add3A_919 : i32 to index
        %get3A_921 = arith.index_cast %mul3A_802 : i32 to index
        %get3A_922 = tpu.vector_load %arg10[%get3A_920, %get3A_921] {strides = array<i32>} : memref<80x128xf32, #tpu.memory_space<vmem>>, vector<16xf32>,
        %broadcast_in_dim3A_923 = arith.constant 9 : i32
        %broadcast_in_dim3A_924 = vector.broadcast %broadcast_in_dim3A_923 : i32 to vector<16xi32>
        tpu.vector_store_idx %arg12[%add3A_814, %broadcast_in_dim3A_924], %get3A_922 : memref<640x16xf32, #tpu.memory_space<vmem>>[vector<16xi32>, vector<16xi32>], vector<16xf32>,
        %mul3A_925 = arith.constant 8 : i32
        %mul3A_926 = arith.muli %shift_right_arithmetic3A_798, %mul3A_925 : i32
        %add3A_927 = arith.constant 40 : i32
        %add3A_928 = arith.addi %add3A_927, %mul3A_926 : i32
        %add3A_929 = arith.constant 2 : i32
        %add3A_930 = arith.addi %add3A_928, %add3A_929 : i32
        %get3A_931 = arith.index_cast %add3A_930 : i32 to index
        %get3A_932 = arith.index_cast %mul3A_802 : i32 to index
        %get3A_933 = tpu.vector_load %arg10[%get3A_931, %get3A_932] {strides = array<i32>} : memref<80x128xf32, #tpu.memory_space<vmem>>, vector<16xf32>,
        %broadcast_in_dim3A_934 = arith.constant 10 : i32
        %broadcast_in_dim3A_935 = vector.broadcast %broadcast_in_dim3A_934 : i32 to vector<16xi32>
        tpu.vector_store_idx %arg12[%add3A_814, %broadcast_in_dim3A_935], %get3A_933 : memref<640x16xf32, #tpu.memory_space<vmem>>[vector<16xi32>, vector<16xi32>], vector<16xf32>,
        %mul3A_936 = arith.constant 8 : i32
        %mul3A_937 = arith.muli %shift_right_arithmetic3A_798, %mul3A_936 : i32
        %add3A_938 = arith.constant 40 : i32
        %add3A_939 = arith.addi %add3A_938, %mul3A_937 : i32
        %add3A_940 = arith.constant 3 : i32
        %add3A_941 = arith.addi %add3A_939, %add3A_940 : i32
        %get3A_942 = arith.index_cast %add3A_941 : i32 to index
        %get3A_943 = arith.index_cast %mul3A_802 : i32 to index
        %get3A_944 = tpu.vector_load %arg10[%get3A_942, %get3A_943] {strides = array<i32>} : memref<80x128xf32, #tpu.memory_space<vmem>>, vector<16xf32>,
        %broadcast_in_dim3A_945 = arith.constant 11 : i32
        %broadcast_in_dim3A_946 = vector.broadcast %broadcast_in_dim3A_945 : i32 to vector<16xi32>
        tpu.vector_store_idx %arg12[%add3A_814, %broadcast_in_dim3A_946], %get3A_944 : memref<640x16xf32, #tpu.memory_space<vmem>>[vector<16xi32>, vector<16xi32>], vector<16xf32>,
        %mul3A_947 = arith.constant 8 : i32
        %mul3A_948 = arith.muli %shift_right_arithmetic3A_798, %mul3A_947 : i32
        %add3A_949 = arith.constant 40 : i32
        %add3A_950 = arith.addi %add3A_949, %mul3A_948 : i32
        %add3A_951 = arith.constant 4 : i32
        %add3A_952 = arith.addi %add3A_950, %add3A_951 : i32
        %get3A_953 = arith.index_cast %add3A_952 : i32 to index
        %get3A_954 = arith.index_cast %mul3A_802 : i32 to index
        %get3A_955 = tpu.vector_load %arg10[%get3A_953, %get3A_954] {strides = array<i32>} : memref<80x128xf32, #tpu.memory_space<vmem>>, vector<16xf32>,
        %broadcast_in_dim3A_956 = arith.constant 12 : i32
        %broadcast_in_dim3A_957 = vector.broadcast %broadcast_in_dim3A_956 : i32 to vector<16xi32>
        tpu.vector_store_idx %arg12[%add3A_814, %broadcast_in_dim3A_957], %get3A_955 : memref<640x16xf32, #tpu.memory_space<vmem>>[vector<16xi32>, vector<16xi32>], vector<16xf32>,
        %mul3A_958 = arith.constant 8 : i32
        %mul3A_959 = arith.muli %shift_right_arithmetic3A_798, %mul3A_958 : i32
        %add3A_960 = arith.constant 40 : i32
        %add3A_961 = arith.addi %add3A_960, %mul3A_959 : i32
        %add3A_962 = arith.constant 5 : i32
        %add3A_963 = arith.addi %add3A_961, %add3A_962 : i32
        %get3A_964 = arith.index_cast %add3A_963 : i32 to index
        %get3A_965 = arith.index_cast %mul3A_802 : i32 to index
        %get3A_966 = tpu.vector_load %arg10[%get3A_964, %get3A_965] {strides = array<i32>} : memref<80x128xf32, #tpu.memory_space<vmem>>, vector<16xf32>,
        %broadcast_in_dim3A_967 = arith.constant 13 : i32
        %broadcast_in_dim3A_968 = vector.broadcast %broadcast_in_dim3A_967 : i32 to vector<16xi32>
        tpu.vector_store_idx %arg12[%add3A_814, %broadcast_in_dim3A_968], %get3A_966 : memref<640x16xf32, #tpu.memory_space<vmem>>[vector<16xi32>, vector<16xi32>], vector<16xf32>,
        %mul3A_969 = arith.constant 8 : i32
        %mul3A_970 = arith.muli %shift_right_arithmetic3A_798, %mul3A_969 : i32
        %add3A_971 = arith.constant 40 : i32
        %add3A_972 = arith.addi %add3A_971, %mul3A_970 : i32
        %add3A_973 = arith.constant 6 : i32
        %add3A_974 = arith.addi %add3A_972, %add3A_973 : i32
        %get3A_975 = arith.index_cast %add3A_974 : i32 to index
        %get3A_976 = arith.index_cast %mul3A_802 : i32 to index
        %get3A_977 = tpu.vector_load %arg10[%get3A_975, %get3A_976] {strides = array<i32>} : memref<80x128xf32, #tpu.memory_space<vmem>>, vector<16xf32>,
        %broadcast_in_dim3A_978 = arith.constant 14 : i32
        %broadcast_in_dim3A_979 = vector.broadcast %broadcast_in_dim3A_978 : i32 to vector<16xi32>
        tpu.vector_store_idx %arg12[%add3A_814, %broadcast_in_dim3A_979], %get3A_977 : memref<640x16xf32, #tpu.memory_space<vmem>>[vector<16xi32>, vector<16xi32>], vector<16xf32>,
        %mul3A_980 = arith.constant 8 : i32
        %mul3A_981 = arith.muli %shift_right_arithmetic3A_798, %mul3A_980 : i32
        %add3A_982 = arith.constant 40 : i32
        %add3A_983 = arith.addi %add3A_982, %mul3A_981 : i32
        %add3A_984 = arith.constant 7 : i32
        %add3A_985 = arith.addi %add3A_983, %add3A_984 : i32
        %get3A_986 = arith.index_cast %add3A_985 : i32 to index
        %get3A_987 = arith.index_cast %mul3A_802 : i32 to index
        %get3A_988 = tpu.vector_load %arg10[%get3A_986, %get3A_987] {strides = array<i32>} : memref<80x128xf32, #tpu.memory_space<vmem>>, vector<16xf32>,
        %broadcast_in_dim3A_989 = arith.constant 15 : i32
        %broadcast_in_dim3A_990 = vector.broadcast %broadcast_in_dim3A_989 : i32 to vector<16xi32>
        tpu.vector_store_idx %arg12[%add3A_814, %broadcast_in_dim3A_990], %get3A_988 : memref<640x16xf32, #tpu.memory_space<vmem>>[vector<16xi32>, vector<16xi32>], vector<16xf32>,
        %mul3A_991 = arith.constant 4 : i32
        %mul3A_992 = arith.muli %scan3A_400, %mul3A_991 : i32
        %add3A_993 = arith.constant 3 : i32
        %add3A_994 = arith.addi %mul3A_992, %add3A_993 : i32
        %shift_right_arithmetic3A_995 = arith.constant 3 : i32
        %shift_right_arithmetic3A_996 = arith.shrsi %add3A_994, %shift_right_arithmetic3A_995 : i32
        %and3A_997 = arith.constant 7 : i32
        %and3A_998 = arith.andi %add3A_994, %and3A_997 : i32
        %mul3A_999 = arith.constant 16 : i32
        %mul3A_1000 = arith.muli %and3A_998, %mul3A_999 : i32
        %get3A_1001 = arith.index_cast %shift_right_arithmetic3A_996 : i32 to index
        %get3A_1002 = arith.index_cast %mul3A_1000 : i32 to index
        %get3A_1003 = tpu.vector_load %arg8[%get3A_1001, %get3A_1002] {strides = array<i32>} : memref<5x128xi32, #tpu.memory_space<vmem>>, vector<16xi32>,
        %gather3A_1004 = tpu.vector_load_idx %arg7[%get3A_1003] : memref<50000xi32, #tpu.memory_space<vmem>>[vector<16xi32>], vector<16xi32>,
        %mul3A_1005 = arith.constant 16 : i32
        %mul3A_1006 = arith.muli %add3A_994, %mul3A_1005 : i32
        %swap3A_1007 = arith.index_cast %mul3A_1006 : i32 to index
        %swap3A_1008 = tpu.vector_load %arg14[%swap3A_1007] {strides = array<i32>} : memref<640xi32, #tpu.memory_space<vmem>>, vector<16xi32>,
        tpu.vector_store %arg14[%swap3A_1007], %gather3A_1004 {strides = array<i32>} : memref<640xi32, #tpu.memory_space<vmem>>, vector<16xi32>,
        tpu.vector_store_idx %arg21[%iota3A, %gather3A_1004], %broadcast_in_dim3A_18 {add = true} : memref<16x256xf32, #tpu.memory_space<vmem>>[vector<16xi32>, vector<16xi32>], vector<16xf32>,
        %mul3A_1009 = arith.constant 16 : i32
        %mul3A_1010 = arith.muli %add3A_994, %mul3A_1009 : i32
        %add3A_1011 = vector.broadcast %mul3A_1010 : i32 to vector<16xi32>
        %add3A_1012 = arith.addi %iota3A_65, %add3A_1011 : vector<16xi32>
        %mul3A_1013 = arith.constant 8 : i32
        %mul3A_1014 = arith.muli %shift_right_arithmetic3A_996, %mul3A_1013 : i32
        %add3A_1015 = arith.constant 0 : i32
        %add3A_1016 = arith.addi %add3A_1015, %mul3A_1014 : i32
        %add3A_1017 = arith.constant 0 : i32
        %add3A_1018 = arith.addi %add3A_1016, %add3A_1017 : i32
        %get3A_1019 = arith.index_cast %add3A_1018 : i32 to index
        %get3A_1020 = arith.index_cast %mul3A_1000 : i32 to index
        %get3A_1021 = tpu.vector_load %arg10[%get3A_1019, %get3A_1020] {strides = array<i32>} : memref<80x128xf32, #tpu.memory_space<vmem>>, vector<16xf32>,
        %broadcast_in_dim3A_1022 = arith.constant 0 : i32
        %broadcast_in_dim3A_1023 = vector.broadcast %broadcast_in_dim3A_1022 : i32 to vector<16xi32>
        tpu.vector_store_idx %arg12[%add3A_1012, %broadcast_in_dim3A_1023], %get3A_1021 : memref<640x16xf32, #tpu.memory_space<vmem>>[vector<16xi32>, vector<16xi32>], vector<16xf32>,
        %mul3A_1024 = arith.constant 8 : i32
        %mul3A_1025 = arith.muli %shift_right_arithmetic3A_996, %mul3A_1024 : i32
        %add3A_1026 = arith.constant 0 : i32
        %add3A_1027 = arith.addi %add3A_1026, %mul3A_1025 : i32
        %add3A_1028 = arith.constant 1 : i32
        %add3A_1029 = arith.addi %add3A_1027, %add3A_1028 : i32
        %get3A_1030 = arith.index_cast %add3A_1029 : i32 to index
        %get3A_1031 = arith.index_cast %mul3A_1000 : i32 to index
        %get3A_1032 = tpu.vector_load %arg10[%get3A_1030, %get3A_1031] {strides = array<i32>} : memref<80x128xf32, #tpu.memory_space<vmem>>, vector<16xf32>,
        %broadcast_in_dim3A_1033 = arith.constant 1 : i32
        %broadcast_in_dim3A_1034 = vector.broadcast %broadcast_in_dim3A_1033 : i32 to vector<16xi32>
        tpu.vector_store_idx %arg12[%add3A_1012, %broadcast_in_dim3A_1034], %get3A_1032 : memref<640x16xf32, #tpu.memory_space<vmem>>[vector<16xi32>, vector<16xi32>], vector<16xf32>,
        %mul3A_1035 = arith.constant 8 : i32
        %mul3A_1036 = arith.muli %shift_right_arithmetic3A_996, %mul3A_1035 : i32
        %add3A_1037 = arith.constant 0 : i32
        %add3A_1038 = arith.addi %add3A_1037, %mul3A_1036 : i32
        %add3A_1039 = arith.constant 2 : i32
        %add3A_1040 = arith.addi %add3A_1038, %add3A_1039 : i32
        %get3A_1041 = arith.index_cast %add3A_1040 : i32 to index
        %get3A_1042 = arith.index_cast %mul3A_1000 : i32 to index
        %get3A_1043 = tpu.vector_load %arg10[%get3A_1041, %get3A_1042] {strides = array<i32>} : memref<80x128xf32, #tpu.memory_space<vmem>>, vector<16xf32>,
        %broadcast_in_dim3A_1044 = arith.constant 2 : i32
        %broadcast_in_dim3A_1045 = vector.broadcast %broadcast_in_dim3A_1044 : i32 to vector<16xi32>
        tpu.vector_store_idx %arg12[%add3A_1012, %broadcast_in_dim3A_1045], %get3A_1043 : memref<640x16xf32, #tpu.memory_space<vmem>>[vector<16xi32>, vector<16xi32>], vector<16xf32>,
        %mul3A_1046 = arith.constant 8 : i32
        %mul3A_1047 = arith.muli %shift_right_arithmetic3A_996, %mul3A_1046 : i32
        %add3A_1048 = arith.constant 0 : i32
        %add3A_1049 = arith.addi %add3A_1048, %mul3A_1047 : i32
        %add3A_1050 = arith.constant 3 : i32
        %add3A_1051 = arith.addi %add3A_1049, %add3A_1050 : i32
        %get3A_1052 = arith.index_cast %add3A_1051 : i32 to index
        %get3A_1053 = arith.index_cast %mul3A_1000 : i32 to index
        %get3A_1054 = tpu.vector_load %arg10[%get3A_1052, %get3A_1053] {strides = array<i32>} : memref<80x128xf32, #tpu.memory_space<vmem>>, vector<16xf32>,
        %broadcast_in_dim3A_1055 = arith.constant 3 : i32
        %broadcast_in_dim3A_1056 = vector.broadcast %broadcast_in_dim3A_1055 : i32 to vector<16xi32>
        tpu.vector_store_idx %arg12[%add3A_1012, %broadcast_in_dim3A_1056], %get3A_1054 : memref<640x16xf32, #tpu.memory_space<vmem>>[vector<16xi32>, vector<16xi32>], vector<16xf32>,
        %mul3A_1057 = arith.constant 8 : i32
        %mul3A_1058 = arith.muli %shift_right_arithmetic3A_996, %mul3A_1057 : i32
        %add3A_1059 = arith.constant 0 : i32
        %add3A_1060 = arith.addi %add3A_1059, %mul3A_1058 : i32
        %add3A_1061 = arith.constant 4 : i32
        %add3A_1062 = arith.addi %add3A_1060, %add3A_1061 : i32
        %get3A_1063 = arith.index_cast %add3A_1062 : i32 to index
        %get3A_1064 = arith.index_cast %mul3A_1000 : i32 to index
        %get3A_1065 = tpu.vector_load %arg10[%get3A_1063, %get3A_1064] {strides = array<i32>} : memref<80x128xf32, #tpu.memory_space<vmem>>, vector<16xf32>,
        %broadcast_in_dim3A_1066 = arith.constant 4 : i32
        %broadcast_in_dim3A_1067 = vector.broadcast %broadcast_in_dim3A_1066 : i32 to vector<16xi32>
        tpu.vector_store_idx %arg12[%add3A_1012, %broadcast_in_dim3A_1067], %get3A_1065 : memref<640x16xf32, #tpu.memory_space<vmem>>[vector<16xi32>, vector<16xi32>], vector<16xf32>,
        %mul3A_1068 = arith.constant 8 : i32
        %mul3A_1069 = arith.muli %shift_right_arithmetic3A_996, %mul3A_1068 : i32
        %add3A_1070 = arith.constant 0 : i32
        %add3A_1071 = arith.addi %add3A_1070, %mul3A_1069 : i32
        %add3A_1072 = arith.constant 5 : i32
        %add3A_1073 = arith.addi %add3A_1071, %add3A_1072 : i32
        %get3A_1074 = arith.index_cast %add3A_1073 : i32 to index
        %get3A_1075 = arith.index_cast %mul3A_1000 : i32 to index
        %get3A_1076 = tpu.vector_load %arg10[%get3A_1074, %get3A_1075] {strides = array<i32>} : memref<80x128xf32, #tpu.memory_space<vmem>>, vector<16xf32>,
        %broadcast_in_dim3A_1077 = arith.constant 5 : i32
        %broadcast_in_dim3A_1078 = vector.broadcast %broadcast_in_dim3A_1077 : i32 to vector<16xi32>
        tpu.vector_store_idx %arg12[%add3A_1012, %broadcast_in_dim3A_1078], %get3A_1076 : memref<640x16xf32, #tpu.memory_space<vmem>>[vector<16xi32>, vector<16xi32>], vector<16xf32>,
        %mul3A_1079 = arith.constant 8 : i32
        %mul3A_1080 = arith.muli %shift_right_arithmetic3A_996, %mul3A_1079 : i32
        %add3A_1081 = arith.constant 0 : i32
        %add3A_1082 = arith.addi %add3A_1081, %mul3A_1080 : i32
        %add3A_1083 = arith.constant 6 : i32
        %add3A_1084 = arith.addi %add3A_1082, %add3A_1083 : i32
        %get3A_1085 = arith.index_cast %add3A_1084 : i32 to index
        %get3A_1086 = arith.index_cast %mul3A_1000 : i32 to index
        %get3A_1087 = tpu.vector_load %arg10[%get3A_1085, %get3A_1086] {strides = array<i32>} : memref<80x128xf32, #tpu.memory_space<vmem>>, vector<16xf32>,
        %broadcast_in_dim3A_1088 = arith.constant 6 : i32
        %broadcast_in_dim3A_1089 = vector.broadcast %broadcast_in_dim3A_1088 : i32 to vector<16xi32>
        tpu.vector_store_idx %arg12[%add3A_1012, %broadcast_in_dim3A_1089], %get3A_1087 : memref<640x16xf32, #tpu.memory_space<vmem>>[vector<16xi32>, vector<16xi32>], vector<16xf32>,
        %mul3A_1090 = arith.constant 8 : i32
        %mul3A_1091 = arith.muli %shift_right_arithmetic3A_996, %mul3A_1090 : i32
        %add3A_1092 = arith.constant 0 : i32
        %add3A_1093 = arith.addi %add3A_1092, %mul3A_1091 : i32
        %add3A_1094 = arith.constant 7 : i32
        %add3A_1095 = arith.addi %add3A_1093, %add3A_1094 : i32
        %get3A_1096 = arith.index_cast %add3A_1095 : i32 to index
        %get3A_1097 = arith.index_cast %mul3A_1000 : i32 to index
        %get3A_1098 = tpu.vector_load %arg10[%get3A_1096, %get3A_1097] {strides = array<i32>} : memref<80x128xf32, #tpu.memory_space<vmem>>, vector<16xf32>,
        %broadcast_in_dim3A_1099 = arith.constant 7 : i32
        %broadcast_in_dim3A_1100 = vector.broadcast %broadcast_in_dim3A_1099 : i32 to vector<16xi32>
        tpu.vector_store_idx %arg12[%add3A_1012, %broadcast_in_dim3A_1100], %get3A_1098 : memref<640x16xf32, #tpu.memory_space<vmem>>[vector<16xi32>, vector<16xi32>], vector<16xf32>,
        %mul3A_1101 = arith.constant 8 : i32
        %mul3A_1102 = arith.muli %shift_right_arithmetic3A_996, %mul3A_1101 : i32
        %add3A_1103 = arith.constant 40 : i32
        %add3A_1104 = arith.addi %add3A_1103, %mul3A_1102 : i32
        %add3A_1105 = arith.constant 0 : i32
        %add3A_1106 = arith.addi %add3A_1104, %add3A_1105 : i32
        %get3A_1107 = arith.index_cast %add3A_1106 : i32 to index
        %get3A_1108 = arith.index_cast %mul3A_1000 : i32 to index
        %get3A_1109 = tpu.vector_load %arg10[%get3A_1107, %get3A_1108] {strides = array<i32>} : memref<80x128xf32, #tpu.memory_space<vmem>>, vector<16xf32>,
        %broadcast_in_dim3A_1110 = arith.constant 8 : i32
        %broadcast_in_dim3A_1111 = vector.broadcast %broadcast_in_dim3A_1110 : i32 to vector<16xi32>
        tpu.vector_store_idx %arg12[%add3A_1012, %broadcast_in_dim3A_1111], %get3A_1109 : memref<640x16xf32, #tpu.memory_space<vmem>>[vector<16xi32>, vector<16xi32>], vector<16xf32>,
        %mul3A_1112 = arith.constant 8 : i32
        %mul3A_1113 = arith.muli %shift_right_arithmetic3A_996, %mul3A_1112 : i32
        %add3A_1114 = arith.constant 40 : i32
        %add3A_1115 = arith.addi %add3A_1114, %mul3A_1113 : i32
        %add3A_1116 = arith.constant 1 : i32
        %add3A_1117 = arith.addi %add3A_1115, %add3A_1116 : i32
        %get3A_1118 = arith.index_cast %add3A_1117 : i32 to index
        %get3A_1119 = arith.index_cast %mul3A_1000 : i32 to index
        %get3A_1120 = tpu.vector_load %arg10[%get3A_1118, %get3A_1119] {strides = array<i32>} : memref<80x128xf32, #tpu.memory_space<vmem>>, vector<16xf32>,
        %broadcast_in_dim3A_1121 = arith.constant 9 : i32
        %broadcast_in_dim3A_1122 = vector.broadcast %broadcast_in_dim3A_1121 : i32 to vector<16xi32>
        tpu.vector_store_idx %arg12[%add3A_1012, %broadcast_in_dim3A_1122], %get3A_1120 : memref<640x16xf32, #tpu.memory_space<vmem>>[vector<16xi32>, vector<16xi32>], vector<16xf32>,
        %mul3A_1123 = arith.constant 8 : i32
        %mul3A_1124 = arith.muli %shift_right_arithmetic3A_996, %mul3A_1123 : i32
        %add3A_1125 = arith.constant 40 : i32
        %add3A_1126 = arith.addi %add3A_1125, %mul3A_1124 : i32
        %add3A_1127 = arith.constant 2 : i32
        %add3A_1128 = arith.addi %add3A_1126, %add3A_1127 : i32
        %get3A_1129 = arith.index_cast %add3A_1128 : i32 to index
        %get3A_1130 = arith.index_cast %mul3A_1000 : i32 to index
        %get3A_1131 = tpu.vector_load %arg10[%get3A_1129, %get3A_1130] {strides = array<i32>} : memref<80x128xf32, #tpu.memory_space<vmem>>, vector<16xf32>,
        %broadcast_in_dim3A_1132 = arith.constant 10 : i32
        %broadcast_in_dim3A_1133 = vector.broadcast %broadcast_in_dim3A_1132 : i32 to vector<16xi32>
        tpu.vector_store_idx %arg12[%add3A_1012, %broadcast_in_dim3A_1133], %get3A_1131 : memref<640x16xf32, #tpu.memory_space<vmem>>[vector<16xi32>, vector<16xi32>], vector<16xf32>,
        %mul3A_1134 = arith.constant 8 : i32
        %mul3A_1135 = arith.muli %shift_right_arithmetic3A_996, %mul3A_1134 : i32
        %add3A_1136 = arith.constant 40 : i32
        %add3A_1137 = arith.addi %add3A_1136, %mul3A_1135 : i32
        %add3A_1138 = arith.constant 3 : i32
        %add3A_1139 = arith.addi %add3A_1137, %add3A_1138 : i32
        %get3A_1140 = arith.index_cast %add3A_1139 : i32 to index
        %get3A_1141 = arith.index_cast %mul3A_1000 : i32 to index
        %get3A_1142 = tpu.vector_load %arg10[%get3A_1140, %get3A_1141] {strides = array<i32>} : memref<80x128xf32, #tpu.memory_space<vmem>>, vector<16xf32>,
        %broadcast_in_dim3A_1143 = arith.constant 11 : i32
        %broadcast_in_dim3A_1144 = vector.broadcast %broadcast_in_dim3A_1143 : i32 to vector<16xi32>
        tpu.vector_store_idx %arg12[%add3A_1012, %broadcast_in_dim3A_1144], %get3A_1142 : memref<640x16xf32, #tpu.memory_space<vmem>>[vector<16xi32>, vector<16xi32>], vector<16xf32>,
        %mul3A_1145 = arith.constant 8 : i32
        %mul3A_1146 = arith.muli %shift_right_arithmetic3A_996, %mul3A_1145 : i32
        %add3A_1147 = arith.constant 40 : i32
        %add3A_1148 = arith.addi %add3A_1147, %mul3A_1146 : i32
        %add3A_1149 = arith.constant 4 : i32
        %add3A_1150 = arith.addi %add3A_1148, %add3A_1149 : i32
        %get3A_1151 = arith.index_cast %add3A_1150 : i32 to index
        %get3A_1152 = arith.index_cast %mul3A_1000 : i32 to index
        %get3A_1153 = tpu.vector_load %arg10[%get3A_1151, %get3A_1152] {strides = array<i32>} : memref<80x128xf32, #tpu.memory_space<vmem>>, vector<16xf32>,
        %broadcast_in_dim3A_1154 = arith.constant 12 : i32
        %broadcast_in_dim3A_1155 = vector.broadcast %broadcast_in_dim3A_1154 : i32 to vector<16xi32>
        tpu.vector_store_idx %arg12[%add3A_1012, %broadcast_in_dim3A_1155], %get3A_1153 : memref<640x16xf32, #tpu.memory_space<vmem>>[vector<16xi32>, vector<16xi32>], vector<16xf32>,
        %mul3A_1156 = arith.constant 8 : i32
        %mul3A_1157 = arith.muli %shift_right_arithmetic3A_996, %mul3A_1156 : i32
        %add3A_1158 = arith.constant 40 : i32
        %add3A_1159 = arith.addi %add3A_1158, %mul3A_1157 : i32
        %add3A_1160 = arith.constant 5 : i32
        %add3A_1161 = arith.addi %add3A_1159, %add3A_1160 : i32
        %get3A_1162 = arith.index_cast %add3A_1161 : i32 to index
        %get3A_1163 = arith.index_cast %mul3A_1000 : i32 to index
        %get3A_1164 = tpu.vector_load %arg10[%get3A_1162, %get3A_1163] {strides = array<i32>} : memref<80x128xf32, #tpu.memory_space<vmem>>, vector<16xf32>,
        %broadcast_in_dim3A_1165 = arith.constant 13 : i32
        %broadcast_in_dim3A_1166 = vector.broadcast %broadcast_in_dim3A_1165 : i32 to vector<16xi32>
        tpu.vector_store_idx %arg12[%add3A_1012, %broadcast_in_dim3A_1166], %get3A_1164 : memref<640x16xf32, #tpu.memory_space<vmem>>[vector<16xi32>, vector<16xi32>], vector<16xf32>,
        %mul3A_1167 = arith.constant 8 : i32
        %mul3A_1168 = arith.muli %shift_right_arithmetic3A_996, %mul3A_1167 : i32
        %add3A_1169 = arith.constant 40 : i32
        %add3A_1170 = arith.addi %add3A_1169, %mul3A_1168 : i32
        %add3A_1171 = arith.constant 6 : i32
        %add3A_1172 = arith.addi %add3A_1170, %add3A_1171 : i32
        %get3A_1173 = arith.index_cast %add3A_1172 : i32 to index
        %get3A_1174 = arith.index_cast %mul3A_1000 : i32 to index
        %get3A_1175 = tpu.vector_load %arg10[%get3A_1173, %get3A_1174] {strides = array<i32>} : memref<80x128xf32, #tpu.memory_space<vmem>>, vector<16xf32>,
        %broadcast_in_dim3A_1176 = arith.constant 14 : i32
        %broadcast_in_dim3A_1177 = vector.broadcast %broadcast_in_dim3A_1176 : i32 to vector<16xi32>
        tpu.vector_store_idx %arg12[%add3A_1012, %broadcast_in_dim3A_1177], %get3A_1175 : memref<640x16xf32, #tpu.memory_space<vmem>>[vector<16xi32>, vector<16xi32>], vector<16xf32>,
        %mul3A_1178 = arith.constant 8 : i32
        %mul3A_1179 = arith.muli %shift_right_arithmetic3A_996, %mul3A_1178 : i32
        %add3A_1180 = arith.constant 40 : i32
        %add3A_1181 = arith.addi %add3A_1180, %mul3A_1179 : i32
        %add3A_1182 = arith.constant 7 : i32
        %add3A_1183 = arith.addi %add3A_1181, %add3A_1182 : i32
        %get3A_1184 = arith.index_cast %add3A_1183 : i32 to index
        %get3A_1185 = arith.index_cast %mul3A_1000 : i32 to index
        %get3A_1186 = tpu.vector_load %arg10[%get3A_1184, %get3A_1185] {strides = array<i32>} : memref<80x128xf32, #tpu.memory_space<vmem>>, vector<16xf32>,
        %broadcast_in_dim3A_1187 = arith.constant 15 : i32
        %broadcast_in_dim3A_1188 = vector.broadcast %broadcast_in_dim3A_1187 : i32 to vector<16xi32>
        tpu.vector_store_idx %arg12[%add3A_1012, %broadcast_in_dim3A_1188], %get3A_1186 : memref<640x16xf32, #tpu.memory_space<vmem>>[vector<16xi32>, vector<16xi32>], vector<16xf32>,
      }
      %scan3A_264 = arith.constant 10 : i32
      %dma_start3A_265 = arith.constant 0 : i32
      %dma_start3A_266 = arith.constant 0 : i32
      %dma_start3A_267 = tpu.memref_slice %arg20[%dma_start3A_265, %dma_start3A_266] : memref<256x16xf32, #tpu.memory_space<vmem_shared>> -> memref<256x16xf32, #tpu.memory_space<vmem_shared>>
      tpu.enqueue_indirect_dma source(%arg12 : memref<640x16xf32, #tpu.memory_space<vmem>>) target(%dma_start3A_267 : memref<256x16xf32, #tpu.memory_space<vmem_shared>>) offsets(%arg14 : memref<640xi32, #tpu.memory_space<vmem>>) semaphore(%arg24 : memref<!tpu.dma_semaphore, #tpu.memory_space<semaphore_mem>>) {add = true}
      %add3A_268 = arith.constant 2 : i32
      %add3A_269 = arith.addi %add3A_225, %add3A_268 : i32
      %mul3A_270 = arith.constant 5 : i32
      %mul3A_271 = arith.muli %add3A_269, %mul3A_270 : i32
      %add3A_272 = arith.addi %mul3A_64, %mul3A_271 : i32
      %dma_start3A_273 = arith.constant 0 : i32
      %dma_start3A_274 = arith.constant 0 : i32
      %dma_start3A_275 = tpu.memref_slice %arg2[%add3A_272, %dma_start3A_273, %dma_start3A_274] : memref<12500x2x128xi32, #tpu.memory_space<hbm>> -> memref<5x1x128xi32, #tpu.memory_space<hbm>>
      %dma_start3A_276 = tpu.memref_squeeze %dma_start3A_275 : memref<5x1x128xi32, #tpu.memory_space<hbm>> -> memref<5x128xi32, #tpu.memory_space<hbm>>
      %dma_start3A_277 = arith.constant 0 : i32
      %dma_start3A_278 = tpu.memref_slice %arg2[%add3A_272, %dma_start3A_273, %dma_start3A_277] : memref<12500x2x128xi32, #tpu.memory_space<hbm>> -> memref<5x1x128xi32, #tpu.memory_space<hbm>>
      %dma_start3A_279 = tpu.memref_squeeze %dma_start3A_278 : memref<5x1x128xi32, #tpu.memory_space<hbm>> -> memref<5x128xi32, #tpu.memory_space<hbm>>
      tpu.enqueue_dma source(%dma_start3A_279 : memref<5x128xi32, #tpu.memory_space<hbm>>) target(%arg8 : memref<5x128xi32, #tpu.memory_space<vmem>>) target_semaphore(%arg22 : memref<!tpu.dma_semaphore, #tpu.memory_space<semaphore_mem>>)
      %mul3A_280 = arith.constant 8 : i32
      %mul3A_281 = arith.muli %add3A_272, %mul3A_280 : i32
      %add3A_282 = arith.constant 0 : i32
      %add3A_283 = arith.addi %add3A_282, %mul3A_281 : i32
      %dma_start3A_284 = arith.constant 0 : i32
      %dma_start3A_285 = arith.constant 0 : i32
      %dma_start3A_286 = tpu.memref_slice %arg10[%dma_start3A_284, %dma_start3A_285] : memref<80x128xf32, #tpu.memory_space<vmem>> -> memref<40x128xf32, #tpu.memory_space<vmem>>
      %dma_start3A_287 = arith.constant 0 : i32
      %dma_start3A_288 = tpu.memref_slice %arg3[%add3A_283, %dma_start3A_287] : memref<200000x128xf32, #tpu.memory_space<hbm>> -> memref<40x128xf32, #tpu.memory_space<hbm>>
      %dma_start3A_289 = arith.constant 0 : i32
      %dma_start3A_290 = arith.constant 0 : i32
      %dma_start3A_291 = tpu.memref_slice %arg10[%dma_start3A_289, %dma_start3A_290] : memref<80x128xf32, #tpu.memory_space<vmem>> -> memref<40x128xf32, #tpu.memory_space<vmem>>
      %dma_start3A_292 = arith.constant 0 : i32
      %dma_start3A_293 = tpu.memref_slice %arg3[%add3A_283, %dma_start3A_292] : memref<200000x128xf32, #tpu.memory_space<hbm>> -> memref<40x128xf32, #tpu.memory_space<hbm>>
      tpu.enqueue_dma source(%dma_start3A_293 : memref<40x128xf32, #tpu.memory_space<hbm>>) target(%dma_start3A_291 : memref<40x128xf32, #tpu.memory_space<vmem>>) target_semaphore(%arg22 : memref<!tpu.dma_semaphore, #tpu.memory_space<semaphore_mem>>)
      %mul3A_294 = arith.constant 8 : i32
      %mul3A_295 = arith.muli %add3A_272, %mul3A_294 : i32
      %add3A_296 = arith.constant 100000 : i32
      %add3A_297 = arith.addi %add3A_296, %mul3A_295 : i32
      %dma_start3A_298 = arith.constant 40 : i32
      %dma_start3A_299 = arith.constant 0 : i32
      %dma_start3A_300 = tpu.memref_slice %arg10[%dma_start3A_298, %dma_start3A_299] : memref<80x128xf32, #tpu.memory_space<vmem>> -> memref<40x128xf32, #tpu.memory_space<vmem>>
      %dma_start3A_301 = arith.constant 0 : i32
      %dma_start3A_302 = tpu.memref_slice %arg3[%add3A_297, %dma_start3A_301] : memref<200000x128xf32, #tpu.memory_space<hbm>> -> memref<40x128xf32, #tpu.memory_space<hbm>>
      %dma_start3A_303 = arith.constant 40 : i32
      %dma_start3A_304 = arith.constant 0 : i32
      %dma_start3A_305 = tpu.memref_slice %arg10[%dma_start3A_303, %dma_start3A_304] : memref<80x128xf32, #tpu.memory_space<vmem>> -> memref<40x128xf32, #tpu.memory_space<vmem>>
      %dma_start3A_306 = arith.constant 0 : i32
      %dma_start3A_307 = tpu.memref_slice %arg3[%add3A_297, %dma_start3A_306] : memref<200000x128xf32, #tpu.memory_space<hbm>> -> memref<40x128xf32, #tpu.memory_space<hbm>>
      tpu.enqueue_dma source(%dma_start3A_307 : memref<40x128xf32, #tpu.memory_space<hbm>>) target(%dma_start3A_305 : memref<40x128xf32, #tpu.memory_space<vmem>>) target_semaphore(%arg22 : memref<!tpu.dma_semaphore, #tpu.memory_space<semaphore_mem>>)
      %mul3A_308 = arith.constant 2 : i32
      %mul3A_309 = arith.muli %mul3A_308, %scan3A_221 : i32
      %add3A_310 = arith.constant 1 : i32
      %add3A_311 = arith.addi %mul3A_309, %add3A_310 : i32
      %dma_wait3A_312 = arith.constant 0 : i32
      %dma_wait3A_313 = arith.constant 0 : i32
      %dma_wait3A_314 = arith.constant 0 : i32
      %dma_wait3A_315 = tpu.memref_slice %arg2[%dma_wait3A_313, %dma_wait3A_312, %dma_wait3A_314] : memref<12500x2x128xi32, #tpu.memory_space<hbm>> -> memref<5x1x128xi32, #tpu.memory_space<hbm>>
      %dma_wait3A_316 = tpu.memref_squeeze %dma_wait3A_315 : memref<5x1x128xi32, #tpu.memory_space<hbm>> -> memref<5x128xi32, #tpu.memory_space<hbm>>
      %dma_wait3A_317 = arith.constant 0 : i32
      %dma_wait3A_318 = arith.constant 0 : i32
      %dma_wait3A_319 = tpu.memref_slice %arg2[%dma_wait3A_317, %dma_wait3A_312, %dma_wait3A_318] : memref<12500x2x128xi32, #tpu.memory_space<hbm>> -> memref<5x1x128xi32, #tpu.memory_space<hbm>>
      %dma_wait3A_320 = tpu.memref_squeeze %dma_wait3A_319 : memref<5x1x128xi32, #tpu.memory_space<hbm>> -> memref<5x128xi32, #tpu.memory_space<hbm>>
      tpu.wait_dma2 semaphore(%arg23 : memref<!tpu.dma_semaphore, #tpu.memory_space<semaphore_mem>>) src(%dma_wait3A_320 : memref<5x128xi32, #tpu.memory_space<hbm>>) dst(%arg9 : memref<5x128xi32, #tpu.memory_space<vmem>>)
      %dma_wait3A_321 = arith.constant 0 : i32
      %dma_wait3A_322 = arith.constant 0 : i32
      %dma_wait3A_323 = tpu.memref_slice %arg11[%dma_wait3A_321, %dma_wait3A_322] : memref<80x128xf32, #tpu.memory_space<vmem>> -> memref<40x128xf32, #tpu.memory_space<vmem>>
      %dma_wait3A_324 = arith.constant 0 : i32
      %dma_wait3A_325 = arith.constant 0 : i32
      %dma_wait3A_326 = tpu.memref_slice %arg3[%dma_wait3A_324, %dma_wait3A_325] : memref<200000x128xf32, #tpu.memory_space<hbm>> -> memref<40x128xf32, #tpu.memory_space<hbm>>
      %dma_wait3A_327 = arith.constant 0 : i32
      %dma_wait3A_328 = arith.constant 0 : i32
      %dma_wait3A_329 = tpu.memref_slice %arg11[%dma_wait3A_327, %dma_wait3A_328] : memref<80x128xf32, #tpu.memory_space<vmem>> -> memref<40x128xf32, #tpu.memory_space<vmem>>
      %dma_wait3A_330 = arith.constant 0 : i32
      %dma_wait3A_331 = arith.constant 0 : i32
      %dma_wait3A_332 = tpu.memref_slice %arg3[%dma_wait3A_330, %dma_wait3A_331] : memref<200000x128xf32, #tpu.memory_space<hbm>> -> memref<40x128xf32, #tpu.memory_space<hbm>>
      tpu.wait_dma2 semaphore(%arg23 : memref<!tpu.dma_semaphore, #tpu.memory_space<semaphore_mem>>) src(%dma_wait3A_332 : memref<40x128xf32, #tpu.memory_space<hbm>>) dst(%dma_wait3A_329 : memref<40x128xf32, #tpu.memory_space<vmem>>)
      %dma_wait3A_333 = arith.constant 40 : i32
      %dma_wait3A_334 = arith.constant 0 : i32
      %dma_wait3A_335 = tpu.memref_slice %arg11[%dma_wait3A_333, %dma_wait3A_334] : memref<80x128xf32, #tpu.memory_space<vmem>> -> memref<40x128xf32, #tpu.memory_space<vmem>>
      %dma_wait3A_336 = arith.constant 0 : i32
      %dma_wait3A_337 = arith.constant 0 : i32
      %dma_wait3A_338 = tpu.memref_slice %arg3[%dma_wait3A_336, %dma_wait3A_337] : memref<200000x128xf32, #tpu.memory_space<hbm>> -> memref<40x128xf32, #tpu.memory_space<hbm>>
      %dma_wait3A_339 = arith.constant 40 : i32
      %dma_wait3A_340 = arith.constant 0 : i32
      %dma_wait3A_341 = tpu.memref_slice %arg11[%dma_wait3A_339, %dma_wait3A_340] : memref<80x128xf32, #tpu.memory_space<vmem>> -> memref<40x128xf32, #tpu.memory_space<vmem>>
      %dma_wait3A_342 = arith.constant 0 : i32
      %dma_wait3A_343 = arith.constant 0 : i32
      %dma_wait3A_344 = tpu.memref_slice %arg3[%dma_wait3A_342, %dma_wait3A_343] : memref<200000x128xf32, #tpu.memory_space<hbm>> -> memref<40x128xf32, #tpu.memory_space<hbm>>
      tpu.wait_dma2 semaphore(%arg23 : memref<!tpu.dma_semaphore, #tpu.memory_space<semaphore_mem>>) src(%dma_wait3A_344 : memref<40x128xf32, #tpu.memory_space<hbm>>) dst(%dma_wait3A_341 : memref<40x128xf32, #tpu.memory_space<vmem>>)
      %scan3A_345 = arith.constant 0 : i32
      %scan3A_346 = arith.constant 0 : i32
      %scan3A_347 = arith.constant 10 : i32
      %scan3A_348 = arith.addi %scan3A_346, %scan3A_347 : i32
      %scan3A_349 = arith.constant 1 : i32
      scf.for %scan3A_400 = %scan3A_346 to %scan3A_348 step %scan3A_349  : i32 {
        %mul3A_401 = arith.constant 4 : i32
        %mul3A_402 = arith.muli %scan3A_400, %mul3A_401 : i32
        %add3A_403 = arith.constant 0 : i32
        %add3A_404 = arith.addi %mul3A_402, %add3A_403 : i32
        %shift_right_arithmetic3A = arith.constant 3 : i32
        %shift_right_arithmetic3A_405 = arith.shrsi %add3A_404, %shift_right_arithmetic3A : i32
        %and3A_406 = arith.constant 7 : i32
        %and3A_407 = arith.andi %add3A_404, %and3A_406 : i32
        %mul3A_408 = arith.constant 16 : i32
        %mul3A_409 = arith.muli %and3A_407, %mul3A_408 : i32
        %get3A = arith.index_cast %shift_right_arithmetic3A_405 : i32 to index
        %get3A_410 = arith.index_cast %mul3A_409 : i32 to index
        %get3A_411 = tpu.vector_load %arg9[%get3A, %get3A_410] {strides = array<i32>} : memref<5x128xi32, #tpu.memory_space<vmem>>, vector<16xi32>,
        %gather3A = tpu.vector_load_idx %arg7[%get3A_411] : memref<50000xi32, #tpu.memory_space<vmem>>[vector<16xi32>], vector<16xi32>,
        %mul3A_412 = arith.constant 16 : i32
        %mul3A_413 = arith.muli %add3A_404, %mul3A_412 : i32
        %swap3A = arith.index_cast %mul3A_413 : i32 to index
        %swap3A_414 = tpu.vector_load %arg15[%swap3A] {strides = array<i32>} : memref<640xi32, #tpu.memory_space<vmem>>, vector<16xi32>,
        tpu.vector_store %arg15[%swap3A], %gather3A {strides = array<i32>} : memref<640xi32, #tpu.memory_space<vmem>>, vector<16xi32>,
        tpu.vector_store_idx %arg21[%iota3A, %gather3A], %broadcast_in_dim3A_18 {add = true} : memref<16x256xf32, #tpu.memory_space<vmem>>[vector<16xi32>, vector<16xi32>], vector<16xf32>,
        %mul3A_415 = arith.constant 16 : i32
        %mul3A_416 = arith.muli %add3A_404, %mul3A_415 : i32
        %add3A_417 = vector.broadcast %mul3A_416 : i32 to vector<16xi32>
        %add3A_418 = arith.addi %iota3A_65, %add3A_417 : vector<16xi32>
        %mul3A_419 = arith.constant 8 : i32
        %mul3A_420 = arith.muli %shift_right_arithmetic3A_405, %mul3A_419 : i32
        %add3A_421 = arith.constant 0 : i32
        %add3A_422 = arith.addi %add3A_421, %mul3A_420 : i32
        %add3A_423 = arith.constant 0 : i32
        %add3A_424 = arith.addi %add3A_422, %add3A_423 : i32
        %get3A_425 = arith.index_cast %add3A_424 : i32 to index
        %get3A_426 = arith.index_cast %mul3A_409 : i32 to index
        %get3A_427 = tpu.vector_load %arg11[%get3A_425, %get3A_426] {strides = array<i32>} : memref<80x128xf32, #tpu.memory_space<vmem>>, vector<16xf32>,
        %broadcast_in_dim3A_428 = arith.constant 0 : i32
        %broadcast_in_dim3A_429 = vector.broadcast %broadcast_in_dim3A_428 : i32 to vector<16xi32>
        tpu.vector_store_idx %arg13[%add3A_418, %broadcast_in_dim3A_429], %get3A_427 : memref<640x16xf32, #tpu.memory_space<vmem>>[vector<16xi32>, vector<16xi32>], vector<16xf32>,
        %mul3A_430 = arith.constant 8 : i32
        %mul3A_431 = arith.muli %shift_right_arithmetic3A_405, %mul3A_430 : i32
        %add3A_432 = arith.constant 0 : i32
        %add3A_433 = arith.addi %add3A_432, %mul3A_431 : i32
        %add3A_434 = arith.constant 1 : i32
        %add3A_435 = arith.addi %add3A_433, %add3A_434 : i32
        %get3A_436 = arith.index_cast %add3A_435 : i32 to index
        %get3A_437 = arith.index_cast %mul3A_409 : i32 to index
        %get3A_438 = tpu.vector_load %arg11[%get3A_436, %get3A_437] {strides = array<i32>} : memref<80x128xf32, #tpu.memory_space<vmem>>, vector<16xf32>,
        %broadcast_in_dim3A_439 = arith.constant 1 : i32
        %broadcast_in_dim3A_440 = vector.broadcast %broadcast_in_dim3A_439 : i32 to vector<16xi32>
        tpu.vector_store_idx %arg13[%add3A_418, %broadcast_in_dim3A_440], %get3A_438 : memref<640x16xf32, #tpu.memory_space<vmem>>[vector<16xi32>, vector<16xi32>], vector<16xf32>,
        %mul3A_441 = arith.constant 8 : i32
        %mul3A_442 = arith.muli %shift_right_arithmetic3A_405, %mul3A_441 : i32
        %add3A_443 = arith.constant 0 : i32
        %add3A_444 = arith.addi %add3A_443, %mul3A_442 : i32
        %add3A_445 = arith.constant 2 : i32
        %add3A_446 = arith.addi %add3A_444, %add3A_445 : i32
        %get3A_447 = arith.index_cast %add3A_446 : i32 to index
        %get3A_448 = arith.index_cast %mul3A_409 : i32 to index
        %get3A_449 = tpu.vector_load %arg11[%get3A_447, %get3A_448] {strides = array<i32>} : memref<80x128xf32, #tpu.memory_space<vmem>>, vector<16xf32>,
        %broadcast_in_dim3A_450 = arith.constant 2 : i32
        %broadcast_in_dim3A_451 = vector.broadcast %broadcast_in_dim3A_450 : i32 to vector<16xi32>
        tpu.vector_store_idx %arg13[%add3A_418, %broadcast_in_dim3A_451], %get3A_449 : memref<640x16xf32, #tpu.memory_space<vmem>>[vector<16xi32>, vector<16xi32>], vector<16xf32>,
        %mul3A_452 = arith.constant 8 : i32
        %mul3A_453 = arith.muli %shift_right_arithmetic3A_405, %mul3A_452 : i32
        %add3A_454 = arith.constant 0 : i32
        %add3A_455 = arith.addi %add3A_454, %mul3A_453 : i32
        %add3A_456 = arith.constant 3 : i32
        %add3A_457 = arith.addi %add3A_455, %add3A_456 : i32
        %get3A_458 = arith.index_cast %add3A_457 : i32 to index
        %get3A_459 = arith.index_cast %mul3A_409 : i32 to index
        %get3A_460 = tpu.vector_load %arg11[%get3A_458, %get3A_459] {strides = array<i32>} : memref<80x128xf32, #tpu.memory_space<vmem>>, vector<16xf32>,
        %broadcast_in_dim3A_461 = arith.constant 3 : i32
        %broadcast_in_dim3A_462 = vector.broadcast %broadcast_in_dim3A_461 : i32 to vector<16xi32>
        tpu.vector_store_idx %arg13[%add3A_418, %broadcast_in_dim3A_462], %get3A_460 : memref<640x16xf32, #tpu.memory_space<vmem>>[vector<16xi32>, vector<16xi32>], vector<16xf32>,
        %mul3A_463 = arith.constant 8 : i32
        %mul3A_464 = arith.muli %shift_right_arithmetic3A_405, %mul3A_463 : i32
        %add3A_465 = arith.constant 0 : i32
        %add3A_466 = arith.addi %add3A_465, %mul3A_464 : i32
        %add3A_467 = arith.constant 4 : i32
        %add3A_468 = arith.addi %add3A_466, %add3A_467 : i32
        %get3A_469 = arith.index_cast %add3A_468 : i32 to index
        %get3A_470 = arith.index_cast %mul3A_409 : i32 to index
        %get3A_471 = tpu.vector_load %arg11[%get3A_469, %get3A_470] {strides = array<i32>} : memref<80x128xf32, #tpu.memory_space<vmem>>, vector<16xf32>,
        %broadcast_in_dim3A_472 = arith.constant 4 : i32
        %broadcast_in_dim3A_473 = vector.broadcast %broadcast_in_dim3A_472 : i32 to vector<16xi32>
        tpu.vector_store_idx %arg13[%add3A_418, %broadcast_in_dim3A_473], %get3A_471 : memref<640x16xf32, #tpu.memory_space<vmem>>[vector<16xi32>, vector<16xi32>], vector<16xf32>,
        %mul3A_474 = arith.constant 8 : i32
        %mul3A_475 = arith.muli %shift_right_arithmetic3A_405, %mul3A_474 : i32
        %add3A_476 = arith.constant 0 : i32
        %add3A_477 = arith.addi %add3A_476, %mul3A_475 : i32
        %add3A_478 = arith.constant 5 : i32
        %add3A_479 = arith.addi %add3A_477, %add3A_478 : i32
        %get3A_480 = arith.index_cast %add3A_479 : i32 to index
        %get3A_481 = arith.index_cast %mul3A_409 : i32 to index
        %get3A_482 = tpu.vector_load %arg11[%get3A_480, %get3A_481] {strides = array<i32>} : memref<80x128xf32, #tpu.memory_space<vmem>>, vector<16xf32>,
        %broadcast_in_dim3A_483 = arith.constant 5 : i32
        %broadcast_in_dim3A_484 = vector.broadcast %broadcast_in_dim3A_483 : i32 to vector<16xi32>
        tpu.vector_store_idx %arg13[%add3A_418, %broadcast_in_dim3A_484], %get3A_482 : memref<640x16xf32, #tpu.memory_space<vmem>>[vector<16xi32>, vector<16xi32>], vector<16xf32>,
        %mul3A_485 = arith.constant 8 : i32
        %mul3A_486 = arith.muli %shift_right_arithmetic3A_405, %mul3A_485 : i32
        %add3A_487 = arith.constant 0 : i32
        %add3A_488 = arith.addi %add3A_487, %mul3A_486 : i32
        %add3A_489 = arith.constant 6 : i32
        %add3A_490 = arith.addi %add3A_488, %add3A_489 : i32
        %get3A_491 = arith.index_cast %add3A_490 : i32 to index
        %get3A_492 = arith.index_cast %mul3A_409 : i32 to index
        %get3A_493 = tpu.vector_load %arg11[%get3A_491, %get3A_492] {strides = array<i32>} : memref<80x128xf32, #tpu.memory_space<vmem>>, vector<16xf32>,
        %broadcast_in_dim3A_494 = arith.constant 6 : i32
        %broadcast_in_dim3A_495 = vector.broadcast %broadcast_in_dim3A_494 : i32 to vector<16xi32>
        tpu.vector_store_idx %arg13[%add3A_418, %broadcast_in_dim3A_495], %get3A_493 : memref<640x16xf32, #tpu.memory_space<vmem>>[vector<16xi32>, vector<16xi32>], vector<16xf32>,
        %mul3A_496 = arith.constant 8 : i32
        %mul3A_497 = arith.muli %shift_right_arithmetic3A_405, %mul3A_496 : i32
        %add3A_498 = arith.constant 0 : i32
        %add3A_499 = arith.addi %add3A_498, %mul3A_497 : i32
        %add3A_500 = arith.constant 7 : i32
        %add3A_501 = arith.addi %add3A_499, %add3A_500 : i32
        %get3A_502 = arith.index_cast %add3A_501 : i32 to index
        %get3A_503 = arith.index_cast %mul3A_409 : i32 to index
        %get3A_504 = tpu.vector_load %arg11[%get3A_502, %get3A_503] {strides = array<i32>} : memref<80x128xf32, #tpu.memory_space<vmem>>, vector<16xf32>,
        %broadcast_in_dim3A_505 = arith.constant 7 : i32
        %broadcast_in_dim3A_506 = vector.broadcast %broadcast_in_dim3A_505 : i32 to vector<16xi32>
        tpu.vector_store_idx %arg13[%add3A_418, %broadcast_in_dim3A_506], %get3A_504 : memref<640x16xf32, #tpu.memory_space<vmem>>[vector<16xi32>, vector<16xi32>], vector<16xf32>,
        %mul3A_507 = arith.constant 8 : i32
        %mul3A_508 = arith.muli %shift_right_arithmetic3A_405, %mul3A_507 : i32
        %add3A_509 = arith.constant 40 : i32
        %add3A_510 = arith.addi %add3A_509, %mul3A_508 : i32
        %add3A_511 = arith.constant 0 : i32
        %add3A_512 = arith.addi %add3A_510, %add3A_511 : i32
        %get3A_513 = arith.index_cast %add3A_512 : i32 to index
        %get3A_514 = arith.index_cast %mul3A_409 : i32 to index
        %get3A_515 = tpu.vector_load %arg11[%get3A_513, %get3A_514] {strides = array<i32>} : memref<80x128xf32, #tpu.memory_space<vmem>>, vector<16xf32>,
        %broadcast_in_dim3A_516 = arith.constant 8 : i32
        %broadcast_in_dim3A_517 = vector.broadcast %broadcast_in_dim3A_516 : i32 to vector<16xi32>
        tpu.vector_store_idx %arg13[%add3A_418, %broadcast_in_dim3A_517], %get3A_515 : memref<640x16xf32, #tpu.memory_space<vmem>>[vector<16xi32>, vector<16xi32>], vector<16xf32>,
        %mul3A_518 = arith.constant 8 : i32
        %mul3A_519 = arith.muli %shift_right_arithmetic3A_405, %mul3A_518 : i32
        %add3A_520 = arith.constant 40 : i32
        %add3A_521 = arith.addi %add3A_520, %mul3A_519 : i32
        %add3A_522 = arith.constant 1 : i32
        %add3A_523 = arith.addi %add3A_521, %add3A_522 : i32
        %get3A_524 = arith.index_cast %add3A_523 : i32 to index
        %get3A_525 = arith.index_cast %mul3A_409 : i32 to index
        %get3A_526 = tpu.vector_load %arg11[%get3A_524, %get3A_525] {strides = array<i32>} : memref<80x128xf32, #tpu.memory_space<vmem>>, vector<16xf32>,
        %broadcast_in_dim3A_527 = arith.constant 9 : i32
        %broadcast_in_dim3A_528 = vector.broadcast %broadcast_in_dim3A_527 : i32 to vector<16xi32>
        tpu.vector_store_idx %arg13[%add3A_418, %broadcast_in_dim3A_528], %get3A_526 : memref<640x16xf32, #tpu.memory_space<vmem>>[vector<16xi32>, vector<16xi32>], vector<16xf32>,
        %mul3A_529 = arith.constant 8 : i32
        %mul3A_530 = arith.muli %shift_right_arithmetic3A_405, %mul3A_529 : i32
        %add3A_531 = arith.constant 40 : i32
        %add3A_532 = arith.addi %add3A_531, %mul3A_530 : i32
        %add3A_533 = arith.constant 2 : i32
        %add3A_534 = arith.addi %add3A_532, %add3A_533 : i32
        %get3A_535 = arith.index_cast %add3A_534 : i32 to index
        %get3A_536 = arith.index_cast %mul3A_409 : i32 to index
        %get3A_537 = tpu.vector_load %arg11[%get3A_535, %get3A_536] {strides = array<i32>} : memref<80x128xf32, #tpu.memory_space<vmem>>, vector<16xf32>,
        %broadcast_in_dim3A_538 = arith.constant 10 : i32
        %broadcast_in_dim3A_539 = vector.broadcast %broadcast_in_dim3A_538 : i32 to vector<16xi32>
        tpu.vector_store_idx %arg13[%add3A_418, %broadcast_in_dim3A_539], %get3A_537 : memref<640x16xf32, #tpu.memory_space<vmem>>[vector<16xi32>, vector<16xi32>], vector<16xf32>,
        %mul3A_540 = arith.constant 8 : i32
        %mul3A_541 = arith.muli %shift_right_arithmetic3A_405, %mul3A_540 : i32
        %add3A_542 = arith.constant 40 : i32
        %add3A_543 = arith.addi %add3A_542, %mul3A_541 : i32
        %add3A_544 = arith.constant 3 : i32
        %add3A_545 = arith.addi %add3A_543, %add3A_544 : i32
        %get3A_546 = arith.index_cast %add3A_545 : i32 to index
        %get3A_547 = arith.index_cast %mul3A_409 : i32 to index
        %get3A_548 = tpu.vector_load %arg11[%get3A_546, %get3A_547] {strides = array<i32>} : memref<80x128xf32, #tpu.memory_space<vmem>>, vector<16xf32>,
        %broadcast_in_dim3A_549 = arith.constant 11 : i32
        %broadcast_in_dim3A_550 = vector.broadcast %broadcast_in_dim3A_549 : i32 to vector<16xi32>
        tpu.vector_store_idx %arg13[%add3A_418, %broadcast_in_dim3A_550], %get3A_548 : memref<640x16xf32, #tpu.memory_space<vmem>>[vector<16xi32>, vector<16xi32>], vector<16xf32>,
        %mul3A_551 = arith.constant 8 : i32
        %mul3A_552 = arith.muli %shift_right_arithmetic3A_405, %mul3A_551 : i32
        %add3A_553 = arith.constant 40 : i32
        %add3A_554 = arith.addi %add3A_553, %mul3A_552 : i32
        %add3A_555 = arith.constant 4 : i32
        %add3A_556 = arith.addi %add3A_554, %add3A_555 : i32
        %get3A_557 = arith.index_cast %add3A_556 : i32 to index
        %get3A_558 = arith.index_cast %mul3A_409 : i32 to index
        %get3A_559 = tpu.vector_load %arg11[%get3A_557, %get3A_558] {strides = array<i32>} : memref<80x128xf32, #tpu.memory_space<vmem>>, vector<16xf32>,
        %broadcast_in_dim3A_560 = arith.constant 12 : i32
        %broadcast_in_dim3A_561 = vector.broadcast %broadcast_in_dim3A_560 : i32 to vector<16xi32>
        tpu.vector_store_idx %arg13[%add3A_418, %broadcast_in_dim3A_561], %get3A_559 : memref<640x16xf32, #tpu.memory_space<vmem>>[vector<16xi32>, vector<16xi32>], vector<16xf32>,
        %mul3A_562 = arith.constant 8 : i32
        %mul3A_563 = arith.muli %shift_right_arithmetic3A_405, %mul3A_562 : i32
        %add3A_564 = arith.constant 40 : i32
        %add3A_565 = arith.addi %add3A_564, %mul3A_563 : i32
        %add3A_566 = arith.constant 5 : i32
        %add3A_567 = arith.addi %add3A_565, %add3A_566 : i32
        %get3A_568 = arith.index_cast %add3A_567 : i32 to index
        %get3A_569 = arith.index_cast %mul3A_409 : i32 to index
        %get3A_570 = tpu.vector_load %arg11[%get3A_568, %get3A_569] {strides = array<i32>} : memref<80x128xf32, #tpu.memory_space<vmem>>, vector<16xf32>,
        %broadcast_in_dim3A_571 = arith.constant 13 : i32
        %broadcast_in_dim3A_572 = vector.broadcast %broadcast_in_dim3A_571 : i32 to vector<16xi32>
        tpu.vector_store_idx %arg13[%add3A_418, %broadcast_in_dim3A_572], %get3A_570 : memref<640x16xf32, #tpu.memory_space<vmem>>[vector<16xi32>, vector<16xi32>], vector<16xf32>,
        %mul3A_573 = arith.constant 8 : i32
        %mul3A_574 = arith.muli %shift_right_arithmetic3A_405, %mul3A_573 : i32
        %add3A_575 = arith.constant 40 : i32
        %add3A_576 = arith.addi %add3A_575, %mul3A_574 : i32
        %add3A_577 = arith.constant 6 : i32
        %add3A_578 = arith.addi %add3A_576, %add3A_577 : i32
        %get3A_579 = arith.index_cast %add3A_578 : i32 to index
        %get3A_580 = arith.index_cast %mul3A_409 : i32 to index
        %get3A_581 = tpu.vector_load %arg11[%get3A_579, %get3A_580] {strides = array<i32>} : memref<80x128xf32, #tpu.memory_space<vmem>>, vector<16xf32>,
        %broadcast_in_dim3A_582 = arith.constant 14 : i32
        %broadcast_in_dim3A_583 = vector.broadcast %broadcast_in_dim3A_582 : i32 to vector<16xi32>
        tpu.vector_store_idx %arg13[%add3A_418, %broadcast_in_dim3A_583], %get3A_581 : memref<640x16xf32, #tpu.memory_space<vmem>>[vector<16xi32>, vector<16xi32>], vector<16xf32>,
        %mul3A_584 = arith.constant 8 : i32
        %mul3A_585 = arith.muli %shift_right_arithmetic3A_405, %mul3A_584 : i32
        %add3A_586 = arith.constant 40 : i32
        %add3A_587 = arith.addi %add3A_586, %mul3A_585 : i32
        %add3A_588 = arith.constant 7 : i32
        %add3A_589 = arith.addi %add3A_587, %add3A_588 : i32
        %get3A_590 = arith.index_cast %add3A_589 : i32 to index
        %get3A_591 = arith.index_cast %mul3A_409 : i32 to index
        %get3A_592 = tpu.vector_load %arg11[%get3A_590, %get3A_591] {strides = array<i32>} : memref<80x128xf32, #tpu.memory_space<vmem>>, vector<16xf32>,
        %broadcast_in_dim3A_593 = arith.constant 15 : i32
        %broadcast_in_dim3A_594 = vector.broadcast %broadcast_in_dim3A_593 : i32 to vector<16xi32>
        tpu.vector_store_idx %arg13[%add3A_418, %broadcast_in_dim3A_594], %get3A_592 : memref<640x16xf32, #tpu.memory_space<vmem>>[vector<16xi32>, vector<16xi32>], vector<16xf32>,
        %mul3A_595 = arith.constant 4 : i32
        %mul3A_596 = arith.muli %scan3A_400, %mul3A_595 : i32
        %add3A_597 = arith.constant 1 : i32
        %add3A_598 = arith.addi %mul3A_596, %add3A_597 : i32
        %shift_right_arithmetic3A_599 = arith.constant 3 : i32
        %shift_right_arithmetic3A_600 = arith.shrsi %add3A_598, %shift_right_arithmetic3A_599 : i32
        %and3A_601 = arith.constant 7 : i32
        %and3A_602 = arith.andi %add3A_598, %and3A_601 : i32
        %mul3A_603 = arith.constant 16 : i32
        %mul3A_604 = arith.muli %and3A_602, %mul3A_603 : i32
        %get3A_605 = arith.index_cast %shift_right_arithmetic3A_600 : i32 to index
        %get3A_606 = arith.index_cast %mul3A_604 : i32 to index
        %get3A_607 = tpu.vector_load %arg9[%get3A_605, %get3A_606] {strides = array<i32>} : memref<5x128xi32, #tpu.memory_space<vmem>>, vector<16xi32>,
        %gather3A_608 = tpu.vector_load_idx %arg7[%get3A_607] : memref<50000xi32, #tpu.memory_space<vmem>>[vector<16xi32>], vector<16xi32>,
        %mul3A_609 = arith.constant 16 : i32
        %mul3A_610 = arith.muli %add3A_598, %mul3A_609 : i32
        %swap3A_611 = arith.index_cast %mul3A_610 : i32 to index
        %swap3A_612 = tpu.vector_load %arg15[%swap3A_611] {strides = array<i32>} : memref<640xi32, #tpu.memory_space<vmem>>, vector<16xi32>,
        tpu.vector_store %arg15[%swap3A_611], %gather3A_608 {strides = array<i32>} : memref<640xi32, #tpu.memory_space<vmem>>, vector<16xi32>,
        tpu.vector_store_idx %arg21[%iota3A, %gather3A_608], %broadcast_in_dim3A_18 {add = true} : memref<16x256xf32, #tpu.memory_space<vmem>>[vector<16xi32>, vector<16xi32>], vector<16xf32>,
        %mul3A_613 = arith.constant 16 : i32
        %mul3A_614 = arith.muli %add3A_598, %mul3A_613 : i32
        %add3A_615 = vector.broadcast %mul3A_614 : i32 to vector<16xi32>
        %add3A_616 = arith.addi %iota3A_65, %add3A_615 : vector<16xi32>
        %mul3A_617 = arith.constant 8 : i32
        %mul3A_618 = arith.muli %shift_right_arithmetic3A_600, %mul3A_617 : i32
        %add3A_619 = arith.constant 0 : i32
        %add3A_620 = arith.addi %add3A_619, %mul3A_618 : i32
        %add3A_621 = arith.constant 0 : i32
        %add3A_622 = arith.addi %add3A_620, %add3A_621 : i32
        %get3A_623 = arith.index_cast %add3A_622 : i32 to index
        %get3A_624 = arith.index_cast %mul3A_604 : i32 to index
        %get3A_625 = tpu.vector_load %arg11[%get3A_623, %get3A_624] {strides = array<i32>} : memref<80x128xf32, #tpu.memory_space<vmem>>, vector<16xf32>,
        %broadcast_in_dim3A_626 = arith.constant 0 : i32
        %broadcast_in_dim3A_627 = vector.broadcast %broadcast_in_dim3A_626 : i32 to vector<16xi32>
        tpu.vector_store_idx %arg13[%add3A_616, %broadcast_in_dim3A_627], %get3A_625 : memref<640x16xf32, #tpu.memory_space<vmem>>[vector<16xi32>, vector<16xi32>], vector<16xf32>,
        %mul3A_628 = arith.constant 8 : i32
        %mul3A_629 = arith.muli %shift_right_arithmetic3A_600, %mul3A_628 : i32
        %add3A_630 = arith.constant 0 : i32
        %add3A_631 = arith.addi %add3A_630, %mul3A_629 : i32
        %add3A_632 = arith.constant 1 : i32
        %add3A_633 = arith.addi %add3A_631, %add3A_632 : i32
        %get3A_634 = arith.index_cast %add3A_633 : i32 to index
        %get3A_635 = arith.index_cast %mul3A_604 : i32 to index
        %get3A_636 = tpu.vector_load %arg11[%get3A_634, %get3A_635] {strides = array<i32>} : memref<80x128xf32, #tpu.memory_space<vmem>>, vector<16xf32>,
        %broadcast_in_dim3A_637 = arith.constant 1 : i32
        %broadcast_in_dim3A_638 = vector.broadcast %broadcast_in_dim3A_637 : i32 to vector<16xi32>
        tpu.vector_store_idx %arg13[%add3A_616, %broadcast_in_dim3A_638], %get3A_636 : memref<640x16xf32, #tpu.memory_space<vmem>>[vector<16xi32>, vector<16xi32>], vector<16xf32>,
        %mul3A_639 = arith.constant 8 : i32
        %mul3A_640 = arith.muli %shift_right_arithmetic3A_600, %mul3A_639 : i32
        %add3A_641 = arith.constant 0 : i32
        %add3A_642 = arith.addi %add3A_641, %mul3A_640 : i32
        %add3A_643 = arith.constant 2 : i32
        %add3A_644 = arith.addi %add3A_642, %add3A_643 : i32
        %get3A_645 = arith.index_cast %add3A_644 : i32 to index
        %get3A_646 = arith.index_cast %mul3A_604 : i32 to index
        %get3A_647 = tpu.vector_load %arg11[%get3A_645, %get3A_646] {strides = array<i32>} : memref<80x128xf32, #tpu.memory_space<vmem>>, vector<16xf32>,
        %broadcast_in_dim3A_648 = arith.constant 2 : i32
        %broadcast_in_dim3A_649 = vector.broadcast %broadcast_in_dim3A_648 : i32 to vector<16xi32>
        tpu.vector_store_idx %arg13[%add3A_616, %broadcast_in_dim3A_649], %get3A_647 : memref<640x16xf32, #tpu.memory_space<vmem>>[vector<16xi32>, vector<16xi32>], vector<16xf32>,
        %mul3A_650 = arith.constant 8 : i32
        %mul3A_651 = arith.muli %shift_right_arithmetic3A_600, %mul3A_650 : i32
        %add3A_652 = arith.constant 0 : i32
        %add3A_653 = arith.addi %add3A_652, %mul3A_651 : i32
        %add3A_654 = arith.constant 3 : i32
        %add3A_655 = arith.addi %add3A_653, %add3A_654 : i32
        %get3A_656 = arith.index_cast %add3A_655 : i32 to index
        %get3A_657 = arith.index_cast %mul3A_604 : i32 to index
        %get3A_658 = tpu.vector_load %arg11[%get3A_656, %get3A_657] {strides = array<i32>} : memref<80x128xf32, #tpu.memory_space<vmem>>, vector<16xf32>,
        %broadcast_in_dim3A_659 = arith.constant 3 : i32
        %broadcast_in_dim3A_660 = vector.broadcast %broadcast_in_dim3A_659 : i32 to vector<16xi32>
        tpu.vector_store_idx %arg13[%add3A_616, %broadcast_in_dim3A_660], %get3A_658 : memref<640x16xf32, #tpu.memory_space<vmem>>[vector<16xi32>, vector<16xi32>], vector<16xf32>,
        %mul3A_661 = arith.constant 8 : i32
        %mul3A_662 = arith.muli %shift_right_arithmetic3A_600, %mul3A_661 : i32
        %add3A_663 = arith.constant 0 : i32
        %add3A_664 = arith.addi %add3A_663, %mul3A_662 : i32
        %add3A_665 = arith.constant 4 : i32
        %add3A_666 = arith.addi %add3A_664, %add3A_665 : i32
        %get3A_667 = arith.index_cast %add3A_666 : i32 to index
        %get3A_668 = arith.index_cast %mul3A_604 : i32 to index
        %get3A_669 = tpu.vector_load %arg11[%get3A_667, %get3A_668] {strides = array<i32>} : memref<80x128xf32, #tpu.memory_space<vmem>>, vector<16xf32>,
        %broadcast_in_dim3A_670 = arith.constant 4 : i32
        %broadcast_in_dim3A_671 = vector.broadcast %broadcast_in_dim3A_670 : i32 to vector<16xi32>
        tpu.vector_store_idx %arg13[%add3A_616, %broadcast_in_dim3A_671], %get3A_669 : memref<640x16xf32, #tpu.memory_space<vmem>>[vector<16xi32>, vector<16xi32>], vector<16xf32>,
        %mul3A_672 = arith.constant 8 : i32
        %mul3A_673 = arith.muli %shift_right_arithmetic3A_600, %mul3A_672 : i32
        %add3A_674 = arith.constant 0 : i32
        %add3A_675 = arith.addi %add3A_674, %mul3A_673 : i32
        %add3A_676 = arith.constant 5 : i32
        %add3A_677 = arith.addi %add3A_675, %add3A_676 : i32
        %get3A_678 = arith.index_cast %add3A_677 : i32 to index
        %get3A_679 = arith.index_cast %mul3A_604 : i32 to index
        %get3A_680 = tpu.vector_load %arg11[%get3A_678, %get3A_679] {strides = array<i32>} : memref<80x128xf32, #tpu.memory_space<vmem>>, vector<16xf32>,
        %broadcast_in_dim3A_681 = arith.constant 5 : i32
        %broadcast_in_dim3A_682 = vector.broadcast %broadcast_in_dim3A_681 : i32 to vector<16xi32>
        tpu.vector_store_idx %arg13[%add3A_616, %broadcast_in_dim3A_682], %get3A_680 : memref<640x16xf32, #tpu.memory_space<vmem>>[vector<16xi32>, vector<16xi32>], vector<16xf32>,
        %mul3A_683 = arith.constant 8 : i32
        %mul3A_684 = arith.muli %shift_right_arithmetic3A_600, %mul3A_683 : i32
        %add3A_685 = arith.constant 0 : i32
        %add3A_686 = arith.addi %add3A_685, %mul3A_684 : i32
        %add3A_687 = arith.constant 6 : i32
        %add3A_688 = arith.addi %add3A_686, %add3A_687 : i32
        %get3A_689 = arith.index_cast %add3A_688 : i32 to index
        %get3A_690 = arith.index_cast %mul3A_604 : i32 to index
        %get3A_691 = tpu.vector_load %arg11[%get3A_689, %get3A_690] {strides = array<i32>} : memref<80x128xf32, #tpu.memory_space<vmem>>, vector<16xf32>,
        %broadcast_in_dim3A_692 = arith.constant 6 : i32
        %broadcast_in_dim3A_693 = vector.broadcast %broadcast_in_dim3A_692 : i32 to vector<16xi32>
        tpu.vector_store_idx %arg13[%add3A_616, %broadcast_in_dim3A_693], %get3A_691 : memref<640x16xf32, #tpu.memory_space<vmem>>[vector<16xi32>, vector<16xi32>], vector<16xf32>,
        %mul3A_694 = arith.constant 8 : i32
        %mul3A_695 = arith.muli %shift_right_arithmetic3A_600, %mul3A_694 : i32
        %add3A_696 = arith.constant 0 : i32
        %add3A_697 = arith.addi %add3A_696, %mul3A_695 : i32
        %add3A_698 = arith.constant 7 : i32
        %add3A_699 = arith.addi %add3A_697, %add3A_698 : i32
        %get3A_700 = arith.index_cast %add3A_699 : i32 to index
        %get3A_701 = arith.index_cast %mul3A_604 : i32 to index
        %get3A_702 = tpu.vector_load %arg11[%get3A_700, %get3A_701] {strides = array<i32>} : memref<80x128xf32, #tpu.memory_space<vmem>>, vector<16xf32>,
        %broadcast_in_dim3A_703 = arith.constant 7 : i32
        %broadcast_in_dim3A_704 = vector.broadcast %broadcast_in_dim3A_703 : i32 to vector<16xi32>
        tpu.vector_store_idx %arg13[%add3A_616, %broadcast_in_dim3A_704], %get3A_702 : memref<640x16xf32, #tpu.memory_space<vmem>>[vector<16xi32>, vector<16xi32>], vector<16xf32>,
        %mul3A_705 = arith.constant 8 : i32
        %mul3A_706 = arith.muli %shift_right_arithmetic3A_600, %mul3A_705 : i32
        %add3A_707 = arith.constant 40 : i32
        %add3A_708 = arith.addi %add3A_707, %mul3A_706 : i32
        %add3A_709 = arith.constant 0 : i32
        %add3A_710 = arith.addi %add3A_708, %add3A_709 : i32
        %get3A_711 = arith.index_cast %add3A_710 : i32 to index
        %get3A_712 = arith.index_cast %mul3A_604 : i32 to index
        %get3A_713 = tpu.vector_load %arg11[%get3A_711, %get3A_712] {strides = array<i32>} : memref<80x128xf32, #tpu.memory_space<vmem>>, vector<16xf32>,
        %broadcast_in_dim3A_714 = arith.constant 8 : i32
        %broadcast_in_dim3A_715 = vector.broadcast %broadcast_in_dim3A_714 : i32 to vector<16xi32>
        tpu.vector_store_idx %arg13[%add3A_616, %broadcast_in_dim3A_715], %get3A_713 : memref<640x16xf32, #tpu.memory_space<vmem>>[vector<16xi32>, vector<16xi32>], vector<16xf32>,
        %mul3A_716 = arith.constant 8 : i32
        %mul3A_717 = arith.muli %shift_right_arithmetic3A_600, %mul3A_716 : i32
        %add3A_718 = arith.constant 40 : i32
        %add3A_719 = arith.addi %add3A_718, %mul3A_717 : i32
        %add3A_720 = arith.constant 1 : i32
        %add3A_721 = arith.addi %add3A_719, %add3A_720 : i32
        %get3A_722 = arith.index_cast %add3A_721 : i32 to index
        %get3A_723 = arith.index_cast %mul3A_604 : i32 to index
        %get3A_724 = tpu.vector_load %arg11[%get3A_722, %get3A_723] {strides = array<i32>} : memref<80x128xf32, #tpu.memory_space<vmem>>, vector<16xf32>,
        %broadcast_in_dim3A_725 = arith.constant 9 : i32
        %broadcast_in_dim3A_726 = vector.broadcast %broadcast_in_dim3A_725 : i32 to vector<16xi32>
        tpu.vector_store_idx %arg13[%add3A_616, %broadcast_in_dim3A_726], %get3A_724 : memref<640x16xf32, #tpu.memory_space<vmem>>[vector<16xi32>, vector<16xi32>], vector<16xf32>,
        %mul3A_727 = arith.constant 8 : i32
        %mul3A_728 = arith.muli %shift_right_arithmetic3A_600, %mul3A_727 : i32
        %add3A_729 = arith.constant 40 : i32
        %add3A_730 = arith.addi %add3A_729, %mul3A_728 : i32
        %add3A_731 = arith.constant 2 : i32
        %add3A_732 = arith.addi %add3A_730, %add3A_731 : i32
        %get3A_733 = arith.index_cast %add3A_732 : i32 to index
        %get3A_734 = arith.index_cast %mul3A_604 : i32 to index
        %get3A_735 = tpu.vector_load %arg11[%get3A_733, %get3A_734] {strides = array<i32>} : memref<80x128xf32, #tpu.memory_space<vmem>>, vector<16xf32>,
        %broadcast_in_dim3A_736 = arith.constant 10 : i32
        %broadcast_in_dim3A_737 = vector.broadcast %broadcast_in_dim3A_736 : i32 to vector<16xi32>
        tpu.vector_store_idx %arg13[%add3A_616, %broadcast_in_dim3A_737], %get3A_735 : memref<640x16xf32, #tpu.memory_space<vmem>>[vector<16xi32>, vector<16xi32>], vector<16xf32>,
        %mul3A_738 = arith.constant 8 : i32
        %mul3A_739 = arith.muli %shift_right_arithmetic3A_600, %mul3A_738 : i32
        %add3A_740 = arith.constant 40 : i32
        %add3A_741 = arith.addi %add3A_740, %mul3A_739 : i32
        %add3A_742 = arith.constant 3 : i32
        %add3A_743 = arith.addi %add3A_741, %add3A_742 : i32
        %get3A_744 = arith.index_cast %add3A_743 : i32 to index
        %get3A_745 = arith.index_cast %mul3A_604 : i32 to index
        %get3A_746 = tpu.vector_load %arg11[%get3A_744, %get3A_745] {strides = array<i32>} : memref<80x128xf32, #tpu.memory_space<vmem>>, vector<16xf32>,
        %broadcast_in_dim3A_747 = arith.constant 11 : i32
        %broadcast_in_dim3A_748 = vector.broadcast %broadcast_in_dim3A_747 : i32 to vector<16xi32>
        tpu.vector_store_idx %arg13[%add3A_616, %broadcast_in_dim3A_748], %get3A_746 : memref<640x16xf32, #tpu.memory_space<vmem>>[vector<16xi32>, vector<16xi32>], vector<16xf32>,
        %mul3A_749 = arith.constant 8 : i32
        %mul3A_750 = arith.muli %shift_right_arithmetic3A_600, %mul3A_749 : i32
        %add3A_751 = arith.constant 40 : i32
        %add3A_752 = arith.addi %add3A_751, %mul3A_750 : i32
        %add3A_753 = arith.constant 4 : i32
        %add3A_754 = arith.addi %add3A_752, %add3A_753 : i32
        %get3A_755 = arith.index_cast %add3A_754 : i32 to index
        %get3A_756 = arith.index_cast %mul3A_604 : i32 to index
        %get3A_757 = tpu.vector_load %arg11[%get3A_755, %get3A_756] {strides = array<i32>} : memref<80x128xf32, #tpu.memory_space<vmem>>, vector<16xf32>,
        %broadcast_in_dim3A_758 = arith.constant 12 : i32
        %broadcast_in_dim3A_759 = vector.broadcast %broadcast_in_dim3A_758 : i32 to vector<16xi32>
        tpu.vector_store_idx %arg13[%add3A_616, %broadcast_in_dim3A_759], %get3A_757 : memref<640x16xf32, #tpu.memory_space<vmem>>[vector<16xi32>, vector<16xi32>], vector<16xf32>,
        %mul3A_760 = arith.constant 8 : i32
        %mul3A_761 = arith.muli %shift_right_arithmetic3A_600, %mul3A_760 : i32
        %add3A_762 = arith.constant 40 : i32
        %add3A_763 = arith.addi %add3A_762, %mul3A_761 : i32
        %add3A_764 = arith.constant 5 : i32
        %add3A_765 = arith.addi %add3A_763, %add3A_764 : i32
        %get3A_766 = arith.index_cast %add3A_765 : i32 to index
        %get3A_767 = arith.index_cast %mul3A_604 : i32 to index
        %get3A_768 = tpu.vector_load %arg11[%get3A_766, %get3A_767] {strides = array<i32>} : memref<80x128xf32, #tpu.memory_space<vmem>>, vector<16xf32>,
        %broadcast_in_dim3A_769 = arith.constant 13 : i32
        %broadcast_in_dim3A_770 = vector.broadcast %broadcast_in_dim3A_769 : i32 to vector<16xi32>
        tpu.vector_store_idx %arg13[%add3A_616, %broadcast_in_dim3A_770], %get3A_768 : memref<640x16xf32, #tpu.memory_space<vmem>>[vector<16xi32>, vector<16xi32>], vector<16xf32>,
        %mul3A_771 = arith.constant 8 : i32
        %mul3A_772 = arith.muli %shift_right_arithmetic3A_600, %mul3A_771 : i32
        %add3A_773 = arith.constant 40 : i32
        %add3A_774 = arith.addi %add3A_773, %mul3A_772 : i32
        %add3A_775 = arith.constant 6 : i32
        %add3A_776 = arith.addi %add3A_774, %add3A_775 : i32
        %get3A_777 = arith.index_cast %add3A_776 : i32 to index
        %get3A_778 = arith.index_cast %mul3A_604 : i32 to index
        %get3A_779 = tpu.vector_load %arg11[%get3A_777, %get3A_778] {strides = array<i32>} : memref<80x128xf32, #tpu.memory_space<vmem>>, vector<16xf32>,
        %broadcast_in_dim3A_780 = arith.constant 14 : i32
        %broadcast_in_dim3A_781 = vector.broadcast %broadcast_in_dim3A_780 : i32 to vector<16xi32>
        tpu.vector_store_idx %arg13[%add3A_616, %broadcast_in_dim3A_781], %get3A_779 : memref<640x16xf32, #tpu.memory_space<vmem>>[vector<16xi32>, vector<16xi32>], vector<16xf32>,
        %mul3A_782 = arith.constant 8 : i32
        %mul3A_783 = arith.muli %shift_right_arithmetic3A_600, %mul3A_782 : i32
        %add3A_784 = arith.constant 40 : i32
        %add3A_785 = arith.addi %add3A_784, %mul3A_783 : i32
        %add3A_786 = arith.constant 7 : i32
        %add3A_787 = arith.addi %add3A_785, %add3A_786 : i32
        %get3A_788 = arith.index_cast %add3A_787 : i32 to index
        %get3A_789 = arith.index_cast %mul3A_604 : i32 to index
        %get3A_790 = tpu.vector_load %arg11[%get3A_788, %get3A_789] {strides = array<i32>} : memref<80x128xf32, #tpu.memory_space<vmem>>, vector<16xf32>,
        %broadcast_in_dim3A_791 = arith.constant 15 : i32
        %broadcast_in_dim3A_792 = vector.broadcast %broadcast_in_dim3A_791 : i32 to vector<16xi32>
        tpu.vector_store_idx %arg13[%add3A_616, %broadcast_in_dim3A_792], %get3A_790 : memref<640x16xf32, #tpu.memory_space<vmem>>[vector<16xi32>, vector<16xi32>], vector<16xf32>,
        %mul3A_793 = arith.constant 4 : i32
        %mul3A_794 = arith.muli %scan3A_400, %mul3A_793 : i32
        %add3A_795 = arith.constant 2 : i32
        %add3A_796 = arith.addi %mul3A_794, %add3A_795 : i32
        %shift_right_arithmetic3A_797 = arith.constant 3 : i32
        %shift_right_arithmetic3A_798 = arith.shrsi %add3A_796, %shift_right_arithmetic3A_797 : i32
        %and3A_799 = arith.constant 7 : i32
        %and3A_800 = arith.andi %add3A_796, %and3A_799 : i32
        %mul3A_801 = arith.constant 16 : i32
        %mul3A_802 = arith.muli %and3A_800, %mul3A_801 : i32
        %get3A_803 = arith.index_cast %shift_right_arithmetic3A_798 : i32 to index
        %get3A_804 = arith.index_cast %mul3A_802 : i32 to index
        %get3A_805 = tpu.vector_load %arg9[%get3A_803, %get3A_804] {strides = array<i32>} : memref<5x128xi32, #tpu.memory_space<vmem>>, vector<16xi32>,
        %gather3A_806 = tpu.vector_load_idx %arg7[%get3A_805] : memref<50000xi32, #tpu.memory_space<vmem>>[vector<16xi32>], vector<16xi32>,
        %mul3A_807 = arith.constant 16 : i32
        %mul3A_808 = arith.muli %add3A_796, %mul3A_807 : i32
        %swap3A_809 = arith.index_cast %mul3A_808 : i32 to index
        %swap3A_810 = tpu.vector_load %arg15[%swap3A_809] {strides = array<i32>} : memref<640xi32, #tpu.memory_space<vmem>>, vector<16xi32>,
        tpu.vector_store %arg15[%swap3A_809], %gather3A_806 {strides = array<i32>} : memref<640xi32, #tpu.memory_space<vmem>>, vector<16xi32>,
        tpu.vector_store_idx %arg21[%iota3A, %gather3A_806], %broadcast_in_dim3A_18 {add = true} : memref<16x256xf32, #tpu.memory_space<vmem>>[vector<16xi32>, vector<16xi32>], vector<16xf32>,
        %mul3A_811 = arith.constant 16 : i32
        %mul3A_812 = arith.muli %add3A_796, %mul3A_811 : i32
        %add3A_813 = vector.broadcast %mul3A_812 : i32 to vector<16xi32>
        %add3A_814 = arith.addi %iota3A_65, %add3A_813 : vector<16xi32>
        %mul3A_815 = arith.constant 8 : i32
        %mul3A_816 = arith.muli %shift_right_arithmetic3A_798, %mul3A_815 : i32
        %add3A_817 = arith.constant 0 : i32
        %add3A_818 = arith.addi %add3A_817, %mul3A_816 : i32
        %add3A_819 = arith.constant 0 : i32
        %add3A_820 = arith.addi %add3A_818, %add3A_819 : i32
        %get3A_821 = arith.index_cast %add3A_820 : i32 to index
        %get3A_822 = arith.index_cast %mul3A_802 : i32 to index
        %get3A_823 = tpu.vector_load %arg11[%get3A_821, %get3A_822] {strides = array<i32>} : memref<80x128xf32, #tpu.memory_space<vmem>>, vector<16xf32>,
        %broadcast_in_dim3A_824 = arith.constant 0 : i32
        %broadcast_in_dim3A_825 = vector.broadcast %broadcast_in_dim3A_824 : i32 to vector<16xi32>
        tpu.vector_store_idx %arg13[%add3A_814, %broadcast_in_dim3A_825], %get3A_823 : memref<640x16xf32, #tpu.memory_space<vmem>>[vector<16xi32>, vector<16xi32>], vector<16xf32>,
        %mul3A_826 = arith.constant 8 : i32
        %mul3A_827 = arith.muli %shift_right_arithmetic3A_798, %mul3A_826 : i32
        %add3A_828 = arith.constant 0 : i32
        %add3A_829 = arith.addi %add3A_828, %mul3A_827 : i32
        %add3A_830 = arith.constant 1 : i32
        %add3A_831 = arith.addi %add3A_829, %add3A_830 : i32
        %get3A_832 = arith.index_cast %add3A_831 : i32 to index
        %get3A_833 = arith.index_cast %mul3A_802 : i32 to index
        %get3A_834 = tpu.vector_load %arg11[%get3A_832, %get3A_833] {strides = array<i32>} : memref<80x128xf32, #tpu.memory_space<vmem>>, vector<16xf32>,
        %broadcast_in_dim3A_835 = arith.constant 1 : i32
        %broadcast_in_dim3A_836 = vector.broadcast %broadcast_in_dim3A_835 : i32 to vector<16xi32>
        tpu.vector_store_idx %arg13[%add3A_814, %broadcast_in_dim3A_836], %get3A_834 : memref<640x16xf32, #tpu.memory_space<vmem>>[vector<16xi32>, vector<16xi32>], vector<16xf32>,
        %mul3A_837 = arith.constant 8 : i32
        %mul3A_838 = arith.muli %shift_right_arithmetic3A_798, %mul3A_837 : i32
        %add3A_839 = arith.constant 0 : i32
        %add3A_840 = arith.addi %add3A_839, %mul3A_838 : i32
        %add3A_841 = arith.constant 2 : i32
        %add3A_842 = arith.addi %add3A_840, %add3A_841 : i32
        %get3A_843 = arith.index_cast %add3A_842 : i32 to index
        %get3A_844 = arith.index_cast %mul3A_802 : i32 to index
        %get3A_845 = tpu.vector_load %arg11[%get3A_843, %get3A_844] {strides = array<i32>} : memref<80x128xf32, #tpu.memory_space<vmem>>, vector<16xf32>,
        %broadcast_in_dim3A_846 = arith.constant 2 : i32
        %broadcast_in_dim3A_847 = vector.broadcast %broadcast_in_dim3A_846 : i32 to vector<16xi32>
        tpu.vector_store_idx %arg13[%add3A_814, %broadcast_in_dim3A_847], %get3A_845 : memref<640x16xf32, #tpu.memory_space<vmem>>[vector<16xi32>, vector<16xi32>], vector<16xf32>,
        %mul3A_848 = arith.constant 8 : i32
        %mul3A_849 = arith.muli %shift_right_arithmetic3A_798, %mul3A_848 : i32
        %add3A_850 = arith.constant 0 : i32
        %add3A_851 = arith.addi %add3A_850, %mul3A_849 : i32
        %add3A_852 = arith.constant 3 : i32
        %add3A_853 = arith.addi %add3A_851, %add3A_852 : i32
        %get3A_854 = arith.index_cast %add3A_853 : i32 to index
        %get3A_855 = arith.index_cast %mul3A_802 : i32 to index
        %get3A_856 = tpu.vector_load %arg11[%get3A_854, %get3A_855] {strides = array<i32>} : memref<80x128xf32, #tpu.memory_space<vmem>>, vector<16xf32>,
        %broadcast_in_dim3A_857 = arith.constant 3 : i32
        %broadcast_in_dim3A_858 = vector.broadcast %broadcast_in_dim3A_857 : i32 to vector<16xi32>
        tpu.vector_store_idx %arg13[%add3A_814, %broadcast_in_dim3A_858], %get3A_856 : memref<640x16xf32, #tpu.memory_space<vmem>>[vector<16xi32>, vector<16xi32>], vector<16xf32>,
        %mul3A_859 = arith.constant 8 : i32
        %mul3A_860 = arith.muli %shift_right_arithmetic3A_798, %mul3A_859 : i32
        %add3A_861 = arith.constant 0 : i32
        %add3A_862 = arith.addi %add3A_861, %mul3A_860 : i32
        %add3A_863 = arith.constant 4 : i32
        %add3A_864 = arith.addi %add3A_862, %add3A_863 : i32
        %get3A_865 = arith.index_cast %add3A_864 : i32 to index
        %get3A_866 = arith.index_cast %mul3A_802 : i32 to index
        %get3A_867 = tpu.vector_load %arg11[%get3A_865, %get3A_866] {strides = array<i32>} : memref<80x128xf32, #tpu.memory_space<vmem>>, vector<16xf32>,
        %broadcast_in_dim3A_868 = arith.constant 4 : i32
        %broadcast_in_dim3A_869 = vector.broadcast %broadcast_in_dim3A_868 : i32 to vector<16xi32>
        tpu.vector_store_idx %arg13[%add3A_814, %broadcast_in_dim3A_869], %get3A_867 : memref<640x16xf32, #tpu.memory_space<vmem>>[vector<16xi32>, vector<16xi32>], vector<16xf32>,
        %mul3A_870 = arith.constant 8 : i32
        %mul3A_871 = arith.muli %shift_right_arithmetic3A_798, %mul3A_870 : i32
        %add3A_872 = arith.constant 0 : i32
        %add3A_873 = arith.addi %add3A_872, %mul3A_871 : i32
        %add3A_874 = arith.constant 5 : i32
        %add3A_875 = arith.addi %add3A_873, %add3A_874 : i32
        %get3A_876 = arith.index_cast %add3A_875 : i32 to index
        %get3A_877 = arith.index_cast %mul3A_802 : i32 to index
        %get3A_878 = tpu.vector_load %arg11[%get3A_876, %get3A_877] {strides = array<i32>} : memref<80x128xf32, #tpu.memory_space<vmem>>, vector<16xf32>,
        %broadcast_in_dim3A_879 = arith.constant 5 : i32
        %broadcast_in_dim3A_880 = vector.broadcast %broadcast_in_dim3A_879 : i32 to vector<16xi32>
        tpu.vector_store_idx %arg13[%add3A_814, %broadcast_in_dim3A_880], %get3A_878 : memref<640x16xf32, #tpu.memory_space<vmem>>[vector<16xi32>, vector<16xi32>], vector<16xf32>,
        %mul3A_881 = arith.constant 8 : i32
        %mul3A_882 = arith.muli %shift_right_arithmetic3A_798, %mul3A_881 : i32
        %add3A_883 = arith.constant 0 : i32
        %add3A_884 = arith.addi %add3A_883, %mul3A_882 : i32
        %add3A_885 = arith.constant 6 : i32
        %add3A_886 = arith.addi %add3A_884, %add3A_885 : i32
        %get3A_887 = arith.index_cast %add3A_886 : i32 to index
        %get3A_888 = arith.index_cast %mul3A_802 : i32 to index
        %get3A_889 = tpu.vector_load %arg11[%get3A_887, %get3A_888] {strides = array<i32>} : memref<80x128xf32, #tpu.memory_space<vmem>>, vector<16xf32>,
        %broadcast_in_dim3A_890 = arith.constant 6 : i32
        %broadcast_in_dim3A_891 = vector.broadcast %broadcast_in_dim3A_890 : i32 to vector<16xi32>
        tpu.vector_store_idx %arg13[%add3A_814, %broadcast_in_dim3A_891], %get3A_889 : memref<640x16xf32, #tpu.memory_space<vmem>>[vector<16xi32>, vector<16xi32>], vector<16xf32>,
        %mul3A_892 = arith.constant 8 : i32
        %mul3A_893 = arith.muli %shift_right_arithmetic3A_798, %mul3A_892 : i32
        %add3A_894 = arith.constant 0 : i32
        %add3A_895 = arith.addi %add3A_894, %mul3A_893 : i32
        %add3A_896 = arith.constant 7 : i32
        %add3A_897 = arith.addi %add3A_895, %add3A_896 : i32
        %get3A_898 = arith.index_cast %add3A_897 : i32 to index
        %get3A_899 = arith.index_cast %mul3A_802 : i32 to index
        %get3A_900 = tpu.vector_load %arg11[%get3A_898, %get3A_899] {strides = array<i32>} : memref<80x128xf32, #tpu.memory_space<vmem>>, vector<16xf32>,
        %broadcast_in_dim3A_901 = arith.constant 7 : i32
        %broadcast_in_dim3A_902 = vector.broadcast %broadcast_in_dim3A_901 : i32 to vector<16xi32>
        tpu.vector_store_idx %arg13[%add3A_814, %broadcast_in_dim3A_902], %get3A_900 : memref<640x16xf32, #tpu.memory_space<vmem>>[vector<16xi32>, vector<16xi32>], vector<16xf32>,
        %mul3A_903 = arith.constant 8 : i32
        %mul3A_904 = arith.muli %shift_right_arithmetic3A_798, %mul3A_903 : i32
        %add3A_905 = arith.constant 40 : i32
        %add3A_906 = arith.addi %add3A_905, %mul3A_904 : i32
        %add3A_907 = arith.constant 0 : i32
        %add3A_908 = arith.addi %add3A_906, %add3A_907 : i32
        %get3A_909 = arith.index_cast %add3A_908 : i32 to index
        %get3A_910 = arith.index_cast %mul3A_802 : i32 to index
        %get3A_911 = tpu.vector_load %arg11[%get3A_909, %get3A_910] {strides = array<i32>} : memref<80x128xf32, #tpu.memory_space<vmem>>, vector<16xf32>,
        %broadcast_in_dim3A_912 = arith.constant 8 : i32
        %broadcast_in_dim3A_913 = vector.broadcast %broadcast_in_dim3A_912 : i32 to vector<16xi32>
        tpu.vector_store_idx %arg13[%add3A_814, %broadcast_in_dim3A_913], %get3A_911 : memref<640x16xf32, #tpu.memory_space<vmem>>[vector<16xi32>, vector<16xi32>], vector<16xf32>,
        %mul3A_914 = arith.constant 8 : i32
        %mul3A_915 = arith.muli %shift_right_arithmetic3A_798, %mul3A_914 : i32
        %add3A_916 = arith.constant 40 : i32
        %add3A_917 = arith.addi %add3A_916, %mul3A_915 : i32
        %add3A_918 = arith.constant 1 : i32
        %add3A_919 = arith.addi %add3A_917, %add3A_918 : i32
        %get3A_920 = arith.index_cast %add3A_919 : i32 to index
        %get3A_921 = arith.index_cast %mul3A_802 : i32 to index
        %get3A_922 = tpu.vector_load %arg11[%get3A_920, %get3A_921] {strides = array<i32>} : memref<80x128xf32, #tpu.memory_space<vmem>>, vector<16xf32>,
        %broadcast_in_dim3A_923 = arith.constant 9 : i32
        %broadcast_in_dim3A_924 = vector.broadcast %broadcast_in_dim3A_923 : i32 to vector<16xi32>
        tpu.vector_store_idx %arg13[%add3A_814, %broadcast_in_dim3A_924], %get3A_922 : memref<640x16xf32, #tpu.memory_space<vmem>>[vector<16xi32>, vector<16xi32>], vector<16xf32>,
        %mul3A_925 = arith.constant 8 : i32
        %mul3A_926 = arith.muli %shift_right_arithmetic3A_798, %mul3A_925 : i32
        %add3A_927 = arith.constant 40 : i32
        %add3A_928 = arith.addi %add3A_927, %mul3A_926 : i32
        %add3A_929 = arith.constant 2 : i32
        %add3A_930 = arith.addi %add3A_928, %add3A_929 : i32
        %get3A_931 = arith.index_cast %add3A_930 : i32 to index
        %get3A_932 = arith.index_cast %mul3A_802 : i32 to index
        %get3A_933 = tpu.vector_load %arg11[%get3A_931, %get3A_932] {strides = array<i32>} : memref<80x128xf32, #tpu.memory_space<vmem>>, vector<16xf32>,
        %broadcast_in_dim3A_934 = arith.constant 10 : i32
        %broadcast_in_dim3A_935 = vector.broadcast %broadcast_in_dim3A_934 : i32 to vector<16xi32>
        tpu.vector_store_idx %arg13[%add3A_814, %broadcast_in_dim3A_935], %get3A_933 : memref<640x16xf32, #tpu.memory_space<vmem>>[vector<16xi32>, vector<16xi32>], vector<16xf32>,
        %mul3A_936 = arith.constant 8 : i32
        %mul3A_937 = arith.muli %shift_right_arithmetic3A_798, %mul3A_936 : i32
        %add3A_938 = arith.constant 40 : i32
        %add3A_939 = arith.addi %add3A_938, %mul3A_937 : i32
        %add3A_940 = arith.constant 3 : i32
        %add3A_941 = arith.addi %add3A_939, %add3A_940 : i32
        %get3A_942 = arith.index_cast %add3A_941 : i32 to index
        %get3A_943 = arith.index_cast %mul3A_802 : i32 to index
        %get3A_944 = tpu.vector_load %arg11[%get3A_942, %get3A_943] {strides = array<i32>} : memref<80x128xf32, #tpu.memory_space<vmem>>, vector<16xf32>,
        %broadcast_in_dim3A_945 = arith.constant 11 : i32
        %broadcast_in_dim3A_946 = vector.broadcast %broadcast_in_dim3A_945 : i32 to vector<16xi32>
        tpu.vector_store_idx %arg13[%add3A_814, %broadcast_in_dim3A_946], %get3A_944 : memref<640x16xf32, #tpu.memory_space<vmem>>[vector<16xi32>, vector<16xi32>], vector<16xf32>,
        %mul3A_947 = arith.constant 8 : i32
        %mul3A_948 = arith.muli %shift_right_arithmetic3A_798, %mul3A_947 : i32
        %add3A_949 = arith.constant 40 : i32
        %add3A_950 = arith.addi %add3A_949, %mul3A_948 : i32
        %add3A_951 = arith.constant 4 : i32
        %add3A_952 = arith.addi %add3A_950, %add3A_951 : i32
        %get3A_953 = arith.index_cast %add3A_952 : i32 to index
        %get3A_954 = arith.index_cast %mul3A_802 : i32 to index
        %get3A_955 = tpu.vector_load %arg11[%get3A_953, %get3A_954] {strides = array<i32>} : memref<80x128xf32, #tpu.memory_space<vmem>>, vector<16xf32>,
        %broadcast_in_dim3A_956 = arith.constant 12 : i32
        %broadcast_in_dim3A_957 = vector.broadcast %broadcast_in_dim3A_956 : i32 to vector<16xi32>
        tpu.vector_store_idx %arg13[%add3A_814, %broadcast_in_dim3A_957], %get3A_955 : memref<640x16xf32, #tpu.memory_space<vmem>>[vector<16xi32>, vector<16xi32>], vector<16xf32>,
        %mul3A_958 = arith.constant 8 : i32
        %mul3A_959 = arith.muli %shift_right_arithmetic3A_798, %mul3A_958 : i32
        %add3A_960 = arith.constant 40 : i32
        %add3A_961 = arith.addi %add3A_960, %mul3A_959 : i32
        %add3A_962 = arith.constant 5 : i32
        %add3A_963 = arith.addi %add3A_961, %add3A_962 : i32
        %get3A_964 = arith.index_cast %add3A_963 : i32 to index
        %get3A_965 = arith.index_cast %mul3A_802 : i32 to index
        %get3A_966 = tpu.vector_load %arg11[%get3A_964, %get3A_965] {strides = array<i32>} : memref<80x128xf32, #tpu.memory_space<vmem>>, vector<16xf32>,
        %broadcast_in_dim3A_967 = arith.constant 13 : i32
        %broadcast_in_dim3A_968 = vector.broadcast %broadcast_in_dim3A_967 : i32 to vector<16xi32>
        tpu.vector_store_idx %arg13[%add3A_814, %broadcast_in_dim3A_968], %get3A_966 : memref<640x16xf32, #tpu.memory_space<vmem>>[vector<16xi32>, vector<16xi32>], vector<16xf32>,
        %mul3A_969 = arith.constant 8 : i32
        %mul3A_970 = arith.muli %shift_right_arithmetic3A_798, %mul3A_969 : i32
        %add3A_971 = arith.constant 40 : i32
        %add3A_972 = arith.addi %add3A_971, %mul3A_970 : i32
        %add3A_973 = arith.constant 6 : i32
        %add3A_974 = arith.addi %add3A_972, %add3A_973 : i32
        %get3A_975 = arith.index_cast %add3A_974 : i32 to index
        %get3A_976 = arith.index_cast %mul3A_802 : i32 to index
        %get3A_977 = tpu.vector_load %arg11[%get3A_975, %get3A_976] {strides = array<i32>} : memref<80x128xf32, #tpu.memory_space<vmem>>, vector<16xf32>,
        %broadcast_in_dim3A_978 = arith.constant 14 : i32
        %broadcast_in_dim3A_979 = vector.broadcast %broadcast_in_dim3A_978 : i32 to vector<16xi32>
        tpu.vector_store_idx %arg13[%add3A_814, %broadcast_in_dim3A_979], %get3A_977 : memref<640x16xf32, #tpu.memory_space<vmem>>[vector<16xi32>, vector<16xi32>], vector<16xf32>,
        %mul3A_980 = arith.constant 8 : i32
        %mul3A_981 = arith.muli %shift_right_arithmetic3A_798, %mul3A_980 : i32
        %add3A_982 = arith.constant 40 : i32
        %add3A_983 = arith.addi %add3A_982, %mul3A_981 : i32
        %add3A_984 = arith.constant 7 : i32
        %add3A_985 = arith.addi %add3A_983, %add3A_984 : i32
        %get3A_986 = arith.index_cast %add3A_985 : i32 to index
        %get3A_987 = arith.index_cast %mul3A_802 : i32 to index
        %get3A_988 = tpu.vector_load %arg11[%get3A_986, %get3A_987] {strides = array<i32>} : memref<80x128xf32, #tpu.memory_space<vmem>>, vector<16xf32>,
        %broadcast_in_dim3A_989 = arith.constant 15 : i32
        %broadcast_in_dim3A_990 = vector.broadcast %broadcast_in_dim3A_989 : i32 to vector<16xi32>
        tpu.vector_store_idx %arg13[%add3A_814, %broadcast_in_dim3A_990], %get3A_988 : memref<640x16xf32, #tpu.memory_space<vmem>>[vector<16xi32>, vector<16xi32>], vector<16xf32>,
        %mul3A_991 = arith.constant 4 : i32
        %mul3A_992 = arith.muli %scan3A_400, %mul3A_991 : i32
        %add3A_993 = arith.constant 3 : i32
        %add3A_994 = arith.addi %mul3A_992, %add3A_993 : i32
        %shift_right_arithmetic3A_995 = arith.constant 3 : i32
        %shift_right_arithmetic3A_996 = arith.shrsi %add3A_994, %shift_right_arithmetic3A_995 : i32
        %and3A_997 = arith.constant 7 : i32
        %and3A_998 = arith.andi %add3A_994, %and3A_997 : i32
        %mul3A_999 = arith.constant 16 : i32
        %mul3A_1000 = arith.muli %and3A_998, %mul3A_999 : i32
        %get3A_1001 = arith.index_cast %shift_right_arithmetic3A_996 : i32 to index
        %get3A_1002 = arith.index_cast %mul3A_1000 : i32 to index
        %get3A_1003 = tpu.vector_load %arg9[%get3A_1001, %get3A_1002] {strides = array<i32>} : memref<5x128xi32, #tpu.memory_space<vmem>>, vector<16xi32>,
        %gather3A_1004 = tpu.vector_load_idx %arg7[%get3A_1003] : memref<50000xi32, #tpu.memory_space<vmem>>[vector<16xi32>], vector<16xi32>,
        %mul3A_1005 = arith.constant 16 : i32
        %mul3A_1006 = arith.muli %add3A_994, %mul3A_1005 : i32
        %swap3A_1007 = arith.index_cast %mul3A_1006 : i32 to index
        %swap3A_1008 = tpu.vector_load %arg15[%swap3A_1007] {strides = array<i32>} : memref<640xi32, #tpu.memory_space<vmem>>, vector<16xi32>,
        tpu.vector_store %arg15[%swap3A_1007], %gather3A_1004 {strides = array<i32>} : memref<640xi32, #tpu.memory_space<vmem>>, vector<16xi32>,
        tpu.vector_store_idx %arg21[%iota3A, %gather3A_1004], %broadcast_in_dim3A_18 {add = true} : memref<16x256xf32, #tpu.memory_space<vmem>>[vector<16xi32>, vector<16xi32>], vector<16xf32>,
        %mul3A_1009 = arith.constant 16 : i32
        %mul3A_1010 = arith.muli %add3A_994, %mul3A_1009 : i32
        %add3A_1011 = vector.broadcast %mul3A_1010 : i32 to vector<16xi32>
        %add3A_1012 = arith.addi %iota3A_65, %add3A_1011 : vector<16xi32>
        %mul3A_1013 = arith.constant 8 : i32
        %mul3A_1014 = arith.muli %shift_right_arithmetic3A_996, %mul3A_1013 : i32
        %add3A_1015 = arith.constant 0 : i32
        %add3A_1016 = arith.addi %add3A_1015, %mul3A_1014 : i32
        %add3A_1017 = arith.constant 0 : i32
        %add3A_1018 = arith.addi %add3A_1016, %add3A_1017 : i32
        %get3A_1019 = arith.index_cast %add3A_1018 : i32 to index
        %get3A_1020 = arith.index_cast %mul3A_1000 : i32 to index
        %get3A_1021 = tpu.vector_load %arg11[%get3A_1019, %get3A_1020] {strides = array<i32>} : memref<80x128xf32, #tpu.memory_space<vmem>>, vector<16xf32>,
        %broadcast_in_dim3A_1022 = arith.constant 0 : i32
        %broadcast_in_dim3A_1023 = vector.broadcast %broadcast_in_dim3A_1022 : i32 to vector<16xi32>
        tpu.vector_store_idx %arg13[%add3A_1012, %broadcast_in_dim3A_1023], %get3A_1021 : memref<640x16xf32, #tpu.memory_space<vmem>>[vector<16xi32>, vector<16xi32>], vector<16xf32>,
        %mul3A_1024 = arith.constant 8 : i32
        %mul3A_1025 = arith.muli %shift_right_arithmetic3A_996, %mul3A_1024 : i32
        %add3A_1026 = arith.constant 0 : i32
        %add3A_1027 = arith.addi %add3A_1026, %mul3A_1025 : i32
        %add3A_1028 = arith.constant 1 : i32
        %add3A_1029 = arith.addi %add3A_1027, %add3A_1028 : i32
        %get3A_1030 = arith.index_cast %add3A_1029 : i32 to index
        %get3A_1031 = arith.index_cast %mul3A_1000 : i32 to index
        %get3A_1032 = tpu.vector_load %arg11[%get3A_1030, %get3A_1031] {strides = array<i32>} : memref<80x128xf32, #tpu.memory_space<vmem>>, vector<16xf32>,
        %broadcast_in_dim3A_1033 = arith.constant 1 : i32
        %broadcast_in_dim3A_1034 = vector.broadcast %broadcast_in_dim3A_1033 : i32 to vector<16xi32>
        tpu.vector_store_idx %arg13[%add3A_1012, %broadcast_in_dim3A_1034], %get3A_1032 : memref<640x16xf32, #tpu.memory_space<vmem>>[vector<16xi32>, vector<16xi32>], vector<16xf32>,
        %mul3A_1035 = arith.constant 8 : i32
        %mul3A_1036 = arith.muli %shift_right_arithmetic3A_996, %mul3A_1035 : i32
        %add3A_1037 = arith.constant 0 : i32
        %add3A_1038 = arith.addi %add3A_1037, %mul3A_1036 : i32
        %add3A_1039 = arith.constant 2 : i32
        %add3A_1040 = arith.addi %add3A_1038, %add3A_1039 : i32
        %get3A_1041 = arith.index_cast %add3A_1040 : i32 to index
        %get3A_1042 = arith.index_cast %mul3A_1000 : i32 to index
        %get3A_1043 = tpu.vector_load %arg11[%get3A_1041, %get3A_1042] {strides = array<i32>} : memref<80x128xf32, #tpu.memory_space<vmem>>, vector<16xf32>,
        %broadcast_in_dim3A_1044 = arith.constant 2 : i32
        %broadcast_in_dim3A_1045 = vector.broadcast %broadcast_in_dim3A_1044 : i32 to vector<16xi32>
        tpu.vector_store_idx %arg13[%add3A_1012, %broadcast_in_dim3A_1045], %get3A_1043 : memref<640x16xf32, #tpu.memory_space<vmem>>[vector<16xi32>, vector<16xi32>], vector<16xf32>,
        %mul3A_1046 = arith.constant 8 : i32
        %mul3A_1047 = arith.muli %shift_right_arithmetic3A_996, %mul3A_1046 : i32
        %add3A_1048 = arith.constant 0 : i32
        %add3A_1049 = arith.addi %add3A_1048, %mul3A_1047 : i32
        %add3A_1050 = arith.constant 3 : i32
        %add3A_1051 = arith.addi %add3A_1049, %add3A_1050 : i32
        %get3A_1052 = arith.index_cast %add3A_1051 : i32 to index
        %get3A_1053 = arith.index_cast %mul3A_1000 : i32 to index
        %get3A_1054 = tpu.vector_load %arg11[%get3A_1052, %get3A_1053] {strides = array<i32>} : memref<80x128xf32, #tpu.memory_space<vmem>>, vector<16xf32>,
        %broadcast_in_dim3A_1055 = arith.constant 3 : i32
        %broadcast_in_dim3A_1056 = vector.broadcast %broadcast_in_dim3A_1055 : i32 to vector<16xi32>
        tpu.vector_store_idx %arg13[%add3A_1012, %broadcast_in_dim3A_1056], %get3A_1054 : memref<640x16xf32, #tpu.memory_space<vmem>>[vector<16xi32>, vector<16xi32>], vector<16xf32>,
        %mul3A_1057 = arith.constant 8 : i32
        %mul3A_1058 = arith.muli %shift_right_arithmetic3A_996, %mul3A_1057 : i32
        %add3A_1059 = arith.constant 0 : i32
        %add3A_1060 = arith.addi %add3A_1059, %mul3A_1058 : i32
        %add3A_1061 = arith.constant 4 : i32
        %add3A_1062 = arith.addi %add3A_1060, %add3A_1061 : i32
        %get3A_1063 = arith.index_cast %add3A_1062 : i32 to index
        %get3A_1064 = arith.index_cast %mul3A_1000 : i32 to index
        %get3A_1065 = tpu.vector_load %arg11[%get3A_1063, %get3A_1064] {strides = array<i32>} : memref<80x128xf32, #tpu.memory_space<vmem>>, vector<16xf32>,
        %broadcast_in_dim3A_1066 = arith.constant 4 : i32
        %broadcast_in_dim3A_1067 = vector.broadcast %broadcast_in_dim3A_1066 : i32 to vector<16xi32>
        tpu.vector_store_idx %arg13[%add3A_1012, %broadcast_in_dim3A_1067], %get3A_1065 : memref<640x16xf32, #tpu.memory_space<vmem>>[vector<16xi32>, vector<16xi32>], vector<16xf32>,
        %mul3A_1068 = arith.constant 8 : i32
        %mul3A_1069 = arith.muli %shift_right_arithmetic3A_996, %mul3A_1068 : i32
        %add3A_1070 = arith.constant 0 : i32
        %add3A_1071 = arith.addi %add3A_1070, %mul3A_1069 : i32
        %add3A_1072 = arith.constant 5 : i32
        %add3A_1073 = arith.addi %add3A_1071, %add3A_1072 : i32
        %get3A_1074 = arith.index_cast %add3A_1073 : i32 to index
        %get3A_1075 = arith.index_cast %mul3A_1000 : i32 to index
        %get3A_1076 = tpu.vector_load %arg11[%get3A_1074, %get3A_1075] {strides = array<i32>} : memref<80x128xf32, #tpu.memory_space<vmem>>, vector<16xf32>,
        %broadcast_in_dim3A_1077 = arith.constant 5 : i32
        %broadcast_in_dim3A_1078 = vector.broadcast %broadcast_in_dim3A_1077 : i32 to vector<16xi32>
        tpu.vector_store_idx %arg13[%add3A_1012, %broadcast_in_dim3A_1078], %get3A_1076 : memref<640x16xf32, #tpu.memory_space<vmem>>[vector<16xi32>, vector<16xi32>], vector<16xf32>,
        %mul3A_1079 = arith.constant 8 : i32
        %mul3A_1080 = arith.muli %shift_right_arithmetic3A_996, %mul3A_1079 : i32
        %add3A_1081 = arith.constant 0 : i32
        %add3A_1082 = arith.addi %add3A_1081, %mul3A_1080 : i32
        %add3A_1083 = arith.constant 6 : i32
        %add3A_1084 = arith.addi %add3A_1082, %add3A_1083 : i32
        %get3A_1085 = arith.index_cast %add3A_1084 : i32 to index
        %get3A_1086 = arith.index_cast %mul3A_1000 : i32 to index
        %get3A_1087 = tpu.vector_load %arg11[%get3A_1085, %get3A_1086] {strides = array<i32>} : memref<80x128xf32, #tpu.memory_space<vmem>>, vector<16xf32>,
        %broadcast_in_dim3A_1088 = arith.constant 6 : i32
        %broadcast_in_dim3A_1089 = vector.broadcast %broadcast_in_dim3A_1088 : i32 to vector<16xi32>
        tpu.vector_store_idx %arg13[%add3A_1012, %broadcast_in_dim3A_1089], %get3A_1087 : memref<640x16xf32, #tpu.memory_space<vmem>>[vector<16xi32>, vector<16xi32>], vector<16xf32>,
        %mul3A_1090 = arith.constant 8 : i32
        %mul3A_1091 = arith.muli %shift_right_arithmetic3A_996, %mul3A_1090 : i32
        %add3A_1092 = arith.constant 0 : i32
        %add3A_1093 = arith.addi %add3A_1092, %mul3A_1091 : i32
        %add3A_1094 = arith.constant 7 : i32
        %add3A_1095 = arith.addi %add3A_1093, %add3A_1094 : i32
        %get3A_1096 = arith.index_cast %add3A_1095 : i32 to index
        %get3A_1097 = arith.index_cast %mul3A_1000 : i32 to index
        %get3A_1098 = tpu.vector_load %arg11[%get3A_1096, %get3A_1097] {strides = array<i32>} : memref<80x128xf32, #tpu.memory_space<vmem>>, vector<16xf32>,
        %broadcast_in_dim3A_1099 = arith.constant 7 : i32
        %broadcast_in_dim3A_1100 = vector.broadcast %broadcast_in_dim3A_1099 : i32 to vector<16xi32>
        tpu.vector_store_idx %arg13[%add3A_1012, %broadcast_in_dim3A_1100], %get3A_1098 : memref<640x16xf32, #tpu.memory_space<vmem>>[vector<16xi32>, vector<16xi32>], vector<16xf32>,
        %mul3A_1101 = arith.constant 8 : i32
        %mul3A_1102 = arith.muli %shift_right_arithmetic3A_996, %mul3A_1101 : i32
        %add3A_1103 = arith.constant 40 : i32
        %add3A_1104 = arith.addi %add3A_1103, %mul3A_1102 : i32
        %add3A_1105 = arith.constant 0 : i32
        %add3A_1106 = arith.addi %add3A_1104, %add3A_1105 : i32
        %get3A_1107 = arith.index_cast %add3A_1106 : i32 to index
        %get3A_1108 = arith.index_cast %mul3A_1000 : i32 to index
        %get3A_1109 = tpu.vector_load %arg11[%get3A_1107, %get3A_1108] {strides = array<i32>} : memref<80x128xf32, #tpu.memory_space<vmem>>, vector<16xf32>,
        %broadcast_in_dim3A_1110 = arith.constant 8 : i32
        %broadcast_in_dim3A_1111 = vector.broadcast %broadcast_in_dim3A_1110 : i32 to vector<16xi32>
        tpu.vector_store_idx %arg13[%add3A_1012, %broadcast_in_dim3A_1111], %get3A_1109 : memref<640x16xf32, #tpu.memory_space<vmem>>[vector<16xi32>, vector<16xi32>], vector<16xf32>,
        %mul3A_1112 = arith.constant 8 : i32
        %mul3A_1113 = arith.muli %shift_right_arithmetic3A_996, %mul3A_1112 : i32
        %add3A_1114 = arith.constant 40 : i32
        %add3A_1115 = arith.addi %add3A_1114, %mul3A_1113 : i32
        %add3A_1116 = arith.constant 1 : i32
        %add3A_1117 = arith.addi %add3A_1115, %add3A_1116 : i32
        %get3A_1118 = arith.index_cast %add3A_1117 : i32 to index
        %get3A_1119 = arith.index_cast %mul3A_1000 : i32 to index
        %get3A_1120 = tpu.vector_load %arg11[%get3A_1118, %get3A_1119] {strides = array<i32>} : memref<80x128xf32, #tpu.memory_space<vmem>>, vector<16xf32>,
        %broadcast_in_dim3A_1121 = arith.constant 9 : i32
        %broadcast_in_dim3A_1122 = vector.broadcast %broadcast_in_dim3A_1121 : i32 to vector<16xi32>
        tpu.vector_store_idx %arg13[%add3A_1012, %broadcast_in_dim3A_1122], %get3A_1120 : memref<640x16xf32, #tpu.memory_space<vmem>>[vector<16xi32>, vector<16xi32>], vector<16xf32>,
        %mul3A_1123 = arith.constant 8 : i32
        %mul3A_1124 = arith.muli %shift_right_arithmetic3A_996, %mul3A_1123 : i32
        %add3A_1125 = arith.constant 40 : i32
        %add3A_1126 = arith.addi %add3A_1125, %mul3A_1124 : i32
        %add3A_1127 = arith.constant 2 : i32
        %add3A_1128 = arith.addi %add3A_1126, %add3A_1127 : i32
        %get3A_1129 = arith.index_cast %add3A_1128 : i32 to index
        %get3A_1130 = arith.index_cast %mul3A_1000 : i32 to index
        %get3A_1131 = tpu.vector_load %arg11[%get3A_1129, %get3A_1130] {strides = array<i32>} : memref<80x128xf32, #tpu.memory_space<vmem>>, vector<16xf32>,
        %broadcast_in_dim3A_1132 = arith.constant 10 : i32
        %broadcast_in_dim3A_1133 = vector.broadcast %broadcast_in_dim3A_1132 : i32 to vector<16xi32>
        tpu.vector_store_idx %arg13[%add3A_1012, %broadcast_in_dim3A_1133], %get3A_1131 : memref<640x16xf32, #tpu.memory_space<vmem>>[vector<16xi32>, vector<16xi32>], vector<16xf32>,
        %mul3A_1134 = arith.constant 8 : i32
        %mul3A_1135 = arith.muli %shift_right_arithmetic3A_996, %mul3A_1134 : i32
        %add3A_1136 = arith.constant 40 : i32
        %add3A_1137 = arith.addi %add3A_1136, %mul3A_1135 : i32
        %add3A_1138 = arith.constant 3 : i32
        %add3A_1139 = arith.addi %add3A_1137, %add3A_1138 : i32
        %get3A_1140 = arith.index_cast %add3A_1139 : i32 to index
        %get3A_1141 = arith.index_cast %mul3A_1000 : i32 to index
        %get3A_1142 = tpu.vector_load %arg11[%get3A_1140, %get3A_1141] {strides = array<i32>} : memref<80x128xf32, #tpu.memory_space<vmem>>, vector<16xf32>,
        %broadcast_in_dim3A_1143 = arith.constant 11 : i32
        %broadcast_in_dim3A_1144 = vector.broadcast %broadcast_in_dim3A_1143 : i32 to vector<16xi32>
        tpu.vector_store_idx %arg13[%add3A_1012, %broadcast_in_dim3A_1144], %get3A_1142 : memref<640x16xf32, #tpu.memory_space<vmem>>[vector<16xi32>, vector<16xi32>], vector<16xf32>,
        %mul3A_1145 = arith.constant 8 : i32
        %mul3A_1146 = arith.muli %shift_right_arithmetic3A_996, %mul3A_1145 : i32
        %add3A_1147 = arith.constant 40 : i32
        %add3A_1148 = arith.addi %add3A_1147, %mul3A_1146 : i32
        %add3A_1149 = arith.constant 4 : i32
        %add3A_1150 = arith.addi %add3A_1148, %add3A_1149 : i32
        %get3A_1151 = arith.index_cast %add3A_1150 : i32 to index
        %get3A_1152 = arith.index_cast %mul3A_1000 : i32 to index
        %get3A_1153 = tpu.vector_load %arg11[%get3A_1151, %get3A_1152] {strides = array<i32>} : memref<80x128xf32, #tpu.memory_space<vmem>>, vector<16xf32>,
        %broadcast_in_dim3A_1154 = arith.constant 12 : i32
        %broadcast_in_dim3A_1155 = vector.broadcast %broadcast_in_dim3A_1154 : i32 to vector<16xi32>
        tpu.vector_store_idx %arg13[%add3A_1012, %broadcast_in_dim3A_1155], %get3A_1153 : memref<640x16xf32, #tpu.memory_space<vmem>>[vector<16xi32>, vector<16xi32>], vector<16xf32>,
        %mul3A_1156 = arith.constant 8 : i32
        %mul3A_1157 = arith.muli %shift_right_arithmetic3A_996, %mul3A_1156 : i32
        %add3A_1158 = arith.constant 40 : i32
        %add3A_1159 = arith.addi %add3A_1158, %mul3A_1157 : i32
        %add3A_1160 = arith.constant 5 : i32
        %add3A_1161 = arith.addi %add3A_1159, %add3A_1160 : i32
        %get3A_1162 = arith.index_cast %add3A_1161 : i32 to index
        %get3A_1163 = arith.index_cast %mul3A_1000 : i32 to index
        %get3A_1164 = tpu.vector_load %arg11[%get3A_1162, %get3A_1163] {strides = array<i32>} : memref<80x128xf32, #tpu.memory_space<vmem>>, vector<16xf32>,
        %broadcast_in_dim3A_1165 = arith.constant 13 : i32
        %broadcast_in_dim3A_1166 = vector.broadcast %broadcast_in_dim3A_1165 : i32 to vector<16xi32>
        tpu.vector_store_idx %arg13[%add3A_1012, %broadcast_in_dim3A_1166], %get3A_1164 : memref<640x16xf32, #tpu.memory_space<vmem>>[vector<16xi32>, vector<16xi32>], vector<16xf32>,
        %mul3A_1167 = arith.constant 8 : i32
        %mul3A_1168 = arith.muli %shift_right_arithmetic3A_996, %mul3A_1167 : i32
        %add3A_1169 = arith.constant 40 : i32
        %add3A_1170 = arith.addi %add3A_1169, %mul3A_1168 : i32
        %add3A_1171 = arith.constant 6 : i32
        %add3A_1172 = arith.addi %add3A_1170, %add3A_1171 : i32
        %get3A_1173 = arith.index_cast %add3A_1172 : i32 to index
        %get3A_1174 = arith.index_cast %mul3A_1000 : i32 to index
        %get3A_1175 = tpu.vector_load %arg11[%get3A_1173, %get3A_1174] {strides = array<i32>} : memref<80x128xf32, #tpu.memory_space<vmem>>, vector<16xf32>,
        %broadcast_in_dim3A_1176 = arith.constant 14 : i32
        %broadcast_in_dim3A_1177 = vector.broadcast %broadcast_in_dim3A_1176 : i32 to vector<16xi32>
        tpu.vector_store_idx %arg13[%add3A_1012, %broadcast_in_dim3A_1177], %get3A_1175 : memref<640x16xf32, #tpu.memory_space<vmem>>[vector<16xi32>, vector<16xi32>], vector<16xf32>,
        %mul3A_1178 = arith.constant 8 : i32
        %mul3A_1179 = arith.muli %shift_right_arithmetic3A_996, %mul3A_1178 : i32
        %add3A_1180 = arith.constant 40 : i32
        %add3A_1181 = arith.addi %add3A_1180, %mul3A_1179 : i32
        %add3A_1182 = arith.constant 7 : i32
        %add3A_1183 = arith.addi %add3A_1181, %add3A_1182 : i32
        %get3A_1184 = arith.index_cast %add3A_1183 : i32 to index
        %get3A_1185 = arith.index_cast %mul3A_1000 : i32 to index
        %get3A_1186 = tpu.vector_load %arg11[%get3A_1184, %get3A_1185] {strides = array<i32>} : memref<80x128xf32, #tpu.memory_space<vmem>>, vector<16xf32>,
        %broadcast_in_dim3A_1187 = arith.constant 15 : i32
        %broadcast_in_dim3A_1188 = vector.broadcast %broadcast_in_dim3A_1187 : i32 to vector<16xi32>
        tpu.vector_store_idx %arg13[%add3A_1012, %broadcast_in_dim3A_1188], %get3A_1186 : memref<640x16xf32, #tpu.memory_space<vmem>>[vector<16xi32>, vector<16xi32>], vector<16xf32>,
      }
      %scan3A_350 = arith.constant 10 : i32
      %dma_start3A_351 = arith.constant 0 : i32
      %dma_start3A_352 = arith.constant 0 : i32
      %dma_start3A_353 = tpu.memref_slice %arg20[%dma_start3A_351, %dma_start3A_352] : memref<256x16xf32, #tpu.memory_space<vmem_shared>> -> memref<256x16xf32, #tpu.memory_space<vmem_shared>>
      tpu.enqueue_indirect_dma source(%arg13 : memref<640x16xf32, #tpu.memory_space<vmem>>) target(%dma_start3A_353 : memref<256x16xf32, #tpu.memory_space<vmem_shared>>) offsets(%arg15 : memref<640xi32, #tpu.memory_space<vmem>>) semaphore(%arg25 : memref<!tpu.dma_semaphore, #tpu.memory_space<semaphore_mem>>) {add = true}
      %add3A_354 = arith.constant 2 : i32
      %add3A_355 = arith.addi %add3A_311, %add3A_354 : i32
      %mul3A_356 = arith.constant 5 : i32
      %mul3A_357 = arith.muli %add3A_355, %mul3A_356 : i32
      %add3A_358 = arith.addi %mul3A_64, %mul3A_357 : i32
      %dma_start3A_359 = arith.constant 0 : i32
      %dma_start3A_360 = arith.constant 0 : i32
      %dma_start3A_361 = tpu.memref_slice %arg2[%add3A_358, %dma_start3A_359, %dma_start3A_360] : memref<12500x2x128xi32, #tpu.memory_space<hbm>> -> memref<5x1x128xi32, #tpu.memory_space<hbm>>
      %dma_start3A_362 = tpu.memref_squeeze %dma_start3A_361 : memref<5x1x128xi32, #tpu.memory_space<hbm>> -> memref<5x128xi32, #tpu.memory_space<hbm>>
      %dma_start3A_363 = arith.constant 0 : i32
      %dma_start3A_364 = tpu.memref_slice %arg2[%add3A_358, %dma_start3A_359, %dma_start3A_363] : memref<12500x2x128xi32, #tpu.memory_space<hbm>> -> memref<5x1x128xi32, #tpu.memory_space<hbm>>
      %dma_start3A_365 = tpu.memref_squeeze %dma_start3A_364 : memref<5x1x128xi32, #tpu.memory_space<hbm>> -> memref<5x128xi32, #tpu.memory_space<hbm>>
      tpu.enqueue_dma source(%dma_start3A_365 : memref<5x128xi32, #tpu.memory_space<hbm>>) target(%arg9 : memref<5x128xi32, #tpu.memory_space<vmem>>) target_semaphore(%arg23 : memref<!tpu.dma_semaphore, #tpu.memory_space<semaphore_mem>>)
      %mul3A_366 = arith.constant 8 : i32
      %mul3A_367 = arith.muli %add3A_358, %mul3A_366 : i32
      %add3A_368 = arith.constant 0 : i32
      %add3A_369 = arith.addi %add3A_368, %mul3A_367 : i32
      %dma_start3A_370 = arith.constant 0 : i32
      %dma_start3A_371 = arith.constant 0 : i32
      %dma_start3A_372 = tpu.memref_slice %arg11[%dma_start3A_370, %dma_start3A_371] : memref<80x128xf32, #tpu.memory_space<vmem>> -> memref<40x128xf32, #tpu.memory_space<vmem>>
      %dma_start3A_373 = arith.constant 0 : i32
      %dma_start3A_374 = tpu.memref_slice %arg3[%add3A_369, %dma_start3A_373] : memref<200000x128xf32, #tpu.memory_space<hbm>> -> memref<40x128xf32, #tpu.memory_space<hbm>>
      %dma_start3A_375 = arith.constant 0 : i32
      %dma_start3A_376 = arith.constant 0 : i32
      %dma_start3A_377 = tpu.memref_slice %arg11[%dma_start3A_375, %dma_start3A_376] : memref<80x128xf32, #tpu.memory_space<vmem>> -> memref<40x128xf32, #tpu.memory_space<vmem>>
      %dma_start3A_378 = arith.constant 0 : i32
      %dma_start3A_379 = tpu.memref_slice %arg3[%add3A_369, %dma_start3A_378] : memref<200000x128xf32, #tpu.memory_space<hbm>> -> memref<40x128xf32, #tpu.memory_space<hbm>>
      tpu.enqueue_dma source(%dma_start3A_379 : memref<40x128xf32, #tpu.memory_space<hbm>>) target(%dma_start3A_377 : memref<40x128xf32, #tpu.memory_space<vmem>>) target_semaphore(%arg23 : memref<!tpu.dma_semaphore, #tpu.memory_space<semaphore_mem>>)
      %mul3A_380 = arith.constant 8 : i32
      %mul3A_381 = arith.muli %add3A_358, %mul3A_380 : i32
      %add3A_382 = arith.constant 100000 : i32
      %add3A_383 = arith.addi %add3A_382, %mul3A_381 : i32
      %dma_start3A_384 = arith.constant 40 : i32
      %dma_start3A_385 = arith.constant 0 : i32
      %dma_start3A_386 = tpu.memref_slice %arg11[%dma_start3A_384, %dma_start3A_385] : memref<80x128xf32, #tpu.memory_space<vmem>> -> memref<40x128xf32, #tpu.memory_space<vmem>>
      %dma_start3A_387 = arith.constant 0 : i32
      %dma_start3A_388 = tpu.memref_slice %arg3[%add3A_383, %dma_start3A_387] : memref<200000x128xf32, #tpu.memory_space<hbm>> -> memref<40x128xf32, #tpu.memory_space<hbm>>
      %dma_start3A_389 = arith.constant 40 : i32
      %dma_start3A_390 = arith.constant 0 : i32
      %dma_start3A_391 = tpu.memref_slice %arg11[%dma_start3A_389, %dma_start3A_390] : memref<80x128xf32, #tpu.memory_space<vmem>> -> memref<40x128xf32, #tpu.memory_space<vmem>>
      %dma_start3A_392 = arith.constant 0 : i32
      %dma_start3A_393 = tpu.memref_slice %arg3[%add3A_383, %dma_start3A_392] : memref<200000x128xf32, #tpu.memory_space<hbm>> -> memref<40x128xf32, #tpu.memory_space<hbm>>
      tpu.enqueue_dma source(%dma_start3A_393 : memref<40x128xf32, #tpu.memory_space<hbm>>) target(%dma_start3A_391 : memref<40x128xf32, #tpu.memory_space<vmem>>) target_semaphore(%arg23 : memref<!tpu.dma_semaphore, #tpu.memory_space<semaphore_mem>>)
      %dma_wait3A_394 = arith.constant 0 : i32
      %dma_wait3A_395 = arith.constant 0 : i32
      %dma_wait3A_396 = tpu.memref_slice %arg20[%dma_wait3A_394, %dma_wait3A_395] : memref<256x16xf32, #tpu.memory_space<vmem_shared>> -> memref<256x16xf32, #tpu.memory_space<vmem_shared>>
      tpu.wait_indirect_dma semaphore(%arg24 : memref<!tpu.dma_semaphore, #tpu.memory_space<semaphore_mem>>) src(%arg12 : memref<640x16xf32, #tpu.memory_space<vmem>>) dst(%dma_wait3A_396 : memref<256x16xf32, #tpu.memory_space<vmem_shared>>)
      %dma_wait3A_397 = arith.constant 0 : i32
      %dma_wait3A_398 = arith.constant 0 : i32
      %dma_wait3A_399 = tpu.memref_slice %arg20[%dma_wait3A_397, %dma_wait3A_398] : memref<256x16xf32, #tpu.memory_space<vmem_shared>> -> memref<256x16xf32, #tpu.memory_space<vmem_shared>>
      tpu.wait_indirect_dma semaphore(%arg25 : memref<!tpu.dma_semaphore, #tpu.memory_space<semaphore_mem>>) src(%arg13 : memref<640x16xf32, #tpu.memory_space<vmem>>) dst(%dma_wait3A_399 : memref<256x16xf32, #tpu.memory_space<vmem_shared>>)
    }
    %scan3A_144 = arith.constant 39 : i32
    %dma_wait3A = arith.constant 0 : i32
    %dma_wait3A_145 = arith.constant 0 : i32
    %dma_wait3A_146 = arith.constant 0 : i32
    %dma_wait3A_147 = tpu.memref_slice %arg2[%dma_wait3A_145, %dma_wait3A, %dma_wait3A_146] : memref<12500x2x128xi32, #tpu.memory_space<hbm>> -> memref<5x1x128xi32, #tpu.memory_space<hbm>>
    %dma_wait3A_148 = tpu.memref_squeeze %dma_wait3A_147 : memref<5x1x128xi32, #tpu.memory_space<hbm>> -> memref<5x128xi32, #tpu.memory_space<hbm>>
    %dma_wait3A_149 = arith.constant 0 : i32
    %dma_wait3A_150 = arith.constant 0 : i32
    %dma_wait3A_151 = tpu.memref_slice %arg2[%dma_wait3A_149, %dma_wait3A, %dma_wait3A_150] : memref<12500x2x128xi32, #tpu.memory_space<hbm>> -> memref<5x1x128xi32, #tpu.memory_space<hbm>>
    %dma_wait3A_152 = tpu.memref_squeeze %dma_wait3A_151 : memref<5x1x128xi32, #tpu.memory_space<hbm>> -> memref<5x128xi32, #tpu.memory_space<hbm>>
    tpu.wait_dma2 semaphore(%arg22 : memref<!tpu.dma_semaphore, #tpu.memory_space<semaphore_mem>>) src(%dma_wait3A_152 : memref<5x128xi32, #tpu.memory_space<hbm>>) dst(%arg8 : memref<5x128xi32, #tpu.memory_space<vmem>>)
    %dma_wait3A_153 = arith.constant 0 : i32
    %dma_wait3A_154 = arith.constant 0 : i32
    %dma_wait3A_155 = tpu.memref_slice %arg10[%dma_wait3A_153, %dma_wait3A_154] : memref<80x128xf32, #tpu.memory_space<vmem>> -> memref<40x128xf32, #tpu.memory_space<vmem>>
    %dma_wait3A_156 = arith.constant 0 : i32
    %dma_wait3A_157 = arith.constant 0 : i32
    %dma_wait3A_158 = tpu.memref_slice %arg3[%dma_wait3A_156, %dma_wait3A_157] : memref<200000x128xf32, #tpu.memory_space<hbm>> -> memref<40x128xf32, #tpu.memory_space<hbm>>
    %dma_wait3A_159 = arith.constant 0 : i32
    %dma_wait3A_160 = arith.constant 0 : i32
    %dma_wait3A_161 = tpu.memref_slice %arg10[%dma_wait3A_159, %dma_wait3A_160] : memref<80x128xf32, #tpu.memory_space<vmem>> -> memref<40x128xf32, #tpu.memory_space<vmem>>
    %dma_wait3A_162 = arith.constant 0 : i32
    %dma_wait3A_163 = arith.constant 0 : i32
    %dma_wait3A_164 = tpu.memref_slice %arg3[%dma_wait3A_162, %dma_wait3A_163] : memref<200000x128xf32, #tpu.memory_space<hbm>> -> memref<40x128xf32, #tpu.memory_space<hbm>>
    tpu.wait_dma2 semaphore(%arg22 : memref<!tpu.dma_semaphore, #tpu.memory_space<semaphore_mem>>) src(%dma_wait3A_164 : memref<40x128xf32, #tpu.memory_space<hbm>>) dst(%dma_wait3A_161 : memref<40x128xf32, #tpu.memory_space<vmem>>)
    %dma_wait3A_165 = arith.constant 40 : i32
    %dma_wait3A_166 = arith.constant 0 : i32
    %dma_wait3A_167 = tpu.memref_slice %arg10[%dma_wait3A_165, %dma_wait3A_166] : memref<80x128xf32, #tpu.memory_space<vmem>> -> memref<40x128xf32, #tpu.memory_space<vmem>>
    %dma_wait3A_168 = arith.constant 0 : i32
    %dma_wait3A_169 = arith.constant 0 : i32
    %dma_wait3A_170 = tpu.memref_slice %arg3[%dma_wait3A_168, %dma_wait3A_169] : memref<200000x128xf32, #tpu.memory_space<hbm>> -> memref<40x128xf32, #tpu.memory_space<hbm>>
    %dma_wait3A_171 = arith.constant 40 : i32
    %dma_wait3A_172 = arith.constant 0 : i32
    %dma_wait3A_173 = tpu.memref_slice %arg10[%dma_wait3A_171, %dma_wait3A_172] : memref<80x128xf32, #tpu.memory_space<vmem>> -> memref<40x128xf32, #tpu.memory_space<vmem>>
    %dma_wait3A_174 = arith.constant 0 : i32
    %dma_wait3A_175 = arith.constant 0 : i32
    %dma_wait3A_176 = tpu.memref_slice %arg3[%dma_wait3A_174, %dma_wait3A_175] : memref<200000x128xf32, #tpu.memory_space<hbm>> -> memref<40x128xf32, #tpu.memory_space<hbm>>
    tpu.wait_dma2 semaphore(%arg22 : memref<!tpu.dma_semaphore, #tpu.memory_space<semaphore_mem>>) src(%dma_wait3A_176 : memref<40x128xf32, #tpu.memory_space<hbm>>) dst(%dma_wait3A_173 : memref<40x128xf32, #tpu.memory_space<vmem>>)
    %dma_wait3A_177 = arith.constant 0 : i32
    %dma_wait3A_178 = arith.constant 0 : i32
    %dma_wait3A_179 = arith.constant 0 : i32
    %dma_wait3A_180 = tpu.memref_slice %arg2[%dma_wait3A_178, %dma_wait3A_177, %dma_wait3A_179] : memref<12500x2x128xi32, #tpu.memory_space<hbm>> -> memref<5x1x128xi32, #tpu.memory_space<hbm>>
    %dma_wait3A_181 = tpu.memref_squeeze %dma_wait3A_180 : memref<5x1x128xi32, #tpu.memory_space<hbm>> -> memref<5x128xi32, #tpu.memory_space<hbm>>
    %dma_wait3A_182 = arith.constant 0 : i32
    %dma_wait3A_183 = arith.constant 0 : i32
    %dma_wait3A_184 = tpu.memref_slice %arg2[%dma_wait3A_182, %dma_wait3A_177, %dma_wait3A_183] : memref<12500x2x128xi32, #tpu.memory_space<hbm>> -> memref<5x1x128xi32, #tpu.memory_space<hbm>>
    %dma_wait3A_185 = tpu.memref_squeeze %dma_wait3A_184 : memref<5x1x128xi32, #tpu.memory_space<hbm>> -> memref<5x128xi32, #tpu.memory_space<hbm>>
    tpu.wait_dma2 semaphore(%arg23 : memref<!tpu.dma_semaphore, #tpu.memory_space<semaphore_mem>>) src(%dma_wait3A_185 : memref<5x128xi32, #tpu.memory_space<hbm>>) dst(%arg9 : memref<5x128xi32, #tpu.memory_space<vmem>>)
    %dma_wait3A_186 = arith.constant 0 : i32
    %dma_wait3A_187 = arith.constant 0 : i32
    %dma_wait3A_188 = tpu.memref_slice %arg11[%dma_wait3A_186, %dma_wait3A_187] : memref<80x128xf32, #tpu.memory_space<vmem>> -> memref<40x128xf32, #tpu.memory_space<vmem>>
    %dma_wait3A_189 = arith.constant 0 : i32
    %dma_wait3A_190 = arith.constant 0 : i32
    %dma_wait3A_191 = tpu.memref_slice %arg3[%dma_wait3A_189, %dma_wait3A_190] : memref<200000x128xf32, #tpu.memory_space<hbm>> -> memref<40x128xf32, #tpu.memory_space<hbm>>
    %dma_wait3A_192 = arith.constant 0 : i32
    %dma_wait3A_193 = arith.constant 0 : i32
    %dma_wait3A_194 = tpu.memref_slice %arg11[%dma_wait3A_192, %dma_wait3A_193] : memref<80x128xf32, #tpu.memory_space<vmem>> -> memref<40x128xf32, #tpu.memory_space<vmem>>
    %dma_wait3A_195 = arith.constant 0 : i32
    %dma_wait3A_196 = arith.constant 0 : i32
    %dma_wait3A_197 = tpu.memref_slice %arg3[%dma_wait3A_195, %dma_wait3A_196] : memref<200000x128xf32, #tpu.memory_space<hbm>> -> memref<40x128xf32, #tpu.memory_space<hbm>>
    tpu.wait_dma2 semaphore(%arg23 : memref<!tpu.dma_semaphore, #tpu.memory_space<semaphore_mem>>) src(%dma_wait3A_197 : memref<40x128xf32, #tpu.memory_space<hbm>>) dst(%dma_wait3A_194 : memref<40x128xf32, #tpu.memory_space<vmem>>)
    %dma_wait3A_198 = arith.constant 40 : i32
    %dma_wait3A_199 = arith.constant 0 : i32
    %dma_wait3A_200 = tpu.memref_slice %arg11[%dma_wait3A_198, %dma_wait3A_199] : memref<80x128xf32, #tpu.memory_space<vmem>> -> memref<40x128xf32, #tpu.memory_space<vmem>>
    %dma_wait3A_201 = arith.constant 0 : i32
    %dma_wait3A_202 = arith.constant 0 : i32
    %dma_wait3A_203 = tpu.memref_slice %arg3[%dma_wait3A_201, %dma_wait3A_202] : memref<200000x128xf32, #tpu.memory_space<hbm>> -> memref<40x128xf32, #tpu.memory_space<hbm>>
    %dma_wait3A_204 = arith.constant 40 : i32
    %dma_wait3A_205 = arith.constant 0 : i32
    %dma_wait3A_206 = tpu.memref_slice %arg11[%dma_wait3A_204, %dma_wait3A_205] : memref<80x128xf32, #tpu.memory_space<vmem>> -> memref<40x128xf32, #tpu.memory_space<vmem>>
    %dma_wait3A_207 = arith.constant 0 : i32
    %dma_wait3A_208 = arith.constant 0 : i32
    %dma_wait3A_209 = tpu.memref_slice %arg3[%dma_wait3A_207, %dma_wait3A_208] : memref<200000x128xf32, #tpu.memory_space<hbm>> -> memref<40x128xf32, #tpu.memory_space<hbm>>
    tpu.wait_dma2 semaphore(%arg23 : memref<!tpu.dma_semaphore, #tpu.memory_space<semaphore_mem>>) src(%dma_wait3A_209 : memref<40x128xf32, #tpu.memory_space<hbm>>) dst(%dma_wait3A_206 : memref<40x128xf32, #tpu.memory_space<vmem>>)
    %lt3A_210 = arith.constant 20 : i32
    %lt3A_211 = arith.cmpi slt, %add3A, %lt3A_210 : i32
    %convert_element_type3A_212 = arith.extui %lt3A_211 : i1 to i32
    %cond3A_213 = arith.constant 0 : i32
    %cond3A_214 = arith.cmpi ne, %convert_element_type3A_212, %cond3A_213 : i32
    scf.if %cond3A_214 {
      %add3A_221 = arith.constant 12480 : i32
      %add3A_222 = arith.addi %add3A_221, %add3A : i32
      %run_scoped3A = arith.constant 0 : i32
      "tpu.region"() ({
        %run_scoped3A_237 = tpu.sem_alloc : memref<!tpu.dma_semaphore, #tpu.memory_space<semaphore_mem>>
        %dma_start3A_238 = arith.constant 0 : i32
        %dma_start3A_239 = tpu.memref_slice %arg2[%add3A_222, %run_scoped3A, %dma_start3A_238] : memref<12500x2x128xi32, #tpu.memory_space<hbm>> -> memref<1x1x128xi32, #tpu.memory_space<hbm>>
        %dma_start3A_240 = tpu.memref_squeeze %dma_start3A_239 : memref<1x1x128xi32, #tpu.memory_space<hbm>> -> memref<1x128xi32, #tpu.memory_space<hbm>>
        %dma_start3A_241 = arith.constant 0 : i32
        %dma_start3A_242 = tpu.memref_slice %arg2[%add3A_222, %run_scoped3A, %dma_start3A_241] : memref<12500x2x128xi32, #tpu.memory_space<hbm>> -> memref<1x1x128xi32, #tpu.memory_space<hbm>>
        %dma_start3A_243 = tpu.memref_squeeze %dma_start3A_242 : memref<1x1x128xi32, #tpu.memory_space<hbm>> -> memref<1x128xi32, #tpu.memory_space<hbm>>
        tpu.enqueue_dma source(%dma_start3A_243 : memref<1x128xi32, #tpu.memory_space<hbm>>) target(%arg16 : memref<1x128xi32, #tpu.memory_space<vmem>>) target_semaphore(%run_scoped3A_237 : memref<!tpu.dma_semaphore, #tpu.memory_space<semaphore_mem>>)
        %dma_wait3A_244 = arith.constant 0 : i32
        %dma_wait3A_245 = tpu.memref_slice %arg2[%add3A_222, %run_scoped3A, %dma_wait3A_244] : memref<12500x2x128xi32, #tpu.memory_space<hbm>> -> memref<1x1x128xi32, #tpu.memory_space<hbm>>
        %dma_wait3A_246 = tpu.memref_squeeze %dma_wait3A_245 : memref<1x1x128xi32, #tpu.memory_space<hbm>> -> memref<1x128xi32, #tpu.memory_space<hbm>>
        %dma_wait3A_247 = arith.constant 0 : i32
        %dma_wait3A_248 = tpu.memref_slice %arg2[%add3A_222, %run_scoped3A, %dma_wait3A_247] : memref<12500x2x128xi32, #tpu.memory_space<hbm>> -> memref<1x1x128xi32, #tpu.memory_space<hbm>>
        %dma_wait3A_249 = tpu.memref_squeeze %dma_wait3A_248 : memref<1x1x128xi32, #tpu.memory_space<hbm>> -> memref<1x128xi32, #tpu.memory_space<hbm>>
        tpu.wait_dma2 semaphore(%run_scoped3A_237 : memref<!tpu.dma_semaphore, #tpu.memory_space<semaphore_mem>>) src(%dma_wait3A_249 : memref<1x128xi32, #tpu.memory_space<hbm>>) dst(%arg16 : memref<1x128xi32, #tpu.memory_space<vmem>>)
        tpu.yield
      }) : () -> ()
      %mul3A_223 = arith.constant 8 : i32
      %mul3A_224 = arith.muli %add3A_222, %mul3A_223 : i32
      %add3A_225 = arith.constant 0 : i32
      %add3A_226 = arith.addi %add3A_225, %mul3A_224 : i32
      "tpu.region"() ({
        %run_scoped3A_237 = tpu.sem_alloc : memref<!tpu.dma_semaphore, #tpu.memory_space<semaphore_mem>>
        %dma_start3A_238 = arith.constant 0 : i32
        %dma_start3A_239 = arith.constant 0 : i32
        %dma_start3A_240 = tpu.memref_slice %arg17[%dma_start3A_238, %dma_start3A_239] : memref<16x128xf32, #tpu.memory_space<vmem>> -> memref<8x128xf32, #tpu.memory_space<vmem>>
        %dma_start3A_241 = arith.constant 0 : i32
        %dma_start3A_242 = tpu.memref_slice %arg3[%add3A_226, %dma_start3A_241] : memref<200000x128xf32, #tpu.memory_space<hbm>> -> memref<8x128xf32, #tpu.memory_space<hbm>>
        %dma_start3A_243 = arith.constant 0 : i32
        %dma_start3A_244 = arith.constant 0 : i32
        %dma_start3A_245 = tpu.memref_slice %arg17[%dma_start3A_243, %dma_start3A_244] : memref<16x128xf32, #tpu.memory_space<vmem>> -> memref<8x128xf32, #tpu.memory_space<vmem>>
        %dma_start3A_246 = arith.constant 0 : i32
        %dma_start3A_247 = tpu.memref_slice %arg3[%add3A_226, %dma_start3A_246] : memref<200000x128xf32, #tpu.memory_space<hbm>> -> memref<8x128xf32, #tpu.memory_space<hbm>>
        tpu.enqueue_dma source(%dma_start3A_247 : memref<8x128xf32, #tpu.memory_space<hbm>>) target(%dma_start3A_245 : memref<8x128xf32, #tpu.memory_space<vmem>>) target_semaphore(%run_scoped3A_237 : memref<!tpu.dma_semaphore, #tpu.memory_space<semaphore_mem>>)
        %dma_wait3A_248 = arith.constant 0 : i32
        %dma_wait3A_249 = arith.constant 0 : i32
        %dma_wait3A_250 = tpu.memref_slice %arg17[%dma_wait3A_248, %dma_wait3A_249] : memref<16x128xf32, #tpu.memory_space<vmem>> -> memref<8x128xf32, #tpu.memory_space<vmem>>
        %dma_wait3A_251 = arith.constant 0 : i32
        %dma_wait3A_252 = tpu.memref_slice %arg3[%add3A_226, %dma_wait3A_251] : memref<200000x128xf32, #tpu.memory_space<hbm>> -> memref<8x128xf32, #tpu.memory_space<hbm>>
        %dma_wait3A_253 = arith.constant 0 : i32
        %dma_wait3A_254 = arith.constant 0 : i32
        %dma_wait3A_255 = tpu.memref_slice %arg17[%dma_wait3A_253, %dma_wait3A_254] : memref<16x128xf32, #tpu.memory_space<vmem>> -> memref<8x128xf32, #tpu.memory_space<vmem>>
        %dma_wait3A_256 = arith.constant 0 : i32
        %dma_wait3A_257 = tpu.memref_slice %arg3[%add3A_226, %dma_wait3A_256] : memref<200000x128xf32, #tpu.memory_space<hbm>> -> memref<8x128xf32, #tpu.memory_space<hbm>>
        tpu.wait_dma2 semaphore(%run_scoped3A_237 : memref<!tpu.dma_semaphore, #tpu.memory_space<semaphore_mem>>) src(%dma_wait3A_257 : memref<8x128xf32, #tpu.memory_space<hbm>>) dst(%dma_wait3A_255 : memref<8x128xf32, #tpu.memory_space<vmem>>)
        tpu.yield
      }) : () -> ()
      %mul3A_227 = arith.constant 8 : i32
      %mul3A_228 = arith.muli %add3A_222, %mul3A_227 : i32
      %add3A_229 = arith.constant 100000 : i32
      %add3A_230 = arith.addi %add3A_229, %mul3A_228 : i32
      "tpu.region"() ({
        %run_scoped3A_237 = tpu.sem_alloc : memref<!tpu.dma_semaphore, #tpu.memory_space<semaphore_mem>>
        %dma_start3A_238 = arith.constant 8 : i32
        %dma_start3A_239 = arith.constant 0 : i32
        %dma_start3A_240 = tpu.memref_slice %arg17[%dma_start3A_238, %dma_start3A_239] : memref<16x128xf32, #tpu.memory_space<vmem>> -> memref<8x128xf32, #tpu.memory_space<vmem>>
        %dma_start3A_241 = arith.constant 0 : i32
        %dma_start3A_242 = tpu.memref_slice %arg3[%add3A_230, %dma_start3A_241] : memref<200000x128xf32, #tpu.memory_space<hbm>> -> memref<8x128xf32, #tpu.memory_space<hbm>>
        %dma_start3A_243 = arith.constant 8 : i32
        %dma_start3A_244 = arith.constant 0 : i32
        %dma_start3A_245 = tpu.memref_slice %arg17[%dma_start3A_243, %dma_start3A_244] : memref<16x128xf32, #tpu.memory_space<vmem>> -> memref<8x128xf32, #tpu.memory_space<vmem>>
        %dma_start3A_246 = arith.constant 0 : i32
        %dma_start3A_247 = tpu.memref_slice %arg3[%add3A_230, %dma_start3A_246] : memref<200000x128xf32, #tpu.memory_space<hbm>> -> memref<8x128xf32, #tpu.memory_space<hbm>>
        tpu.enqueue_dma source(%dma_start3A_247 : memref<8x128xf32, #tpu.memory_space<hbm>>) target(%dma_start3A_245 : memref<8x128xf32, #tpu.memory_space<vmem>>) target_semaphore(%run_scoped3A_237 : memref<!tpu.dma_semaphore, #tpu.memory_space<semaphore_mem>>)
        %dma_wait3A_248 = arith.constant 8 : i32
        %dma_wait3A_249 = arith.constant 0 : i32
        %dma_wait3A_250 = tpu.memref_slice %arg17[%dma_wait3A_248, %dma_wait3A_249] : memref<16x128xf32, #tpu.memory_space<vmem>> -> memref<8x128xf32, #tpu.memory_space<vmem>>
        %dma_wait3A_251 = arith.constant 0 : i32
        %dma_wait3A_252 = tpu.memref_slice %arg3[%add3A_230, %dma_wait3A_251] : memref<200000x128xf32, #tpu.memory_space<hbm>> -> memref<8x128xf32, #tpu.memory_space<hbm>>
        %dma_wait3A_253 = arith.constant 8 : i32
        %dma_wait3A_254 = arith.constant 0 : i32
        %dma_wait3A_255 = tpu.memref_slice %arg17[%dma_wait3A_253, %dma_wait3A_254] : memref<16x128xf32, #tpu.memory_space<vmem>> -> memref<8x128xf32, #tpu.memory_space<vmem>>
        %dma_wait3A_256 = arith.constant 0 : i32
        %dma_wait3A_257 = tpu.memref_slice %arg3[%add3A_230, %dma_wait3A_256] : memref<200000x128xf32, #tpu.memory_space<hbm>> -> memref<8x128xf32, #tpu.memory_space<hbm>>
        tpu.wait_dma2 semaphore(%run_scoped3A_237 : memref<!tpu.dma_semaphore, #tpu.memory_space<semaphore_mem>>) src(%dma_wait3A_257 : memref<8x128xf32, #tpu.memory_space<hbm>>) dst(%dma_wait3A_255 : memref<8x128xf32, #tpu.memory_space<vmem>>)
        tpu.yield
      }) : () -> ()
      %scan3A_231 = arith.constant 0 : i32
      %scan3A_232 = arith.constant 0 : i32
      %scan3A_233 = arith.constant 2 : i32
      %scan3A_234 = arith.addi %scan3A_232, %scan3A_233 : i32
      %scan3A_235 = arith.constant 1 : i32
      scf.for %scan3A_237 = %scan3A_232 to %scan3A_234 step %scan3A_235  : i32 {
        %mul3A_238 = arith.constant 4 : i32
        %mul3A_239 = arith.muli %scan3A_237, %mul3A_238 : i32
        %add3A_240 = arith.constant 0 : i32
        %add3A_241 = arith.addi %mul3A_239, %add3A_240 : i32
        %shift_right_arithmetic3A = arith.constant 3 : i32
        %shift_right_arithmetic3A_242 = arith.shrsi %add3A_241, %shift_right_arithmetic3A : i32
        %and3A_243 = arith.constant 7 : i32
        %and3A_244 = arith.andi %add3A_241, %and3A_243 : i32
        %mul3A_245 = arith.constant 16 : i32
        %mul3A_246 = arith.muli %and3A_244, %mul3A_245 : i32
        %get3A = arith.index_cast %shift_right_arithmetic3A_242 : i32 to index
        %get3A_247 = arith.index_cast %mul3A_246 : i32 to index
        %get3A_248 = tpu.vector_load %arg16[%get3A, %get3A_247] {strides = array<i32>} : memref<1x128xi32, #tpu.memory_space<vmem>>, vector<16xi32>,
        %gather3A = tpu.vector_load_idx %arg7[%get3A_248] : memref<50000xi32, #tpu.memory_space<vmem>>[vector<16xi32>], vector<16xi32>,
        %mul3A_249 = arith.constant 16 : i32
        %mul3A_250 = arith.muli %add3A_241, %mul3A_249 : i32
        %swap3A = arith.index_cast %mul3A_250 : i32 to index
        %swap3A_251 = tpu.vector_load %arg19[%swap3A] {strides = array<i32>} : memref<128xi32, #tpu.memory_space<vmem>>, vector<16xi32>,
        tpu.vector_store %arg19[%swap3A], %gather3A {strides = array<i32>} : memref<128xi32, #tpu.memory_space<vmem>>, vector<16xi32>,
        tpu.vector_store_idx %arg21[%iota3A, %gather3A], %broadcast_in_dim3A_18 {add = true} : memref<16x256xf32, #tpu.memory_space<vmem>>[vector<16xi32>, vector<16xi32>], vector<16xf32>,
        %mul3A_252 = arith.constant 16 : i32
        %mul3A_253 = arith.muli %add3A_241, %mul3A_252 : i32
        %add3A_254 = vector.broadcast %mul3A_253 : i32 to vector<16xi32>
        %add3A_255 = arith.addi %iota3A_65, %add3A_254 : vector<16xi32>
        %mul3A_256 = arith.constant 8 : i32
        %mul3A_257 = arith.muli %shift_right_arithmetic3A_242, %mul3A_256 : i32
        %add3A_258 = arith.constant 0 : i32
        %add3A_259 = arith.addi %add3A_258, %mul3A_257 : i32
        %add3A_260 = arith.constant 0 : i32
        %add3A_261 = arith.addi %add3A_259, %add3A_260 : i32
        %get3A_262 = arith.index_cast %add3A_261 : i32 to index
        %get3A_263 = arith.index_cast %mul3A_246 : i32 to index
        %get3A_264 = tpu.vector_load %arg17[%get3A_262, %get3A_263] {strides = array<i32>} : memref<16x128xf32, #tpu.memory_space<vmem>>, vector<16xf32>,
        %broadcast_in_dim3A_265 = arith.constant 0 : i32
        %broadcast_in_dim3A_266 = vector.broadcast %broadcast_in_dim3A_265 : i32 to vector<16xi32>
        tpu.vector_store_idx %arg18[%add3A_255, %broadcast_in_dim3A_266], %get3A_264 : memref<128x16xf32, #tpu.memory_space<vmem>>[vector<16xi32>, vector<16xi32>], vector<16xf32>,
        %mul3A_267 = arith.constant 8 : i32
        %mul3A_268 = arith.muli %shift_right_arithmetic3A_242, %mul3A_267 : i32
        %add3A_269 = arith.constant 0 : i32
        %add3A_270 = arith.addi %add3A_269, %mul3A_268 : i32
        %add3A_271 = arith.constant 1 : i32
        %add3A_272 = arith.addi %add3A_270, %add3A_271 : i32
        %get3A_273 = arith.index_cast %add3A_272 : i32 to index
        %get3A_274 = arith.index_cast %mul3A_246 : i32 to index
        %get3A_275 = tpu.vector_load %arg17[%get3A_273, %get3A_274] {strides = array<i32>} : memref<16x128xf32, #tpu.memory_space<vmem>>, vector<16xf32>,
        %broadcast_in_dim3A_276 = arith.constant 1 : i32
        %broadcast_in_dim3A_277 = vector.broadcast %broadcast_in_dim3A_276 : i32 to vector<16xi32>
        tpu.vector_store_idx %arg18[%add3A_255, %broadcast_in_dim3A_277], %get3A_275 : memref<128x16xf32, #tpu.memory_space<vmem>>[vector<16xi32>, vector<16xi32>], vector<16xf32>,
        %mul3A_278 = arith.constant 8 : i32
        %mul3A_279 = arith.muli %shift_right_arithmetic3A_242, %mul3A_278 : i32
        %add3A_280 = arith.constant 0 : i32
        %add3A_281 = arith.addi %add3A_280, %mul3A_279 : i32
        %add3A_282 = arith.constant 2 : i32
        %add3A_283 = arith.addi %add3A_281, %add3A_282 : i32
        %get3A_284 = arith.index_cast %add3A_283 : i32 to index
        %get3A_285 = arith.index_cast %mul3A_246 : i32 to index
        %get3A_286 = tpu.vector_load %arg17[%get3A_284, %get3A_285] {strides = array<i32>} : memref<16x128xf32, #tpu.memory_space<vmem>>, vector<16xf32>,
        %broadcast_in_dim3A_287 = arith.constant 2 : i32
        %broadcast_in_dim3A_288 = vector.broadcast %broadcast_in_dim3A_287 : i32 to vector<16xi32>
        tpu.vector_store_idx %arg18[%add3A_255, %broadcast_in_dim3A_288], %get3A_286 : memref<128x16xf32, #tpu.memory_space<vmem>>[vector<16xi32>, vector<16xi32>], vector<16xf32>,
        %mul3A_289 = arith.constant 8 : i32
        %mul3A_290 = arith.muli %shift_right_arithmetic3A_242, %mul3A_289 : i32
        %add3A_291 = arith.constant 0 : i32
        %add3A_292 = arith.addi %add3A_291, %mul3A_290 : i32
        %add3A_293 = arith.constant 3 : i32
        %add3A_294 = arith.addi %add3A_292, %add3A_293 : i32
        %get3A_295 = arith.index_cast %add3A_294 : i32 to index
        %get3A_296 = arith.index_cast %mul3A_246 : i32 to index
        %get3A_297 = tpu.vector_load %arg17[%get3A_295, %get3A_296] {strides = array<i32>} : memref<16x128xf32, #tpu.memory_space<vmem>>, vector<16xf32>,
        %broadcast_in_dim3A_298 = arith.constant 3 : i32
        %broadcast_in_dim3A_299 = vector.broadcast %broadcast_in_dim3A_298 : i32 to vector<16xi32>
        tpu.vector_store_idx %arg18[%add3A_255, %broadcast_in_dim3A_299], %get3A_297 : memref<128x16xf32, #tpu.memory_space<vmem>>[vector<16xi32>, vector<16xi32>], vector<16xf32>,
        %mul3A_300 = arith.constant 8 : i32
        %mul3A_301 = arith.muli %shift_right_arithmetic3A_242, %mul3A_300 : i32
        %add3A_302 = arith.constant 0 : i32
        %add3A_303 = arith.addi %add3A_302, %mul3A_301 : i32
        %add3A_304 = arith.constant 4 : i32
        %add3A_305 = arith.addi %add3A_303, %add3A_304 : i32
        %get3A_306 = arith.index_cast %add3A_305 : i32 to index
        %get3A_307 = arith.index_cast %mul3A_246 : i32 to index
        %get3A_308 = tpu.vector_load %arg17[%get3A_306, %get3A_307] {strides = array<i32>} : memref<16x128xf32, #tpu.memory_space<vmem>>, vector<16xf32>,
        %broadcast_in_dim3A_309 = arith.constant 4 : i32
        %broadcast_in_dim3A_310 = vector.broadcast %broadcast_in_dim3A_309 : i32 to vector<16xi32>
        tpu.vector_store_idx %arg18[%add3A_255, %broadcast_in_dim3A_310], %get3A_308 : memref<128x16xf32, #tpu.memory_space<vmem>>[vector<16xi32>, vector<16xi32>], vector<16xf32>,
        %mul3A_311 = arith.constant 8 : i32
        %mul3A_312 = arith.muli %shift_right_arithmetic3A_242, %mul3A_311 : i32
        %add3A_313 = arith.constant 0 : i32
        %add3A_314 = arith.addi %add3A_313, %mul3A_312 : i32
        %add3A_315 = arith.constant 5 : i32
        %add3A_316 = arith.addi %add3A_314, %add3A_315 : i32
        %get3A_317 = arith.index_cast %add3A_316 : i32 to index
        %get3A_318 = arith.index_cast %mul3A_246 : i32 to index
        %get3A_319 = tpu.vector_load %arg17[%get3A_317, %get3A_318] {strides = array<i32>} : memref<16x128xf32, #tpu.memory_space<vmem>>, vector<16xf32>,
        %broadcast_in_dim3A_320 = arith.constant 5 : i32
        %broadcast_in_dim3A_321 = vector.broadcast %broadcast_in_dim3A_320 : i32 to vector<16xi32>
        tpu.vector_store_idx %arg18[%add3A_255, %broadcast_in_dim3A_321], %get3A_319 : memref<128x16xf32, #tpu.memory_space<vmem>>[vector<16xi32>, vector<16xi32>], vector<16xf32>,
        %mul3A_322 = arith.constant 8 : i32
        %mul3A_323 = arith.muli %shift_right_arithmetic3A_242, %mul3A_322 : i32
        %add3A_324 = arith.constant 0 : i32
        %add3A_325 = arith.addi %add3A_324, %mul3A_323 : i32
        %add3A_326 = arith.constant 6 : i32
        %add3A_327 = arith.addi %add3A_325, %add3A_326 : i32
        %get3A_328 = arith.index_cast %add3A_327 : i32 to index
        %get3A_329 = arith.index_cast %mul3A_246 : i32 to index
        %get3A_330 = tpu.vector_load %arg17[%get3A_328, %get3A_329] {strides = array<i32>} : memref<16x128xf32, #tpu.memory_space<vmem>>, vector<16xf32>,
        %broadcast_in_dim3A_331 = arith.constant 6 : i32
        %broadcast_in_dim3A_332 = vector.broadcast %broadcast_in_dim3A_331 : i32 to vector<16xi32>
        tpu.vector_store_idx %arg18[%add3A_255, %broadcast_in_dim3A_332], %get3A_330 : memref<128x16xf32, #tpu.memory_space<vmem>>[vector<16xi32>, vector<16xi32>], vector<16xf32>,
        %mul3A_333 = arith.constant 8 : i32
        %mul3A_334 = arith.muli %shift_right_arithmetic3A_242, %mul3A_333 : i32
        %add3A_335 = arith.constant 0 : i32
        %add3A_336 = arith.addi %add3A_335, %mul3A_334 : i32
        %add3A_337 = arith.constant 7 : i32
        %add3A_338 = arith.addi %add3A_336, %add3A_337 : i32
        %get3A_339 = arith.index_cast %add3A_338 : i32 to index
        %get3A_340 = arith.index_cast %mul3A_246 : i32 to index
        %get3A_341 = tpu.vector_load %arg17[%get3A_339, %get3A_340] {strides = array<i32>} : memref<16x128xf32, #tpu.memory_space<vmem>>, vector<16xf32>,
        %broadcast_in_dim3A_342 = arith.constant 7 : i32
        %broadcast_in_dim3A_343 = vector.broadcast %broadcast_in_dim3A_342 : i32 to vector<16xi32>
        tpu.vector_store_idx %arg18[%add3A_255, %broadcast_in_dim3A_343], %get3A_341 : memref<128x16xf32, #tpu.memory_space<vmem>>[vector<16xi32>, vector<16xi32>], vector<16xf32>,
        %mul3A_344 = arith.constant 8 : i32
        %mul3A_345 = arith.muli %shift_right_arithmetic3A_242, %mul3A_344 : i32
        %add3A_346 = arith.constant 8 : i32
        %add3A_347 = arith.addi %add3A_346, %mul3A_345 : i32
        %add3A_348 = arith.constant 0 : i32
        %add3A_349 = arith.addi %add3A_347, %add3A_348 : i32
        %get3A_350 = arith.index_cast %add3A_349 : i32 to index
        %get3A_351 = arith.index_cast %mul3A_246 : i32 to index
        %get3A_352 = tpu.vector_load %arg17[%get3A_350, %get3A_351] {strides = array<i32>} : memref<16x128xf32, #tpu.memory_space<vmem>>, vector<16xf32>,
        %broadcast_in_dim3A_353 = arith.constant 8 : i32
        %broadcast_in_dim3A_354 = vector.broadcast %broadcast_in_dim3A_353 : i32 to vector<16xi32>
        tpu.vector_store_idx %arg18[%add3A_255, %broadcast_in_dim3A_354], %get3A_352 : memref<128x16xf32, #tpu.memory_space<vmem>>[vector<16xi32>, vector<16xi32>], vector<16xf32>,
        %mul3A_355 = arith.constant 8 : i32
        %mul3A_356 = arith.muli %shift_right_arithmetic3A_242, %mul3A_355 : i32
        %add3A_357 = arith.constant 8 : i32
        %add3A_358 = arith.addi %add3A_357, %mul3A_356 : i32
        %add3A_359 = arith.constant 1 : i32
        %add3A_360 = arith.addi %add3A_358, %add3A_359 : i32
        %get3A_361 = arith.index_cast %add3A_360 : i32 to index
        %get3A_362 = arith.index_cast %mul3A_246 : i32 to index
        %get3A_363 = tpu.vector_load %arg17[%get3A_361, %get3A_362] {strides = array<i32>} : memref<16x128xf32, #tpu.memory_space<vmem>>, vector<16xf32>,
        %broadcast_in_dim3A_364 = arith.constant 9 : i32
        %broadcast_in_dim3A_365 = vector.broadcast %broadcast_in_dim3A_364 : i32 to vector<16xi32>
        tpu.vector_store_idx %arg18[%add3A_255, %broadcast_in_dim3A_365], %get3A_363 : memref<128x16xf32, #tpu.memory_space<vmem>>[vector<16xi32>, vector<16xi32>], vector<16xf32>,
        %mul3A_366 = arith.constant 8 : i32
        %mul3A_367 = arith.muli %shift_right_arithmetic3A_242, %mul3A_366 : i32
        %add3A_368 = arith.constant 8 : i32
        %add3A_369 = arith.addi %add3A_368, %mul3A_367 : i32
        %add3A_370 = arith.constant 2 : i32
        %add3A_371 = arith.addi %add3A_369, %add3A_370 : i32
        %get3A_372 = arith.index_cast %add3A_371 : i32 to index
        %get3A_373 = arith.index_cast %mul3A_246 : i32 to index
        %get3A_374 = tpu.vector_load %arg17[%get3A_372, %get3A_373] {strides = array<i32>} : memref<16x128xf32, #tpu.memory_space<vmem>>, vector<16xf32>,
        %broadcast_in_dim3A_375 = arith.constant 10 : i32
        %broadcast_in_dim3A_376 = vector.broadcast %broadcast_in_dim3A_375 : i32 to vector<16xi32>
        tpu.vector_store_idx %arg18[%add3A_255, %broadcast_in_dim3A_376], %get3A_374 : memref<128x16xf32, #tpu.memory_space<vmem>>[vector<16xi32>, vector<16xi32>], vector<16xf32>,
        %mul3A_377 = arith.constant 8 : i32
        %mul3A_378 = arith.muli %shift_right_arithmetic3A_242, %mul3A_377 : i32
        %add3A_379 = arith.constant 8 : i32
        %add3A_380 = arith.addi %add3A_379, %mul3A_378 : i32
        %add3A_381 = arith.constant 3 : i32
        %add3A_382 = arith.addi %add3A_380, %add3A_381 : i32
        %get3A_383 = arith.index_cast %add3A_382 : i32 to index
        %get3A_384 = arith.index_cast %mul3A_246 : i32 to index
        %get3A_385 = tpu.vector_load %arg17[%get3A_383, %get3A_384] {strides = array<i32>} : memref<16x128xf32, #tpu.memory_space<vmem>>, vector<16xf32>,
        %broadcast_in_dim3A_386 = arith.constant 11 : i32
        %broadcast_in_dim3A_387 = vector.broadcast %broadcast_in_dim3A_386 : i32 to vector<16xi32>
        tpu.vector_store_idx %arg18[%add3A_255, %broadcast_in_dim3A_387], %get3A_385 : memref<128x16xf32, #tpu.memory_space<vmem>>[vector<16xi32>, vector<16xi32>], vector<16xf32>,
        %mul3A_388 = arith.constant 8 : i32
        %mul3A_389 = arith.muli %shift_right_arithmetic3A_242, %mul3A_388 : i32
        %add3A_390 = arith.constant 8 : i32
        %add3A_391 = arith.addi %add3A_390, %mul3A_389 : i32
        %add3A_392 = arith.constant 4 : i32
        %add3A_393 = arith.addi %add3A_391, %add3A_392 : i32
        %get3A_394 = arith.index_cast %add3A_393 : i32 to index
        %get3A_395 = arith.index_cast %mul3A_246 : i32 to index
        %get3A_396 = tpu.vector_load %arg17[%get3A_394, %get3A_395] {strides = array<i32>} : memref<16x128xf32, #tpu.memory_space<vmem>>, vector<16xf32>,
        %broadcast_in_dim3A_397 = arith.constant 12 : i32
        %broadcast_in_dim3A_398 = vector.broadcast %broadcast_in_dim3A_397 : i32 to vector<16xi32>
        tpu.vector_store_idx %arg18[%add3A_255, %broadcast_in_dim3A_398], %get3A_396 : memref<128x16xf32, #tpu.memory_space<vmem>>[vector<16xi32>, vector<16xi32>], vector<16xf32>,
        %mul3A_399 = arith.constant 8 : i32
        %mul3A_400 = arith.muli %shift_right_arithmetic3A_242, %mul3A_399 : i32
        %add3A_401 = arith.constant 8 : i32
        %add3A_402 = arith.addi %add3A_401, %mul3A_400 : i32
        %add3A_403 = arith.constant 5 : i32
        %add3A_404 = arith.addi %add3A_402, %add3A_403 : i32
        %get3A_405 = arith.index_cast %add3A_404 : i32 to index
        %get3A_406 = arith.index_cast %mul3A_246 : i32 to index
        %get3A_407 = tpu.vector_load %arg17[%get3A_405, %get3A_406] {strides = array<i32>} : memref<16x128xf32, #tpu.memory_space<vmem>>, vector<16xf32>,
        %broadcast_in_dim3A_408 = arith.constant 13 : i32
        %broadcast_in_dim3A_409 = vector.broadcast %broadcast_in_dim3A_408 : i32 to vector<16xi32>
        tpu.vector_store_idx %arg18[%add3A_255, %broadcast_in_dim3A_409], %get3A_407 : memref<128x16xf32, #tpu.memory_space<vmem>>[vector<16xi32>, vector<16xi32>], vector<16xf32>,
        %mul3A_410 = arith.constant 8 : i32
        %mul3A_411 = arith.muli %shift_right_arithmetic3A_242, %mul3A_410 : i32
        %add3A_412 = arith.constant 8 : i32
        %add3A_413 = arith.addi %add3A_412, %mul3A_411 : i32
        %add3A_414 = arith.constant 6 : i32
        %add3A_415 = arith.addi %add3A_413, %add3A_414 : i32
        %get3A_416 = arith.index_cast %add3A_415 : i32 to index
        %get3A_417 = arith.index_cast %mul3A_246 : i32 to index
        %get3A_418 = tpu.vector_load %arg17[%get3A_416, %get3A_417] {strides = array<i32>} : memref<16x128xf32, #tpu.memory_space<vmem>>, vector<16xf32>,
        %broadcast_in_dim3A_419 = arith.constant 14 : i32
        %broadcast_in_dim3A_420 = vector.broadcast %broadcast_in_dim3A_419 : i32 to vector<16xi32>
        tpu.vector_store_idx %arg18[%add3A_255, %broadcast_in_dim3A_420], %get3A_418 : memref<128x16xf32, #tpu.memory_space<vmem>>[vector<16xi32>, vector<16xi32>], vector<16xf32>,
        %mul3A_421 = arith.constant 8 : i32
        %mul3A_422 = arith.muli %shift_right_arithmetic3A_242, %mul3A_421 : i32
        %add3A_423 = arith.constant 8 : i32
        %add3A_424 = arith.addi %add3A_423, %mul3A_422 : i32
        %add3A_425 = arith.constant 7 : i32
        %add3A_426 = arith.addi %add3A_424, %add3A_425 : i32
        %get3A_427 = arith.index_cast %add3A_426 : i32 to index
        %get3A_428 = arith.index_cast %mul3A_246 : i32 to index
        %get3A_429 = tpu.vector_load %arg17[%get3A_427, %get3A_428] {strides = array<i32>} : memref<16x128xf32, #tpu.memory_space<vmem>>, vector<16xf32>,
        %broadcast_in_dim3A_430 = arith.constant 15 : i32
        %broadcast_in_dim3A_431 = vector.broadcast %broadcast_in_dim3A_430 : i32 to vector<16xi32>
        tpu.vector_store_idx %arg18[%add3A_255, %broadcast_in_dim3A_431], %get3A_429 : memref<128x16xf32, #tpu.memory_space<vmem>>[vector<16xi32>, vector<16xi32>], vector<16xf32>,
        %mul3A_432 = arith.constant 4 : i32
        %mul3A_433 = arith.muli %scan3A_237, %mul3A_432 : i32
        %add3A_434 = arith.constant 1 : i32
        %add3A_435 = arith.addi %mul3A_433, %add3A_434 : i32
        %shift_right_arithmetic3A_436 = arith.constant 3 : i32
        %shift_right_arithmetic3A_437 = arith.shrsi %add3A_435, %shift_right_arithmetic3A_436 : i32
        %and3A_438 = arith.constant 7 : i32
        %and3A_439 = arith.andi %add3A_435, %and3A_438 : i32
        %mul3A_440 = arith.constant 16 : i32
        %mul3A_441 = arith.muli %and3A_439, %mul3A_440 : i32
        %get3A_442 = arith.index_cast %shift_right_arithmetic3A_437 : i32 to index
        %get3A_443 = arith.index_cast %mul3A_441 : i32 to index
        %get3A_444 = tpu.vector_load %arg16[%get3A_442, %get3A_443] {strides = array<i32>} : memref<1x128xi32, #tpu.memory_space<vmem>>, vector<16xi32>,
        %gather3A_445 = tpu.vector_load_idx %arg7[%get3A_444] : memref<50000xi32, #tpu.memory_space<vmem>>[vector<16xi32>], vector<16xi32>,
        %mul3A_446 = arith.constant 16 : i32
        %mul3A_447 = arith.muli %add3A_435, %mul3A_446 : i32
        %swap3A_448 = arith.index_cast %mul3A_447 : i32 to index
        %swap3A_449 = tpu.vector_load %arg19[%swap3A_448] {strides = array<i32>} : memref<128xi32, #tpu.memory_space<vmem>>, vector<16xi32>,
        tpu.vector_store %arg19[%swap3A_448], %gather3A_445 {strides = array<i32>} : memref<128xi32, #tpu.memory_space<vmem>>, vector<16xi32>,
        tpu.vector_store_idx %arg21[%iota3A, %gather3A_445], %broadcast_in_dim3A_18 {add = true} : memref<16x256xf32, #tpu.memory_space<vmem>>[vector<16xi32>, vector<16xi32>], vector<16xf32>,
        %mul3A_450 = arith.constant 16 : i32
        %mul3A_451 = arith.muli %add3A_435, %mul3A_450 : i32
        %add3A_452 = vector.broadcast %mul3A_451 : i32 to vector<16xi32>
        %add3A_453 = arith.addi %iota3A_65, %add3A_452 : vector<16xi32>
        %mul3A_454 = arith.constant 8 : i32
        %mul3A_455 = arith.muli %shift_right_arithmetic3A_437, %mul3A_454 : i32
        %add3A_456 = arith.constant 0 : i32
        %add3A_457 = arith.addi %add3A_456, %mul3A_455 : i32
        %add3A_458 = arith.constant 0 : i32
        %add3A_459 = arith.addi %add3A_457, %add3A_458 : i32
        %get3A_460 = arith.index_cast %add3A_459 : i32 to index
        %get3A_461 = arith.index_cast %mul3A_441 : i32 to index
        %get3A_462 = tpu.vector_load %arg17[%get3A_460, %get3A_461] {strides = array<i32>} : memref<16x128xf32, #tpu.memory_space<vmem>>, vector<16xf32>,
        %broadcast_in_dim3A_463 = arith.constant 0 : i32
        %broadcast_in_dim3A_464 = vector.broadcast %broadcast_in_dim3A_463 : i32 to vector<16xi32>
        tpu.vector_store_idx %arg18[%add3A_453, %broadcast_in_dim3A_464], %get3A_462 : memref<128x16xf32, #tpu.memory_space<vmem>>[vector<16xi32>, vector<16xi32>], vector<16xf32>,
        %mul3A_465 = arith.constant 8 : i32
        %mul3A_466 = arith.muli %shift_right_arithmetic3A_437, %mul3A_465 : i32
        %add3A_467 = arith.constant 0 : i32
        %add3A_468 = arith.addi %add3A_467, %mul3A_466 : i32
        %add3A_469 = arith.constant 1 : i32
        %add3A_470 = arith.addi %add3A_468, %add3A_469 : i32
        %get3A_471 = arith.index_cast %add3A_470 : i32 to index
        %get3A_472 = arith.index_cast %mul3A_441 : i32 to index
        %get3A_473 = tpu.vector_load %arg17[%get3A_471, %get3A_472] {strides = array<i32>} : memref<16x128xf32, #tpu.memory_space<vmem>>, vector<16xf32>,
        %broadcast_in_dim3A_474 = arith.constant 1 : i32
        %broadcast_in_dim3A_475 = vector.broadcast %broadcast_in_dim3A_474 : i32 to vector<16xi32>
        tpu.vector_store_idx %arg18[%add3A_453, %broadcast_in_dim3A_475], %get3A_473 : memref<128x16xf32, #tpu.memory_space<vmem>>[vector<16xi32>, vector<16xi32>], vector<16xf32>,
        %mul3A_476 = arith.constant 8 : i32
        %mul3A_477 = arith.muli %shift_right_arithmetic3A_437, %mul3A_476 : i32
        %add3A_478 = arith.constant 0 : i32
        %add3A_479 = arith.addi %add3A_478, %mul3A_477 : i32
        %add3A_480 = arith.constant 2 : i32
        %add3A_481 = arith.addi %add3A_479, %add3A_480 : i32
        %get3A_482 = arith.index_cast %add3A_481 : i32 to index
        %get3A_483 = arith.index_cast %mul3A_441 : i32 to index
        %get3A_484 = tpu.vector_load %arg17[%get3A_482, %get3A_483] {strides = array<i32>} : memref<16x128xf32, #tpu.memory_space<vmem>>, vector<16xf32>,
        %broadcast_in_dim3A_485 = arith.constant 2 : i32
        %broadcast_in_dim3A_486 = vector.broadcast %broadcast_in_dim3A_485 : i32 to vector<16xi32>
        tpu.vector_store_idx %arg18[%add3A_453, %broadcast_in_dim3A_486], %get3A_484 : memref<128x16xf32, #tpu.memory_space<vmem>>[vector<16xi32>, vector<16xi32>], vector<16xf32>,
        %mul3A_487 = arith.constant 8 : i32
        %mul3A_488 = arith.muli %shift_right_arithmetic3A_437, %mul3A_487 : i32
        %add3A_489 = arith.constant 0 : i32
        %add3A_490 = arith.addi %add3A_489, %mul3A_488 : i32
        %add3A_491 = arith.constant 3 : i32
        %add3A_492 = arith.addi %add3A_490, %add3A_491 : i32
        %get3A_493 = arith.index_cast %add3A_492 : i32 to index
        %get3A_494 = arith.index_cast %mul3A_441 : i32 to index
        %get3A_495 = tpu.vector_load %arg17[%get3A_493, %get3A_494] {strides = array<i32>} : memref<16x128xf32, #tpu.memory_space<vmem>>, vector<16xf32>,
        %broadcast_in_dim3A_496 = arith.constant 3 : i32
        %broadcast_in_dim3A_497 = vector.broadcast %broadcast_in_dim3A_496 : i32 to vector<16xi32>
        tpu.vector_store_idx %arg18[%add3A_453, %broadcast_in_dim3A_497], %get3A_495 : memref<128x16xf32, #tpu.memory_space<vmem>>[vector<16xi32>, vector<16xi32>], vector<16xf32>,
        %mul3A_498 = arith.constant 8 : i32
        %mul3A_499 = arith.muli %shift_right_arithmetic3A_437, %mul3A_498 : i32
        %add3A_500 = arith.constant 0 : i32
        %add3A_501 = arith.addi %add3A_500, %mul3A_499 : i32
        %add3A_502 = arith.constant 4 : i32
        %add3A_503 = arith.addi %add3A_501, %add3A_502 : i32
        %get3A_504 = arith.index_cast %add3A_503 : i32 to index
        %get3A_505 = arith.index_cast %mul3A_441 : i32 to index
        %get3A_506 = tpu.vector_load %arg17[%get3A_504, %get3A_505] {strides = array<i32>} : memref<16x128xf32, #tpu.memory_space<vmem>>, vector<16xf32>,
        %broadcast_in_dim3A_507 = arith.constant 4 : i32
        %broadcast_in_dim3A_508 = vector.broadcast %broadcast_in_dim3A_507 : i32 to vector<16xi32>
        tpu.vector_store_idx %arg18[%add3A_453, %broadcast_in_dim3A_508], %get3A_506 : memref<128x16xf32, #tpu.memory_space<vmem>>[vector<16xi32>, vector<16xi32>], vector<16xf32>,
        %mul3A_509 = arith.constant 8 : i32
        %mul3A_510 = arith.muli %shift_right_arithmetic3A_437, %mul3A_509 : i32
        %add3A_511 = arith.constant 0 : i32
        %add3A_512 = arith.addi %add3A_511, %mul3A_510 : i32
        %add3A_513 = arith.constant 5 : i32
        %add3A_514 = arith.addi %add3A_512, %add3A_513 : i32
        %get3A_515 = arith.index_cast %add3A_514 : i32 to index
        %get3A_516 = arith.index_cast %mul3A_441 : i32 to index
        %get3A_517 = tpu.vector_load %arg17[%get3A_515, %get3A_516] {strides = array<i32>} : memref<16x128xf32, #tpu.memory_space<vmem>>, vector<16xf32>,
        %broadcast_in_dim3A_518 = arith.constant 5 : i32
        %broadcast_in_dim3A_519 = vector.broadcast %broadcast_in_dim3A_518 : i32 to vector<16xi32>
        tpu.vector_store_idx %arg18[%add3A_453, %broadcast_in_dim3A_519], %get3A_517 : memref<128x16xf32, #tpu.memory_space<vmem>>[vector<16xi32>, vector<16xi32>], vector<16xf32>,
        %mul3A_520 = arith.constant 8 : i32
        %mul3A_521 = arith.muli %shift_right_arithmetic3A_437, %mul3A_520 : i32
        %add3A_522 = arith.constant 0 : i32
        %add3A_523 = arith.addi %add3A_522, %mul3A_521 : i32
        %add3A_524 = arith.constant 6 : i32
        %add3A_525 = arith.addi %add3A_523, %add3A_524 : i32
        %get3A_526 = arith.index_cast %add3A_525 : i32 to index
        %get3A_527 = arith.index_cast %mul3A_441 : i32 to index
        %get3A_528 = tpu.vector_load %arg17[%get3A_526, %get3A_527] {strides = array<i32>} : memref<16x128xf32, #tpu.memory_space<vmem>>, vector<16xf32>,
        %broadcast_in_dim3A_529 = arith.constant 6 : i32
        %broadcast_in_dim3A_530 = vector.broadcast %broadcast_in_dim3A_529 : i32 to vector<16xi32>
        tpu.vector_store_idx %arg18[%add3A_453, %broadcast_in_dim3A_530], %get3A_528 : memref<128x16xf32, #tpu.memory_space<vmem>>[vector<16xi32>, vector<16xi32>], vector<16xf32>,
        %mul3A_531 = arith.constant 8 : i32
        %mul3A_532 = arith.muli %shift_right_arithmetic3A_437, %mul3A_531 : i32
        %add3A_533 = arith.constant 0 : i32
        %add3A_534 = arith.addi %add3A_533, %mul3A_532 : i32
        %add3A_535 = arith.constant 7 : i32
        %add3A_536 = arith.addi %add3A_534, %add3A_535 : i32
        %get3A_537 = arith.index_cast %add3A_536 : i32 to index
        %get3A_538 = arith.index_cast %mul3A_441 : i32 to index
        %get3A_539 = tpu.vector_load %arg17[%get3A_537, %get3A_538] {strides = array<i32>} : memref<16x128xf32, #tpu.memory_space<vmem>>, vector<16xf32>,
        %broadcast_in_dim3A_540 = arith.constant 7 : i32
        %broadcast_in_dim3A_541 = vector.broadcast %broadcast_in_dim3A_540 : i32 to vector<16xi32>
        tpu.vector_store_idx %arg18[%add3A_453, %broadcast_in_dim3A_541], %get3A_539 : memref<128x16xf32, #tpu.memory_space<vmem>>[vector<16xi32>, vector<16xi32>], vector<16xf32>,
        %mul3A_542 = arith.constant 8 : i32
        %mul3A_543 = arith.muli %shift_right_arithmetic3A_437, %mul3A_542 : i32
        %add3A_544 = arith.constant 8 : i32
        %add3A_545 = arith.addi %add3A_544, %mul3A_543 : i32
        %add3A_546 = arith.constant 0 : i32
        %add3A_547 = arith.addi %add3A_545, %add3A_546 : i32
        %get3A_548 = arith.index_cast %add3A_547 : i32 to index
        %get3A_549 = arith.index_cast %mul3A_441 : i32 to index
        %get3A_550 = tpu.vector_load %arg17[%get3A_548, %get3A_549] {strides = array<i32>} : memref<16x128xf32, #tpu.memory_space<vmem>>, vector<16xf32>,
        %broadcast_in_dim3A_551 = arith.constant 8 : i32
        %broadcast_in_dim3A_552 = vector.broadcast %broadcast_in_dim3A_551 : i32 to vector<16xi32>
        tpu.vector_store_idx %arg18[%add3A_453, %broadcast_in_dim3A_552], %get3A_550 : memref<128x16xf32, #tpu.memory_space<vmem>>[vector<16xi32>, vector<16xi32>], vector<16xf32>,
        %mul3A_553 = arith.constant 8 : i32
        %mul3A_554 = arith.muli %shift_right_arithmetic3A_437, %mul3A_553 : i32
        %add3A_555 = arith.constant 8 : i32
        %add3A_556 = arith.addi %add3A_555, %mul3A_554 : i32
        %add3A_557 = arith.constant 1 : i32
        %add3A_558 = arith.addi %add3A_556, %add3A_557 : i32
        %get3A_559 = arith.index_cast %add3A_558 : i32 to index
        %get3A_560 = arith.index_cast %mul3A_441 : i32 to index
        %get3A_561 = tpu.vector_load %arg17[%get3A_559, %get3A_560] {strides = array<i32>} : memref<16x128xf32, #tpu.memory_space<vmem>>, vector<16xf32>,
        %broadcast_in_dim3A_562 = arith.constant 9 : i32
        %broadcast_in_dim3A_563 = vector.broadcast %broadcast_in_dim3A_562 : i32 to vector<16xi32>
        tpu.vector_store_idx %arg18[%add3A_453, %broadcast_in_dim3A_563], %get3A_561 : memref<128x16xf32, #tpu.memory_space<vmem>>[vector<16xi32>, vector<16xi32>], vector<16xf32>,
        %mul3A_564 = arith.constant 8 : i32
        %mul3A_565 = arith.muli %shift_right_arithmetic3A_437, %mul3A_564 : i32
        %add3A_566 = arith.constant 8 : i32
        %add3A_567 = arith.addi %add3A_566, %mul3A_565 : i32
        %add3A_568 = arith.constant 2 : i32
        %add3A_569 = arith.addi %add3A_567, %add3A_568 : i32
        %get3A_570 = arith.index_cast %add3A_569 : i32 to index
        %get3A_571 = arith.index_cast %mul3A_441 : i32 to index
        %get3A_572 = tpu.vector_load %arg17[%get3A_570, %get3A_571] {strides = array<i32>} : memref<16x128xf32, #tpu.memory_space<vmem>>, vector<16xf32>,
        %broadcast_in_dim3A_573 = arith.constant 10 : i32
        %broadcast_in_dim3A_574 = vector.broadcast %broadcast_in_dim3A_573 : i32 to vector<16xi32>
        tpu.vector_store_idx %arg18[%add3A_453, %broadcast_in_dim3A_574], %get3A_572 : memref<128x16xf32, #tpu.memory_space<vmem>>[vector<16xi32>, vector<16xi32>], vector<16xf32>,
        %mul3A_575 = arith.constant 8 : i32
        %mul3A_576 = arith.muli %shift_right_arithmetic3A_437, %mul3A_575 : i32
        %add3A_577 = arith.constant 8 : i32
        %add3A_578 = arith.addi %add3A_577, %mul3A_576 : i32
        %add3A_579 = arith.constant 3 : i32
        %add3A_580 = arith.addi %add3A_578, %add3A_579 : i32
        %get3A_581 = arith.index_cast %add3A_580 : i32 to index
        %get3A_582 = arith.index_cast %mul3A_441 : i32 to index
        %get3A_583 = tpu.vector_load %arg17[%get3A_581, %get3A_582] {strides = array<i32>} : memref<16x128xf32, #tpu.memory_space<vmem>>, vector<16xf32>,
        %broadcast_in_dim3A_584 = arith.constant 11 : i32
        %broadcast_in_dim3A_585 = vector.broadcast %broadcast_in_dim3A_584 : i32 to vector<16xi32>
        tpu.vector_store_idx %arg18[%add3A_453, %broadcast_in_dim3A_585], %get3A_583 : memref<128x16xf32, #tpu.memory_space<vmem>>[vector<16xi32>, vector<16xi32>], vector<16xf32>,
        %mul3A_586 = arith.constant 8 : i32
        %mul3A_587 = arith.muli %shift_right_arithmetic3A_437, %mul3A_586 : i32
        %add3A_588 = arith.constant 8 : i32
        %add3A_589 = arith.addi %add3A_588, %mul3A_587 : i32
        %add3A_590 = arith.constant 4 : i32
        %add3A_591 = arith.addi %add3A_589, %add3A_590 : i32
        %get3A_592 = arith.index_cast %add3A_591 : i32 to index
        %get3A_593 = arith.index_cast %mul3A_441 : i32 to index
        %get3A_594 = tpu.vector_load %arg17[%get3A_592, %get3A_593] {strides = array<i32>} : memref<16x128xf32, #tpu.memory_space<vmem>>, vector<16xf32>,
        %broadcast_in_dim3A_595 = arith.constant 12 : i32
        %broadcast_in_dim3A_596 = vector.broadcast %broadcast_in_dim3A_595 : i32 to vector<16xi32>
        tpu.vector_store_idx %arg18[%add3A_453, %broadcast_in_dim3A_596], %get3A_594 : memref<128x16xf32, #tpu.memory_space<vmem>>[vector<16xi32>, vector<16xi32>], vector<16xf32>,
        %mul3A_597 = arith.constant 8 : i32
        %mul3A_598 = arith.muli %shift_right_arithmetic3A_437, %mul3A_597 : i32
        %add3A_599 = arith.constant 8 : i32
        %add3A_600 = arith.addi %add3A_599, %mul3A_598 : i32
        %add3A_601 = arith.constant 5 : i32
        %add3A_602 = arith.addi %add3A_600, %add3A_601 : i32
        %get3A_603 = arith.index_cast %add3A_602 : i32 to index
        %get3A_604 = arith.index_cast %mul3A_441 : i32 to index
        %get3A_605 = tpu.vector_load %arg17[%get3A_603, %get3A_604] {strides = array<i32>} : memref<16x128xf32, #tpu.memory_space<vmem>>, vector<16xf32>,
        %broadcast_in_dim3A_606 = arith.constant 13 : i32
        %broadcast_in_dim3A_607 = vector.broadcast %broadcast_in_dim3A_606 : i32 to vector<16xi32>
        tpu.vector_store_idx %arg18[%add3A_453, %broadcast_in_dim3A_607], %get3A_605 : memref<128x16xf32, #tpu.memory_space<vmem>>[vector<16xi32>, vector<16xi32>], vector<16xf32>,
        %mul3A_608 = arith.constant 8 : i32
        %mul3A_609 = arith.muli %shift_right_arithmetic3A_437, %mul3A_608 : i32
        %add3A_610 = arith.constant 8 : i32
        %add3A_611 = arith.addi %add3A_610, %mul3A_609 : i32
        %add3A_612 = arith.constant 6 : i32
        %add3A_613 = arith.addi %add3A_611, %add3A_612 : i32
        %get3A_614 = arith.index_cast %add3A_613 : i32 to index
        %get3A_615 = arith.index_cast %mul3A_441 : i32 to index
        %get3A_616 = tpu.vector_load %arg17[%get3A_614, %get3A_615] {strides = array<i32>} : memref<16x128xf32, #tpu.memory_space<vmem>>, vector<16xf32>,
        %broadcast_in_dim3A_617 = arith.constant 14 : i32
        %broadcast_in_dim3A_618 = vector.broadcast %broadcast_in_dim3A_617 : i32 to vector<16xi32>
        tpu.vector_store_idx %arg18[%add3A_453, %broadcast_in_dim3A_618], %get3A_616 : memref<128x16xf32, #tpu.memory_space<vmem>>[vector<16xi32>, vector<16xi32>], vector<16xf32>,
        %mul3A_619 = arith.constant 8 : i32
        %mul3A_620 = arith.muli %shift_right_arithmetic3A_437, %mul3A_619 : i32
        %add3A_621 = arith.constant 8 : i32
        %add3A_622 = arith.addi %add3A_621, %mul3A_620 : i32
        %add3A_623 = arith.constant 7 : i32
        %add3A_624 = arith.addi %add3A_622, %add3A_623 : i32
        %get3A_625 = arith.index_cast %add3A_624 : i32 to index
        %get3A_626 = arith.index_cast %mul3A_441 : i32 to index
        %get3A_627 = tpu.vector_load %arg17[%get3A_625, %get3A_626] {strides = array<i32>} : memref<16x128xf32, #tpu.memory_space<vmem>>, vector<16xf32>,
        %broadcast_in_dim3A_628 = arith.constant 15 : i32
        %broadcast_in_dim3A_629 = vector.broadcast %broadcast_in_dim3A_628 : i32 to vector<16xi32>
        tpu.vector_store_idx %arg18[%add3A_453, %broadcast_in_dim3A_629], %get3A_627 : memref<128x16xf32, #tpu.memory_space<vmem>>[vector<16xi32>, vector<16xi32>], vector<16xf32>,
        %mul3A_630 = arith.constant 4 : i32
        %mul3A_631 = arith.muli %scan3A_237, %mul3A_630 : i32
        %add3A_632 = arith.constant 2 : i32
        %add3A_633 = arith.addi %mul3A_631, %add3A_632 : i32
        %shift_right_arithmetic3A_634 = arith.constant 3 : i32
        %shift_right_arithmetic3A_635 = arith.shrsi %add3A_633, %shift_right_arithmetic3A_634 : i32
        %and3A_636 = arith.constant 7 : i32
        %and3A_637 = arith.andi %add3A_633, %and3A_636 : i32
        %mul3A_638 = arith.constant 16 : i32
        %mul3A_639 = arith.muli %and3A_637, %mul3A_638 : i32
        %get3A_640 = arith.index_cast %shift_right_arithmetic3A_635 : i32 to index
        %get3A_641 = arith.index_cast %mul3A_639 : i32 to index
        %get3A_642 = tpu.vector_load %arg16[%get3A_640, %get3A_641] {strides = array<i32>} : memref<1x128xi32, #tpu.memory_space<vmem>>, vector<16xi32>,
        %gather3A_643 = tpu.vector_load_idx %arg7[%get3A_642] : memref<50000xi32, #tpu.memory_space<vmem>>[vector<16xi32>], vector<16xi32>,
        %mul3A_644 = arith.constant 16 : i32
        %mul3A_645 = arith.muli %add3A_633, %mul3A_644 : i32
        %swap3A_646 = arith.index_cast %mul3A_645 : i32 to index
        %swap3A_647 = tpu.vector_load %arg19[%swap3A_646] {strides = array<i32>} : memref<128xi32, #tpu.memory_space<vmem>>, vector<16xi32>,
        tpu.vector_store %arg19[%swap3A_646], %gather3A_643 {strides = array<i32>} : memref<128xi32, #tpu.memory_space<vmem>>, vector<16xi32>,
        tpu.vector_store_idx %arg21[%iota3A, %gather3A_643], %broadcast_in_dim3A_18 {add = true} : memref<16x256xf32, #tpu.memory_space<vmem>>[vector<16xi32>, vector<16xi32>], vector<16xf32>,
        %mul3A_648 = arith.constant 16 : i32
        %mul3A_649 = arith.muli %add3A_633, %mul3A_648 : i32
        %add3A_650 = vector.broadcast %mul3A_649 : i32 to vector<16xi32>
        %add3A_651 = arith.addi %iota3A_65, %add3A_650 : vector<16xi32>
        %mul3A_652 = arith.constant 8 : i32
        %mul3A_653 = arith.muli %shift_right_arithmetic3A_635, %mul3A_652 : i32
        %add3A_654 = arith.constant 0 : i32
        %add3A_655 = arith.addi %add3A_654, %mul3A_653 : i32
        %add3A_656 = arith.constant 0 : i32
        %add3A_657 = arith.addi %add3A_655, %add3A_656 : i32
        %get3A_658 = arith.index_cast %add3A_657 : i32 to index
        %get3A_659 = arith.index_cast %mul3A_639 : i32 to index
        %get3A_660 = tpu.vector_load %arg17[%get3A_658, %get3A_659] {strides = array<i32>} : memref<16x128xf32, #tpu.memory_space<vmem>>, vector<16xf32>,
        %broadcast_in_dim3A_661 = arith.constant 0 : i32
        %broadcast_in_dim3A_662 = vector.broadcast %broadcast_in_dim3A_661 : i32 to vector<16xi32>
        tpu.vector_store_idx %arg18[%add3A_651, %broadcast_in_dim3A_662], %get3A_660 : memref<128x16xf32, #tpu.memory_space<vmem>>[vector<16xi32>, vector<16xi32>], vector<16xf32>,
        %mul3A_663 = arith.constant 8 : i32
        %mul3A_664 = arith.muli %shift_right_arithmetic3A_635, %mul3A_663 : i32
        %add3A_665 = arith.constant 0 : i32
        %add3A_666 = arith.addi %add3A_665, %mul3A_664 : i32
        %add3A_667 = arith.constant 1 : i32
        %add3A_668 = arith.addi %add3A_666, %add3A_667 : i32
        %get3A_669 = arith.index_cast %add3A_668 : i32 to index
        %get3A_670 = arith.index_cast %mul3A_639 : i32 to index
        %get3A_671 = tpu.vector_load %arg17[%get3A_669, %get3A_670] {strides = array<i32>} : memref<16x128xf32, #tpu.memory_space<vmem>>, vector<16xf32>,
        %broadcast_in_dim3A_672 = arith.constant 1 : i32
        %broadcast_in_dim3A_673 = vector.broadcast %broadcast_in_dim3A_672 : i32 to vector<16xi32>
        tpu.vector_store_idx %arg18[%add3A_651, %broadcast_in_dim3A_673], %get3A_671 : memref<128x16xf32, #tpu.memory_space<vmem>>[vector<16xi32>, vector<16xi32>], vector<16xf32>,
        %mul3A_674 = arith.constant 8 : i32
        %mul3A_675 = arith.muli %shift_right_arithmetic3A_635, %mul3A_674 : i32
        %add3A_676 = arith.constant 0 : i32
        %add3A_677 = arith.addi %add3A_676, %mul3A_675 : i32
        %add3A_678 = arith.constant 2 : i32
        %add3A_679 = arith.addi %add3A_677, %add3A_678 : i32
        %get3A_680 = arith.index_cast %add3A_679 : i32 to index
        %get3A_681 = arith.index_cast %mul3A_639 : i32 to index
        %get3A_682 = tpu.vector_load %arg17[%get3A_680, %get3A_681] {strides = array<i32>} : memref<16x128xf32, #tpu.memory_space<vmem>>, vector<16xf32>,
        %broadcast_in_dim3A_683 = arith.constant 2 : i32
        %broadcast_in_dim3A_684 = vector.broadcast %broadcast_in_dim3A_683 : i32 to vector<16xi32>
        tpu.vector_store_idx %arg18[%add3A_651, %broadcast_in_dim3A_684], %get3A_682 : memref<128x16xf32, #tpu.memory_space<vmem>>[vector<16xi32>, vector<16xi32>], vector<16xf32>,
        %mul3A_685 = arith.constant 8 : i32
        %mul3A_686 = arith.muli %shift_right_arithmetic3A_635, %mul3A_685 : i32
        %add3A_687 = arith.constant 0 : i32
        %add3A_688 = arith.addi %add3A_687, %mul3A_686 : i32
        %add3A_689 = arith.constant 3 : i32
        %add3A_690 = arith.addi %add3A_688, %add3A_689 : i32
        %get3A_691 = arith.index_cast %add3A_690 : i32 to index
        %get3A_692 = arith.index_cast %mul3A_639 : i32 to index
        %get3A_693 = tpu.vector_load %arg17[%get3A_691, %get3A_692] {strides = array<i32>} : memref<16x128xf32, #tpu.memory_space<vmem>>, vector<16xf32>,
        %broadcast_in_dim3A_694 = arith.constant 3 : i32
        %broadcast_in_dim3A_695 = vector.broadcast %broadcast_in_dim3A_694 : i32 to vector<16xi32>
        tpu.vector_store_idx %arg18[%add3A_651, %broadcast_in_dim3A_695], %get3A_693 : memref<128x16xf32, #tpu.memory_space<vmem>>[vector<16xi32>, vector<16xi32>], vector<16xf32>,
        %mul3A_696 = arith.constant 8 : i32
        %mul3A_697 = arith.muli %shift_right_arithmetic3A_635, %mul3A_696 : i32
        %add3A_698 = arith.constant 0 : i32
        %add3A_699 = arith.addi %add3A_698, %mul3A_697 : i32
        %add3A_700 = arith.constant 4 : i32
        %add3A_701 = arith.addi %add3A_699, %add3A_700 : i32
        %get3A_702 = arith.index_cast %add3A_701 : i32 to index
        %get3A_703 = arith.index_cast %mul3A_639 : i32 to index
        %get3A_704 = tpu.vector_load %arg17[%get3A_702, %get3A_703] {strides = array<i32>} : memref<16x128xf32, #tpu.memory_space<vmem>>, vector<16xf32>,
        %broadcast_in_dim3A_705 = arith.constant 4 : i32
        %broadcast_in_dim3A_706 = vector.broadcast %broadcast_in_dim3A_705 : i32 to vector<16xi32>
        tpu.vector_store_idx %arg18[%add3A_651, %broadcast_in_dim3A_706], %get3A_704 : memref<128x16xf32, #tpu.memory_space<vmem>>[vector<16xi32>, vector<16xi32>], vector<16xf32>,
        %mul3A_707 = arith.constant 8 : i32
        %mul3A_708 = arith.muli %shift_right_arithmetic3A_635, %mul3A_707 : i32
        %add3A_709 = arith.constant 0 : i32
        %add3A_710 = arith.addi %add3A_709, %mul3A_708 : i32
        %add3A_711 = arith.constant 5 : i32
        %add3A_712 = arith.addi %add3A_710, %add3A_711 : i32
        %get3A_713 = arith.index_cast %add3A_712 : i32 to index
        %get3A_714 = arith.index_cast %mul3A_639 : i32 to index
        %get3A_715 = tpu.vector_load %arg17[%get3A_713, %get3A_714] {strides = array<i32>} : memref<16x128xf32, #tpu.memory_space<vmem>>, vector<16xf32>,
        %broadcast_in_dim3A_716 = arith.constant 5 : i32
        %broadcast_in_dim3A_717 = vector.broadcast %broadcast_in_dim3A_716 : i32 to vector<16xi32>
        tpu.vector_store_idx %arg18[%add3A_651, %broadcast_in_dim3A_717], %get3A_715 : memref<128x16xf32, #tpu.memory_space<vmem>>[vector<16xi32>, vector<16xi32>], vector<16xf32>,
        %mul3A_718 = arith.constant 8 : i32
        %mul3A_719 = arith.muli %shift_right_arithmetic3A_635, %mul3A_718 : i32
        %add3A_720 = arith.constant 0 : i32
        %add3A_721 = arith.addi %add3A_720, %mul3A_719 : i32
        %add3A_722 = arith.constant 6 : i32
        %add3A_723 = arith.addi %add3A_721, %add3A_722 : i32
        %get3A_724 = arith.index_cast %add3A_723 : i32 to index
        %get3A_725 = arith.index_cast %mul3A_639 : i32 to index
        %get3A_726 = tpu.vector_load %arg17[%get3A_724, %get3A_725] {strides = array<i32>} : memref<16x128xf32, #tpu.memory_space<vmem>>, vector<16xf32>,
        %broadcast_in_dim3A_727 = arith.constant 6 : i32
        %broadcast_in_dim3A_728 = vector.broadcast %broadcast_in_dim3A_727 : i32 to vector<16xi32>
        tpu.vector_store_idx %arg18[%add3A_651, %broadcast_in_dim3A_728], %get3A_726 : memref<128x16xf32, #tpu.memory_space<vmem>>[vector<16xi32>, vector<16xi32>], vector<16xf32>,
        %mul3A_729 = arith.constant 8 : i32
        %mul3A_730 = arith.muli %shift_right_arithmetic3A_635, %mul3A_729 : i32
        %add3A_731 = arith.constant 0 : i32
        %add3A_732 = arith.addi %add3A_731, %mul3A_730 : i32
        %add3A_733 = arith.constant 7 : i32
        %add3A_734 = arith.addi %add3A_732, %add3A_733 : i32
        %get3A_735 = arith.index_cast %add3A_734 : i32 to index
        %get3A_736 = arith.index_cast %mul3A_639 : i32 to index
        %get3A_737 = tpu.vector_load %arg17[%get3A_735, %get3A_736] {strides = array<i32>} : memref<16x128xf32, #tpu.memory_space<vmem>>, vector<16xf32>,
        %broadcast_in_dim3A_738 = arith.constant 7 : i32
        %broadcast_in_dim3A_739 = vector.broadcast %broadcast_in_dim3A_738 : i32 to vector<16xi32>
        tpu.vector_store_idx %arg18[%add3A_651, %broadcast_in_dim3A_739], %get3A_737 : memref<128x16xf32, #tpu.memory_space<vmem>>[vector<16xi32>, vector<16xi32>], vector<16xf32>,
        %mul3A_740 = arith.constant 8 : i32
        %mul3A_741 = arith.muli %shift_right_arithmetic3A_635, %mul3A_740 : i32
        %add3A_742 = arith.constant 8 : i32
        %add3A_743 = arith.addi %add3A_742, %mul3A_741 : i32
        %add3A_744 = arith.constant 0 : i32
        %add3A_745 = arith.addi %add3A_743, %add3A_744 : i32
        %get3A_746 = arith.index_cast %add3A_745 : i32 to index
        %get3A_747 = arith.index_cast %mul3A_639 : i32 to index
        %get3A_748 = tpu.vector_load %arg17[%get3A_746, %get3A_747] {strides = array<i32>} : memref<16x128xf32, #tpu.memory_space<vmem>>, vector<16xf32>,
        %broadcast_in_dim3A_749 = arith.constant 8 : i32
        %broadcast_in_dim3A_750 = vector.broadcast %broadcast_in_dim3A_749 : i32 to vector<16xi32>
        tpu.vector_store_idx %arg18[%add3A_651, %broadcast_in_dim3A_750], %get3A_748 : memref<128x16xf32, #tpu.memory_space<vmem>>[vector<16xi32>, vector<16xi32>], vector<16xf32>,
        %mul3A_751 = arith.constant 8 : i32
        %mul3A_752 = arith.muli %shift_right_arithmetic3A_635, %mul3A_751 : i32
        %add3A_753 = arith.constant 8 : i32
        %add3A_754 = arith.addi %add3A_753, %mul3A_752 : i32
        %add3A_755 = arith.constant 1 : i32
        %add3A_756 = arith.addi %add3A_754, %add3A_755 : i32
        %get3A_757 = arith.index_cast %add3A_756 : i32 to index
        %get3A_758 = arith.index_cast %mul3A_639 : i32 to index
        %get3A_759 = tpu.vector_load %arg17[%get3A_757, %get3A_758] {strides = array<i32>} : memref<16x128xf32, #tpu.memory_space<vmem>>, vector<16xf32>,
        %broadcast_in_dim3A_760 = arith.constant 9 : i32
        %broadcast_in_dim3A_761 = vector.broadcast %broadcast_in_dim3A_760 : i32 to vector<16xi32>
        tpu.vector_store_idx %arg18[%add3A_651, %broadcast_in_dim3A_761], %get3A_759 : memref<128x16xf32, #tpu.memory_space<vmem>>[vector<16xi32>, vector<16xi32>], vector<16xf32>,
        %mul3A_762 = arith.constant 8 : i32
        %mul3A_763 = arith.muli %shift_right_arithmetic3A_635, %mul3A_762 : i32
        %add3A_764 = arith.constant 8 : i32
        %add3A_765 = arith.addi %add3A_764, %mul3A_763 : i32
        %add3A_766 = arith.constant 2 : i32
        %add3A_767 = arith.addi %add3A_765, %add3A_766 : i32
        %get3A_768 = arith.index_cast %add3A_767 : i32 to index
        %get3A_769 = arith.index_cast %mul3A_639 : i32 to index
        %get3A_770 = tpu.vector_load %arg17[%get3A_768, %get3A_769] {strides = array<i32>} : memref<16x128xf32, #tpu.memory_space<vmem>>, vector<16xf32>,
        %broadcast_in_dim3A_771 = arith.constant 10 : i32
        %broadcast_in_dim3A_772 = vector.broadcast %broadcast_in_dim3A_771 : i32 to vector<16xi32>
        tpu.vector_store_idx %arg18[%add3A_651, %broadcast_in_dim3A_772], %get3A_770 : memref<128x16xf32, #tpu.memory_space<vmem>>[vector<16xi32>, vector<16xi32>], vector<16xf32>,
        %mul3A_773 = arith.constant 8 : i32
        %mul3A_774 = arith.muli %shift_right_arithmetic3A_635, %mul3A_773 : i32
        %add3A_775 = arith.constant 8 : i32
        %add3A_776 = arith.addi %add3A_775, %mul3A_774 : i32
        %add3A_777 = arith.constant 3 : i32
        %add3A_778 = arith.addi %add3A_776, %add3A_777 : i32
        %get3A_779 = arith.index_cast %add3A_778 : i32 to index
        %get3A_780 = arith.index_cast %mul3A_639 : i32 to index
        %get3A_781 = tpu.vector_load %arg17[%get3A_779, %get3A_780] {strides = array<i32>} : memref<16x128xf32, #tpu.memory_space<vmem>>, vector<16xf32>,
        %broadcast_in_dim3A_782 = arith.constant 11 : i32
        %broadcast_in_dim3A_783 = vector.broadcast %broadcast_in_dim3A_782 : i32 to vector<16xi32>
        tpu.vector_store_idx %arg18[%add3A_651, %broadcast_in_dim3A_783], %get3A_781 : memref<128x16xf32, #tpu.memory_space<vmem>>[vector<16xi32>, vector<16xi32>], vector<16xf32>,
        %mul3A_784 = arith.constant 8 : i32
        %mul3A_785 = arith.muli %shift_right_arithmetic3A_635, %mul3A_784 : i32
        %add3A_786 = arith.constant 8 : i32
        %add3A_787 = arith.addi %add3A_786, %mul3A_785 : i32
        %add3A_788 = arith.constant 4 : i32
        %add3A_789 = arith.addi %add3A_787, %add3A_788 : i32
        %get3A_790 = arith.index_cast %add3A_789 : i32 to index
        %get3A_791 = arith.index_cast %mul3A_639 : i32 to index
        %get3A_792 = tpu.vector_load %arg17[%get3A_790, %get3A_791] {strides = array<i32>} : memref<16x128xf32, #tpu.memory_space<vmem>>, vector<16xf32>,
        %broadcast_in_dim3A_793 = arith.constant 12 : i32
        %broadcast_in_dim3A_794 = vector.broadcast %broadcast_in_dim3A_793 : i32 to vector<16xi32>
        tpu.vector_store_idx %arg18[%add3A_651, %broadcast_in_dim3A_794], %get3A_792 : memref<128x16xf32, #tpu.memory_space<vmem>>[vector<16xi32>, vector<16xi32>], vector<16xf32>,
        %mul3A_795 = arith.constant 8 : i32
        %mul3A_796 = arith.muli %shift_right_arithmetic3A_635, %mul3A_795 : i32
        %add3A_797 = arith.constant 8 : i32
        %add3A_798 = arith.addi %add3A_797, %mul3A_796 : i32
        %add3A_799 = arith.constant 5 : i32
        %add3A_800 = arith.addi %add3A_798, %add3A_799 : i32
        %get3A_801 = arith.index_cast %add3A_800 : i32 to index
        %get3A_802 = arith.index_cast %mul3A_639 : i32 to index
        %get3A_803 = tpu.vector_load %arg17[%get3A_801, %get3A_802] {strides = array<i32>} : memref<16x128xf32, #tpu.memory_space<vmem>>, vector<16xf32>,
        %broadcast_in_dim3A_804 = arith.constant 13 : i32
        %broadcast_in_dim3A_805 = vector.broadcast %broadcast_in_dim3A_804 : i32 to vector<16xi32>
        tpu.vector_store_idx %arg18[%add3A_651, %broadcast_in_dim3A_805], %get3A_803 : memref<128x16xf32, #tpu.memory_space<vmem>>[vector<16xi32>, vector<16xi32>], vector<16xf32>,
        %mul3A_806 = arith.constant 8 : i32
        %mul3A_807 = arith.muli %shift_right_arithmetic3A_635, %mul3A_806 : i32
        %add3A_808 = arith.constant 8 : i32
        %add3A_809 = arith.addi %add3A_808, %mul3A_807 : i32
        %add3A_810 = arith.constant 6 : i32
        %add3A_811 = arith.addi %add3A_809, %add3A_810 : i32
        %get3A_812 = arith.index_cast %add3A_811 : i32 to index
        %get3A_813 = arith.index_cast %mul3A_639 : i32 to index
        %get3A_814 = tpu.vector_load %arg17[%get3A_812, %get3A_813] {strides = array<i32>} : memref<16x128xf32, #tpu.memory_space<vmem>>, vector<16xf32>,
        %broadcast_in_dim3A_815 = arith.constant 14 : i32
        %broadcast_in_dim3A_816 = vector.broadcast %broadcast_in_dim3A_815 : i32 to vector<16xi32>
        tpu.vector_store_idx %arg18[%add3A_651, %broadcast_in_dim3A_816], %get3A_814 : memref<128x16xf32, #tpu.memory_space<vmem>>[vector<16xi32>, vector<16xi32>], vector<16xf32>,
        %mul3A_817 = arith.constant 8 : i32
        %mul3A_818 = arith.muli %shift_right_arithmetic3A_635, %mul3A_817 : i32
        %add3A_819 = arith.constant 8 : i32
        %add3A_820 = arith.addi %add3A_819, %mul3A_818 : i32
        %add3A_821 = arith.constant 7 : i32
        %add3A_822 = arith.addi %add3A_820, %add3A_821 : i32
        %get3A_823 = arith.index_cast %add3A_822 : i32 to index
        %get3A_824 = arith.index_cast %mul3A_639 : i32 to index
        %get3A_825 = tpu.vector_load %arg17[%get3A_823, %get3A_824] {strides = array<i32>} : memref<16x128xf32, #tpu.memory_space<vmem>>, vector<16xf32>,
        %broadcast_in_dim3A_826 = arith.constant 15 : i32
        %broadcast_in_dim3A_827 = vector.broadcast %broadcast_in_dim3A_826 : i32 to vector<16xi32>
        tpu.vector_store_idx %arg18[%add3A_651, %broadcast_in_dim3A_827], %get3A_825 : memref<128x16xf32, #tpu.memory_space<vmem>>[vector<16xi32>, vector<16xi32>], vector<16xf32>,
        %mul3A_828 = arith.constant 4 : i32
        %mul3A_829 = arith.muli %scan3A_237, %mul3A_828 : i32
        %add3A_830 = arith.constant 3 : i32
        %add3A_831 = arith.addi %mul3A_829, %add3A_830 : i32
        %shift_right_arithmetic3A_832 = arith.constant 3 : i32
        %shift_right_arithmetic3A_833 = arith.shrsi %add3A_831, %shift_right_arithmetic3A_832 : i32
        %and3A_834 = arith.constant 7 : i32
        %and3A_835 = arith.andi %add3A_831, %and3A_834 : i32
        %mul3A_836 = arith.constant 16 : i32
        %mul3A_837 = arith.muli %and3A_835, %mul3A_836 : i32
        %get3A_838 = arith.index_cast %shift_right_arithmetic3A_833 : i32 to index
        %get3A_839 = arith.index_cast %mul3A_837 : i32 to index
        %get3A_840 = tpu.vector_load %arg16[%get3A_838, %get3A_839] {strides = array<i32>} : memref<1x128xi32, #tpu.memory_space<vmem>>, vector<16xi32>,
        %gather3A_841 = tpu.vector_load_idx %arg7[%get3A_840] : memref<50000xi32, #tpu.memory_space<vmem>>[vector<16xi32>], vector<16xi32>,
        %mul3A_842 = arith.constant 16 : i32
        %mul3A_843 = arith.muli %add3A_831, %mul3A_842 : i32
        %swap3A_844 = arith.index_cast %mul3A_843 : i32 to index
        %swap3A_845 = tpu.vector_load %arg19[%swap3A_844] {strides = array<i32>} : memref<128xi32, #tpu.memory_space<vmem>>, vector<16xi32>,
        tpu.vector_store %arg19[%swap3A_844], %gather3A_841 {strides = array<i32>} : memref<128xi32, #tpu.memory_space<vmem>>, vector<16xi32>,
        tpu.vector_store_idx %arg21[%iota3A, %gather3A_841], %broadcast_in_dim3A_18 {add = true} : memref<16x256xf32, #tpu.memory_space<vmem>>[vector<16xi32>, vector<16xi32>], vector<16xf32>,
        %mul3A_846 = arith.constant 16 : i32
        %mul3A_847 = arith.muli %add3A_831, %mul3A_846 : i32
        %add3A_848 = vector.broadcast %mul3A_847 : i32 to vector<16xi32>
        %add3A_849 = arith.addi %iota3A_65, %add3A_848 : vector<16xi32>
        %mul3A_850 = arith.constant 8 : i32
        %mul3A_851 = arith.muli %shift_right_arithmetic3A_833, %mul3A_850 : i32
        %add3A_852 = arith.constant 0 : i32
        %add3A_853 = arith.addi %add3A_852, %mul3A_851 : i32
        %add3A_854 = arith.constant 0 : i32
        %add3A_855 = arith.addi %add3A_853, %add3A_854 : i32
        %get3A_856 = arith.index_cast %add3A_855 : i32 to index
        %get3A_857 = arith.index_cast %mul3A_837 : i32 to index
        %get3A_858 = tpu.vector_load %arg17[%get3A_856, %get3A_857] {strides = array<i32>} : memref<16x128xf32, #tpu.memory_space<vmem>>, vector<16xf32>,
        %broadcast_in_dim3A_859 = arith.constant 0 : i32
        %broadcast_in_dim3A_860 = vector.broadcast %broadcast_in_dim3A_859 : i32 to vector<16xi32>
        tpu.vector_store_idx %arg18[%add3A_849, %broadcast_in_dim3A_860], %get3A_858 : memref<128x16xf32, #tpu.memory_space<vmem>>[vector<16xi32>, vector<16xi32>], vector<16xf32>,
        %mul3A_861 = arith.constant 8 : i32
        %mul3A_862 = arith.muli %shift_right_arithmetic3A_833, %mul3A_861 : i32
        %add3A_863 = arith.constant 0 : i32
        %add3A_864 = arith.addi %add3A_863, %mul3A_862 : i32
        %add3A_865 = arith.constant 1 : i32
        %add3A_866 = arith.addi %add3A_864, %add3A_865 : i32
        %get3A_867 = arith.index_cast %add3A_866 : i32 to index
        %get3A_868 = arith.index_cast %mul3A_837 : i32 to index
        %get3A_869 = tpu.vector_load %arg17[%get3A_867, %get3A_868] {strides = array<i32>} : memref<16x128xf32, #tpu.memory_space<vmem>>, vector<16xf32>,
        %broadcast_in_dim3A_870 = arith.constant 1 : i32
        %broadcast_in_dim3A_871 = vector.broadcast %broadcast_in_dim3A_870 : i32 to vector<16xi32>
        tpu.vector_store_idx %arg18[%add3A_849, %broadcast_in_dim3A_871], %get3A_869 : memref<128x16xf32, #tpu.memory_space<vmem>>[vector<16xi32>, vector<16xi32>], vector<16xf32>,
        %mul3A_872 = arith.constant 8 : i32
        %mul3A_873 = arith.muli %shift_right_arithmetic3A_833, %mul3A_872 : i32
        %add3A_874 = arith.constant 0 : i32
        %add3A_875 = arith.addi %add3A_874, %mul3A_873 : i32
        %add3A_876 = arith.constant 2 : i32
        %add3A_877 = arith.addi %add3A_875, %add3A_876 : i32
        %get3A_878 = arith.index_cast %add3A_877 : i32 to index
        %get3A_879 = arith.index_cast %mul3A_837 : i32 to index
        %get3A_880 = tpu.vector_load %arg17[%get3A_878, %get3A_879] {strides = array<i32>} : memref<16x128xf32, #tpu.memory_space<vmem>>, vector<16xf32>,
        %broadcast_in_dim3A_881 = arith.constant 2 : i32
        %broadcast_in_dim3A_882 = vector.broadcast %broadcast_in_dim3A_881 : i32 to vector<16xi32>
        tpu.vector_store_idx %arg18[%add3A_849, %broadcast_in_dim3A_882], %get3A_880 : memref<128x16xf32, #tpu.memory_space<vmem>>[vector<16xi32>, vector<16xi32>], vector<16xf32>,
        %mul3A_883 = arith.constant 8 : i32
        %mul3A_884 = arith.muli %shift_right_arithmetic3A_833, %mul3A_883 : i32
        %add3A_885 = arith.constant 0 : i32
        %add3A_886 = arith.addi %add3A_885, %mul3A_884 : i32
        %add3A_887 = arith.constant 3 : i32
        %add3A_888 = arith.addi %add3A_886, %add3A_887 : i32
        %get3A_889 = arith.index_cast %add3A_888 : i32 to index
        %get3A_890 = arith.index_cast %mul3A_837 : i32 to index
        %get3A_891 = tpu.vector_load %arg17[%get3A_889, %get3A_890] {strides = array<i32>} : memref<16x128xf32, #tpu.memory_space<vmem>>, vector<16xf32>,
        %broadcast_in_dim3A_892 = arith.constant 3 : i32
        %broadcast_in_dim3A_893 = vector.broadcast %broadcast_in_dim3A_892 : i32 to vector<16xi32>
        tpu.vector_store_idx %arg18[%add3A_849, %broadcast_in_dim3A_893], %get3A_891 : memref<128x16xf32, #tpu.memory_space<vmem>>[vector<16xi32>, vector<16xi32>], vector<16xf32>,
        %mul3A_894 = arith.constant 8 : i32
        %mul3A_895 = arith.muli %shift_right_arithmetic3A_833, %mul3A_894 : i32
        %add3A_896 = arith.constant 0 : i32
        %add3A_897 = arith.addi %add3A_896, %mul3A_895 : i32
        %add3A_898 = arith.constant 4 : i32
        %add3A_899 = arith.addi %add3A_897, %add3A_898 : i32
        %get3A_900 = arith.index_cast %add3A_899 : i32 to index
        %get3A_901 = arith.index_cast %mul3A_837 : i32 to index
        %get3A_902 = tpu.vector_load %arg17[%get3A_900, %get3A_901] {strides = array<i32>} : memref<16x128xf32, #tpu.memory_space<vmem>>, vector<16xf32>,
        %broadcast_in_dim3A_903 = arith.constant 4 : i32
        %broadcast_in_dim3A_904 = vector.broadcast %broadcast_in_dim3A_903 : i32 to vector<16xi32>
        tpu.vector_store_idx %arg18[%add3A_849, %broadcast_in_dim3A_904], %get3A_902 : memref<128x16xf32, #tpu.memory_space<vmem>>[vector<16xi32>, vector<16xi32>], vector<16xf32>,
        %mul3A_905 = arith.constant 8 : i32
        %mul3A_906 = arith.muli %shift_right_arithmetic3A_833, %mul3A_905 : i32
        %add3A_907 = arith.constant 0 : i32
        %add3A_908 = arith.addi %add3A_907, %mul3A_906 : i32
        %add3A_909 = arith.constant 5 : i32
        %add3A_910 = arith.addi %add3A_908, %add3A_909 : i32
        %get3A_911 = arith.index_cast %add3A_910 : i32 to index
        %get3A_912 = arith.index_cast %mul3A_837 : i32 to index
        %get3A_913 = tpu.vector_load %arg17[%get3A_911, %get3A_912] {strides = array<i32>} : memref<16x128xf32, #tpu.memory_space<vmem>>, vector<16xf32>,
        %broadcast_in_dim3A_914 = arith.constant 5 : i32
        %broadcast_in_dim3A_915 = vector.broadcast %broadcast_in_dim3A_914 : i32 to vector<16xi32>
        tpu.vector_store_idx %arg18[%add3A_849, %broadcast_in_dim3A_915], %get3A_913 : memref<128x16xf32, #tpu.memory_space<vmem>>[vector<16xi32>, vector<16xi32>], vector<16xf32>,
        %mul3A_916 = arith.constant 8 : i32
        %mul3A_917 = arith.muli %shift_right_arithmetic3A_833, %mul3A_916 : i32
        %add3A_918 = arith.constant 0 : i32
        %add3A_919 = arith.addi %add3A_918, %mul3A_917 : i32
        %add3A_920 = arith.constant 6 : i32
        %add3A_921 = arith.addi %add3A_919, %add3A_920 : i32
        %get3A_922 = arith.index_cast %add3A_921 : i32 to index
        %get3A_923 = arith.index_cast %mul3A_837 : i32 to index
        %get3A_924 = tpu.vector_load %arg17[%get3A_922, %get3A_923] {strides = array<i32>} : memref<16x128xf32, #tpu.memory_space<vmem>>, vector<16xf32>,
        %broadcast_in_dim3A_925 = arith.constant 6 : i32
        %broadcast_in_dim3A_926 = vector.broadcast %broadcast_in_dim3A_925 : i32 to vector<16xi32>
        tpu.vector_store_idx %arg18[%add3A_849, %broadcast_in_dim3A_926], %get3A_924 : memref<128x16xf32, #tpu.memory_space<vmem>>[vector<16xi32>, vector<16xi32>], vector<16xf32>,
        %mul3A_927 = arith.constant 8 : i32
        %mul3A_928 = arith.muli %shift_right_arithmetic3A_833, %mul3A_927 : i32
        %add3A_929 = arith.constant 0 : i32
        %add3A_930 = arith.addi %add3A_929, %mul3A_928 : i32
        %add3A_931 = arith.constant 7 : i32
        %add3A_932 = arith.addi %add3A_930, %add3A_931 : i32
        %get3A_933 = arith.index_cast %add3A_932 : i32 to index
        %get3A_934 = arith.index_cast %mul3A_837 : i32 to index
        %get3A_935 = tpu.vector_load %arg17[%get3A_933, %get3A_934] {strides = array<i32>} : memref<16x128xf32, #tpu.memory_space<vmem>>, vector<16xf32>,
        %broadcast_in_dim3A_936 = arith.constant 7 : i32
        %broadcast_in_dim3A_937 = vector.broadcast %broadcast_in_dim3A_936 : i32 to vector<16xi32>
        tpu.vector_store_idx %arg18[%add3A_849, %broadcast_in_dim3A_937], %get3A_935 : memref<128x16xf32, #tpu.memory_space<vmem>>[vector<16xi32>, vector<16xi32>], vector<16xf32>,
        %mul3A_938 = arith.constant 8 : i32
        %mul3A_939 = arith.muli %shift_right_arithmetic3A_833, %mul3A_938 : i32
        %add3A_940 = arith.constant 8 : i32
        %add3A_941 = arith.addi %add3A_940, %mul3A_939 : i32
        %add3A_942 = arith.constant 0 : i32
        %add3A_943 = arith.addi %add3A_941, %add3A_942 : i32
        %get3A_944 = arith.index_cast %add3A_943 : i32 to index
        %get3A_945 = arith.index_cast %mul3A_837 : i32 to index
        %get3A_946 = tpu.vector_load %arg17[%get3A_944, %get3A_945] {strides = array<i32>} : memref<16x128xf32, #tpu.memory_space<vmem>>, vector<16xf32>,
        %broadcast_in_dim3A_947 = arith.constant 8 : i32
        %broadcast_in_dim3A_948 = vector.broadcast %broadcast_in_dim3A_947 : i32 to vector<16xi32>
        tpu.vector_store_idx %arg18[%add3A_849, %broadcast_in_dim3A_948], %get3A_946 : memref<128x16xf32, #tpu.memory_space<vmem>>[vector<16xi32>, vector<16xi32>], vector<16xf32>,
        %mul3A_949 = arith.constant 8 : i32
        %mul3A_950 = arith.muli %shift_right_arithmetic3A_833, %mul3A_949 : i32
        %add3A_951 = arith.constant 8 : i32
        %add3A_952 = arith.addi %add3A_951, %mul3A_950 : i32
        %add3A_953 = arith.constant 1 : i32
        %add3A_954 = arith.addi %add3A_952, %add3A_953 : i32
        %get3A_955 = arith.index_cast %add3A_954 : i32 to index
        %get3A_956 = arith.index_cast %mul3A_837 : i32 to index
        %get3A_957 = tpu.vector_load %arg17[%get3A_955, %get3A_956] {strides = array<i32>} : memref<16x128xf32, #tpu.memory_space<vmem>>, vector<16xf32>,
        %broadcast_in_dim3A_958 = arith.constant 9 : i32
        %broadcast_in_dim3A_959 = vector.broadcast %broadcast_in_dim3A_958 : i32 to vector<16xi32>
        tpu.vector_store_idx %arg18[%add3A_849, %broadcast_in_dim3A_959], %get3A_957 : memref<128x16xf32, #tpu.memory_space<vmem>>[vector<16xi32>, vector<16xi32>], vector<16xf32>,
        %mul3A_960 = arith.constant 8 : i32
        %mul3A_961 = arith.muli %shift_right_arithmetic3A_833, %mul3A_960 : i32
        %add3A_962 = arith.constant 8 : i32
        %add3A_963 = arith.addi %add3A_962, %mul3A_961 : i32
        %add3A_964 = arith.constant 2 : i32
        %add3A_965 = arith.addi %add3A_963, %add3A_964 : i32
        %get3A_966 = arith.index_cast %add3A_965 : i32 to index
        %get3A_967 = arith.index_cast %mul3A_837 : i32 to index
        %get3A_968 = tpu.vector_load %arg17[%get3A_966, %get3A_967] {strides = array<i32>} : memref<16x128xf32, #tpu.memory_space<vmem>>, vector<16xf32>,
        %broadcast_in_dim3A_969 = arith.constant 10 : i32
        %broadcast_in_dim3A_970 = vector.broadcast %broadcast_in_dim3A_969 : i32 to vector<16xi32>
        tpu.vector_store_idx %arg18[%add3A_849, %broadcast_in_dim3A_970], %get3A_968 : memref<128x16xf32, #tpu.memory_space<vmem>>[vector<16xi32>, vector<16xi32>], vector<16xf32>,
        %mul3A_971 = arith.constant 8 : i32
        %mul3A_972 = arith.muli %shift_right_arithmetic3A_833, %mul3A_971 : i32
        %add3A_973 = arith.constant 8 : i32
        %add3A_974 = arith.addi %add3A_973, %mul3A_972 : i32
        %add3A_975 = arith.constant 3 : i32
        %add3A_976 = arith.addi %add3A_974, %add3A_975 : i32
        %get3A_977 = arith.index_cast %add3A_976 : i32 to index
        %get3A_978 = arith.index_cast %mul3A_837 : i32 to index
        %get3A_979 = tpu.vector_load %arg17[%get3A_977, %get3A_978] {strides = array<i32>} : memref<16x128xf32, #tpu.memory_space<vmem>>, vector<16xf32>,
        %broadcast_in_dim3A_980 = arith.constant 11 : i32
        %broadcast_in_dim3A_981 = vector.broadcast %broadcast_in_dim3A_980 : i32 to vector<16xi32>
        tpu.vector_store_idx %arg18[%add3A_849, %broadcast_in_dim3A_981], %get3A_979 : memref<128x16xf32, #tpu.memory_space<vmem>>[vector<16xi32>, vector<16xi32>], vector<16xf32>,
        %mul3A_982 = arith.constant 8 : i32
        %mul3A_983 = arith.muli %shift_right_arithmetic3A_833, %mul3A_982 : i32
        %add3A_984 = arith.constant 8 : i32
        %add3A_985 = arith.addi %add3A_984, %mul3A_983 : i32
        %add3A_986 = arith.constant 4 : i32
        %add3A_987 = arith.addi %add3A_985, %add3A_986 : i32
        %get3A_988 = arith.index_cast %add3A_987 : i32 to index
        %get3A_989 = arith.index_cast %mul3A_837 : i32 to index
        %get3A_990 = tpu.vector_load %arg17[%get3A_988, %get3A_989] {strides = array<i32>} : memref<16x128xf32, #tpu.memory_space<vmem>>, vector<16xf32>,
        %broadcast_in_dim3A_991 = arith.constant 12 : i32
        %broadcast_in_dim3A_992 = vector.broadcast %broadcast_in_dim3A_991 : i32 to vector<16xi32>
        tpu.vector_store_idx %arg18[%add3A_849, %broadcast_in_dim3A_992], %get3A_990 : memref<128x16xf32, #tpu.memory_space<vmem>>[vector<16xi32>, vector<16xi32>], vector<16xf32>,
        %mul3A_993 = arith.constant 8 : i32
        %mul3A_994 = arith.muli %shift_right_arithmetic3A_833, %mul3A_993 : i32
        %add3A_995 = arith.constant 8 : i32
        %add3A_996 = arith.addi %add3A_995, %mul3A_994 : i32
        %add3A_997 = arith.constant 5 : i32
        %add3A_998 = arith.addi %add3A_996, %add3A_997 : i32
        %get3A_999 = arith.index_cast %add3A_998 : i32 to index
        %get3A_1000 = arith.index_cast %mul3A_837 : i32 to index
        %get3A_1001 = tpu.vector_load %arg17[%get3A_999, %get3A_1000] {strides = array<i32>} : memref<16x128xf32, #tpu.memory_space<vmem>>, vector<16xf32>,
        %broadcast_in_dim3A_1002 = arith.constant 13 : i32
        %broadcast_in_dim3A_1003 = vector.broadcast %broadcast_in_dim3A_1002 : i32 to vector<16xi32>
        tpu.vector_store_idx %arg18[%add3A_849, %broadcast_in_dim3A_1003], %get3A_1001 : memref<128x16xf32, #tpu.memory_space<vmem>>[vector<16xi32>, vector<16xi32>], vector<16xf32>,
        %mul3A_1004 = arith.constant 8 : i32
        %mul3A_1005 = arith.muli %shift_right_arithmetic3A_833, %mul3A_1004 : i32
        %add3A_1006 = arith.constant 8 : i32
        %add3A_1007 = arith.addi %add3A_1006, %mul3A_1005 : i32
        %add3A_1008 = arith.constant 6 : i32
        %add3A_1009 = arith.addi %add3A_1007, %add3A_1008 : i32
        %get3A_1010 = arith.index_cast %add3A_1009 : i32 to index
        %get3A_1011 = arith.index_cast %mul3A_837 : i32 to index
        %get3A_1012 = tpu.vector_load %arg17[%get3A_1010, %get3A_1011] {strides = array<i32>} : memref<16x128xf32, #tpu.memory_space<vmem>>, vector<16xf32>,
        %broadcast_in_dim3A_1013 = arith.constant 14 : i32
        %broadcast_in_dim3A_1014 = vector.broadcast %broadcast_in_dim3A_1013 : i32 to vector<16xi32>
        tpu.vector_store_idx %arg18[%add3A_849, %broadcast_in_dim3A_1014], %get3A_1012 : memref<128x16xf32, #tpu.memory_space<vmem>>[vector<16xi32>, vector<16xi32>], vector<16xf32>,
        %mul3A_1015 = arith.constant 8 : i32
        %mul3A_1016 = arith.muli %shift_right_arithmetic3A_833, %mul3A_1015 : i32
        %add3A_1017 = arith.constant 8 : i32
        %add3A_1018 = arith.addi %add3A_1017, %mul3A_1016 : i32
        %add3A_1019 = arith.constant 7 : i32
        %add3A_1020 = arith.addi %add3A_1018, %add3A_1019 : i32
        %get3A_1021 = arith.index_cast %add3A_1020 : i32 to index
        %get3A_1022 = arith.index_cast %mul3A_837 : i32 to index
        %get3A_1023 = tpu.vector_load %arg17[%get3A_1021, %get3A_1022] {strides = array<i32>} : memref<16x128xf32, #tpu.memory_space<vmem>>, vector<16xf32>,
        %broadcast_in_dim3A_1024 = arith.constant 15 : i32
        %broadcast_in_dim3A_1025 = vector.broadcast %broadcast_in_dim3A_1024 : i32 to vector<16xi32>
        tpu.vector_store_idx %arg18[%add3A_849, %broadcast_in_dim3A_1025], %get3A_1023 : memref<128x16xf32, #tpu.memory_space<vmem>>[vector<16xi32>, vector<16xi32>], vector<16xf32>,
      }
      %scan3A_236 = arith.constant 2 : i32
      "tpu.region"() ({
        %run_scoped3A_237 = tpu.sem_alloc : memref<!tpu.dma_semaphore, #tpu.memory_space<semaphore_mem>>
        %dma_start3A_238 = arith.constant 0 : i32
        %dma_start3A_239 = arith.constant 0 : i32
        %dma_start3A_240 = tpu.memref_slice %arg20[%dma_start3A_238, %dma_start3A_239] : memref<256x16xf32, #tpu.memory_space<vmem_shared>> -> memref<256x16xf32, #tpu.memory_space<vmem_shared>>
        tpu.enqueue_indirect_dma source(%arg18 : memref<128x16xf32, #tpu.memory_space<vmem>>) target(%dma_start3A_240 : memref<256x16xf32, #tpu.memory_space<vmem_shared>>) offsets(%arg19 : memref<128xi32, #tpu.memory_space<vmem>>) semaphore(%run_scoped3A_237 : memref<!tpu.dma_semaphore, #tpu.memory_space<semaphore_mem>>) {add = true}
        %dma_wait3A_241 = arith.constant 0 : i32
        %dma_wait3A_242 = arith.constant 0 : i32
        %dma_wait3A_243 = tpu.memref_slice %arg20[%dma_wait3A_241, %dma_wait3A_242] : memref<256x16xf32, #tpu.memory_space<vmem_shared>> -> memref<256x16xf32, #tpu.memory_space<vmem_shared>>
        tpu.wait_indirect_dma semaphore(%run_scoped3A_237 : memref<!tpu.dma_semaphore, #tpu.memory_space<semaphore_mem>>) src(%arg18 : memref<128x16xf32, #tpu.memory_space<vmem>>) dst(%dma_wait3A_243 : memref<256x16xf32, #tpu.memory_space<vmem_shared>>)
        tpu.yield
      }) : () -> ()
    } else {
    }
    %barrier3A_215 = arith.constant 0 : index
    tpu.barrier barrier_id(%barrier3A_215)
    %eq3A_216 = arith.constant 0 : i32
    %eq3A_217 = arith.cmpi eq, %arg1, %eq3A_216 : i32
    %convert_element_type3A_218 = arith.extui %eq3A_217 : i1 to i32
    %cond3A_219 = arith.constant 0 : i32
    %cond3A_220 = arith.cmpi ne, %convert_element_type3A_218, %cond3A_219 : i32
    scf.if %cond3A_220 {
      "tpu.region"() ({
        %run_scoped3A = tpu.sem_alloc : memref<!tpu.dma_semaphore, #tpu.memory_space<semaphore_mem>>
        %dma_start3A_221 = arith.constant 0 : i32
        %dma_start3A_222 = arith.constant 0 : i32
        %dma_start3A_223 = tpu.memref_slice %arg5[%arg0, %dma_start3A_221, %dma_start3A_222] : memref<2x256x16xf32, #tpu.memory_space<hbm>> -> memref<1x256x16xf32, #tpu.memory_space<hbm>>
        %dma_start3A_224 = tpu.memref_squeeze %dma_start3A_223 : memref<1x256x16xf32, #tpu.memory_space<hbm>> -> memref<256x16xf32, #tpu.memory_space<hbm>>
        tpu.enqueue_dma source(%arg20 : memref<256x16xf32, #tpu.memory_space<vmem_shared>>) target(%dma_start3A_224 : memref<256x16xf32, #tpu.memory_space<hbm>>) target_semaphore(%run_scoped3A : memref<!tpu.dma_semaphore, #tpu.memory_space<semaphore_mem>>)
        %dma_wait3A_225 = arith.constant 0 : i32
        %dma_wait3A_226 = arith.constant 0 : i32
        %dma_wait3A_227 = tpu.memref_slice %arg5[%arg0, %dma_wait3A_225, %dma_wait3A_226] : memref<2x256x16xf32, #tpu.memory_space<hbm>> -> memref<1x256x16xf32, #tpu.memory_space<hbm>>
        %dma_wait3A_228 = tpu.memref_squeeze %dma_wait3A_227 : memref<1x256x16xf32, #tpu.memory_space<hbm>> -> memref<256x16xf32, #tpu.memory_space<hbm>>
        tpu.wait_dma2 semaphore(%run_scoped3A : memref<!tpu.dma_semaphore, #tpu.memory_space<semaphore_mem>>) src(%arg20 : memref<256x16xf32, #tpu.memory_space<vmem_shared>>) dst(%dma_wait3A_228 : memref<256x16xf32, #tpu.memory_space<hbm>>)
        tpu.yield
      }) : () -> ()
    } else {
    }
    "tpu.region"() ({
      %run_scoped3A = tpu.sem_alloc : memref<!tpu.dma_semaphore, #tpu.memory_space<semaphore_mem>>
      %dma_start3A_221 = arith.constant 0 : i32
      %dma_start3A_222 = arith.constant 0 : i32
      %dma_start3A_223 = tpu.memref_slice %arg6[%add3A, %dma_start3A_221, %dma_start3A_222] : memref<32x16x256xf32, #tpu.memory_space<hbm>> -> memref<1x16x256xf32, #tpu.memory_space<hbm>>
      %dma_start3A_224 = tpu.memref_squeeze %dma_start3A_223 : memref<1x16x256xf32, #tpu.memory_space<hbm>> -> memref<16x256xf32, #tpu.memory_space<hbm>>
      %dma_start3A_225 = arith.constant 0 : i32
      %dma_start3A_226 = arith.constant 0 : i32
      %dma_start3A_227 = tpu.memref_slice %arg6[%add3A, %dma_start3A_225, %dma_start3A_226] : memref<32x16x256xf32, #tpu.memory_space<hbm>> -> memref<1x16x256xf32, #tpu.memory_space<hbm>>
      %dma_start3A_228 = tpu.memref_squeeze %dma_start3A_227 : memref<1x16x256xf32, #tpu.memory_space<hbm>> -> memref<16x256xf32, #tpu.memory_space<hbm>>
      tpu.enqueue_dma source(%arg21 : memref<16x256xf32, #tpu.memory_space<vmem>>) target(%dma_start3A_228 : memref<16x256xf32, #tpu.memory_space<hbm>>) target_semaphore(%run_scoped3A : memref<!tpu.dma_semaphore, #tpu.memory_space<semaphore_mem>>)
      %dma_wait3A_229 = arith.constant 0 : i32
      %dma_wait3A_230 = arith.constant 0 : i32
      %dma_wait3A_231 = tpu.memref_slice %arg6[%add3A, %dma_wait3A_229, %dma_wait3A_230] : memref<32x16x256xf32, #tpu.memory_space<hbm>> -> memref<1x16x256xf32, #tpu.memory_space<hbm>>
      %dma_wait3A_232 = tpu.memref_squeeze %dma_wait3A_231 : memref<1x16x256xf32, #tpu.memory_space<hbm>> -> memref<16x256xf32, #tpu.memory_space<hbm>>
      %dma_wait3A_233 = arith.constant 0 : i32
      %dma_wait3A_234 = arith.constant 0 : i32
      %dma_wait3A_235 = tpu.memref_slice %arg6[%add3A, %dma_wait3A_233, %dma_wait3A_234] : memref<32x16x256xf32, #tpu.memory_space<hbm>> -> memref<1x16x256xf32, #tpu.memory_space<hbm>>
      %dma_wait3A_236 = tpu.memref_squeeze %dma_wait3A_235 : memref<1x16x256xf32, #tpu.memory_space<hbm>> -> memref<16x256xf32, #tpu.memory_space<hbm>>
      tpu.wait_dma2 semaphore(%run_scoped3A : memref<!tpu.dma_semaphore, #tpu.memory_space<semaphore_mem>>) src(%arg21 : memref<16x256xf32, #tpu.memory_space<vmem>>) dst(%dma_wait3A_236 : memref<16x256xf32, #tpu.memory_space<hbm>>)
      tpu.yield
    }) : () -> ()
    return
  }
}

module attributes {stable_mosaic.version = 14 : i64} {
  func.func @body(%arg0: i32, %arg1: memref<1x1x2000xi32, #tpu.memory_space<vmem>>, %arg2: memref<2000x128xf32, #tpu.memory_space<vmem>>, %arg3: memref<256x128xf32, #tpu.memory_space<vmem>>, %arg4: memref<256x128xf32, #tpu.memory_space<vmem>>) attributes {dimension_semantics = [#tpu.dimension_semantics<arbitrary>], iteration_bounds = array<i64: 25>, scalar_prefetch = 0 : i64, scratch_operands = 0 : i64, tpu.core_type = #tpu.core_type<tc>, window_params = [{transform_indices = @transform_0, window_bounds = array<i64: 1, 1, 2000>}, {transform_indices = @transform_1, window_bounds = array<i64: 2000, 128>}, {pipeline_mode = #tpu.pipeline_mode<synchronous>, transform_indices = @transform_2, window_bounds = array<i64: 256, 128>}, {pipeline_mode = #tpu.pipeline_mode<synchronous>, transform_indices = @transform_3, window_bounds = array<i64: 256, 128>}]} {
    %eq3A = arith.constant 0 : i32
    %eq3A_0 = arith.cmpi eq, %arg0, %eq3A : i32
    %convert_element_type3A = arith.extui %eq3A_0 : i1 to i32
    %cond3A = arith.constant 0 : i32
    %cond3A_1 = arith.cmpi ne, %convert_element_type3A, %cond3A : i32
    scf.if %cond3A_1 {
      %broadcast_in_dim3A_30 = arith.constant 0.000000e+00 : f32
      %broadcast_in_dim3A_31 = vector.broadcast %broadcast_in_dim3A_30 : f32 to vector<256x128xf32>
      %swap3A_32 = arith.constant 0 : index
      %swap3A_33 = arith.constant 0 : index
      %swap3A_34 = vector.load %arg3[%swap3A_32, %swap3A_33] : memref<256x128xf32, #tpu.memory_space<vmem>>, vector<256x128xf32>
      tpu.vector_store %arg3[%swap3A_32, %swap3A_33], %broadcast_in_dim3A_31 {strides = array<i32>} : memref<256x128xf32, #tpu.memory_space<vmem>>, vector<256x128xf32>,
      %broadcast_in_dim3A_35 = arith.constant 0.000000e+00 : f32
      %broadcast_in_dim3A_36 = vector.broadcast %broadcast_in_dim3A_35 : f32 to vector<256x128xf32>
      %swap3A_37 = arith.constant 0 : index
      %swap3A_38 = arith.constant 0 : index
      %swap3A_39 = vector.load %arg4[%swap3A_37, %swap3A_38] : memref<256x128xf32, #tpu.memory_space<vmem>>, vector<256x128xf32>
      tpu.vector_store %arg4[%swap3A_37, %swap3A_38], %broadcast_in_dim3A_36 {strides = array<i32>} : memref<256x128xf32, #tpu.memory_space<vmem>>, vector<256x128xf32>,
    } else {
    }
    %get3A = arith.constant 0 : index
    %get3A_2 = arith.constant 0 : index
    %get3A_3 = arith.constant 0 : index
    %get3A_4 = vector.load %arg1[%get3A, %get3A_2, %get3A_3] : memref<1x1x2000xi32, #tpu.memory_space<vmem>>, vector<1x1x2000xi32>
    %get3A_5 = vector.shape_cast %get3A_4 : vector<1x1x2000xi32> to vector<2000xi32>
    %broadcast_in_dim3A = vector.shape_cast %get3A_5 : vector<2000xi32> to vector<1x2000xi32>
    %iota3A = tpu.iota {dimensions = array<i32: 0>} : vector<256x2000xi32>
    %eq3A_6 = vector.broadcast %broadcast_in_dim3A : vector<1x2000xi32> to vector<256x2000xi32>
    %eq3A_7 = arith.cmpi eq, %eq3A_6, %iota3A : vector<256x2000xi32>
    %convert_element_type3A_8 = arith.extui %eq3A_7 : vector<256x2000xi1> to vector<256x2000xi32>
    %convert_element_type3A_9 = arith.sitofp %convert_element_type3A_8 : vector<256x2000xi32> to vector<256x2000xf32>
    %get3A_10 = arith.constant 0 : index
    %get3A_11 = arith.constant 0 : index
    %get3A_12 = vector.load %arg3[%get3A_10, %get3A_11] : memref<256x128xf32, #tpu.memory_space<vmem>>, vector<256x128xf32>
    %get3A_13 = arith.constant 0 : index
    %get3A_14 = arith.constant 0 : index
    %get3A_15 = vector.load %arg2[%get3A_13, %get3A_14] : memref<2000x128xf32, #tpu.memory_space<vmem>>, vector<2000x128xf32>
    %dot_general3A = arith.constant dense<0.000000e+00> : vector<256x128xf32>
    %dot_general3A_16 = tpu.matmul %convert_element_type3A_9, %get3A_15, %dot_general3A {dimension_numbers = #tpu.dot_dimension_numbers<[1], [0], [0], [1], [0, 0, 1, 1], [], []>, transpose_lhs_hint = false} : vector<256x2000xf32>, vector<2000x128xf32>, vector<256x128xf32> -> vector<256x128xf32>
    %add3A = arith.addf %get3A_12, %dot_general3A_16 : vector<256x128xf32>
    %swap3A = arith.constant 0 : index
    %swap3A_17 = arith.constant 0 : index
    %swap3A_18 = vector.load %arg3[%swap3A, %swap3A_17] : memref<256x128xf32, #tpu.memory_space<vmem>>, vector<256x128xf32>
    tpu.vector_store %arg3[%swap3A, %swap3A_17], %add3A {strides = array<i32>} : memref<256x128xf32, #tpu.memory_space<vmem>>, vector<256x128xf32>,
    %get3A_19 = arith.constant 0 : index
    %get3A_20 = arith.constant 0 : index
    %get3A_21 = vector.load %arg4[%get3A_19, %get3A_20] : memref<256x128xf32, #tpu.memory_space<vmem>>, vector<256x128xf32>
    %reduce_sum3A = arith.constant dense<0.000000e+00> : vector<256xf32>
    %reduce_sum3A_22 = vector.multi_reduction <add>, %convert_element_type3A_9, %reduce_sum3A [1] : vector<256x2000xf32> to vector<256xf32>
    %broadcast_in_dim3A_23 = vector.shape_cast %reduce_sum3A_22 : vector<256xf32> to vector<256x1xf32>
    %broadcast_in_dim3A_24 = vector.shape_cast %broadcast_in_dim3A_23 : vector<256x1xf32> to vector<256x1xf32>
    %broadcast_in_dim3A_25 = vector.broadcast %broadcast_in_dim3A_24 : vector<256x1xf32> to vector<256x128xf32>
    %add3A_26 = arith.addf %get3A_21, %broadcast_in_dim3A_25 : vector<256x128xf32>
    %swap3A_27 = arith.constant 0 : index
    %swap3A_28 = arith.constant 0 : index
    %swap3A_29 = vector.load %arg4[%swap3A_27, %swap3A_28] : memref<256x128xf32, #tpu.memory_space<vmem>>, vector<256x128xf32>
    tpu.vector_store %arg4[%swap3A_27, %swap3A_28], %add3A_26 {strides = array<i32>} : memref<256x128xf32, #tpu.memory_space<vmem>>, vector<256x128xf32>,
    return
  }
  func.func @transform_0(%arg0: i32) -> (i32, i32, i32) {
    %c0_i32 = arith.constant 0 : i32
    %c0_i32_0 = arith.constant 0 : i32
    %c0_i32_1 = arith.constant 0 : i32
    return %arg0, %c0_i32, %c0_i32_0 : i32, i32, i32
  }
  func.func @transform_1(%arg0: i32) -> (i32, i32) {
    %c0_i32 = arith.constant 0 : i32
    %c0_i32_0 = arith.constant 0 : i32
    return %arg0, %c0_i32 : i32, i32
  }
  func.func @transform_2(%arg0: i32) -> (i32, i32) {
    %c0_i32 = arith.constant 0 : i32
    %c0_i32_0 = arith.constant 0 : i32
    %c0_i32_1 = arith.constant 0 : i32
    return %c0_i32, %c0_i32_0 : i32, i32
  }
  func.func @transform_3(%arg0: i32) -> (i32, i32) {
    %c0_i32 = arith.constant 0 : i32
    %c0_i32_0 = arith.constant 0 : i32
    %c0_i32_1 = arith.constant 0 : i32
    return %c0_i32, %c0_i32_0 : i32, i32
  }
}

module attributes {stable_mosaic.version = 14 : i64} {
  func.func @body(%arg0: memref<256x128xf32, #tpu.memory_space<vmem>>, %arg1: memref<256x128xf32, #tpu.memory_space<vmem>>, %arg2: memref<256x128xf32, #tpu.memory_space<vmem>>, %arg3: memref<2x256x16xf32, #tpu.memory_space<vmem>>, %arg4: memref<32x16x256xf32, #tpu.memory_space<vmem>>, %arg5: memref<272x256xf32, #tpu.memory_space<vmem>>, %arg6: memref<1x256xf32, #tpu.memory_space<vmem>>, %arg7: memref<256x128xf32, #tpu.memory_space<vmem>>, %arg8: memref<1x128xf32, #tpu.memory_space<vmem>>, %arg9: memref<256x128xf32, #tpu.memory_space<vmem>>) attributes {dimension_semantics = [], scalar_prefetch = 0 : i64, scratch_operands = 0 : i64, tpu.core_type = #tpu.core_type<tc>} {
    %get3A = arith.constant 0 : index
    %get3A_0 = arith.constant 0 : index
    %get3A_1 = arith.constant 0 : index
    %get3A_2 = vector.load %arg3[%get3A, %get3A_0, %get3A_1] : memref<2x256x16xf32, #tpu.memory_space<vmem>>, vector<2x256x16xf32>
    %reduce_sum3A = arith.constant dense<0.000000e+00> : vector<256x16xf32>
    %reduce_sum3A_3 = vector.multi_reduction <add>, %get3A_2, %reduce_sum3A [0] : vector<2x256x16xf32> to vector<256x16xf32>
    %get3A_4 = arith.constant 0 : index
    %get3A_5 = arith.constant 0 : index
    %get3A_6 = arith.constant 0 : index
    %get3A_7 = vector.load %arg4[%get3A_4, %get3A_5, %get3A_6] : memref<32x16x256xf32, #tpu.memory_space<vmem>>, vector<32x16x256xf32>
    %reduce_sum3A_8 = arith.constant dense<0.000000e+00> : vector<256xf32>
    %reduce_sum3A_9 = vector.multi_reduction <add>, %get3A_7, %reduce_sum3A_8 [0, 1] : vector<32x16x256xf32> to vector<256xf32>
    %max3A = arith.constant 1.000000e+00 : f32
    %max3A_10 = vector.broadcast %max3A : f32 to vector<256xf32>
    %max3A_11 = arith.maximumf %reduce_sum3A_9, %max3A_10 : vector<256xf32>
    %broadcast_in_dim3A = vector.shape_cast %max3A_11 : vector<256xf32> to vector<256x1xf32>
    %div3A = vector.broadcast %broadcast_in_dim3A : vector<256x1xf32> to vector<256x16xf32>
    %div3A_12 = arith.divf %reduce_sum3A_3, %div3A : vector<256x16xf32>
    %get3A_13 = arith.constant 0 : index
    %get3A_14 = arith.constant 0 : index
    %get3A_15 = vector.load %arg1[%get3A_13, %get3A_14] : memref<256x128xf32, #tpu.memory_space<vmem>>, vector<256x128xf32>
    %get3A_16 = arith.constant 0 : index
    %get3A_17 = arith.constant 0 : index
    %get3A_18 = vector.load %arg2[%get3A_16, %get3A_17] : memref<256x128xf32, #tpu.memory_space<vmem>>, vector<256x128xf32>
    %max3A_19 = arith.constant 1.000000e+00 : f32
    %max3A_20 = vector.broadcast %max3A_19 : f32 to vector<256x128xf32>
    %max3A_21 = arith.maximumf %get3A_18, %max3A_20 : vector<256x128xf32>
    %div3A_22 = arith.divf %get3A_15, %max3A_21 : vector<256x128xf32>
    %get3A_23 = arith.constant 0 : index
    %get3A_24 = arith.constant 0 : index
    %get3A_25 = vector.load %arg0[%get3A_23, %get3A_24] : memref<256x128xf32, #tpu.memory_space<vmem>>, vector<256x128xf32>
    %get3A_26 = arith.constant 0 : index
    %get3A_27 = arith.constant 0 : index
    %get3A_28 = vector.load %arg5[%get3A_26, %get3A_27] : memref<272x256xf32, #tpu.memory_space<vmem>>, vector<128x256xf32>
    %dot_general3A = arith.constant dense<0.000000e+00> : vector<256x256xf32>
    %dot_general3A_29 = tpu.matmul %get3A_25, %get3A_28, %dot_general3A {dimension_numbers = #tpu.dot_dimension_numbers<[1], [0], [0], [1], [0, 0, 1, 1], [], []>, transpose_lhs_hint = false} : vector<256x128xf32>, vector<128x256xf32>, vector<256x256xf32> -> vector<256x256xf32>
    %get3A_30 = arith.constant 128 : index
    %get3A_31 = arith.constant 0 : index
    %get3A_32 = vector.load %arg5[%get3A_30, %get3A_31] : memref<272x256xf32, #tpu.memory_space<vmem>>, vector<128x256xf32>
    %dot_general3A_33 = arith.constant dense<0.000000e+00> : vector<256x256xf32>
    %dot_general3A_34 = tpu.matmul %div3A_22, %get3A_32, %dot_general3A_33 {dimension_numbers = #tpu.dot_dimension_numbers<[1], [0], [0], [1], [0, 0, 1, 1], [], []>, transpose_lhs_hint = false} : vector<256x128xf32>, vector<128x256xf32>, vector<256x256xf32> -> vector<256x256xf32>
    %add3A = arith.addf %dot_general3A_29, %dot_general3A_34 : vector<256x256xf32>
    %get3A_35 = arith.constant 256 : index
    %get3A_36 = arith.constant 0 : index
    %get3A_37 = vector.load %arg5[%get3A_35, %get3A_36] : memref<272x256xf32, #tpu.memory_space<vmem>>, vector<16x256xf32>
    %dot_general3A_38 = arith.constant dense<0.000000e+00> : vector<256x256xf32>
    %dot_general3A_39 = tpu.matmul %div3A_12, %get3A_37, %dot_general3A_38 {dimension_numbers = #tpu.dot_dimension_numbers<[1], [0], [0], [1], [0, 0, 1, 1], [], []>, transpose_lhs_hint = false} : vector<256x16xf32>, vector<16x256xf32>, vector<256x256xf32> -> vector<256x256xf32>
    %add3A_40 = arith.addf %add3A, %dot_general3A_39 : vector<256x256xf32>
    %get3A_41 = arith.constant 0 : index
    %get3A_42 = arith.constant 0 : index
    %get3A_43 = vector.load %arg6[%get3A_41, %get3A_42] : memref<1x256xf32, #tpu.memory_space<vmem>>, vector<1x256xf32>
    %add3A_44 = vector.broadcast %get3A_43 : vector<1x256xf32> to vector<256x256xf32>
    %add3A_45 = arith.addf %add3A_40, %add3A_44 : vector<256x256xf32>
    %max3A_46 = arith.constant 0.000000e+00 : f32
    %max3A_47 = vector.broadcast %max3A_46 : f32 to vector<256x256xf32>
    %max3A_48 = arith.maximumf %add3A_45, %max3A_47 : vector<256x256xf32>
    %get3A_49 = arith.constant 0 : index
    %get3A_50 = arith.constant 0 : index
    %get3A_51 = vector.load %arg7[%get3A_49, %get3A_50] : memref<256x128xf32, #tpu.memory_space<vmem>>, vector<256x128xf32>
    %dot_general3A_52 = arith.constant dense<0.000000e+00> : vector<256x128xf32>
    %dot_general3A_53 = tpu.matmul %max3A_48, %get3A_51, %dot_general3A_52 {dimension_numbers = #tpu.dot_dimension_numbers<[1], [0], [0], [1], [0, 0, 1, 1], [], []>, transpose_lhs_hint = false} : vector<256x256xf32>, vector<256x128xf32>, vector<256x128xf32> -> vector<256x128xf32>
    %get3A_54 = arith.constant 0 : index
    %get3A_55 = arith.constant 0 : index
    %get3A_56 = vector.load %arg8[%get3A_54, %get3A_55] : memref<1x128xf32, #tpu.memory_space<vmem>>, vector<1x128xf32>
    %add3A_57 = vector.broadcast %get3A_56 : vector<1x128xf32> to vector<256x128xf32>
    %add3A_58 = arith.addf %dot_general3A_53, %add3A_57 : vector<256x128xf32>
    %swap3A = arith.constant 0 : index
    %swap3A_59 = arith.constant 0 : index
    %swap3A_60 = vector.load %arg9[%swap3A, %swap3A_59] : memref<256x128xf32, #tpu.memory_space<vmem>>, vector<256x128xf32>
    tpu.vector_store %arg9[%swap3A, %swap3A_59], %add3A_58 {strides = array<i32>} : memref<256x128xf32, #tpu.memory_space<vmem>>, vector<256x128xf32>,
    return
  }
}

</mosaic_0001>

<sc_bundles>
// kernel: kernel.5.cloned.1.call-start
scs
__scs_entry_jumppad:
0x0: {  	(pc) =	sbr.rel $0x88, $3  }
0x1: {  	(tag) =	ssettag $0x0;
	lr =	simm.s32 $0x1  }
0x2: {  	[smem:$0x3F98] =	sst lr;
	_ =	strace $0xD0000000  }
0x3: {  	_ = 	snop  }
0x4: {  	_ = 	snop  }
0x5: {  	_ = 	snop  }
0x6: {  	_ = 	snop  }
0x7: {  	_ = 	snop  }
__scs_overlays_trampoline_lowered:
0x8: {  	[smem:$0x3FA7] =	sst s0  }
0x9: {  	[smem:$0x3FA8] =	sst s1  }
0xa: {  	[smem:$0x3FA9] =	sst s2  }
0xb: {  	[smem:$0x3FAA] =	sst s3  }
0xc: {  	[smem:$0x3FAB] =	sst s4  }
0xd: {  	[smem:$0x3FAC] =	sst s5  }
0xe: {  	[smem:$0x3FAD] =	sst s6  }
0xf: {  	[smem:$0x3FAE] =	sst s7  }
0x10: {  	[smem:$0x3FAF] =	sst s8  }
0x11: {  	[smem:$0x3FB0] =	sst s9;
	s0 =	simm.s32 @!p0 $0x0  }
0x12: {  	s1 =	sld [smem:$0x3F96];
	s0 =	simm.s32 @p0 $0x1  }
0x13: {  	[smem:$0x3FB1] =	sst s0;
	s0 =	simm.s32 @!p1 $0x0  }
0x14: {  	s2 =	sld [smem:$0x3F95];
	s0 =	simm.s32 @p1 $0x1  }
0x15: {  	[smem:$0x3FB2] =	sst s0;
	s0 =	simm.s32 @!p2 $0x0  }
0x16: {  	s3 =	sld [smem:$0x3FDB];
	s0 =	simm.s32 @p2 $0x1  }
0x17: {  	s4 =	simm.s32 $0x1BF5;
	[smem:$0x3FB4] =	sst s0  }
0x18: {  	s0 =	sld [smem:$0x3F97];
	_ =	swait.ge [sflag:s4], $0x0  }
0x19: {  	s7 =	sld [smem:$0x3F98]  }
0x1a: {  	s8 =	sadd.s32 $0xFFFFE003, lr  }
0x1b: {  	s9 =	sadd.s32 $0xFFFFFEF7, lr;
	s5 =	simm.s32 $0xFFFFFFFF;
	p2 =	slt.u32 s8, $0xFFFFF086  }
0x1c: {  	p1 =	slt.u32 s9, $0xF7A;
	s5 =	simm.s32 @!p2 $0x0  }
0x1d: {  	s5 =	simm.s32 @p1 $0x1;
	p0 =	seq.s32 s7, s2  }
0x1e: {  	s7 =	smul.u32 @!p0 $0xF7A, s2;
	p2 =	seq.s32 @!p0 s5, $0x0  }
0x1f: {  	s9 =	smul.u32 $0xF7A, s1;
	s8 =	simm.s32 @!p0 $0x1BF5;
	p2 =	por !p2, p0  }
0x20: {  	[sflag:s8] =	ssyncset.s32 @!p0 $0xFFFFF086;
	s6 =	sadd.s32 @!p0 s3, s7;
	s7 =	simm.s32 @!p0 $0x108  }
0x21: {  	s3 =	sadd.s32 s3, s9;
	s6 =	sadd.s32 @!p0 $0x88, s6;
	s7 =	simm.s32 @p2 $0x1082  }
0x22: {  	[simem:s7], [sflag:s8] =	dma.local @!p0 [hbm:s6], $0xF7A  }
0x23: {  	s9 =	sor.u32 $0xD0000000, s2;
	s6 =	simm.s32 $0x108;
	_ =	swait.ge @!p0 [sflag:s8], $0x0  }
0x24: {  	s3 =	sadd.s32 $0x88, s3;
	s6 =	simm.s32 @!p1 $0x1082;
	[sflag:s4] =	ssyncset.s32 $0xFFFFF086  }
0x25: {  	[simem:s6], [sflag:s4] =	dma.local [hbm:s3], $0xF7A  }
0x26: {  	[smem:$0x3F98] =	sst s1;
	(tag) =	ssettag s2;
	_ =	strace s9  }
0x27: {  	s1 =	sld [smem:$0x3FA8]  }
0x28: {  	s2 =	sld [smem:$0x3FA9]  }
0x29: {  	s4 =	sld [smem:$0x3FAB]  }
0x2a: {  	p0 =	seq.s32 s5, $0x0;
	s5 =	sld [smem:$0x3FAC]  }
0x2b: {  	s6 =	sld [smem:$0x3FAD]  }
0x2c: {  	s7 =	sld [smem:$0x3FAE]  }
0x2d: {  	s3 =	simm.s32 $0x108;
	s8 =	sld [smem:$0x3FAF]  }
0x2e: {  	s3 =	simm.s32 @!p0 $0x1082;
	s9 =	sld [smem:$0x3FB0]  }
0x2f: {  	lr =	sadd.s32 s0, s3;
	s0 =	sld [smem:$0x3FA7]  }
0x30: {  	s3 =	sld [smem:$0x3FAA]  }
0x31: {  	[smem:$0x3FB3] =	sst s10  }
0x32: {  	s10 =	sld [smem:$0x3FB1];
	_ =	sdelay $0x3  }
0x33: {  	p0 =	seq.s32 s10, $0x1;
	s10 =	sld [smem:$0x3FB3];
	_ =	sdelay $0x3  }
0x34: {  	[smem:$0x3FB3] =	sst s10  }
0x35: {  	s10 =	sld [smem:$0x3FB2];
	_ =	sdelay $0x3  }
0x36: {  	p1 =	seq.s32 s10, $0x1;
	s10 =	sld [smem:$0x3FB3];
	_ =	sdelay $0x3  }
0x37: {  	[smem:$0x3FB3] =	sst s10  }
0x38: {  	s10 =	sld [smem:$0x3FB4]  }
0x39: {  	_ = 	snop;
	(pc) =	sbr.ind lr, $3  }
0x3a: {  	_ = 	snop  }
0x3b: {  	_ = 	snop  }
0x3c: {  	p2 =	seq.s32 s10, $0x1;
	s10 =	sld [smem:$0x3FB3]  }
0x3d: {  	_ =	shalt  }
0x3e: {  	_ =	shalt  }
0x3f: {  	_ =	shalt  }
0x40: {  	_ =	shalt  }
0x41: {  	_ =	shalt  }
0x42: {  	_ =	shalt  }
0x43: {  	_ =	shalt  }
0x44: {  	_ =	shalt  }
0x45: {  	_ =	shalt  }
0x46: {  	_ =	shalt  }
0x47: {  	_ =	shalt  }
0x48: {  	_ =	shalt  }
0x49: {  	_ =	shalt  }
0x4a: {  	_ =	shalt  }
0x4b: {  	_ =	shalt  }
0x4c: {  	_ =	shalt  }
0x4d: {  	_ =	shalt  }
0x4e: {  	_ =	shalt  }
0x4f: {  	_ =	shalt  }
0x50: {  	_ =	shalt  }
0x51: {  	_ =	shalt  }
0x52: {  	_ =	shalt  }
0x53: {  	_ =	shalt  }
0x54: {  	_ =	shalt  }
0x55: {  	_ =	shalt  }
0x56: {  	_ =	shalt  }
0x57: {  	_ =	shalt  }
0x58: {  	_ =	shalt  }
0x59: {  	_ =	shalt  }
0x5a: {  	_ =	shalt  }
0x5b: {  	_ =	shalt  }
0x5c: {  	_ =	shalt  }
0x5d: {  	_ =	shalt  }
0x5e: {  	_ =	shalt  }
0x5f: {  	_ =	shalt  }
0x60: {  	_ =	shalt  }
0x61: {  	_ =	shalt  }
0x62: {  	_ =	shalt  }
0x63: {  	_ =	shalt  }
0x64: {  	_ =	shalt  }
0x65: {  	_ =	shalt  }
0x66: {  	_ =	shalt  }
0x67: {  	_ =	shalt  }
0x68: {  	_ =	shalt  }
0x69: {  	_ =	shalt  }
0x6a: {  	_ =	shalt  }
0x6b: {  	_ =	shalt  }
0x6c: {  	_ =	shalt  }
0x6d: {  	_ =	shalt  }
0x6e: {  	_ =	shalt  }
0x6f: {  	_ =	shalt  }
0x70: {  	_ =	shalt  }
0x71: {  	_ =	shalt  }
0x72: {  	_ =	shalt  }
0x73: {  	_ =	shalt  }
0x74: {  	_ =	shalt  }
0x75: {  	_ =	shalt  }
0x76: {  	_ =	shalt  }
0x77: {  	_ =	shalt  }
0x78: {  	_ =	shalt  }
0x79: {  	_ =	shalt  }
0x7a: {  	_ =	shalt  }
0x7b: {  	_ =	shalt  }
0x7c: {  	_ =	shalt  }
0x7d: {  	_ =	shalt  }
0x7e: {  	_ =	shalt  }
0x7f: {  	_ =	shalt  }
0x80: {  	_ =	shalt  }
0x81: {  	_ =	shalt  }
0x82: {  	_ =	shalt  }
0x83: {  	_ =	shalt  }
0x84: {  	_ =	shalt  }
0x85: {  	_ =	shalt  }
0x86: {  	_ =	shalt  }
0x87: {  	_ =	shalt  }
.Lfunc_end0:
.L_simem_size_0:
called_computation_lowered:
.L_overlay_start_0:
0x88: {  	s2 =	sld [smem:$0x3FD9]  }
0x89: {  	s3 =	sld [smem:$0x3FFE];
	_ =	sdelay $0x1  }
0x8a: {  	s1 =	srdreg.scid  }
0x8b: {  	s0 =	sand.u32 $0x1, s1  }
0x8c: {  	s17 =	sshll.u32 s0, $0xA;
	s2 =	sadd.s32 s3, s2  }
0x8d: {  	s2 =	sadd.s32 s2, s17  }
0x8e: {  	[smem:$0x3FBF] =	sst s2  }
0x8f: {  	_ = 	snop  }
0x90: {  	s2 =	sld [smem:$0x3FC8]  }
0x91: {  	s18 =	sld [smem:$0x3FC7]  }
0x92: {  	s4 =	sld [smem:$0x3FC5]  }
0x93: {  	s5 =	sld [smem:$0x3FD0];
	(tm) =	ssettm $0x1  }
0x94: {  	s6 =	sld [smem:$0x3FFB];
	_ =	sdelay $0x3  }
0x95: {  	_ =	strace s6  }
0x96: {  	s6 =	sld [smem:$0x3FFC];
	_ =	sdelay $0x3  }
0x97: {  	_ =	strace s6  }
0x98: {  	s6 =	sld [smem:$0x3FFD];
	_ =	sdelay $0x3  }
0x99: {  	_ =	strace s6  }
0x9a: {  	_ =	strace $0x8FFFFFFF  }
0x9b: {  	s19 =	sld [smem:$0x3FDB];
	_ =	sdelay $0x1  }
0x9c: {  	s7 =	simm.s32 $_scs_section_size  }
0x9d: {  	s8 =	simm.s32 $_size__tile_overlayer_lowered;
	s9 =	simm.s32 $_tile_overlayer_lowered  }
0x9e: {  	s22 =	simm.s32 $0x1BFF;
	s21 =	sshll.u32 s9, $0x1;
	s6 =	sadd.s32 s7, s19  }
0x9f: {  	s10 =	simm.s32 $0x0;
	s20 =	sshll.u32 s8, $0x1;
	s8 =	sadd.s32 s21, s6  }
0xa0: {  	[timem:s10], [sflag:s22] =	dma.local [hbm:s8], s20  }
0xa1: {  	_ =	swait.ge [sflag:s22], s20  }
0xa2: {  	s7 =	ssub.s32 $0x0, s20;
	[sflag:s22] =	ssyncset.done $0x0  }
0xa3: {  	[sflag:s22] =	ssyncadd.s32 s7;
	_ =	sdelay $0x1  }
0xa4: {  	s23 =	simm.s32 $0x1B8B  }
0xa5: {  	_ =	swait.ge [sflag:s23], $0x1  }
0xa6: {  	[sflag:s23] =	ssyncset.done $0x0  }
0xa7: {  	s25 =	simm.s32 $0x1B8E;
	s24 =	sld [smem:$0x3FFE];
	[sflag:s23] =	ssyncadd.s32 $0xFFFFFFFF  }
0xa8: {  	s26 =	simm.s32 $execute0_lowered;
	[smem:$0x3FD2] =	sst s25  }
0xa9: {  	s8 =	sshll.u32 s26, $0x1;
	_ =	strace $0x80000046;
	[dreg:$0x1] =	wrdreg $0xFFFFFFFF  }
0xaa: {  	s28 =	simm.s32 $_size_execute0_lowered;
	s6 =	sadd.s32 s6, s8;
	[dreg:$0x0] =	wrdreg $0x0  }
0xab: {  	s8 =	sshll.u32 s28, $0x1;
	[dreg:$0x2] =	wrdreg s6  }
0xac: {  	[dreg:$0x3] =	wrdreg s8  }
0xad: {  	[dreg:$0x4] =	wrdreg $0xC0  }
0xae: {  	_ =	task [dreg:s10], $0x5FFFF  }
0xaf: {  	[dreg:$0x1] =	wrdreg $0xFFFFFFFF  }
0xb0: {  	[dreg:$0x0] =	wrdreg $0x60  }
0xb1: {  	[dreg:$0x2] =	wrdreg s2  }
0xb2: {  	[dreg:$0x3] =	wrdreg s18  }
0xb3: {  	[dreg:$0x4] =	wrdreg s4  }
0xb4: {  	[dreg:$0x5] =	wrdreg s5  }
0xb5: {  	[dreg:$0x6] =	wrdreg s24  }
0xb6: {  	[dreg:$0x7] =	wrdreg $0x17E500  }
0xb7: {  	[dreg:$0x8] =	wrdreg $0x9  }
0xb8: {  	_ =	task.clear_ibuf [dreg:s10], $0x9FFFF;
	_ =	strace $0x90000046  }
0xb9: {  	s29 =	simm.s32 $0x9;
	_ =	strace $0x80000048  }
0xba: {  	_ =	swait.ge [sflag:s29], $0x1  }
0xbb: {  	[sflag:s29] =	ssyncadd.s32 $0xFFFFFFFF  }
0xbc: {  	_ =	strace $0x90000048  }
0xbd: {  	_ =	sfence  }
0xbe: {  	s30 =	sld [smem:$0x0];
	_ =	sdelay $0x2  }
0xbf: {  	s31 =	sshll.u32 s1, $0xD;
	s1 =	sshrl.u32 s1, $0x2  }
0xc0: {  	s3 =	sand.u32 $0x4000, s31;
	s1 =	sadd.s32 s1, s30  }
0xc1: {  	s0 =	sor.u32 s3, s0;
	s1 =	sshll.u32 s1, $0x11  }
0xc2: {  	s0 =	sor.u32 s1, s0  }
0xc3: {  	s0 =	sadd.s32 $0x8F2B, s0  }
0xc4: {  	[sflag:s0] =	ssyncadd.remote.s32 $0x1  }
0xc5: {  	_ =	sfence.sel $0xFFFF  }
0xc6: {  	[dreg:$0x0] =	wrdreg $0xFFFFFFFF;
	(pc) =	sbr.abs _section_cstart, $3  }
0xc7: {  	[dreg:$0x1] =	wrdreg $0xFFFFFFFF  }
0xc8: {  	_ =	task.clear_ibuf [dreg:s10], $0x2FFFF;
	_ =	strace $0x9FFFFFFF  }
0xc9: {  	(tm) =	ssettm $0x7FFFFFFF  }
tec
execute0_lowered:
.L_overlay_start_1:
0x0: {  	(tag) =	ssettag $0x1  }
0x1: {  	s12 =	rddreg [dreg:$0x0]  }
0x2: {  	s13 =	rddreg [dreg:$0x1]  }
0x3: {  	s0 =	rddreg [dreg:$0x3]  }
0x4: {  	s1 =	rddreg [dreg:$0x4]  }
0x5: {  	s2 =	srdreg.scid;
	s3 =	stileid.u32;
	s5 =	simm.s32 $0x0  }
0x6: {  	s31 =	simm.s32 $0x1;
	s2 =	sand.u32 $0x1, s2;
	s4 =	sshll.u32 s3, $0x1  }
0x7: {  	[smem:$0x7FF] =	sst s5;
	p0 =	sne.s32 s3, $0x0;
	s4 =	sor.u32 s2, s4  }
0x8: {  	p1 =	slt.u32 s3, $0xA;
	s3 =	simm.s32 $0x17F50;
	s6 =	smul.u32 $0x186, s4  }
0x9: {  	_ =	strace $0x80000047;
	s9 =	ssub.s32 $0x2, s2;
	s7 =	smul.u32 $0x30C0, s4  }
0xa: {  	s2 =	sshll.u32 s2, $0x9;
	s8 =	sshll.u32 s4, $0x9;
	s10 =	smul.u32 $0xC300, s4  }
0xb: {  	s17 =	sshrl.u32 s9, $0x1;
	s11 =	smul.u32 $0x61800, s4;
	s4 =	sor.u32 $0x30C0, s4  }
0xc: {  	s0 =	sadd.s32 s0, s2;
	s2 =	simm.s32 $0x11850;
	s1 =	sadd.s32 s8, s1  }
0xd: {  	s9 =	ssub.s32 s9, s17;
	[dreg:$0x12] =	wrdreg s0;
	s7 =	sadd.s32 s12, s7  }
0xe: {  	s8 =	sadd.s32 $0x186A00, s13;
	s18 =	sadd.s32 s13, s10;
	[dreg:$0x7] =	wrdreg s7  }
0xf: {  	s25 =	sshll.u32 s4, $0x5;
	s24 =	sadd.s32 $0xA, s6;
	[dreg:$0x8] =	wrdreg s18  }
0x10: {  	s20 =	sadd.s32 $0x5, s6;
	s6 =	sadd.s32 $0xF, s6;
	[dreg:$0xd] =	wrdreg s24  }
0x11: {  	s4 =	sshll.u32 s4, $0x7;
	s26 =	sadd.s32 s12, s25;
	[dreg:$0xe] =	wrdreg s6  }
0x12: {  	s17 =	simm.s32 $0x2;
	s28 =	sadd.s32 s13, s4;
	[dreg:$0xf] =	wrdreg s26  }
0x13: {  	s19 =	sshrl.u32 s11, $0x3;
	s4 =	sadd.s32 s4, s8;
	[dreg:$0x10] =	wrdreg s28  }
0x14: {  	s29 =	sadd.s32 $0x1600, s1;
	s30 =	smax.u32 s9, $0x1;
	[dreg:$0x11] =	wrdreg s4  }
0x15: {  	s9 =	simm.s32 $0x80;
	s7 =	sadd.s32 s19, s8;
	[dreg:$0x13] =	wrdreg s29  }
.Ltmp0:
0x16: {  	s21 =	sshll.u32 s20, $0x5;
	[dreg:$0x14] =	wrdreg s30;
	(pc) =	sbr.rel .LBB2_1-.Ltmp0, $4  }
0x17: {  	s10 =	sshll.u32 s20, $0x7;
	[dreg:$0x9] =	wrdreg s7;
	s7 =	sadd.s32 s12, s21  }
0x18: {  	s1 =	simm.s32 $0x0;
	s22 =	sadd.s32 s13, s10;
	[dreg:$0xa] =	wrdreg s7  }
0x19: {  	v0 =	vimm.f32 $0.0e+00;
	v3 =	vlaneseq.u32;
	s18 =	simm.s32 $0x14050;
	s23 =	sadd.s32 s10, s8;
	[dreg:$0xb] =	wrdreg s22  }
0x1a: {  	v2 =	vimm.f32 $1.000000000e+00;
	v1 =	vmul.u32 $0x100, v3;
	v3 =	vmul.u32 $0x10, v3;
	s10 =	simm.s32 $0x175D0;
	[dreg:$0xc] =	wrdreg s23;
	s7 =	simm.s32 $0x5  }
.LBB2_12:
0x1b: {  	[bflag:$0x0] =	sbarrier.arrive $0xFFFF  }
0x1c: {  	s7 =	simm.s32 $0x5;
	s1 =	rddreg [dreg:$0x15]  }
.LBB2_16:
0x1d: {  	s0 =	rddreg [dreg:$0x13]  }
0x1e: {  	[hbm4b:s0+s5] =	stream.linear.scatter [tilespmem:s3], [sflag:$0x5], $0x1000, $0x38;
	[tilespmem:$0x18F50] =	vst v63  }
0x1f: {  	_ =	swait.ge [sflag:s7], $0x1000  }
0x20: {  	s1 =	sadd.s32 $0x1, s1;
	s30 =	rddreg [dreg:$0x14]  }
0x21: {  	p2 =	sne.s32 s1, s30  }
.Ltmp1:
0x22: {  	_ = 	snop;
	(pc) =	sbr.rel @!p2 .LBB2_17-.Ltmp1, $3  }
0x23: {  	_ =	sdelay $0x1  }
0x24: {  	[sflag:s7] =	ssyncset.done $0x0  }
0x25: {  	[sflag:s7] =	ssyncadd.s32 $0xFFFFF000  }
.LBB2_1:
0x26: {  	[dreg:$0x15] =	wrdreg s1;
	s0 =	simm.s32 $0x40;
	s1 =	simm.s32 $0x0  }
.LBB2_2:
0x27: {  	p2 =	sne.s32 s0, $0x3FC0;
	[tilespmem:s1+$0x11850] =	vst v0;
	s1 =	smov.u32 s0;
	s0 =	sadd.s32 $0x40, s0  }
.Ltmp2:
0x28: {  	(pc) =	sbr.rel @p2 .LBB2_2-.Ltmp2, $2  }
0x29: {  	_ =	sdelay $0x2  }
0x2a: {  	s1 =	sshra.s32 s1, $0x2  }
0x2b: {  	[tilespmem:s1+$0x11850] =	vst v0;
	s0 =	simm.s32 @!p0 $0x11850;
	s1 =	rddreg [dreg:$0x5]  }
0x2c: {  	[spmem:s1] =	stream.linear.scatter @!p0 [tilespmem:s0], [sflag:$0x5], $0x1000, $0x38;
	[tilespmem:$0x18F50] =	vst v63  }
0x2d: {  	s1 =	simm.s32 @!p0 $0x5;
	s0 =	simm.s32 $0x0  }
0x2e: {  	_ =	swait.ge @!p0 [sflag:s1], $0x1000;
	s4 =	sand.u32 $0x3C00, s0  }
0x2f: {  	s6 =	sand.u32 $0xF0, s0;
	[sflag:s1] =	ssyncset.done @!p0 $0x0;
	s4 =	sshrl.u32 s4, $0x2  }
0x30: {  	[sflag:s1] =	ssyncadd.s32 @!p0 $0xFFFFF000;
	s1 =	simm.s32 $0x40;
	s4 =	sor.u32 s6, s4  }
.LBB2_4:
0x31: {  	p2 =	sne.s32 s1, $0x3FC0  }
0x32: {  	[tilespmem:s4+$0x17F50] =	vst v0;
	s0 =	sadd.s32 $0x10, s0;
	s4 =	smov.u32 s1;
	s1 =	sadd.s32 $0x40, s1  }
.Ltmp3:
0x33: {  	(pc) =	sbr.rel @p2 .LBB2_4-.Ltmp3, $4  }
0x34: {  	_ = 	snop  }
0x35: {  	s4 =	sand.u32 $0x3C00, s4  }
0x36: {  	s6 =	sand.u32 $0xF0, s0;
	s4 =	sshrl.u32 s4, $0x2  }
0x37: {  	s4 =	sor.u32 s6, s4  }
0x38: {  	[tilespmem:s4+$0x17F50] =	vst v0;
	s0 =	rddreg [dreg:$0x7];
	s1 =	simm.s32 $0x100;
	s16 =	simm.s32 $0xC350  }
0x39: {  	[tilespmem:s16], [sflag:$0x1] =	stream.strided.gather [hbm4b:s0+s9], $0x280, s1, s9, $0x38;
	[tilespmem:$0x18F50] =	vst v63  }
0x3a: {  	s12 =	simm.s32 $0x0;
	s19 =	rddreg [dreg:$0x8];
	s20 =	simm.s32 $0xC850  }
0x3b: {  	[tilespmem:s20], [sflag:$0x1] =	stream.linear.gather [hbm4b:s19+s12], $0x1400, $0x38;
	[tilespmem:$0x18F50] =	vst v63  }
0x3c: {  	s21 =	rddreg [dreg:$0x9];
	s22 =	simm.s32 $0xDC50  }
0x3d: {  	[tilespmem:s22], [sflag:$0x1] =	stream.linear.gather [hbm4b:s21+s12], $0x1400, $0x38;
	[tilespmem:$0x18F50] =	vst v63  }
0x3e: {  	s23 =	rddreg [dreg:$0xa];
	s24 =	simm.s32 $0xC5D0  }
0x3f: {  	[tilespmem:s24], [sflag:$0x2] =	stream.strided.gather [hbm4b:s23+s9], $0x280, s1, s9, $0x38;
	[tilespmem:$0x18F50] =	vst v63  }
0x40: {  	s25 =	rddreg [dreg:$0xb];
	s26 =	simm.s32 $0xF050  }
0x41: {  	[tilespmem:s26], [sflag:$0x2] =	stream.linear.gather [hbm4b:s25+s12], $0x1400, $0x38;
	[tilespmem:$0x18F50] =	vst v63  }
0x42: {  	s28 =	rddreg [dreg:$0xc];
	s29 =	simm.s32 $0x10450  }
0x43: {  	[tilespmem:s29], [sflag:$0x2] =	stream.linear.gather [hbm4b:s28+s12], $0x1400, $0x38;
	[tilespmem:$0x18F50] =	vst v63  }
0x44: {  	s30 =	rddreg [dreg:$0x2]  }
0x45: {  	[tilespmem:s12], [sflag:$0x5] =	stream.linear.gather [hbm4b:s30+s12], $0xC350, $0x38;
	[tilespmem:$0x18F50] =	vst v63  }
0x46: {  	_ =	swait.ge [sflag:s7], $0xC350  }
0x47: {  	[sflag:s7] =	ssyncset.done $0x0  }
0x48: {  	[sflag:s7] =	ssyncadd.s32 $0xFFFF3CB0  }
0x49: {  	[bflag:$0x0] =	sbarrier.arrive $0xFFFF  }
.LBB2_6:
0x4a: {  	_ =	swait.ge [sflag:s31], $0x280  }
0x4b: {  	[sflag:s31] =	ssyncset.done $0x0  }
0x4c: {  	[sflag:s31] =	ssyncadd.s32 $0xFFFFFD80  }
0x4d: {  	_ =	swait.ge [sflag:s31], $0x1400  }
0x4e: {  	[sflag:s31] =	ssyncset.done $0x0  }
0x4f: {  	p2 =	por $0x0, $0x0;
	[sflag:s31] =	ssyncadd.s32 $0xFFFFEC00  }
0x50: {  	s19 =	simm.s32 $0x0;
	s20 =	simm.s32 $0x0;
	_ =	swait.ge [sflag:s31], $0x1400  }
0x51: {  	s30 =	simm.s32 $0x0;
	s11 =	simm.s32 $0x0;
	[sflag:s31] =	ssyncset.done $0x0  }
0x52: {  	s16 =	simm.s32 $0x0;
	s6 =	simm.s32 $0x0;
	[sflag:s31] =	ssyncadd.s32 $0xFFFFEC00  }
.LBB2_7:
0x53: {  	s0 =	sand.u32 $0xE00, s30  }
0x54: {  	s0 =	sshrl.u32 s0, $0x2  }
0x55: {  	s15 =	sand.u32 $0x40, s20;
	s23 =	sadd.s32 $0xC350, s0  }
0x56: {  	s0 =	sadd.s32 s15, s23  }
0x57: {  	v4 =	vld [tilespmem:s0+$0x0];
	_ =	sdelay $0x7  }
0x58: {  	v4 =	vld.idx.msk [tilespmem:v4+s5+$0x0], $0xffff;
	_ =	sdelay $0x4  }
0x59: {  	v5 =	vadd.s32 v1, v4;
	_ =	sdelay $0x1  }
0x5a: {  	s26 =	sshrl.u32 s19, $0x2  }
0x5b: {  	s24 =	sshra.s32 s30, $0x2;
	s4 =	sand.u32 $0x1C00, s26  }
0x5c: {  	s25 =	sadd.s32 $0xC850, s4;
	[tilespmem:s24+$0x16850] =	vst v4;
	v4 =	vmov s20  }
0x5d: {  	s28 =	sadd.s32 s15, s25;
	v4 =	vshll.u32 v4, $0x4;
	[tilespmem:v5+s3+$0x0] =	vst.idx.add.f32.msk $0xffff, v2  }
0x5e: {  	v4 =	vor.u32 v3, v4;
	v5 =	vld [tilespmem:s28+$0x0];
	_ =	sdelay $0x4  }
0x5f: {  	[tilespmem:v4+s2+$0x0] =	vst.idx.msk $0xffff, v5  }
0x60: {  	v6 =	vor.u32 $0x1, v4;
	v5 =	vld [tilespmem:s28+$0x80];
	_ =	sdelay $0x4  }
0x61: {  	[tilespmem:v6+s2+$0x0] =	vst.idx.msk $0xffff, v5  }
0x62: {  	v9 =	vor.u32 $0x2, v4;
	v5 =	vld [tilespmem:s28+$0x100];
	_ =	sdelay $0x4  }
0x63: {  	[tilespmem:v9+s2+$0x0] =	vst.idx.msk $0xffff, v5  }
0x64: {  	v10 =	vor.u32 $0x3, v4;
	v5 =	vld [tilespmem:s28+$0x180]  }
0x65: {  	s0 =	simm.s32 $0x1  }
0x66: {  	s0 =	simm.s32 @!p2 $0x0  }
0x67: {  	s0 =	sshll.u32 s0, $0x6  }
0x68: {  	s0 =	sadd.s32 s0, s6  }
0x69: {  	s1 =	sor.u32 $0x200, s0;
	[tilespmem:v10+s2+$0x0] =	vst.idx.msk $0xffff, v5  }
0x6a: {  	v11 =	vor.u32 $0x4, v4;
	v5 =	vld [tilespmem:s1+$0xC850];
	_ =	sdelay $0x4  }
0x6b: {  	s29 =	sor.u32 $0x280, s0;
	[tilespmem:v11+s2+$0x0] =	vst.idx.msk $0xffff, v5  }
0x6c: {  	v12 =	vor.u32 $0x5, v4;
	v5 =	vld [tilespmem:s29+$0xC850];
	_ =	sdelay $0x4  }
0x6d: {  	s0 =	sor.u32 $0x300, s0;
	[tilespmem:v12+s2+$0x0] =	vst.idx.msk $0xffff, v5  }
0x6e: {  	v13 =	vor.u32 $0x6, v4;
	v5 =	vld [tilespmem:s0+$0xC850];
	_ =	sdelay $0x3  }
0x6f: {  	s7 =	sor.u32 s6, s20  }
0x70: {  	s0 =	sor.u32 $0x380, s7;
	[tilespmem:v13+s2+$0x0] =	vst.idx.msk $0xffff, v5  }
0x71: {  	v14 =	vor.u32 $0x7, v4;
	v5 =	vld [tilespmem:s0+$0xC850];
	_ =	sdelay $0x3  }
0x72: {  	s26 =	sadd.s32 $0xDC50, s4  }
0x73: {  	s13 =	sadd.s32 s15, s26;
	[tilespmem:v14+s2+$0x0] =	vst.idx.msk $0xffff, v5  }
0x74: {  	v15 =	vor.u32 $0x8, v4;
	v5 =	vld [tilespmem:s13+$0x0];
	_ =	sdelay $0x3  }
0x75: {  	s28 =	sadd.s32 $0xDCD0, s4  }
0x76: {  	s14 =	sadd.s32 s15, s28;
	[tilespmem:v15+s2+$0x0] =	vst.idx.msk $0xffff, v5  }
0x77: {  	v16 =	vor.u32 $0x9, v4;
	v5 =	vld [tilespmem:s14+$0x0];
	_ =	sdelay $0x3  }
0x78: {  	s29 =	sadd.s32 $0xDD50, s4  }
0x79: {  	s21 =	sadd.s32 s15, s29;
	[tilespmem:v16+s2+$0x0] =	vst.idx.msk $0xffff, v5  }
0x7a: {  	v17 =	vor.u32 $0xA, v4;
	v5 =	vld [tilespmem:s21+$0x0];
	_ =	sdelay $0x3  }
0x7b: {  	s0 =	sadd.s32 $0xDDD0, s4  }
0x7c: {  	s22 =	sadd.s32 s15, s0;
	[tilespmem:v17+s2+$0x0] =	vst.idx.msk $0xffff, v5  }
0x7d: {  	v18 =	vor.u32 $0xB, v4;
	v5 =	vld [tilespmem:s22+$0x0];
	_ =	sdelay $0x3  }
0x7e: {  	s1 =	sadd.s32 $0xDE50, s4  }
0x7f: {  	s13 =	sadd.s32 s15, s1;
	[tilespmem:v18+s2+$0x0] =	vst.idx.msk $0xffff, v5  }
0x80: {  	v19 =	vor.u32 $0xC, v4;
	v5 =	vld [tilespmem:s13+$0x0];
	_ =	sdelay $0x3  }
0x81: {  	s13 =	sadd.s32 $0xDED0, s4  }
0x82: {  	s14 =	sadd.s32 s15, s13;
	[tilespmem:v19+s2+$0x0] =	vst.idx.msk $0xffff, v5  }
0x83: {  	v20 =	vor.u32 $0xD, v4;
	v5 =	vld [tilespmem:s14+$0x0];
	_ =	sdelay $0x3  }
0x84: {  	s14 =	sadd.s32 $0xDF50, s4  }
0x85: {  	s21 =	sadd.s32 s15, s14;
	[tilespmem:v20+s2+$0x0] =	vst.idx.msk $0xffff, v5  }
0x86: {  	v21 =	vor.u32 $0xE, v4;
	v5 =	vld [tilespmem:s21+$0x0];
	_ =	sdelay $0x3  }
0x87: {  	s4 =	sadd.s32 $0xDFD0, s4  }
0x88: {  	s15 =	sadd.s32 s15, s4;
	[tilespmem:v21+s2+$0x0] =	vst.idx.msk $0xffff, v5  }
0x89: {  	v4 =	vor.u32 $0xF, v4;
	v5 =	vld [tilespmem:s15+$0x0];
	_ =	sdelay $0x2  }
0x8a: {  	s15 =	sadd.s32 $0x10, s20  }
0x8b: {  	s22 =	sand.u32 $0x50, s15  }
0x8c: {  	s7 =	sadd.s32 s22, s23;
	[tilespmem:v4+s2+$0x0] =	vst.idx.msk $0xffff, v5  }
0x8d: {  	v4 =	vld [tilespmem:s7+$0x0];
	_ =	sdelay $0x7  }
0x8e: {  	v4 =	vld.idx.msk [tilespmem:v4+s5+$0x0], $0xffff;
	_ =	sdelay $0x4  }
0x8f: {  	v5 =	vadd.s32 v1, v4;
	_ =	sdelay $0x3  }
0x90: {  	[tilespmem:s24+$0x16860] =	vst v4;
	v4 =	vmov s15  }
0x91: {  	s21 =	sadd.s32 s22, s25;
	v4 =	vshll.u32 v4, $0x4;
	[tilespmem:v5+s3+$0x0] =	vst.idx.add.f32.msk $0xffff, v2  }
0x92: {  	v4 =	vor.u32 v3, v4;
	v5 =	vld [tilespmem:s21+$0x0];
	_ =	sdelay $0x4  }
0x93: {  	[tilespmem:v4+s2+$0x0] =	vst.idx.msk $0xffff, v5  }
0x94: {  	v22 =	vor.u32 $0x1, v4;
	v5 =	vld [tilespmem:s21+$0x80];
	_ =	sdelay $0x4  }
0x95: {  	[tilespmem:v22+s2+$0x0] =	vst.idx.msk $0xffff, v5  }
0x96: {  	v23 =	vor.u32 $0x2, v4;
	v5 =	vld [tilespmem:s21+$0x100];
	_ =	sdelay $0x4  }
0x97: {  	[tilespmem:v23+s2+$0x0] =	vst.idx.msk $0xffff, v5  }
0x98: {  	v24 =	vor.u32 $0x3, v4;
	v5 =	vld [tilespmem:s21+$0x180]  }
0x99: {  	s7 =	sand.u32 $0x7, s16  }
0x9a: {  	s15 =	sshll.u32 s7, $0x4  }
0x9b: {  	s15 =	sadd.s32 s6, s15  }
0x9c: {  	s21 =	sadd.s32 $0x10, s15  }
0x9d: {  	s7 =	sor.u32 $0x200, s21;
	[tilespmem:v24+s2+$0x0] =	vst.idx.msk $0xffff, v5  }
0x9e: {  	v25 =	vor.u32 $0x4, v4;
	v5 =	vld [tilespmem:s7+$0xC850];
	_ =	sdelay $0x4  }
0x9f: {  	s7 =	sor.u32 $0x280, s21;
	[tilespmem:v25+s2+$0x0] =	vst.idx.msk $0xffff, v5  }
0xa0: {  	v26 =	vor.u32 $0x5, v4;
	v5 =	vld [tilespmem:s7+$0xC850];
	_ =	sdelay $0x4  }
0xa1: {  	s7 =	sor.u32 $0x300, s21;
	[tilespmem:v26+s2+$0x0] =	vst.idx.msk $0xffff, v5  }
0xa2: {  	v27 =	vor.u32 $0x6, v4;
	v5 =	vld [tilespmem:s7+$0xC850];
	_ =	sdelay $0x4  }
0xa3: {  	s21 =	sor.u32 $0x380, s21;
	[tilespmem:v27+s2+$0x0] =	vst.idx.msk $0xffff, v5  }
0xa4: {  	v28 =	vor.u32 $0x7, v4;
	v5 =	vld [tilespmem:s21+$0xC850];
	_ =	sdelay $0x4  }
0xa5: {  	s21 =	sadd.s32 s22, s26;
	[tilespmem:v28+s2+$0x0] =	vst.idx.msk $0xffff, v5  }
0xa6: {  	v29 =	vor.u32 $0x8, v4;
	v5 =	vld [tilespmem:s21+$0x0];
	_ =	sdelay $0x4  }
0xa7: {  	s21 =	sadd.s32 s22, s28;
	[tilespmem:v29+s2+$0x0] =	vst.idx.msk $0xffff, v5  }
0xa8: {  	v30 =	vor.u32 $0x9, v4;
	v5 =	vld [tilespmem:s21+$0x0];
	_ =	sdelay $0x4  }
0xa9: {  	s21 =	sadd.s32 s22, s29;
	[tilespmem:v30+s2+$0x0] =	vst.idx.msk $0xffff, v5  }
0xaa: {  	v31 =	vor.u32 $0xA, v4;
	v5 =	vld [tilespmem:s21+$0x0];
	_ =	sdelay $0x4  }
0xab: {  	s21 =	sadd.s32 s22, s0;
	[tilespmem:v31+s2+$0x0] =	vst.idx.msk $0xffff, v5  }
0xac: {  	v32 =	vor.u32 $0xB, v4;
	v5 =	vld [tilespmem:s21+$0x0];
	_ =	sdelay $0x4  }
0xad: {  	s21 =	sadd.s32 s22, s1;
	[tilespmem:v32+s2+$0x0] =	vst.idx.msk $0xffff, v5  }
0xae: {  	v33 =	vor.u32 $0xC, v4;
	v5 =	vld [tilespmem:s21+$0x0];
	_ =	sdelay $0x4  }
0xaf: {  	s21 =	sadd.s32 s22, s13;
	[tilespmem:v33+s2+$0x0] =	vst.idx.msk $0xffff, v5  }
0xb0: {  	v34 =	vor.u32 $0xD, v4;
	v5 =	vld [tilespmem:s21+$0x0];
	_ =	sdelay $0x4  }
0xb1: {  	s21 =	sadd.s32 s22, s14;
	[tilespmem:v34+s2+$0x0] =	vst.idx.msk $0xffff, v5  }
0xb2: {  	v35 =	vor.u32 $0xE, v4;
	v5 =	vld [tilespmem:s21+$0x0];
	_ =	sdelay $0x4  }
0xb3: {  	s22 =	sadd.s32 s22, s4;
	[tilespmem:v35+s2+$0x0] =	vst.idx.msk $0xffff, v5  }
0xb4: {  	v4 =	vor.u32 $0xF, v4;
	v5 =	vld [tilespmem:s22+$0x0];
	_ =	sdelay $0x2  }
0xb5: {  	s7 =	sadd.s32 $0x20, s20  }
0xb6: {  	s22 =	sand.u32 $0x60, s7  }
0xb7: {  	s21 =	sadd.s32 s22, s23;
	[tilespmem:v4+s2+$0x0] =	vst.idx.msk $0xffff, v5  }
0xb8: {  	v4 =	vld [tilespmem:s21+$0x0];
	_ =	sdelay $0x7  }
0xb9: {  	v4 =	vld.idx.msk [tilespmem:v4+s5+$0x0], $0xffff;
	_ =	sdelay $0x4  }
0xba: {  	v5 =	vadd.s32 v1, v4;
	_ =	sdelay $0x3  }
0xbb: {  	[tilespmem:s24+$0x16870] =	vst v4;
	v4 =	vmov s7  }
0xbc: {  	s21 =	sadd.s32 s22, s25;
	v4 =	vshll.u32 v4, $0x4;
	[tilespmem:v5+s3+$0x0] =	vst.idx.add.f32.msk $0xffff, v2  }
0xbd: {  	v4 =	vor.u32 v3, v4;
	v5 =	vld [tilespmem:s21+$0x0];
	_ =	sdelay $0x4  }
0xbe: {  	[tilespmem:v4+s2+$0x0] =	vst.idx.msk $0xffff, v5  }
0xbf: {  	v36 =	vor.u32 $0x1, v4;
	v5 =	vld [tilespmem:s21+$0x80];
	_ =	sdelay $0x4  }
0xc0: {  	[tilespmem:v36+s2+$0x0] =	vst.idx.msk $0xffff, v5  }
0xc1: {  	v37 =	vor.u32 $0x2, v4;
	v5 =	vld [tilespmem:s21+$0x100];
	_ =	sdelay $0x4  }
0xc2: {  	[tilespmem:v37+s2+$0x0] =	vst.idx.msk $0xffff, v5  }
0xc3: {  	v38 =	vor.u32 $0x3, v4;
	v5 =	vld [tilespmem:s21+$0x180]  }
0xc4: {  	s21 =	sand.u32 $0x3, s11  }
0xc5: {  	s7 =	sshll.u32 s21, $0x5  }
0xc6: {  	s7 =	sadd.s32 s6, s7  }
0xc7: {  	s7 =	sadd.s32 $0x20, s7  }
0xc8: {  	s21 =	sor.u32 $0x200, s7;
	[tilespmem:v38+s2+$0x0] =	vst.idx.msk $0xffff, v5  }
0xc9: {  	v39 =	vor.u32 $0x4, v4;
	v5 =	vld [tilespmem:s21+$0xC850];
	_ =	sdelay $0x4  }
0xca: {  	s21 =	sor.u32 $0x280, s7;
	[tilespmem:v39+s2+$0x0] =	vst.idx.msk $0xffff, v5  }
0xcb: {  	v40 =	vor.u32 $0x5, v4;
	v5 =	vld [tilespmem:s21+$0xC850];
	_ =	sdelay $0x4  }
0xcc: {  	s21 =	sor.u32 $0x300, s7;
	[tilespmem:v40+s2+$0x0] =	vst.idx.msk $0xffff, v5  }
0xcd: {  	v41 =	vor.u32 $0x6, v4;
	v5 =	vld [tilespmem:s21+$0xC850];
	_ =	sdelay $0x4  }
0xce: {  	s7 =	sor.u32 $0x380, s7;
	[tilespmem:v41+s2+$0x0] =	vst.idx.msk $0xffff, v5  }
0xcf: {  	v42 =	vor.u32 $0x7, v4;
	v5 =	vld [tilespmem:s7+$0xC850];
	_ =	sdelay $0x4  }
0xd0: {  	s21 =	sadd.s32 s22, s26;
	[tilespmem:v42+s2+$0x0] =	vst.idx.msk $0xffff, v5  }
0xd1: {  	v43 =	vor.u32 $0x8, v4;
	v5 =	vld [tilespmem:s21+$0x0];
	_ =	sdelay $0x4  }
0xd2: {  	s21 =	sadd.s32 s22, s28;
	[tilespmem:v43+s2+$0x0] =	vst.idx.msk $0xffff, v5  }
0xd3: {  	v44 =	vor.u32 $0x9, v4;
	v5 =	vld [tilespmem:s21+$0x0];
	_ =	sdelay $0x4  }
0xd4: {  	s21 =	sadd.s32 s22, s29;
	[tilespmem:v44+s2+$0x0] =	vst.idx.msk $0xffff, v5  }
0xd5: {  	v45 =	vor.u32 $0xA, v4;
	v5 =	vld [tilespmem:s21+$0x0];
	_ =	sdelay $0x4  }
0xd6: {  	s21 =	sadd.s32 s22, s0;
	[tilespmem:v45+s2+$0x0] =	vst.idx.msk $0xffff, v5  }
0xd7: {  	v46 =	vor.u32 $0xB, v4;
	v5 =	vld [tilespmem:s21+$0x0];
	_ =	sdelay $0x4  }
0xd8: {  	s21 =	sadd.s32 s22, s1;
	[tilespmem:v46+s2+$0x0] =	vst.idx.msk $0xffff, v5  }
0xd9: {  	v47 =	vor.u32 $0xC, v4;
	v5 =	vld [tilespmem:s21+$0x0];
	_ =	sdelay $0x4  }
0xda: {  	s21 =	sadd.s32 s22, s13;
	[tilespmem:v47+s2+$0x0] =	vst.idx.msk $0xffff, v5  }
0xdb: {  	v48 =	vor.u32 $0xD, v4;
	v5 =	vld [tilespmem:s21+$0x0];
	_ =	sdelay $0x4  }
0xdc: {  	s21 =	sadd.s32 s22, s14;
	[tilespmem:v48+s2+$0x0] =	vst.idx.msk $0xffff, v5  }
0xdd: {  	v49 =	vor.u32 $0xE, v4;
	v5 =	vld [tilespmem:s21+$0x0];
	_ =	sdelay $0x4  }
0xde: {  	s22 =	sadd.s32 s22, s4;
	[tilespmem:v49+s2+$0x0] =	vst.idx.msk $0xffff, v5  }
0xdf: {  	v4 =	vor.u32 $0xF, v4;
	v5 =	vld [tilespmem:s22+$0x0];
	_ =	sdelay $0x2  }
0xe0: {  	s7 =	sadd.s32 $0x30, s20  }
0xe1: {  	s21 =	sand.u32 $0x70, s7  }
0xe2: {  	s23 =	sadd.s32 s21, s23;
	[tilespmem:v4+s2+$0x0] =	vst.idx.msk $0xffff, v5  }
0xe3: {  	v4 =	vld [tilespmem:s23+$0x0];
	_ =	sdelay $0x7  }
0xe4: {  	v4 =	vld.idx.msk [tilespmem:v4+s5+$0x0], $0xffff;
	_ =	sdelay $0x4  }
0xe5: {  	v5 =	vadd.s32 v1, v4;
	_ =	sdelay $0x3  }
0xe6: {  	[tilespmem:s24+$0x16880] =	vst v4;
	v4 =	vmov s7  }
0xe7: {  	s22 =	sadd.s32 s21, s25;
	v4 =	vshll.u32 v4, $0x4;
	[tilespmem:v5+s3+$0x0] =	vst.idx.add.f32.msk $0xffff, v2  }
0xe8: {  	v4 =	vor.u32 v3, v4;
	v5 =	vld [tilespmem:s22+$0x0];
	_ =	sdelay $0x4  }
0xe9: {  	[tilespmem:v4+s2+$0x0] =	vst.idx.msk $0xffff, v5  }
0xea: {  	v50 =	vor.u32 $0x1, v4;
	v5 =	vld [tilespmem:s22+$0x80];
	_ =	sdelay $0x4  }
0xeb: {  	[tilespmem:v50+s2+$0x0] =	vst.idx.msk $0xffff, v5  }
0xec: {  	v51 =	vor.u32 $0x2, v4;
	v5 =	vld [tilespmem:s22+$0x100];
	_ =	sdelay $0x4  }
0xed: {  	[tilespmem:v51+s2+$0x0] =	vst.idx.msk $0xffff, v5  }
0xee: {  	v52 =	vor.u32 $0x3, v4;
	v5 =	vld [tilespmem:s22+$0x180];
	_ =	sdelay $0x3  }
0xef: {  	s23 =	sadd.s32 $0x30, s15  }
0xf0: {  	s15 =	sor.u32 $0x200, s23;
	[tilespmem:v52+s2+$0x0] =	vst.idx.msk $0xffff, v5  }
0xf1: {  	v53 =	vor.u32 $0x4, v4;
	v5 =	vld [tilespmem:s15+$0xC850];
	_ =	sdelay $0x4  }
0xf2: {  	s24 =	sor.u32 $0x280, s23;
	[tilespmem:v53+s2+$0x0] =	vst.idx.msk $0xffff, v5  }
0xf3: {  	v54 =	vor.u32 $0x5, v4;
	v5 =	vld [tilespmem:s24+$0xC850];
	_ =	sdelay $0x4  }
0xf4: {  	s25 =	sor.u32 $0x300, s23;
	[tilespmem:v54+s2+$0x0] =	vst.idx.msk $0xffff, v5  }
0xf5: {  	v55 =	vor.u32 $0x6, v4;
	v5 =	vld [tilespmem:s25+$0xC850];
	_ =	sdelay $0x4  }
0xf6: {  	s7 =	sor.u32 $0x380, s23;
	[tilespmem:v55+s2+$0x0] =	vst.idx.msk $0xffff, v5  }
0xf7: {  	v56 =	vor.u32 $0x7, v4;
	v5 =	vld [tilespmem:s7+$0xC850];
	_ =	sdelay $0x4  }
0xf8: {  	s22 =	sadd.s32 s21, s26;
	[tilespmem:v56+s2+$0x0] =	vst.idx.msk $0xffff, v5  }
0xf9: {  	v57 =	vor.u32 $0x8, v4;
	v5 =	vld [tilespmem:s22+$0x0];
	_ =	sdelay $0x4  }
0xfa: {  	s23 =	sadd.s32 s21, s28;
	[tilespmem:v57+s2+$0x0] =	vst.idx.msk $0xffff, v5  }
0xfb: {  	v58 =	vor.u32 $0x9, v4;
	v5 =	vld [tilespmem:s23+$0x0];
	_ =	sdelay $0x4  }
0xfc: {  	s24 =	sadd.s32 s21, s29;
	[tilespmem:v58+s2+$0x0] =	vst.idx.msk $0xffff, v5  }
0xfd: {  	v59 =	vor.u32 $0xA, v4;
	v5 =	vld [tilespmem:s24+$0x0];
	_ =	sdelay $0x4  }
0xfe: {  	s0 =	sadd.s32 s21, s0;
	[tilespmem:v59+s2+$0x0] =	vst.idx.msk $0xffff, v5  }
0xff: {  	v60 =	vor.u32 $0xB, v4;
	v5 =	vld [tilespmem:s0+$0x0];
	_ =	sdelay $0x4  }
0x100: {  	s25 =	sadd.s32 s21, s1;
	[tilespmem:v60+s2+$0x0] =	vst.idx.msk $0xffff, v5  }
0x101: {  	v61 =	vor.u32 $0xC, v4;
	v5 =	vld [tilespmem:s25+$0x0];
	_ =	sdelay $0x4  }
0x102: {  	s26 =	sadd.s32 s21, s13;
	[tilespmem:v61+s2+$0x0] =	vst.idx.msk $0xffff, v5  }
0x103: {  	v62 =	vor.u32 $0xD, v4;
	v5 =	vld [tilespmem:s26+$0x0];
	_ =	sdelay $0x4  }
0x104: {  	s28 =	sadd.s32 s21, s14;
	[tilespmem:v62+s2+$0x0] =	vst.idx.msk $0xffff, v5  }
0x105: {  	v63 =	vor.u32 $0xE, v4;
	v5 =	vld [tilespmem:s28+$0x0];
	_ =	sdelay $0x4  }
0x106: {  	s29 =	sadd.s32 s21, s4;
	[tilespmem:v63+s2+$0x0] =	vst.idx.msk $0xffff, v5  }
0x107: {  	p3 =	sne.s32 s6, $0x1200;
	v4 =	vor.u32 $0xF, v4;
	v5 =	vld [tilespmem:s29+$0x0]  }
.Ltmp4:
0x108: {  	_ = 	snop;
	(pc) =	sbr.rel @p3 .LBB2_7-.Ltmp4, $4  }
0x109: {  	_ = 	snop  }
0x10a: {  	s30 =	sadd.s32 $0x100, s30  }
0x10b: {  	s19 =	sadd.s32 $0x800, s19;
	p2 =	por !p2, !p2;
	s16 =	sadd.s32 $0x4, s16  }
0x10c: {  	s11 =	sadd.s32 $0x2, s11;
	s6 =	sadd.s32 $0x200, s6;
	s20 =	sadd.s32 $0x40, s20;
	[tilespmem:v4+s2+$0x0] =	vst.idx.msk $0xffff, v5  }
0x10d: {  	s19 =	smul.u32 $0xA, s12;
	s0 =	rddreg [dreg:$0x5]  }
0x10e: {  	s1 =	simm.s32 $0x280;
	s4 =	simm.s32 $0x16850;
	s21 =	rddreg [dreg:$0xd]  }
0x10f: {  	[spmem:s0] =	stream.indirect.scatter.add.f32 [tilespmem:s2], [sflag:$0x3], $0x10, s4, s1, $0xb8;
	[tilespmem:$0x18F50] =	vst v63  }
0x110: {  	s0 =	sadd.s32 s19, s21  }
0x111: {  	s23 =	rddreg [dreg:$0x0];
	s24 =	simm.s32 $0x100;
	s22 =	sshll.u32 s0, $0x5  }
0x112: {  	s6 =	simm.s32 $0xC350;
	s0 =	sshll.u32 s0, $0x7;
	s1 =	sand.u32 $0x1FFFFFC0, s22  }
0x113: {  	s26 =	rddreg [dreg:$0x1];
	s25 =	sand.u32 $0x1FFFFF00, s0;
	s1 =	sadd.s32 s23, s1  }
0x114: {  	[tilespmem:s6], [sflag:$0x1] =	stream.strided.gather [hbm4b:s1+s9], $0x280, s24, s9, $0x38;
	[tilespmem:$0x18F50] =	vst v63  }
0x115: {  	s20 =	simm.s32 $0x0;
	s28 =	simm.s32 $0xC850;
	s1 =	sadd.s32 s26, s25  }
0x116: {  	[tilespmem:s28], [sflag:$0x1] =	stream.linear.gather [hbm4b:s1+s20], $0x1400, $0x38;
	[tilespmem:$0x18F50] =	vst v63  }
0x117: {  	s29 =	simm.s32 $0xDC50;
	s0 =	sadd.s32 s0, s8  }
0x118: {  	[tilespmem:s29], [sflag:$0x1] =	stream.linear.gather [hbm4b:s0+s20], $0x1400, $0x38;
	[tilespmem:$0x18F50] =	vst v63  }
0x119: {  	_ =	swait.ge [sflag:s17], $0x280  }
0x11a: {  	[sflag:s17] =	ssyncset.done $0x0  }
0x11b: {  	[sflag:s17] =	ssyncadd.s32 $0xFFFFFD80  }
0x11c: {  	_ =	swait.ge [sflag:s17], $0x1400  }
0x11d: {  	[sflag:s17] =	ssyncset.done $0x0  }
0x11e: {  	[sflag:s17] =	ssyncadd.s32 $0xFFFFEC00  }
0x11f: {  	p2 =	por $0x0, $0x0;
	s30 =	simm.s32 $0x0;
	_ =	swait.ge [sflag:s17], $0x1400  }
0x120: {  	s11 =	simm.s32 $0x0;
	s16 =	simm.s32 $0x0;
	[sflag:s17] =	ssyncset.done $0x0  }
0x121: {  	s23 =	simm.s32 $0x0;
	s6 =	simm.s32 $0x0;
	[sflag:s17] =	ssyncadd.s32 $0xFFFFEC00  }
.LBB2_9:
0x122: {  	s0 =	sand.u32 $0xE00, s11  }
0x123: {  	s0 =	sshrl.u32 s0, $0x2  }
0x124: {  	s22 =	sand.u32 $0x40, s30;
	s24 =	sadd.s32 $0xC5D0, s0  }
0x125: {  	s0 =	sadd.s32 s22, s24  }
0x126: {  	v4 =	vld [tilespmem:s0+$0x0];
	_ =	sdelay $0x7  }
0x127: {  	v4 =	vld.idx.msk [tilespmem:v4+s5+$0x0], $0xffff;
	_ =	sdelay $0x4  }
0x128: {  	v5 =	vadd.s32 v1, v4;
	_ =	sdelay $0x1  }
0x129: {  	s26 =	sshrl.u32 s20, $0x2  }
0x12a: {  	s25 =	sshra.s32 s11, $0x2;
	s15 =	sand.u32 $0x1C00, s26  }
0x12b: {  	s26 =	sadd.s32 $0xF050, s15;
	[tilespmem:s25+$0x16AD0] =	vst v4;
	v4 =	vmov s30  }
0x12c: {  	s28 =	sadd.s32 s22, s26;
	v4 =	vshll.u32 v4, $0x4;
	[tilespmem:v5+s3+$0x0] =	vst.idx.add.f32.msk $0xffff, v2  }
0x12d: {  	v4 =	vor.u32 v3, v4;
	v5 =	vld [tilespmem:s28+$0x0];
	_ =	sdelay $0x4  }
0x12e: {  	[tilespmem:v4+s18+$0x0] =	vst.idx.msk $0xffff, v5  }
0x12f: {  	v6 =	vor.u32 $0x1, v4;
	v5 =	vld [tilespmem:s28+$0x80];
	_ =	sdelay $0x4  }
0x130: {  	[tilespmem:v6+s18+$0x0] =	vst.idx.msk $0xffff, v5  }
0x131: {  	v9 =	vor.u32 $0x2, v4;
	v5 =	vld [tilespmem:s28+$0x100];
	_ =	sdelay $0x4  }
0x132: {  	[tilespmem:v9+s18+$0x0] =	vst.idx.msk $0xffff, v5  }
0x133: {  	v10 =	vor.u32 $0x3, v4;
	v5 =	vld [tilespmem:s28+$0x180]  }
0x134: {  	s0 =	simm.s32 $0x1  }
0x135: {  	s0 =	simm.s32 @!p2 $0x0  }
0x136: {  	s0 =	sshll.u32 s0, $0x6  }
0x137: {  	s0 =	sadd.s32 s0, s23  }
0x138: {  	s1 =	sor.u32 $0x200, s0;
	[tilespmem:v10+s18+$0x0] =	vst.idx.msk $0xffff, v5  }
0x139: {  	v11 =	vor.u32 $0x4, v4;
	v5 =	vld [tilespmem:s1+$0xF050];
	_ =	sdelay $0x4  }
0x13a: {  	s29 =	sor.u32 $0x280, s0;
	[tilespmem:v11+s18+$0x0] =	vst.idx.msk $0xffff, v5  }
0x13b: {  	v12 =	vor.u32 $0x5, v4;
	v5 =	vld [tilespmem:s29+$0xF050];
	_ =	sdelay $0x4  }
0x13c: {  	s0 =	sor.u32 $0x300, s0;
	[tilespmem:v12+s18+$0x0] =	vst.idx.msk $0xffff, v5  }
0x13d: {  	v13 =	vor.u32 $0x6, v4;
	v5 =	vld [tilespmem:s0+$0xF050];
	_ =	sdelay $0x3  }
0x13e: {  	s4 =	sor.u32 s23, s30  }
0x13f: {  	s0 =	sor.u32 $0x380, s4;
	[tilespmem:v13+s18+$0x0] =	vst.idx.msk $0xffff, v5  }
0x140: {  	v14 =	vor.u32 $0x7, v4;
	v5 =	vld [tilespmem:s0+$0xF050];
	_ =	sdelay $0x3  }
0x141: {  	s28 =	sadd.s32 $0x10450, s15  }
0x142: {  	s7 =	sadd.s32 s22, s28;
	[tilespmem:v14+s18+$0x0] =	vst.idx.msk $0xffff, v5  }
0x143: {  	v15 =	vor.u32 $0x8, v4;
	v5 =	vld [tilespmem:s7+$0x0];
	_ =	sdelay $0x3  }
0x144: {  	s29 =	sadd.s32 $0x104D0, s15  }
0x145: {  	s9 =	sadd.s32 s22, s29;
	[tilespmem:v15+s18+$0x0] =	vst.idx.msk $0xffff, v5  }
0x146: {  	v16 =	vor.u32 $0x9, v4;
	v5 =	vld [tilespmem:s9+$0x0];
	_ =	sdelay $0x3  }
0x147: {  	s0 =	sadd.s32 $0x10550, s15  }
0x148: {  	s13 =	sadd.s32 s22, s0;
	[tilespmem:v16+s18+$0x0] =	vst.idx.msk $0xffff, v5  }
0x149: {  	v17 =	vor.u32 $0xA, v4;
	v5 =	vld [tilespmem:s13+$0x0];
	_ =	sdelay $0x3  }
0x14a: {  	s1 =	sadd.s32 $0x105D0, s15  }
0x14b: {  	s4 =	sadd.s32 s22, s1;
	[tilespmem:v17+s18+$0x0] =	vst.idx.msk $0xffff, v5  }
0x14c: {  	v18 =	vor.u32 $0xB, v4;
	v5 =	vld [tilespmem:s4+$0x0];
	_ =	sdelay $0x3  }
0x14d: {  	s13 =	sadd.s32 $0x10650, s15  }
0x14e: {  	s14 =	sadd.s32 s22, s13;
	[tilespmem:v18+s18+$0x0] =	vst.idx.msk $0xffff, v5  }
0x14f: {  	v19 =	vor.u32 $0xC, v4;
	v5 =	vld [tilespmem:s14+$0x0];
	_ =	sdelay $0x3  }
0x150: {  	s14 =	sadd.s32 $0x106D0, s15  }
0x151: {  	s21 =	sadd.s32 s22, s14;
	[tilespmem:v19+s18+$0x0] =	vst.idx.msk $0xffff, v5  }
0x152: {  	v20 =	vor.u32 $0xD, v4;
	v5 =	vld [tilespmem:s21+$0x0];
	_ =	sdelay $0x3  }
0x153: {  	s4 =	sadd.s32 $0x10750, s15  }
0x154: {  	s7 =	sadd.s32 s22, s4;
	[tilespmem:v20+s18+$0x0] =	vst.idx.msk $0xffff, v5  }
0x155: {  	v21 =	vor.u32 $0xE, v4;
	v5 =	vld [tilespmem:s7+$0x0];
	_ =	sdelay $0x3  }
0x156: {  	s15 =	sadd.s32 $0x107D0, s15  }
0x157: {  	s22 =	sadd.s32 s22, s15;
	[tilespmem:v21+s18+$0x0] =	vst.idx.msk $0xffff, v5  }
0x158: {  	v4 =	vor.u32 $0xF, v4;
	v5 =	vld [tilespmem:s22+$0x0];
	_ =	sdelay $0x2  }
0x159: {  	s7 =	sadd.s32 $0x10, s30  }
0x15a: {  	s21 =	sand.u32 $0x50, s7  }
0x15b: {  	s9 =	sadd.s32 s21, s24;
	[tilespmem:v4+s18+$0x0] =	vst.idx.msk $0xffff, v5  }
0x15c: {  	v4 =	vld [tilespmem:s9+$0x0];
	_ =	sdelay $0x7  }
0x15d: {  	v4 =	vld.idx.msk [tilespmem:v4+s5+$0x0], $0xffff;
	_ =	sdelay $0x4  }
0x15e: {  	v5 =	vadd.s32 v1, v4;
	_ =	sdelay $0x3  }
0x15f: {  	[tilespmem:s25+$0x16AE0] =	vst v4;
	v4 =	vmov s7  }
0x160: {  	s9 =	sadd.s32 s21, s26;
	v4 =	vshll.u32 v4, $0x4;
	[tilespmem:v5+s3+$0x0] =	vst.idx.add.f32.msk $0xffff, v2  }
0x161: {  	v4 =	vor.u32 v3, v4;
	v5 =	vld [tilespmem:s9+$0x0];
	_ =	sdelay $0x4  }
0x162: {  	[tilespmem:v4+s18+$0x0] =	vst.idx.msk $0xffff, v5  }
0x163: {  	v22 =	vor.u32 $0x1, v4;
	v5 =	vld [tilespmem:s9+$0x80];
	_ =	sdelay $0x4  }
0x164: {  	[tilespmem:v22+s18+$0x0] =	vst.idx.msk $0xffff, v5  }
0x165: {  	v23 =	vor.u32 $0x2, v4;
	v5 =	vld [tilespmem:s9+$0x100];
	_ =	sdelay $0x4  }
0x166: {  	[tilespmem:v23+s18+$0x0] =	vst.idx.msk $0xffff, v5  }
0x167: {  	v24 =	vor.u32 $0x3, v4;
	v5 =	vld [tilespmem:s9+$0x180]  }
0x168: {  	s22 =	sand.u32 $0x7, s6  }
0x169: {  	s7 =	sshll.u32 s22, $0x4  }
0x16a: {  	s22 =	sadd.s32 s23, s7  }
0x16b: {  	s7 =	sadd.s32 $0x10, s22  }
0x16c: {  	s9 =	sor.u32 $0x200, s7;
	[tilespmem:v24+s18+$0x0] =	vst.idx.msk $0xffff, v5  }
0x16d: {  	v25 =	vor.u32 $0x4, v4;
	v5 =	vld [tilespmem:s9+$0xF050];
	_ =	sdelay $0x4  }
0x16e: {  	s9 =	sor.u32 $0x280, s7;
	[tilespmem:v25+s18+$0x0] =	vst.idx.msk $0xffff, v5  }
0x16f: {  	v26 =	vor.u32 $0x5, v4;
	v5 =	vld [tilespmem:s9+$0xF050];
	_ =	sdelay $0x4  }
0x170: {  	s9 =	sor.u32 $0x300, s7;
	[tilespmem:v26+s18+$0x0] =	vst.idx.msk $0xffff, v5  }
0x171: {  	v27 =	vor.u32 $0x6, v4;
	v5 =	vld [tilespmem:s9+$0xF050];
	_ =	sdelay $0x4  }
0x172: {  	s7 =	sor.u32 $0x380, s7;
	[tilespmem:v27+s18+$0x0] =	vst.idx.msk $0xffff, v5  }
0x173: {  	v28 =	vor.u32 $0x7, v4;
	v5 =	vld [tilespmem:s7+$0xF050];
	_ =	sdelay $0x4  }
0x174: {  	s9 =	sadd.s32 s21, s28;
	[tilespmem:v28+s18+$0x0] =	vst.idx.msk $0xffff, v5  }
0x175: {  	v29 =	vor.u32 $0x8, v4;
	v5 =	vld [tilespmem:s9+$0x0];
	_ =	sdelay $0x4  }
0x176: {  	s9 =	sadd.s32 s21, s29;
	[tilespmem:v29+s18+$0x0] =	vst.idx.msk $0xffff, v5  }
0x177: {  	v30 =	vor.u32 $0x9, v4;
	v5 =	vld [tilespmem:s9+$0x0];
	_ =	sdelay $0x4  }
0x178: {  	s9 =	sadd.s32 s21, s0;
	[tilespmem:v30+s18+$0x0] =	vst.idx.msk $0xffff, v5  }
0x179: {  	v31 =	vor.u32 $0xA, v4;
	v5 =	vld [tilespmem:s9+$0x0];
	_ =	sdelay $0x4  }
0x17a: {  	s9 =	sadd.s32 s21, s1;
	[tilespmem:v31+s18+$0x0] =	vst.idx.msk $0xffff, v5  }
0x17b: {  	v32 =	vor.u32 $0xB, v4;
	v5 =	vld [tilespmem:s9+$0x0];
	_ =	sdelay $0x4  }
0x17c: {  	s9 =	sadd.s32 s21, s13;
	[tilespmem:v32+s18+$0x0] =	vst.idx.msk $0xffff, v5  }
0x17d: {  	v33 =	vor.u32 $0xC, v4;
	v5 =	vld [tilespmem:s9+$0x0];
	_ =	sdelay $0x4  }
0x17e: {  	s9 =	sadd.s32 s21, s14;
	[tilespmem:v33+s18+$0x0] =	vst.idx.msk $0xffff, v5  }
0x17f: {  	v34 =	vor.u32 $0xD, v4;
	v5 =	vld [tilespmem:s9+$0x0];
	_ =	sdelay $0x4  }
0x180: {  	s9 =	sadd.s32 s21, s4;
	[tilespmem:v34+s18+$0x0] =	vst.idx.msk $0xffff, v5  }
0x181: {  	v35 =	vor.u32 $0xE, v4;
	v5 =	vld [tilespmem:s9+$0x0];
	_ =	sdelay $0x4  }
0x182: {  	s21 =	sadd.s32 s21, s15;
	[tilespmem:v35+s18+$0x0] =	vst.idx.msk $0xffff, v5  }
0x183: {  	v4 =	vor.u32 $0xF, v4;
	v5 =	vld [tilespmem:s21+$0x0];
	_ =	sdelay $0x2  }
0x184: {  	s7 =	sadd.s32 $0x20, s30  }
0x185: {  	s21 =	sand.u32 $0x60, s7  }
0x186: {  	s9 =	sadd.s32 s21, s24;
	[tilespmem:v4+s18+$0x0] =	vst.idx.msk $0xffff, v5  }
0x187: {  	v4 =	vld [tilespmem:s9+$0x0];
	_ =	sdelay $0x7  }
0x188: {  	v4 =	vld.idx.msk [tilespmem:v4+s5+$0x0], $0xffff;
	_ =	sdelay $0x4  }
0x189: {  	v5 =	vadd.s32 v1, v4;
	_ =	sdelay $0x3  }
0x18a: {  	[tilespmem:s25+$0x16AF0] =	vst v4;
	v4 =	vmov s7  }
0x18b: {  	s9 =	sadd.s32 s21, s26;
	v4 =	vshll.u32 v4, $0x4;
	[tilespmem:v5+s3+$0x0] =	vst.idx.add.f32.msk $0xffff, v2  }
0x18c: {  	v4 =	vor.u32 v3, v4;
	v5 =	vld [tilespmem:s9+$0x0];
	_ =	sdelay $0x4  }
0x18d: {  	[tilespmem:v4+s18+$0x0] =	vst.idx.msk $0xffff, v5  }
0x18e: {  	v36 =	vor.u32 $0x1, v4;
	v5 =	vld [tilespmem:s9+$0x80];
	_ =	sdelay $0x4  }
0x18f: {  	[tilespmem:v36+s18+$0x0] =	vst.idx.msk $0xffff, v5  }
0x190: {  	v37 =	vor.u32 $0x2, v4;
	v5 =	vld [tilespmem:s9+$0x100];
	_ =	sdelay $0x4  }
0x191: {  	[tilespmem:v37+s18+$0x0] =	vst.idx.msk $0xffff, v5  }
0x192: {  	v38 =	vor.u32 $0x3, v4;
	v5 =	vld [tilespmem:s9+$0x180]  }
0x193: {  	s9 =	sand.u32 $0x3, s16  }
0x194: {  	s7 =	sshll.u32 s9, $0x5  }
0x195: {  	s7 =	sadd.s32 s23, s7  }
0x196: {  	s7 =	sadd.s32 $0x20, s7  }
0x197: {  	s9 =	sor.u32 $0x200, s7;
	[tilespmem:v38+s18+$0x0] =	vst.idx.msk $0xffff, v5  }
0x198: {  	v39 =	vor.u32 $0x4, v4;
	v5 =	vld [tilespmem:s9+$0xF050];
	_ =	sdelay $0x4  }
0x199: {  	s9 =	sor.u32 $0x280, s7;
	[tilespmem:v39+s18+$0x0] =	vst.idx.msk $0xffff, v5  }
0x19a: {  	v40 =	vor.u32 $0x5, v4;
	v5 =	vld [tilespmem:s9+$0xF050];
	_ =	sdelay $0x4  }
0x19b: {  	s9 =	sor.u32 $0x300, s7;
	[tilespmem:v40+s18+$0x0] =	vst.idx.msk $0xffff, v5  }
0x19c: {  	v41 =	vor.u32 $0x6, v4;
	v5 =	vld [tilespmem:s9+$0xF050];
	_ =	sdelay $0x4  }
0x19d: {  	s7 =	sor.u32 $0x380, s7;
	[tilespmem:v41+s18+$0x0] =	vst.idx.msk $0xffff, v5  }
0x19e: {  	v42 =	vor.u32 $0x7, v4;
	v5 =	vld [tilespmem:s7+$0xF050];
	_ =	sdelay $0x4  }
0x19f: {  	s9 =	sadd.s32 s21, s28;
	[tilespmem:v42+s18+$0x0] =	vst.idx.msk $0xffff, v5  }
0x1a0: {  	v43 =	vor.u32 $0x8, v4;
	v5 =	vld [tilespmem:s9+$0x0];
	_ =	sdelay $0x4  }
0x1a1: {  	s9 =	sadd.s32 s21, s29;
	[tilespmem:v43+s18+$0x0] =	vst.idx.msk $0xffff, v5  }
0x1a2: {  	v44 =	vor.u32 $0x9, v4;
	v5 =	vld [tilespmem:s9+$0x0];
	_ =	sdelay $0x4  }
0x1a3: {  	s9 =	sadd.s32 s21, s0;
	[tilespmem:v44+s18+$0x0] =	vst.idx.msk $0xffff, v5  }
0x1a4: {  	v45 =	vor.u32 $0xA, v4;
	v5 =	vld [tilespmem:s9+$0x0];
	_ =	sdelay $0x4  }
0x1a5: {  	s9 =	sadd.s32 s21, s1;
	[tilespmem:v45+s18+$0x0] =	vst.idx.msk $0xffff, v5  }
0x1a6: {  	v46 =	vor.u32 $0xB, v4;
	v5 =	vld [tilespmem:s9+$0x0];
	_ =	sdelay $0x4  }
0x1a7: {  	s9 =	sadd.s32 s21, s13;
	[tilespmem:v46+s18+$0x0] =	vst.idx.msk $0xffff, v5  }
0x1a8: {  	v47 =	vor.u32 $0xC, v4;
	v5 =	vld [tilespmem:s9+$0x0];
	_ =	sdelay $0x4  }
0x1a9: {  	s9 =	sadd.s32 s21, s14;
	[tilespmem:v47+s18+$0x0] =	vst.idx.msk $0xffff, v5  }
0x1aa: {  	v48 =	vor.u32 $0xD, v4;
	v5 =	vld [tilespmem:s9+$0x0];
	_ =	sdelay $0x4  }
0x1ab: {  	s9 =	sadd.s32 s21, s4;
	[tilespmem:v48+s18+$0x0] =	vst.idx.msk $0xffff, v5  }
0x1ac: {  	v49 =	vor.u32 $0xE, v4;
	v5 =	vld [tilespmem:s9+$0x0];
	_ =	sdelay $0x4  }
0x1ad: {  	s21 =	sadd.s32 s21, s15;
	[tilespmem:v49+s18+$0x0] =	vst.idx.msk $0xffff, v5  }
0x1ae: {  	v4 =	vor.u32 $0xF, v4;
	v5 =	vld [tilespmem:s21+$0x0];
	_ =	sdelay $0x2  }
0x1af: {  	s7 =	sadd.s32 $0x30, s30  }
0x1b0: {  	s21 =	sand.u32 $0x70, s7  }
0x1b1: {  	s24 =	sadd.s32 s21, s24;
	[tilespmem:v4+s18+$0x0] =	vst.idx.msk $0xffff, v5  }
0x1b2: {  	v4 =	vld [tilespmem:s24+$0x0];
	_ =	sdelay $0x7  }
0x1b3: {  	v4 =	vld.idx.msk [tilespmem:v4+s5+$0x0], $0xffff;
	_ =	sdelay $0x4  }
0x1b4: {  	v5 =	vadd.s32 v1, v4;
	_ =	sdelay $0x3  }
0x1b5: {  	[tilespmem:s25+$0x16B00] =	vst v4;
	v4 =	vmov s7  }
0x1b6: {  	s9 =	sadd.s32 s21, s26;
	v4 =	vshll.u32 v4, $0x4;
	[tilespmem:v5+s3+$0x0] =	vst.idx.add.f32.msk $0xffff, v2  }
0x1b7: {  	v4 =	vor.u32 v3, v4;
	v5 =	vld [tilespmem:s9+$0x0];
	_ =	sdelay $0x4  }
0x1b8: {  	[tilespmem:v4+s18+$0x0] =	vst.idx.msk $0xffff, v5  }
0x1b9: {  	v50 =	vor.u32 $0x1, v4;
	v5 =	vld [tilespmem:s9+$0x80];
	_ =	sdelay $0x4  }
0x1ba: {  	[tilespmem:v50+s18+$0x0] =	vst.idx.msk $0xffff, v5  }
0x1bb: {  	v51 =	vor.u32 $0x2, v4;
	v5 =	vld [tilespmem:s9+$0x100];
	_ =	sdelay $0x4  }
0x1bc: {  	[tilespmem:v51+s18+$0x0] =	vst.idx.msk $0xffff, v5  }
0x1bd: {  	v52 =	vor.u32 $0x3, v4;
	v5 =	vld [tilespmem:s9+$0x180];
	_ =	sdelay $0x3  }
0x1be: {  	s22 =	sadd.s32 $0x30, s22  }
0x1bf: {  	s24 =	sor.u32 $0x200, s22;
	[tilespmem:v52+s18+$0x0] =	vst.idx.msk $0xffff, v5  }
0x1c0: {  	v53 =	vor.u32 $0x4, v4;
	v5 =	vld [tilespmem:s24+$0xF050];
	_ =	sdelay $0x4  }
0x1c1: {  	s25 =	sor.u32 $0x280, s22;
	[tilespmem:v53+s18+$0x0] =	vst.idx.msk $0xffff, v5  }
0x1c2: {  	v54 =	vor.u32 $0x5, v4;
	v5 =	vld [tilespmem:s25+$0xF050];
	_ =	sdelay $0x4  }
0x1c3: {  	s26 =	sor.u32 $0x300, s22;
	[tilespmem:v54+s18+$0x0] =	vst.idx.msk $0xffff, v5  }
0x1c4: {  	v55 =	vor.u32 $0x6, v4;
	v5 =	vld [tilespmem:s26+$0xF050];
	_ =	sdelay $0x4  }
0x1c5: {  	s7 =	sor.u32 $0x380, s22;
	[tilespmem:v55+s18+$0x0] =	vst.idx.msk $0xffff, v5  }
0x1c6: {  	v56 =	vor.u32 $0x7, v4;
	v5 =	vld [tilespmem:s7+$0xF050];
	_ =	sdelay $0x4  }
0x1c7: {  	s9 =	sadd.s32 s21, s28;
	[tilespmem:v56+s18+$0x0] =	vst.idx.msk $0xffff, v5  }
0x1c8: {  	v57 =	vor.u32 $0x8, v4;
	v5 =	vld [tilespmem:s9+$0x0];
	_ =	sdelay $0x4  }
0x1c9: {  	s22 =	sadd.s32 s21, s29;
	[tilespmem:v57+s18+$0x0] =	vst.idx.msk $0xffff, v5  }
0x1ca: {  	v58 =	vor.u32 $0x9, v4;
	v5 =	vld [tilespmem:s22+$0x0];
	_ =	sdelay $0x4  }
0x1cb: {  	s0 =	sadd.s32 s21, s0;
	[tilespmem:v58+s18+$0x0] =	vst.idx.msk $0xffff, v5  }
0x1cc: {  	v59 =	vor.u32 $0xA, v4;
	v5 =	vld [tilespmem:s0+$0x0];
	_ =	sdelay $0x4  }
0x1cd: {  	s24 =	sadd.s32 s21, s1;
	[tilespmem:v59+s18+$0x0] =	vst.idx.msk $0xffff, v5  }
0x1ce: {  	v60 =	vor.u32 $0xB, v4;
	v5 =	vld [tilespmem:s24+$0x0];
	_ =	sdelay $0x4  }
0x1cf: {  	s25 =	sadd.s32 s21, s13;
	[tilespmem:v60+s18+$0x0] =	vst.idx.msk $0xffff, v5  }
0x1d0: {  	v61 =	vor.u32 $0xC, v4;
	v5 =	vld [tilespmem:s25+$0x0];
	_ =	sdelay $0x4  }
0x1d1: {  	s26 =	sadd.s32 s21, s14;
	[tilespmem:v61+s18+$0x0] =	vst.idx.msk $0xffff, v5  }
0x1d2: {  	v62 =	vor.u32 $0xD, v4;
	v5 =	vld [tilespmem:s26+$0x0];
	_ =	sdelay $0x4  }
0x1d3: {  	s28 =	sadd.s32 s21, s4;
	[tilespmem:v62+s18+$0x0] =	vst.idx.msk $0xffff, v5  }
0x1d4: {  	v63 =	vor.u32 $0xE, v4;
	v5 =	vld [tilespmem:s28+$0x0];
	_ =	sdelay $0x4  }
0x1d5: {  	s29 =	sadd.s32 s21, s15;
	[tilespmem:v63+s18+$0x0] =	vst.idx.msk $0xffff, v5  }
0x1d6: {  	p3 =	sne.s32 s23, $0x1200;
	v4 =	vor.u32 $0xF, v4;
	v5 =	vld [tilespmem:s29+$0x0]  }
.Ltmp5:
0x1d7: {  	_ = 	snop;
	(pc) =	sbr.rel @p3 .LBB2_9-.Ltmp5, $4  }
0x1d8: {  	_ = 	snop  }
0x1d9: {  	s11 =	sadd.s32 $0x100, s11  }
0x1da: {  	s20 =	sadd.s32 $0x800, s20;
	p2 =	por !p2, !p2;
	s6 =	sadd.s32 $0x4, s6  }
0x1db: {  	s16 =	sadd.s32 $0x2, s16;
	s23 =	sadd.s32 $0x200, s23;
	s30 =	sadd.s32 $0x40, s30;
	[tilespmem:v4+s18+$0x0] =	vst.idx.msk $0xffff, v5  }
0x1dc: {  	s0 =	rddreg [dreg:$0x5]  }
0x1dd: {  	s1 =	simm.s32 $0x280;
	s4 =	simm.s32 $0x16AD0;
	s20 =	rddreg [dreg:$0xe]  }
0x1de: {  	[spmem:s0] =	stream.indirect.scatter.add.f32 [tilespmem:s18], [sflag:$0x4], $0x10, s4, s1, $0xb8;
	[tilespmem:$0x18F50] =	vst v63  }
0x1df: {  	s22 =	rddreg [dreg:$0x0];
	s0 =	sadd.s32 s19, s20  }
0x1e0: {  	s9 =	simm.s32 $0x80;
	s23 =	simm.s32 $0x100;
	s21 =	sshll.u32 s0, $0x5  }
0x1e1: {  	s6 =	simm.s32 $0xC5D0;
	s0 =	sshll.u32 s0, $0x7;
	s1 =	sand.u32 $0x1FFFFFE0, s21  }
0x1e2: {  	s25 =	rddreg [dreg:$0x1];
	s24 =	sand.u32 $0x1FFFFF80, s0;
	s1 =	sadd.s32 s22, s1  }
0x1e3: {  	[tilespmem:s6], [sflag:$0x2] =	stream.strided.gather [hbm4b:s1+s9], $0x280, s23, s9, $0x38;
	[tilespmem:$0x18F50] =	vst v63  }
0x1e4: {  	s26 =	simm.s32 $0xF050;
	s28 =	simm.s32 $0x10450;
	s1 =	sadd.s32 s25, s24  }
0x1e5: {  	[tilespmem:s26], [sflag:$0x2] =	stream.linear.gather [hbm4b:s1+s5], $0x1400, $0x38;
	[tilespmem:$0x18F50] =	vst v63  }
0x1e6: {  	s29 =	simm.s32 $0x3;
	s12 =	sadd.s32 $0x1, s12;
	s0 =	sadd.s32 s0, s8  }
0x1e7: {  	[tilespmem:s28], [sflag:$0x2] =	stream.linear.gather [hbm4b:s0+s5], $0x1400, $0x38;
	[tilespmem:$0x18F50] =	vst v63  }
0x1e8: {  	p2 =	sne.s32 s12, $0x27;
	_ =	swait.ge [sflag:s29], $0x2800  }
.Ltmp6:
0x1e9: {  	[sflag:s29] =	ssyncset.done $0x0;
	(pc) =	sbr.rel @p2 .LBB2_6-.Ltmp6, $4  }
0x1ea: {  	s30 =	simm.s32 $0x4;
	[sflag:s29] =	ssyncadd.s32 $0xFFFFD800  }
0x1eb: {  	_ =	swait.ge [sflag:s30], $0x2800  }
0x1ec: {  	[sflag:s30] =	ssyncset.done $0x0  }
0x1ed: {  	[sflag:s30] =	ssyncadd.s32 $0xFFFFD800  }
0x1ee: {  	_ =	swait.ge [sflag:s31], $0x280  }
0x1ef: {  	[sflag:s31] =	ssyncset.done $0x0  }
0x1f0: {  	[sflag:s31] =	ssyncadd.s32 $0xFFFFFD80  }
0x1f1: {  	_ =	swait.ge [sflag:s31], $0x1400  }
0x1f2: {  	[sflag:s31] =	ssyncset.done $0x0  }
0x1f3: {  	[sflag:s31] =	ssyncadd.s32 $0xFFFFEC00  }
0x1f4: {  	_ =	swait.ge [sflag:s31], $0x1400  }
0x1f5: {  	[sflag:s31] =	ssyncset.done $0x0  }
0x1f6: {  	[sflag:s31] =	ssyncadd.s32 $0xFFFFEC00  }
0x1f7: {  	_ =	swait.ge [sflag:s17], $0x280  }
0x1f8: {  	[sflag:s17] =	ssyncset.done $0x0  }
0x1f9: {  	[sflag:s17] =	ssyncadd.s32 $0xFFFFFD80  }
0x1fa: {  	_ =	swait.ge [sflag:s17], $0x1400  }
.Ltmp7:
0x1fb: {  	[sflag:s17] =	ssyncset.done $0x0;
	(pc) =	sbr.rel @!p1 .LBB2_12-.Ltmp7, $4  }
0x1fc: {  	[sflag:s17] =	ssyncadd.s32 $0xFFFFEC00  }
0x1fd: {  	_ =	swait.ge [sflag:s17], $0x1400  }
0x1fe: {  	[sflag:s17] =	ssyncset.done $0x0  }
0x1ff: {  	[sflag:s17] =	ssyncadd.s32 $0xFFFFEC00  }
0x200: {  	s6 =	simm.s32 $0x0  }
0x201: {  	s0 =	rddreg [dreg:$0xf];
	s1 =	simm.s32 $0x16D50;
	s7 =	simm.s32 $0x5  }
0x202: {  	[tilespmem:s1], [sflag:$0x5] =	stream.linear.gather [hbm4b:s0+s6], $0x80, $0x38;
	[tilespmem:$0x18F50] =	vst v63  }
0x203: {  	_ =	swait.ge [sflag:s7], $0x80  }
0x204: {  	[sflag:s7] =	ssyncset.done $0x0  }
0x205: {  	s28 =	simm.s32 $0x16DD0;
	s26 =	rddreg [dreg:$0x10];
	[sflag:s7] =	ssyncadd.s32 $0xFFFFFF80  }
0x206: {  	[tilespmem:s28], [sflag:$0x5] =	stream.linear.gather [hbm4b:s26+s6], $0x400, $0x38;
	[tilespmem:$0x18F50] =	vst v63  }
0x207: {  	_ =	swait.ge [sflag:s7], $0x400  }
0x208: {  	[sflag:s7] =	ssyncset.done $0x0  }
0x209: {  	s30 =	simm.s32 $0x171D0;
	s29 =	rddreg [dreg:$0x11];
	[sflag:s7] =	ssyncadd.s32 $0xFFFFFC00  }
0x20a: {  	[tilespmem:s30], [sflag:$0x5] =	stream.linear.gather [hbm4b:s29+s6], $0x400, $0x38;
	[tilespmem:$0x18F50] =	vst v63  }
0x20b: {  	_ =	swait.ge [sflag:s7], $0x400  }
0x20c: {  	[sflag:s7] =	ssyncset.done $0x0  }
0x20d: {  	p2 =	por $0x1, $0x1;
	[sflag:s7] =	ssyncadd.s32 $0xFFFFFC00  }
.LBB2_14:
0x20e: {  	v4 =	vld [tilespmem:s6+$0x16D50];
	_ =	sdelay $0x7  }
0x20f: {  	v4 =	vld.idx.msk [tilespmem:v4+s5+$0x0], $0xffff;
	_ =	sdelay $0x4  }
0x210: {  	v5 =	vadd.s32 v1, v4;
	_ =	sdelay $0x3  }
0x211: {  	[tilespmem:s6+$0x17DD0] =	vst v4;
	v4 =	vmov s6  }
0x212: {  	v4 =	vshll.u32 v4, $0x4;
	[tilespmem:v5+s3+$0x0] =	vst.idx.add.f32.msk $0xffff, v2  }
0x213: {  	v4 =	vor.u32 v3, v4;
	v5 =	vld [tilespmem:s6+$0x16DD0];
	_ =	sdelay $0x4  }
0x214: {  	[tilespmem:v4+s10+$0x0] =	vst.idx.msk $0xffff, v5  }
0x215: {  	v6 =	vor.u32 $0x1, v4;
	v5 =	vld [tilespmem:s6+$0x16E50];
	_ =	sdelay $0x4  }
0x216: {  	[tilespmem:v6+s10+$0x0] =	vst.idx.msk $0xffff, v5  }
0x217: {  	v9 =	vor.u32 $0x2, v4;
	v5 =	vld [tilespmem:s6+$0x16ED0];
	_ =	sdelay $0x4  }
0x218: {  	[tilespmem:v9+s10+$0x0] =	vst.idx.msk $0xffff, v5  }
0x219: {  	v10 =	vor.u32 $0x3, v4;
	v5 =	vld [tilespmem:s6+$0x16F50];
	_ =	sdelay $0x4  }
0x21a: {  	[tilespmem:v10+s10+$0x0] =	vst.idx.msk $0xffff, v5  }
0x21b: {  	v11 =	vor.u32 $0x4, v4;
	v5 =	vld [tilespmem:s6+$0x16FD0];
	_ =	sdelay $0x4  }
0x21c: {  	[tilespmem:v11+s10+$0x0] =	vst.idx.msk $0xffff, v5  }
0x21d: {  	v12 =	vor.u32 $0x5, v4;
	v5 =	vld [tilespmem:s6+$0x17050];
	_ =	sdelay $0x4  }
0x21e: {  	[tilespmem:v12+s10+$0x0] =	vst.idx.msk $0xffff, v5  }
0x21f: {  	v13 =	vor.u32 $0x6, v4;
	v5 =	vld [tilespmem:s6+$0x170D0];
	_ =	sdelay $0x4  }
0x220: {  	[tilespmem:v13+s10+$0x0] =	vst.idx.msk $0xffff, v5  }
0x221: {  	v14 =	vor.u32 $0x7, v4;
	v5 =	vld [tilespmem:s6+$0x17150];
	_ =	sdelay $0x4  }
0x222: {  	[tilespmem:v14+s10+$0x0] =	vst.idx.msk $0xffff, v5  }
0x223: {  	v15 =	vor.u32 $0x8, v4;
	v5 =	vld [tilespmem:s6+$0x171D0];
	_ =	sdelay $0x4  }
0x224: {  	[tilespmem:v15+s10+$0x0] =	vst.idx.msk $0xffff, v5  }
0x225: {  	v16 =	vor.u32 $0x9, v4;
	v5 =	vld [tilespmem:s6+$0x17250];
	_ =	sdelay $0x4  }
0x226: {  	[tilespmem:v16+s10+$0x0] =	vst.idx.msk $0xffff, v5  }
0x227: {  	v17 =	vor.u32 $0xA, v4;
	v5 =	vld [tilespmem:s6+$0x172D0];
	_ =	sdelay $0x4  }
0x228: {  	[tilespmem:v17+s10+$0x0] =	vst.idx.msk $0xffff, v5  }
0x229: {  	v18 =	vor.u32 $0xB, v4;
	v5 =	vld [tilespmem:s6+$0x17350];
	_ =	sdelay $0x4  }
0x22a: {  	[tilespmem:v18+s10+$0x0] =	vst.idx.msk $0xffff, v5  }
0x22b: {  	v19 =	vor.u32 $0xC, v4;
	v5 =	vld [tilespmem:s6+$0x173D0];
	_ =	sdelay $0x4  }
0x22c: {  	[tilespmem:v19+s10+$0x0] =	vst.idx.msk $0xffff, v5  }
0x22d: {  	v20 =	vor.u32 $0xD, v4;
	v5 =	vld [tilespmem:s6+$0x17450];
	_ =	sdelay $0x4  }
0x22e: {  	[tilespmem:v20+s10+$0x0] =	vst.idx.msk $0xffff, v5  }
0x22f: {  	v21 =	vor.u32 $0xE, v4;
	v5 =	vld [tilespmem:s6+$0x174D0];
	_ =	sdelay $0x4  }
0x230: {  	[tilespmem:v21+s10+$0x0] =	vst.idx.msk $0xffff, v5  }
0x231: {  	v4 =	vor.u32 $0xF, v4;
	v5 =	vld [tilespmem:s6+$0x17550];
	_ =	sdelay $0x4  }
0x232: {  	[tilespmem:v4+s10+$0x0] =	vst.idx.msk $0xffff, v5  }
0x233: {  	v4 =	vld [tilespmem:s6+$0x16D60];
	_ =	sdelay $0x7  }
0x234: {  	v4 =	vld.idx.msk [tilespmem:v4+s5+$0x0], $0xffff;
	_ =	sdelay $0x4  }
0x235: {  	v5 =	vadd.s32 v1, v4;
	_ =	sdelay $0x2  }
0x236: {  	s0 =	sor.u32 $0x10, s6  }
0x237: {  	[tilespmem:s6+$0x17DE0] =	vst v4;
	v4 =	vmov s0  }
0x238: {  	v4 =	vshll.u32 v4, $0x4;
	[tilespmem:v5+s3+$0x0] =	vst.idx.add.f32.msk $0xffff, v2  }
0x239: {  	v4 =	vor.u32 v3, v4;
	v5 =	vld [tilespmem:s6+$0x16DE0];
	_ =	sdelay $0x4  }
0x23a: {  	[tilespmem:v4+s10+$0x0] =	vst.idx.msk $0xffff, v5  }
0x23b: {  	v22 =	vor.u32 $0x1, v4;
	v5 =	vld [tilespmem:s6+$0x16E60];
	_ =	sdelay $0x4  }
0x23c: {  	[tilespmem:v22+s10+$0x0] =	vst.idx.msk $0xffff, v5  }
0x23d: {  	v23 =	vor.u32 $0x2, v4;
	v5 =	vld [tilespmem:s6+$0x16EE0];
	_ =	sdelay $0x4  }
0x23e: {  	[tilespmem:v23+s10+$0x0] =	vst.idx.msk $0xffff, v5  }
0x23f: {  	v24 =	vor.u32 $0x3, v4;
	v5 =	vld [tilespmem:s6+$0x16F60];
	_ =	sdelay $0x4  }
0x240: {  	[tilespmem:v24+s10+$0x0] =	vst.idx.msk $0xffff, v5  }
0x241: {  	v25 =	vor.u32 $0x4, v4;
	v5 =	vld [tilespmem:s6+$0x16FE0];
	_ =	sdelay $0x4  }
0x242: {  	[tilespmem:v25+s10+$0x0] =	vst.idx.msk $0xffff, v5  }
0x243: {  	v26 =	vor.u32 $0x5, v4;
	v5 =	vld [tilespmem:s6+$0x17060];
	_ =	sdelay $0x4  }
0x244: {  	[tilespmem:v26+s10+$0x0] =	vst.idx.msk $0xffff, v5  }
0x245: {  	v27 =	vor.u32 $0x6, v4;
	v5 =	vld [tilespmem:s6+$0x170E0];
	_ =	sdelay $0x4  }
0x246: {  	[tilespmem:v27+s10+$0x0] =	vst.idx.msk $0xffff, v5  }
0x247: {  	v28 =	vor.u32 $0x7, v4;
	v5 =	vld [tilespmem:s6+$0x17160];
	_ =	sdelay $0x4  }
0x248: {  	[tilespmem:v28+s10+$0x0] =	vst.idx.msk $0xffff, v5  }
0x249: {  	v29 =	vor.u32 $0x8, v4;
	v5 =	vld [tilespmem:s6+$0x171E0];
	_ =	sdelay $0x4  }
0x24a: {  	[tilespmem:v29+s10+$0x0] =	vst.idx.msk $0xffff, v5  }
0x24b: {  	v30 =	vor.u32 $0x9, v4;
	v5 =	vld [tilespmem:s6+$0x17260];
	_ =	sdelay $0x4  }
0x24c: {  	[tilespmem:v30+s10+$0x0] =	vst.idx.msk $0xffff, v5  }
0x24d: {  	v31 =	vor.u32 $0xA, v4;
	v5 =	vld [tilespmem:s6+$0x172E0];
	_ =	sdelay $0x4  }
0x24e: {  	[tilespmem:v31+s10+$0x0] =	vst.idx.msk $0xffff, v5  }
0x24f: {  	v32 =	vor.u32 $0xB, v4;
	v5 =	vld [tilespmem:s6+$0x17360];
	_ =	sdelay $0x4  }
0x250: {  	[tilespmem:v32+s10+$0x0] =	vst.idx.msk $0xffff, v5  }
0x251: {  	v33 =	vor.u32 $0xC, v4;
	v5 =	vld [tilespmem:s6+$0x173E0];
	_ =	sdelay $0x4  }
0x252: {  	[tilespmem:v33+s10+$0x0] =	vst.idx.msk $0xffff, v5  }
0x253: {  	v34 =	vor.u32 $0xD, v4;
	v5 =	vld [tilespmem:s6+$0x17460];
	_ =	sdelay $0x4  }
0x254: {  	[tilespmem:v34+s10+$0x0] =	vst.idx.msk $0xffff, v5  }
0x255: {  	v35 =	vor.u32 $0xE, v4;
	v5 =	vld [tilespmem:s6+$0x174E0];
	_ =	sdelay $0x4  }
0x256: {  	[tilespmem:v35+s10+$0x0] =	vst.idx.msk $0xffff, v5  }
0x257: {  	v4 =	vor.u32 $0xF, v4;
	v5 =	vld [tilespmem:s6+$0x17560];
	_ =	sdelay $0x4  }
0x258: {  	[tilespmem:v4+s10+$0x0] =	vst.idx.msk $0xffff, v5  }
0x259: {  	v4 =	vld [tilespmem:s6+$0x16D70];
	_ =	sdelay $0x7  }
0x25a: {  	v4 =	vld.idx.msk [tilespmem:v4+s5+$0x0], $0xffff;
	_ =	sdelay $0x4  }
0x25b: {  	v5 =	vadd.s32 v1, v4;
	_ =	sdelay $0x2  }
0x25c: {  	s29 =	sor.u32 $0x20, s6  }
0x25d: {  	[tilespmem:s6+$0x17DF0] =	vst v4;
	v4 =	vmov s29  }
0x25e: {  	v4 =	vshll.u32 v4, $0x4;
	[tilespmem:v5+s3+$0x0] =	vst.idx.add.f32.msk $0xffff, v2  }
0x25f: {  	v4 =	vor.u32 v3, v4;
	v5 =	vld [tilespmem:s6+$0x16DF0];
	_ =	sdelay $0x4  }
0x260: {  	[tilespmem:v4+s10+$0x0] =	vst.idx.msk $0xffff, v5  }
0x261: {  	v36 =	vor.u32 $0x1, v4;
	v5 =	vld [tilespmem:s6+$0x16E70];
	_ =	sdelay $0x4  }
0x262: {  	[tilespmem:v36+s10+$0x0] =	vst.idx.msk $0xffff, v5  }
0x263: {  	v37 =	vor.u32 $0x2, v4;
	v5 =	vld [tilespmem:s6+$0x16EF0];
	_ =	sdelay $0x4  }
0x264: {  	[tilespmem:v37+s10+$0x0] =	vst.idx.msk $0xffff, v5  }
0x265: {  	v38 =	vor.u32 $0x3, v4;
	v5 =	vld [tilespmem:s6+$0x16F70];
	_ =	sdelay $0x4  }
0x266: {  	[tilespmem:v38+s10+$0x0] =	vst.idx.msk $0xffff, v5  }
0x267: {  	v39 =	vor.u32 $0x4, v4;
	v5 =	vld [tilespmem:s6+$0x16FF0];
	_ =	sdelay $0x4  }
0x268: {  	[tilespmem:v39+s10+$0x0] =	vst.idx.msk $0xffff, v5  }
0x269: {  	v40 =	vor.u32 $0x5, v4;
	v5 =	vld [tilespmem:s6+$0x17070];
	_ =	sdelay $0x4  }
0x26a: {  	[tilespmem:v40+s10+$0x0] =	vst.idx.msk $0xffff, v5  }
0x26b: {  	v41 =	vor.u32 $0x6, v4;
	v5 =	vld [tilespmem:s6+$0x170F0];
	_ =	sdelay $0x4  }
0x26c: {  	[tilespmem:v41+s10+$0x0] =	vst.idx.msk $0xffff, v5  }
0x26d: {  	v42 =	vor.u32 $0x7, v4;
	v5 =	vld [tilespmem:s6+$0x17170];
	_ =	sdelay $0x4  }
0x26e: {  	[tilespmem:v42+s10+$0x0] =	vst.idx.msk $0xffff, v5  }
0x26f: {  	v43 =	vor.u32 $0x8, v4;
	v5 =	vld [tilespmem:s6+$0x171F0];
	_ =	sdelay $0x4  }
0x270: {  	[tilespmem:v43+s10+$0x0] =	vst.idx.msk $0xffff, v5  }
0x271: {  	v44 =	vor.u32 $0x9, v4;
	v5 =	vld [tilespmem:s6+$0x17270];
	_ =	sdelay $0x4  }
0x272: {  	[tilespmem:v44+s10+$0x0] =	vst.idx.msk $0xffff, v5  }
0x273: {  	v45 =	vor.u32 $0xA, v4;
	v5 =	vld [tilespmem:s6+$0x172F0];
	_ =	sdelay $0x4  }
0x274: {  	[tilespmem:v45+s10+$0x0] =	vst.idx.msk $0xffff, v5  }
0x275: {  	v46 =	vor.u32 $0xB, v4;
	v5 =	vld [tilespmem:s6+$0x17370];
	_ =	sdelay $0x4  }
0x276: {  	[tilespmem:v46+s10+$0x0] =	vst.idx.msk $0xffff, v5  }
0x277: {  	v47 =	vor.u32 $0xC, v4;
	v5 =	vld [tilespmem:s6+$0x173F0];
	_ =	sdelay $0x4  }
0x278: {  	[tilespmem:v47+s10+$0x0] =	vst.idx.msk $0xffff, v5  }
0x279: {  	v48 =	vor.u32 $0xD, v4;
	v5 =	vld [tilespmem:s6+$0x17470];
	_ =	sdelay $0x4  }
0x27a: {  	[tilespmem:v48+s10+$0x0] =	vst.idx.msk $0xffff, v5  }
0x27b: {  	v49 =	vor.u32 $0xE, v4;
	v5 =	vld [tilespmem:s6+$0x174F0];
	_ =	sdelay $0x4  }
0x27c: {  	[tilespmem:v49+s10+$0x0] =	vst.idx.msk $0xffff, v5  }
0x27d: {  	v4 =	vor.u32 $0xF, v4;
	v5 =	vld [tilespmem:s6+$0x17570];
	_ =	sdelay $0x4  }
0x27e: {  	[tilespmem:v4+s10+$0x0] =	vst.idx.msk $0xffff, v5  }
0x27f: {  	v4 =	vld [tilespmem:s6+$0x16D80];
	_ =	sdelay $0x7  }
0x280: {  	v4 =	vld.idx.msk [tilespmem:v4+s5+$0x0], $0xffff;
	_ =	sdelay $0x4  }
0x281: {  	v5 =	vadd.s32 v1, v4;
	_ =	sdelay $0x2  }
0x282: {  	s30 =	sor.u32 $0x30, s6  }
0x283: {  	[tilespmem:s6+$0x17E00] =	vst v4;
	v4 =	vmov s30  }
0x284: {  	v4 =	vshll.u32 v4, $0x4;
	[tilespmem:v5+s3+$0x0] =	vst.idx.add.f32.msk $0xffff, v2  }
0x285: {  	v4 =	vor.u32 v3, v4;
	v5 =	vld [tilespmem:s6+$0x16E00];
	_ =	sdelay $0x4  }
0x286: {  	[tilespmem:v4+s10+$0x0] =	vst.idx.msk $0xffff, v5  }
0x287: {  	v50 =	vor.u32 $0x1, v4;
	v5 =	vld [tilespmem:s6+$0x16E80];
	_ =	sdelay $0x4  }
0x288: {  	[tilespmem:v50+s10+$0x0] =	vst.idx.msk $0xffff, v5  }
0x289: {  	v51 =	vor.u32 $0x2, v4;
	v5 =	vld [tilespmem:s6+$0x16F00];
	_ =	sdelay $0x4  }
0x28a: {  	[tilespmem:v51+s10+$0x0] =	vst.idx.msk $0xffff, v5  }
0x28b: {  	v52 =	vor.u32 $0x3, v4;
	v5 =	vld [tilespmem:s6+$0x16F80];
	_ =	sdelay $0x4  }
0x28c: {  	[tilespmem:v52+s10+$0x0] =	vst.idx.msk $0xffff, v5  }
0x28d: {  	v53 =	vor.u32 $0x4, v4;
	v5 =	vld [tilespmem:s6+$0x17000];
	_ =	sdelay $0x4  }
0x28e: {  	[tilespmem:v53+s10+$0x0] =	vst.idx.msk $0xffff, v5  }
0x28f: {  	v54 =	vor.u32 $0x5, v4;
	v5 =	vld [tilespmem:s6+$0x17080];
	_ =	sdelay $0x4  }
0x290: {  	[tilespmem:v54+s10+$0x0] =	vst.idx.msk $0xffff, v5  }
0x291: {  	v55 =	vor.u32 $0x6, v4;
	v5 =	vld [tilespmem:s6+$0x17100];
	_ =	sdelay $0x4  }
0x292: {  	[tilespmem:v55+s10+$0x0] =	vst.idx.msk $0xffff, v5  }
0x293: {  	v56 =	vor.u32 $0x7, v4;
	v5 =	vld [tilespmem:s6+$0x17180];
	_ =	sdelay $0x4  }
0x294: {  	[tilespmem:v56+s10+$0x0] =	vst.idx.msk $0xffff, v5  }
0x295: {  	v57 =	vor.u32 $0x8, v4;
	v5 =	vld [tilespmem:s6+$0x17200];
	_ =	sdelay $0x4  }
0x296: {  	[tilespmem:v57+s10+$0x0] =	vst.idx.msk $0xffff, v5  }
0x297: {  	v58 =	vor.u32 $0x9, v4;
	v5 =	vld [tilespmem:s6+$0x17280];
	_ =	sdelay $0x4  }
0x298: {  	[tilespmem:v58+s10+$0x0] =	vst.idx.msk $0xffff, v5  }
0x299: {  	v59 =	vor.u32 $0xA, v4;
	v5 =	vld [tilespmem:s6+$0x17300];
	_ =	sdelay $0x4  }
0x29a: {  	[tilespmem:v59+s10+$0x0] =	vst.idx.msk $0xffff, v5  }
0x29b: {  	v60 =	vor.u32 $0xB, v4;
	v5 =	vld [tilespmem:s6+$0x17380];
	_ =	sdelay $0x4  }
0x29c: {  	[tilespmem:v60+s10+$0x0] =	vst.idx.msk $0xffff, v5  }
0x29d: {  	v61 =	vor.u32 $0xC, v4;
	v5 =	vld [tilespmem:s6+$0x17400];
	_ =	sdelay $0x4  }
0x29e: {  	[tilespmem:v61+s10+$0x0] =	vst.idx.msk $0xffff, v5  }
0x29f: {  	v62 =	vor.u32 $0xD, v4;
	v5 =	vld [tilespmem:s6+$0x17480];
	_ =	sdelay $0x4  }
0x2a0: {  	[tilespmem:v62+s10+$0x0] =	vst.idx.msk $0xffff, v5  }
0x2a1: {  	v63 =	vor.u32 $0xE, v4;
	v5 =	vld [tilespmem:s6+$0x17500];
	_ =	sdelay $0x4  }
0x2a2: {  	[tilespmem:v63+s10+$0x0] =	vst.idx.msk $0xffff, v5  }
0x2a3: {  	p3 =	por p2, p2;
	v4 =	vor.u32 $0xF, v4;
	v5 =	vld [tilespmem:s6+$0x17580]  }
.Ltmp8:
0x2a4: {  	_ = 	snop;
	(pc) =	sbr.rel @p3 .LBB2_14-.Ltmp8, $2  }
0x2a5: {  	_ =	sdelay $0x2  }
0x2a6: {  	p2 =	por $0x0, $0x0;
	s6 =	simm.s32 $0x40;
	[tilespmem:v4+s10+$0x0] =	vst.idx.msk $0xffff, v5  }
0x2a7: {  	s0 =	rddreg [dreg:$0x5];
	s1 =	simm.s32 $0x17DD0  }
0x2a8: {  	[spmem:s0] =	stream.indirect.scatter.add.f32 [tilespmem:s10], [sflag:$0x5], $0x10, s1, s9, $0xb8;
	[tilespmem:$0x18F50] =	vst v63  }
0x2a9: {  	_ =	swait.ge [sflag:s7], $0x800  }
0x2aa: {  	[sflag:s7] =	ssyncset.done $0x0  }
0x2ab: {  	[sflag:s7] =	ssyncadd.s32 $0xFFFFF800  }
0x2ac: {  	[bflag:$0x0] =	sbarrier.arrive $0xFFFF  }
0x2ad: {  	s0 =	sshrl.u32 @!p0 s0, $0x3;
	s1 =	simm.s32 @!p0 $0x1C05;
	s4 =	rddreg [dreg:$0x12]  }
0x2ae: {  	[hbm:s4], [sflag:s1] =	dma.local @!p0 [spmem:s0], $0x200  }
.Ltmp9:
0x2af: {  	_ = 	snop;
	(pc) =	sbr.rel .LBB2_16-.Ltmp9, $4  }
0x2b0: {  	s0 =	simm.s32 @!p0 $0x5  }
0x2b1: {  	_ =	swait.ge @!p0 [sflag:s0], $0x200  }
0x2b2: {  	[sflag:s0] =	ssyncset.done @!p0 $0x0  }
0x2b3: {  	s1 =	rddreg [dreg:$0x15];
	[sflag:s0] =	ssyncadd.s32 @!p0 $0xFFFFFE00  }
.LBB2_17:
0x2b4: {  	_ =	sfence.sel $0x180000  }
0x2b5: {  	[bflag:$0x0] =	sbarrier.arrive $0xFFFF  }
0x2b6: {  	_ =	strace $0x90000047  }
0x2b7: {  	[bflag:$0x2] =	sbarrier.arrive $0xFFFF  }
0x2b8: {  	s0 =	rddreg [dreg:$0x6]  }
0x2b9: {  	s0 =	sadd.s32 @!p0 $0x100000, s0  }
0x2ba: {  	[sflag:s0] =	ssyncadd.tile.s32 @!p0 $0x1;
	_ =	shalt  }
.Lfunc_end2:
_tile_overlayer_lowered:
.L_overlay_start_2:
0x2bb: {  	(tag) =	ssettag $0x2  }
0x2bc: {  	s0 =	rddreg [dreg:$0x0];
	s2 =	stileid.u32  }
0x2bd: {  	s1 =	rddreg [dreg:$0x1];
	p0 =	sne.s32 s2, $0x0  }
0x2be: {  	s3 =	rddreg [dreg:$0x2];
	[bflag:$0x3] =	sbarrier.arrive $0xFFFF;
	s2 =	simm.s32 @!p0 $0x1C05  }
0x2bf: {  	[timem:s3], [sflag:s2] =	dma.local @!p0 [hbm:s0], s1  }
0x2c0: {  	s0 =	simm.s32 @!p0 $0x5  }
0x2c1: {  	_ =	swait.ge @!p0 [sflag:s0], s1  }
0x2c2: {  	s1 =	ssub.s32 @!p0 $0x0, s1;
	[sflag:s0] =	ssyncset.done @!p0 $0x0  }
0x2c3: {  	[sflag:s0] =	ssyncadd.s32 @!p0 s1  }
0x2c4: {  	[bflag:$0x3] =	sbarrier.arrive $0xFFFF  }
0x2c5: {  	_ =	shalt  }

</sc_bundles>
